<compile_context>
chip_gen: v7x
topology: tpu7x:2x2x1
jax: 0.10.2.dev20260603
libtpu: 0.0.44.dev20260713+nightly
codegen_flags: <defaults>
</compile_context>

<pallas_src>
import functools

import jax
import jax.numpy as jnp
import numpy as np
from jax import lax
from jax.experimental import pallas as pl
from jax.experimental.pallas import tpu as pltpu
from jax.experimental.pallas import tpu_sc as plsc

N = 10000
E = 320000
D = 128
G = 64

L = 16
NGRP = D // L
K = 40



def _pre_body(h_ref, wm1_ref, wm2_ref, bmsg_ref, a_ref, b_ref):
    h = h_ref[...]
    a_ref[...] = jnp.dot(h, wm1_ref[...], preferred_element_type=jnp.float32)
    b_ref[...] = (jnp.dot(h, wm2_ref[...], preferred_element_type=jnp.float32)
                  + bmsg_ref[...])


def _tc_pre(h, wm1, wm2, bmsg):
    return pl.pallas_call(
        _pre_body,
        out_shape=(jax.ShapeDtypeStruct((N, D), jnp.float32),
                   jax.ShapeDtypeStruct((N, D), jnp.float32)),
    )(h, wm1, wm2, bmsg)


def _node_update(h, p0_ref, p1_ref, wres_ref, wu1_ref, wu2_ref, bupd_ref):
    aggr = p0_ref[...] + p1_ref[...]
    u = (jnp.dot(h, wu1_ref[...], preferred_element_type=jnp.float32)
         + jnp.dot(aggr, wu2_ref[...], preferred_element_type=jnp.float32)
         + bupd_ref[...])
    return (jnp.dot(h, wres_ref[...], preferred_element_type=jnp.float32)
            + jnp.maximum(u, 0.0))


def _post_pre_body(h_ref, p0_ref, p1_ref, wres_ref, wu1_ref, wu2_ref,
                   bupd_ref, wm1_ref, wm2_ref, bmsg_ref,
                   h_out, a_out, b_out):
    hn = _node_update(h_ref[...], p0_ref, p1_ref, wres_ref, wu1_ref, wu2_ref,
                      bupd_ref)
    h_out[...] = hn
    a_out[...] = jnp.dot(hn, wm1_ref[...], preferred_element_type=jnp.float32)
    b_out[...] = (jnp.dot(hn, wm2_ref[...], preferred_element_type=jnp.float32)
                  + bmsg_ref[...])


def _tc_post_pre(h, p0, p1, wres, wu1, wu2, bupd, wm1, wm2, bmsg):
    return pl.pallas_call(
        _post_pre_body,
        out_shape=(jax.ShapeDtypeStruct((N, D), jnp.float32),
                   jax.ShapeDtypeStruct((N, D), jnp.float32),
                   jax.ShapeDtypeStruct((N, D), jnp.float32)),
    )(h, p0, p1, wres, wu1, wu2, bupd, wm1, wm2, bmsg)


def _post_readout_body(h_ref, p0_ref, p1_ref, wres_ref, wu1_ref, wu2_ref,
                       bupd_ref, batch_ref, wp1_ref, bp1_ref, wp2_ref,
                       bp2_ref, out_ref):
    hn = _node_update(h_ref[...], p0_ref, p1_ref, wres_ref, wu1_ref, wu2_ref,
                      bupd_ref)
    b = batch_ref[0:1, :]
    gids = lax.broadcasted_iota(jnp.int32, (G, N), 0)
    onehot = (gids == b).astype(jnp.float32)
    g = jnp.dot(onehot, hn, preferred_element_type=jnp.float32)
    t = jnp.maximum(
        jnp.dot(g, wp1_ref[...], preferred_element_type=jnp.float32)
        + bp1_ref[...], 0.0)
    out_ref[...] = (jnp.dot(t, wp2_ref[...], preferred_element_type=jnp.float32)
                    + bp2_ref[...])


def _tc_post_readout(h, p0, p1, wres, wu1, wu2, bupd, batch8, wp1, bp1,
                     wp2pad, bp2b):
    return pl.pallas_call(
        _post_readout_body,
        out_shape=jax.ShapeDtypeStruct((G, D), jnp.float32),
    )(h, p0, p1, wres, wu1, wu2, bupd, batch8, wp1, bp1, wp2pad, bp2b)



def _sc_edge_body(a_hbm, b_hbm, wv_hbm, col_hbm, row_hbm, ea_hbm, z_hbm,
                  out_hbm,
                  col0, row0, ea0, a0, b0, m0,
                  col1, row1, ea1, a1, b1, m1,
                  col2, row2, ea2, a2, b2, m2,
                  wv_v, aggr_sh,
                  si0, sg0, ss0, si1, sg1, ss1, si2, sg2, ss2):
    nc = 2
    ns = 16
    c = lax.axis_index("c")
    s = lax.axis_index("s")
    w = s * nc + c
    epw = E // (nc * ns)
    nblk = epw // K
    base_e = w * epw
    bufs = ((col0, row0, ea0, a0, b0, m0, si0, sg0, ss0),
            (col1, row1, ea1, a1, b1, m1, si1, sg1, ss1),
            (col2, row2, ea2, a2, b2, m2, si2, sg2, ss2))

    @pl.when(s == 0)
    def _():
        pltpu.sync_copy(z_hbm, aggr_sh)
    plsc.subcore_barrier()

    pltpu.sync_copy(wv_hbm, wv_v)
    wvs = [wv_v[pl.ds(gi * L, L)] for gi in range(NGRP)]

    def _fire_idx(blk, buf):
        colv, rowv, eav, _, _, _, si, _, _ = buf
        off = base_e + blk * K
        pltpu.async_copy(col_hbm.at[pl.ds(off, K)], colv, si)
        pltpu.async_copy(row_hbm.at[pl.ds(off, K)], rowv, si)
        pltpu.async_copy(ea_hbm.at[pl.ds(off * L, K * L)], eav, si)

    def _drain_idx(buf):
        colv, rowv, eav, _, _, _, si, _, _ = buf
        pltpu.make_async_copy(col_hbm.at[pl.ds(0, K)], colv, si).wait()
        pltpu.make_async_copy(row_hbm.at[pl.ds(0, K)], rowv, si).wait()
        pltpu.make_async_copy(ea_hbm.at[pl.ds(0, K * L)], eav, si).wait()

    def _fire_gathers(buf):
        colv, rowv, _, av, bv, _, _, sg, _ = buf
        pltpu.async_copy(a_hbm.at[rowv], av, sg)
        pltpu.async_copy(b_hbm.at[colv], bv, sg)

    def _drain_gathers(buf):
        colv, rowv, _, av, bv, _, _, sg, _ = buf
        pltpu.make_async_copy(a_hbm.at[rowv], av, sg).wait()
        pltpu.make_async_copy(b_hbm.at[colv], bv, sg).wait()

    def _compute(buf):
        _, _, eav, av, bv, mv, _, _, _ = buf

        @plsc.parallel_loop(0, K, unroll=4)
        def _edge(j):
            ea_s = eav[pl.ds(j * L, L)]
            for gi in range(NGRP):
                sl = pl.ds(gi * L, L)
                m = av[j, sl] + bv[j, sl] + ea_s * wvs[gi]
                mv[j, sl] = jnp.maximum(m, 0.0)

    def _fire_scatter(buf):
        colv, _, _, _, _, mv, _, _, ss = buf
        pltpu.async_copy(mv, aggr_sh.at[colv], ss, add=True)

    def _drain_scatter(buf):
        colv, _, _, _, _, mv, _, _, ss = buf
        pltpu.make_async_copy(mv, aggr_sh.at[colv], ss).wait()

    _fire_idx(0, bufs[0])
    _fire_idx(1, bufs[1])
    _drain_idx(bufs[0])
    _fire_gathers(bufs[0])

    def _step(t, p):
        buf_p = bufs[p]
        buf_q = bufs[(p + 1) % 3]
        buf_r = bufs[(p + 2) % 3]

        @pl.when(t < nblk)
        def _():
            _drain_gathers(buf_p)
            _compute(buf_p)
            _fire_scatter(buf_p)

        @pl.when(t + 1 < nblk)
        def _():
            _drain_idx(buf_q)
            _fire_gathers(buf_q)

        @pl.when(jnp.logical_and(t >= 1, t <= nblk))
        def _():
            _drain_scatter(buf_r)

        @pl.when(t + 2 < nblk)
        def _():
            _fire_idx(t + 2, buf_r)

    def _triple(i, _):
        for ps in range(3):
            _step(3 * i + ps, ps)
        return 0

    lax.fori_loop(0, pl.cdiv(nblk + 1, 3), _triple, 0)
    plsc.subcore_barrier()

    @pl.when(s == 0)
    def _():
        pltpu.sync_copy(aggr_sh, out_hbm.at[c])


def _sc_edge(a, b, wv, col, row, ea, zeros_nd):
    mesh = plsc.VectorSubcoreMesh(core_axis_name="c", subcore_axis_name="s")
    fn = functools.partial(
        pl.kernel,
        out_type=jax.ShapeDtypeStruct((2, N, D), jnp.float32),
        mesh=mesh,
        scratch_types=(
            [pltpu.VMEM((K,), jnp.int32),
             pltpu.VMEM((K,), jnp.int32),
             pltpu.VMEM((K * L,), jnp.float32),
             pltpu.VMEM((K, D), jnp.float32),
             pltpu.VMEM((K, D), jnp.float32),
             pltpu.VMEM((K, D), jnp.float32)] * 3
            + [
                pltpu.VMEM((D,), jnp.float32),
                pltpu.VMEM_SHARED((N, D), jnp.float32),
            ]
            + [pltpu.SemaphoreType.DMA] * 9),
    )(_sc_edge_body)
    return fn(a, b, wv, col, row, ea, zeros_nd)



def kernel(x, edge_attr, edge_index, batch,
           Wres0, Wmsg0, bmsg0, Wupd0, bupd0,
           Wres1, Wmsg1, bmsg1, Wupd1, bupd1,
           Wp1, bp1, Wp2, bp2):
    row = edge_index[0]
    col = edge_index[1]
    ea = jnp.broadcast_to(edge_attr.reshape(E, 1), (E, L)).reshape(E * L)

    batch8 = jnp.broadcast_to(batch.reshape(1, N), (8, N))
    wp2pad = jnp.pad(Wp2, ((0, 0), (0, D - 1)))
    bp2b = jnp.broadcast_to(bp2.reshape(1, 1), (1, D))

    zeros_nd = jnp.zeros((N, D), jnp.float32)
    a, b = _tc_pre(x, Wmsg0[:D], Wmsg0[D:2 * D], bmsg0.reshape(1, D))
    parts0 = _sc_edge(a, b, Wmsg0[2 * D], col, row, ea, zeros_nd)
    h1, a1, b1 = _tc_post_pre(
        x, parts0[0], parts0[1], Wres0, Wupd0[:D], Wupd0[D:],
        bupd0.reshape(1, D), Wmsg1[:D], Wmsg1[D:2 * D], bmsg1.reshape(1, D))
    parts1 = _sc_edge(a1, b1, Wmsg1[2 * D], col, row, ea, zeros_nd)
    out = _tc_post_readout(
        h1, parts1[0], parts1[1], Wres1, Wupd1[:D], Wupd1[D:],
        bupd1.reshape(1, D), batch8, Wp1, bp1.reshape(1, D), wp2pad, bp2b)
    return out[:, :1]

# --- scband reference (transcript-rebuilt; emitter-appended) ---
"""Pipeline reference for scband-equivariant-gnn-50637664420143 (READ-ONLY COPY).

The authoritative reference and input builder live on the scoring server;
editing this copy changes nothing except your own understanding.
"""

import jax, jax.numpy as jnp
import numpy as np

N = 10000
E = 320000
D = 128
G = 64


def setup_inputs(seed: int = 0) -> dict:
    key = jax.random.key(seed)
    ks = jax.random.split(key, 20)
    s = 0.05
    inp = {}
    inp["x"] = jax.random.normal(ks[0], (N, D), dtype=jnp.float32)
    inp["edge_attr"] = jax.random.uniform(ks[1], (E, 1), dtype=jnp.float32)
    inp["edge_index"] = jax.random.randint(ks[2], (2, E), 0, N, dtype=jnp.int32)
    inp["batch"] = jnp.sort(jax.random.randint(ks[3], (N,), 0, G, dtype=jnp.int32))
    for l, k0 in [(0, 4), (1, 8)]:
        inp[f"Wres{l}"] = jax.random.normal(ks[k0], (D, D), dtype=jnp.float32) * s
        inp[f"Wmsg{l}"] = jax.random.normal(ks[k0 + 1], (2 * D + 1, D), dtype=jnp.float32) * s
        inp[f"bmsg{l}"] = jnp.zeros((D,), dtype=jnp.float32)
        inp[f"Wupd{l}"] = jax.random.normal(ks[k0 + 2], (2 * D, D), dtype=jnp.float32) * s
        inp[f"bupd{l}"] = jnp.zeros((D,), dtype=jnp.float32)
    inp["Wp1"] = jax.random.normal(ks[14], (D, D), dtype=jnp.float32) * s
    inp["bp1"] = jnp.zeros((D,), dtype=jnp.float32)
    inp["Wp2"] = jax.random.normal(ks[15], (D, 1), dtype=jnp.float32) * s
    inp["bp2"] = jnp.zeros((1,), dtype=jnp.float32)
    return inp


def _mp_layer(h, edge_attr, row, col, Wres, Wmsg, bmsg, Wupd, bupd):
    # message: cat(source_embed, target_embed, edge_dist) -> Linear -> ReLU
    msg_in = jnp.concatenate([h[row], h[col], edge_attr], axis=-1)
    msg = jax.nn.relu(msg_in @ Wmsg + bmsg)
    # scatter-sum aggregation over destination nodes (col)
    aggr = jax.ops.segment_sum(msg, col, num_segments=h.shape[0])
    # residual projection + node update MLP
    upd_in = jnp.concatenate([h, aggr], axis=-1)
    return h @ Wres + jax.nn.relu(upd_in @ Wupd + bupd)


def reference(x, edge_attr, edge_index, batch,
              Wres0, Wmsg0, bmsg0, Wupd0, bupd0,
              Wres1, Wmsg1, bmsg1, Wupd1, bupd1,
              Wp1, bp1, Wp2, bp2):
    row = edge_index[0]
    col = edge_index[1]
    h = x
    h = _mp_layer(h, edge_attr, row, col, Wres0, Wmsg0, bmsg0, Wupd0, bupd0)
    h = _mp_layer(h, edge_attr, row, col, Wres1, Wmsg1, bmsg1, Wupd1, bupd1)
    # SumAggregation over batch index (graph-level readout)
    g = jax.ops.segment_sum(h, batch, num_segments=G)
    # f_predict: Linear -> ReLU -> Linear
    pred = jax.nn.relu(g @ Wp1 + bp1) @ Wp2 + bp2
    return pred

if __name__ == "__main__":
    import jax
    _d = setup_inputs()
    print(jax.jit(kernel)(*tuple(_d.values())))

</pallas_src>

<mosaic_0001>
#map = affine_map<(d0, d1) -> (0, 0)>
#map1 = affine_map<(d0, d1) -> (0)>
#map2 = affine_map<(d0, d1) -> (0, 0, 0)>
module attributes {stable_mosaic.version = 14 : i64} {
  func.func @_sc_edge_body(%arg0: i32, %arg1: i32, %arg2: memref<10000x128xf32, #tpu.memory_space<hbm>>, %arg3: memref<10000x128xf32, #tpu.memory_space<hbm>>, %arg4: memref<128xf32, #tpu.memory_space<hbm>>, %arg5: memref<320000xi32, #tpu.memory_space<hbm>>, %arg6: memref<320000xi32, #tpu.memory_space<hbm>>, %arg7: memref<5120000xf32, #tpu.memory_space<hbm>>, %arg8: memref<10000x128xf32, #tpu.memory_space<hbm>>, %arg9: memref<2x10000x128xf32, #tpu.memory_space<hbm>>, %arg10: memref<40xi32, #tpu.memory_space<vmem>>, %arg11: memref<40xi32, #tpu.memory_space<vmem>>, %arg12: memref<640xf32, #tpu.memory_space<vmem>>, %arg13: memref<40x128xf32, #tpu.memory_space<vmem>>, %arg14: memref<40x128xf32, #tpu.memory_space<vmem>>, %arg15: memref<40x128xf32, #tpu.memory_space<vmem>>, %arg16: memref<40xi32, #tpu.memory_space<vmem>>, %arg17: memref<40xi32, #tpu.memory_space<vmem>>, %arg18: memref<640xf32, #tpu.memory_space<vmem>>, %arg19: memref<40x128xf32, #tpu.memory_space<vmem>>, %arg20: memref<40x128xf32, #tpu.memory_space<vmem>>, %arg21: memref<40x128xf32, #tpu.memory_space<vmem>>, %arg22: memref<40xi32, #tpu.memory_space<vmem>>, %arg23: memref<40xi32, #tpu.memory_space<vmem>>, %arg24: memref<640xf32, #tpu.memory_space<vmem>>, %arg25: memref<40x128xf32, #tpu.memory_space<vmem>>, %arg26: memref<40x128xf32, #tpu.memory_space<vmem>>, %arg27: memref<40x128xf32, #tpu.memory_space<vmem>>, %arg28: memref<128xf32, #tpu.memory_space<vmem>>, %arg29: memref<10000x128xf32, #tpu.memory_space<vmem_shared>>, %arg30: memref<!tpu.dma_semaphore, #tpu.memory_space<semaphore_mem>>, %arg31: memref<!tpu.dma_semaphore, #tpu.memory_space<semaphore_mem>>, %arg32: memref<!tpu.dma_semaphore, #tpu.memory_space<semaphore_mem>>, %arg33: memref<!tpu.dma_semaphore, #tpu.memory_space<semaphore_mem>>, %arg34: memref<!tpu.dma_semaphore, #tpu.memory_space<semaphore_mem>>, %arg35: memref<!tpu.dma_semaphore, #tpu.memory_space<semaphore_mem>>, %arg36: memref<!tpu.dma_semaphore, #tpu.memory_space<semaphore_mem>>, %arg37: memref<!tpu.dma_semaphore, #tpu.memory_space<semaphore_mem>>, %arg38: memref<!tpu.dma_semaphore, #tpu.memory_space<semaphore_mem>>) attributes {dimension_semantics = [#tpu.dimension_semantics<core_parallel>, #tpu.dimension_semantics<subcore_parallel>], iteration_bounds = array<i64: 2, 16>, scalar_prefetch = 0 : i64, scratch_operands = 29 : i64, tpu.core_type = #tpu.core_type<sc_vector_subcore>, window_params = [{transform_indices = #map}, {transform_indices = #map}, {transform_indices = #map1}, {transform_indices = #map1}, {transform_indices = #map1}, {transform_indices = #map1}, {transform_indices = #map}, {transform_indices = #map2}]} {
    %mul3A = arith.constant 2 : i32
    %mul3A_0 = arith.muli %arg1, %mul3A : i32
    %add3A = arith.addi %mul3A_0, %arg0 : i32
    %mul3A_1 = arith.constant 10000 : i32
    %mul3A_2 = arith.muli %add3A, %mul3A_1 : i32
    %eq3A = arith.constant 0 : i32
    %eq3A_3 = arith.cmpi eq, %arg1, %eq3A : i32
    %convert_element_type3A = arith.extui %eq3A_3 : i1 to i32
    %cond3A = arith.constant 0 : i32
    %cond3A_4 = arith.cmpi ne, %convert_element_type3A, %cond3A : i32
    scf.if %cond3A_4 {
      "tpu.region"() ({
        %run_scoped3A = tpu.sem_alloc : memref<!tpu.dma_semaphore, #tpu.memory_space<semaphore_mem>>
        tpu.enqueue_dma source(%arg8 : memref<10000x128xf32, #tpu.memory_space<hbm>>) target(%arg29 : memref<10000x128xf32, #tpu.memory_space<vmem_shared>>) target_semaphore(%run_scoped3A : memref<!tpu.dma_semaphore, #tpu.memory_space<semaphore_mem>>)
        tpu.wait_dma2 semaphore(%run_scoped3A : memref<!tpu.dma_semaphore, #tpu.memory_space<semaphore_mem>>) src(%arg8 : memref<10000x128xf32, #tpu.memory_space<hbm>>) dst(%arg29 : memref<10000x128xf32, #tpu.memory_space<vmem_shared>>)
        tpu.yield
      }) : () -> ()
    } else {
    }
    %barrier3A = arith.constant 0 : index
    tpu.barrier barrier_id(%barrier3A)
    "tpu.region"() ({
      %run_scoped3A = tpu.sem_alloc : memref<!tpu.dma_semaphore, #tpu.memory_space<semaphore_mem>>
      tpu.enqueue_dma source(%arg4 : memref<128xf32, #tpu.memory_space<hbm>>) target(%arg28 : memref<128xf32, #tpu.memory_space<vmem>>) target_semaphore(%run_scoped3A : memref<!tpu.dma_semaphore, #tpu.memory_space<semaphore_mem>>)
      tpu.wait_dma2 semaphore(%run_scoped3A : memref<!tpu.dma_semaphore, #tpu.memory_space<semaphore_mem>>) src(%arg4 : memref<128xf32, #tpu.memory_space<hbm>>) dst(%arg28 : memref<128xf32, #tpu.memory_space<vmem>>)
      tpu.yield
    }) : () -> ()
    %get3A = arith.constant 0 : index
    %get3A_5 = tpu.vector_load %arg28[%get3A] {strides = array<i32>} : memref<128xf32, #tpu.memory_space<vmem>>, vector<16xf32>,
    %get3A_6 = vector.shape_cast %get3A_5 : vector<16xf32> to vector<16xf32>
    %get3A_7 = arith.constant 16 : index
    %get3A_8 = tpu.vector_load %arg28[%get3A_7] {strides = array<i32>} : memref<128xf32, #tpu.memory_space<vmem>>, vector<16xf32>,
    %get3A_9 = vector.shape_cast %get3A_8 : vector<16xf32> to vector<16xf32>
    %get3A_10 = arith.constant 32 : index
    %get3A_11 = tpu.vector_load %arg28[%get3A_10] {strides = array<i32>} : memref<128xf32, #tpu.memory_space<vmem>>, vector<16xf32>,
    %get3A_12 = vector.shape_cast %get3A_11 : vector<16xf32> to vector<16xf32>
    %get3A_13 = arith.constant 48 : index
    %get3A_14 = tpu.vector_load %arg28[%get3A_13] {strides = array<i32>} : memref<128xf32, #tpu.memory_space<vmem>>, vector<16xf32>,
    %get3A_15 = vector.shape_cast %get3A_14 : vector<16xf32> to vector<16xf32>
    %get3A_16 = arith.constant 64 : index
    %get3A_17 = tpu.vector_load %arg28[%get3A_16] {strides = array<i32>} : memref<128xf32, #tpu.memory_space<vmem>>, vector<16xf32>,
    %get3A_18 = vector.shape_cast %get3A_17 : vector<16xf32> to vector<16xf32>
    %get3A_19 = arith.constant 80 : index
    %get3A_20 = tpu.vector_load %arg28[%get3A_19] {strides = array<i32>} : memref<128xf32, #tpu.memory_space<vmem>>, vector<16xf32>,
    %get3A_21 = vector.shape_cast %get3A_20 : vector<16xf32> to vector<16xf32>
    %get3A_22 = arith.constant 96 : index
    %get3A_23 = tpu.vector_load %arg28[%get3A_22] {strides = array<i32>} : memref<128xf32, #tpu.memory_space<vmem>>, vector<16xf32>,
    %get3A_24 = vector.shape_cast %get3A_23 : vector<16xf32> to vector<16xf32>
    %get3A_25 = arith.constant 112 : index
    %get3A_26 = tpu.vector_load %arg28[%get3A_25] {strides = array<i32>} : memref<128xf32, #tpu.memory_space<vmem>>, vector<16xf32>,
    %get3A_27 = vector.shape_cast %get3A_26 : vector<16xf32> to vector<16xf32>
    %add3A_28 = arith.constant 0 : i32
    %add3A_29 = arith.addi %mul3A_2, %add3A_28 : i32
    %dma_start3A = tpu.memref_slice %arg5[%add3A_29] : memref<320000xi32, #tpu.memory_space<hbm>> -> memref<40xi32, #tpu.memory_space<hbm>>
    %dma_start3A_30 = tpu.memref_slice %arg5[%add3A_29] : memref<320000xi32, #tpu.memory_space<hbm>> -> memref<40xi32, #tpu.memory_space<hbm>>
    tpu.enqueue_dma source(%dma_start3A_30 : memref<40xi32, #tpu.memory_space<hbm>>) target(%arg10 : memref<40xi32, #tpu.memory_space<vmem>>) target_semaphore(%arg30 : memref<!tpu.dma_semaphore, #tpu.memory_space<semaphore_mem>>)
    %dma_start3A_31 = tpu.memref_slice %arg6[%add3A_29] : memref<320000xi32, #tpu.memory_space<hbm>> -> memref<40xi32, #tpu.memory_space<hbm>>
    %dma_start3A_32 = tpu.memref_slice %arg6[%add3A_29] : memref<320000xi32, #tpu.memory_space<hbm>> -> memref<40xi32, #tpu.memory_space<hbm>>
    tpu.enqueue_dma source(%dma_start3A_32 : memref<40xi32, #tpu.memory_space<hbm>>) target(%arg11 : memref<40xi32, #tpu.memory_space<vmem>>) target_semaphore(%arg30 : memref<!tpu.dma_semaphore, #tpu.memory_space<semaphore_mem>>)
    %mul3A_33 = arith.constant 16 : i32
    %mul3A_34 = arith.muli %add3A_29, %mul3A_33 : i32
    %dma_start3A_35 = tpu.memref_slice %arg7[%mul3A_34] : memref<5120000xf32, #tpu.memory_space<hbm>> -> memref<640xf32, #tpu.memory_space<hbm>>
    %dma_start3A_36 = tpu.memref_slice %arg7[%mul3A_34] : memref<5120000xf32, #tpu.memory_space<hbm>> -> memref<640xf32, #tpu.memory_space<hbm>>
    tpu.enqueue_dma source(%dma_start3A_36 : memref<640xf32, #tpu.memory_space<hbm>>) target(%arg12 : memref<640xf32, #tpu.memory_space<vmem>>) target_semaphore(%arg30 : memref<!tpu.dma_semaphore, #tpu.memory_space<semaphore_mem>>)
    %add3A_37 = arith.constant 40 : i32
    %add3A_38 = arith.addi %mul3A_2, %add3A_37 : i32
    %dma_start3A_39 = tpu.memref_slice %arg5[%add3A_38] : memref<320000xi32, #tpu.memory_space<hbm>> -> memref<40xi32, #tpu.memory_space<hbm>>
    %dma_start3A_40 = tpu.memref_slice %arg5[%add3A_38] : memref<320000xi32, #tpu.memory_space<hbm>> -> memref<40xi32, #tpu.memory_space<hbm>>
    tpu.enqueue_dma source(%dma_start3A_40 : memref<40xi32, #tpu.memory_space<hbm>>) target(%arg16 : memref<40xi32, #tpu.memory_space<vmem>>) target_semaphore(%arg33 : memref<!tpu.dma_semaphore, #tpu.memory_space<semaphore_mem>>)
    %dma_start3A_41 = tpu.memref_slice %arg6[%add3A_38] : memref<320000xi32, #tpu.memory_space<hbm>> -> memref<40xi32, #tpu.memory_space<hbm>>
    %dma_start3A_42 = tpu.memref_slice %arg6[%add3A_38] : memref<320000xi32, #tpu.memory_space<hbm>> -> memref<40xi32, #tpu.memory_space<hbm>>
    tpu.enqueue_dma source(%dma_start3A_42 : memref<40xi32, #tpu.memory_space<hbm>>) target(%arg17 : memref<40xi32, #tpu.memory_space<vmem>>) target_semaphore(%arg33 : memref<!tpu.dma_semaphore, #tpu.memory_space<semaphore_mem>>)
    %mul3A_43 = arith.constant 16 : i32
    %mul3A_44 = arith.muli %add3A_38, %mul3A_43 : i32
    %dma_start3A_45 = tpu.memref_slice %arg7[%mul3A_44] : memref<5120000xf32, #tpu.memory_space<hbm>> -> memref<640xf32, #tpu.memory_space<hbm>>
    %dma_start3A_46 = tpu.memref_slice %arg7[%mul3A_44] : memref<5120000xf32, #tpu.memory_space<hbm>> -> memref<640xf32, #tpu.memory_space<hbm>>
    tpu.enqueue_dma source(%dma_start3A_46 : memref<640xf32, #tpu.memory_space<hbm>>) target(%arg18 : memref<640xf32, #tpu.memory_space<vmem>>) target_semaphore(%arg33 : memref<!tpu.dma_semaphore, #tpu.memory_space<semaphore_mem>>)
    %dma_wait3A = arith.constant 0 : i32
    %dma_wait3A_47 = tpu.memref_slice %arg5[%dma_wait3A] : memref<320000xi32, #tpu.memory_space<hbm>> -> memref<40xi32, #tpu.memory_space<hbm>>
    %dma_wait3A_48 = arith.constant 0 : i32
    %dma_wait3A_49 = tpu.memref_slice %arg5[%dma_wait3A_48] : memref<320000xi32, #tpu.memory_space<hbm>> -> memref<40xi32, #tpu.memory_space<hbm>>
    tpu.wait_dma2 semaphore(%arg30 : memref<!tpu.dma_semaphore, #tpu.memory_space<semaphore_mem>>) src(%dma_wait3A_49 : memref<40xi32, #tpu.memory_space<hbm>>) dst(%arg10 : memref<40xi32, #tpu.memory_space<vmem>>)
    %dma_wait3A_50 = arith.constant 0 : i32
    %dma_wait3A_51 = tpu.memref_slice %arg6[%dma_wait3A_50] : memref<320000xi32, #tpu.memory_space<hbm>> -> memref<40xi32, #tpu.memory_space<hbm>>
    %dma_wait3A_52 = arith.constant 0 : i32
    %dma_wait3A_53 = tpu.memref_slice %arg6[%dma_wait3A_52] : memref<320000xi32, #tpu.memory_space<hbm>> -> memref<40xi32, #tpu.memory_space<hbm>>
    tpu.wait_dma2 semaphore(%arg30 : memref<!tpu.dma_semaphore, #tpu.memory_space<semaphore_mem>>) src(%dma_wait3A_53 : memref<40xi32, #tpu.memory_space<hbm>>) dst(%arg11 : memref<40xi32, #tpu.memory_space<vmem>>)
    %dma_wait3A_54 = arith.constant 0 : i32
    %dma_wait3A_55 = tpu.memref_slice %arg7[%dma_wait3A_54] : memref<5120000xf32, #tpu.memory_space<hbm>> -> memref<640xf32, #tpu.memory_space<hbm>>
    %dma_wait3A_56 = arith.constant 0 : i32
    %dma_wait3A_57 = tpu.memref_slice %arg7[%dma_wait3A_56] : memref<5120000xf32, #tpu.memory_space<hbm>> -> memref<640xf32, #tpu.memory_space<hbm>>
    tpu.wait_dma2 semaphore(%arg30 : memref<!tpu.dma_semaphore, #tpu.memory_space<semaphore_mem>>) src(%dma_wait3A_57 : memref<640xf32, #tpu.memory_space<hbm>>) dst(%arg12 : memref<640xf32, #tpu.memory_space<vmem>>)
    %dma_start3A_58 = arith.constant 0 : i32
    %dma_start3A_59 = arith.constant 0 : i32
    %dma_start3A_60 = tpu.memref_slice %arg2[%dma_start3A_58, %dma_start3A_59] : memref<10000x128xf32, #tpu.memory_space<hbm>> -> memref<10000x128xf32, #tpu.memory_space<hbm>>
    tpu.enqueue_indirect_dma source(%dma_start3A_60 : memref<10000x128xf32, #tpu.memory_space<hbm>>) target(%arg13 : memref<40x128xf32, #tpu.memory_space<vmem>>) offsets(%arg11 : memref<40xi32, #tpu.memory_space<vmem>>) semaphore(%arg31 : memref<!tpu.dma_semaphore, #tpu.memory_space<semaphore_mem>>)
    %dma_start3A_61 = arith.constant 0 : i32
    %dma_start3A_62 = arith.constant 0 : i32
    %dma_start3A_63 = tpu.memref_slice %arg3[%dma_start3A_61, %dma_start3A_62] : memref<10000x128xf32, #tpu.memory_space<hbm>> -> memref<10000x128xf32, #tpu.memory_space<hbm>>
    tpu.enqueue_indirect_dma source(%dma_start3A_63 : memref<10000x128xf32, #tpu.memory_space<hbm>>) target(%arg14 : memref<40x128xf32, #tpu.memory_space<vmem>>) offsets(%arg10 : memref<40xi32, #tpu.memory_space<vmem>>) semaphore(%arg31 : memref<!tpu.dma_semaphore, #tpu.memory_space<semaphore_mem>>)
    %scan3A = arith.constant 0 : i32
    %scan3A_64 = arith.constant 0 : i32
    %scan3A_65 = arith.constant 84 : i32
    %scan3A_66 = arith.addi %scan3A_64, %scan3A_65 : i32
    %scan3A_67 = arith.constant 1 : i32
    %scan3A_68 = scf.for %scan3A_76 = %scan3A_64 to %scan3A_66 step %scan3A_67 iter_args(%scan3A_77 = %scan3A) -> (i32)  : i32 {
      %mul3A_78 = arith.constant 3 : i32
      %mul3A_79 = arith.muli %mul3A_78, %scan3A_76 : i32
      %add3A_80 = arith.constant 0 : i32
      %add3A_81 = arith.addi %mul3A_79, %add3A_80 : i32
      %lt3A = arith.constant 250 : i32
      %lt3A_82 = arith.cmpi slt, %add3A_81, %lt3A : i32
      %convert_element_type3A_83 = arith.extui %lt3A_82 : i1 to i32
      %cond3A_84 = arith.constant 0 : i32
      %cond3A_85 = arith.cmpi ne, %convert_element_type3A_83, %cond3A_84 : i32
      scf.if %cond3A_85 {
        %dma_wait3A_168 = arith.constant 0 : i32
        %dma_wait3A_169 = arith.constant 0 : i32
        %dma_wait3A_170 = tpu.memref_slice %arg2[%dma_wait3A_168, %dma_wait3A_169] : memref<10000x128xf32, #tpu.memory_space<hbm>> -> memref<10000x128xf32, #tpu.memory_space<hbm>>
        tpu.wait_indirect_dma semaphore(%arg31 : memref<!tpu.dma_semaphore, #tpu.memory_space<semaphore_mem>>) src(%dma_wait3A_170 : memref<10000x128xf32, #tpu.memory_space<hbm>>) dst(%arg13 : memref<40x128xf32, #tpu.memory_space<vmem>>)
        %dma_wait3A_171 = arith.constant 0 : i32
        %dma_wait3A_172 = arith.constant 0 : i32
        %dma_wait3A_173 = tpu.memref_slice %arg3[%dma_wait3A_171, %dma_wait3A_172] : memref<10000x128xf32, #tpu.memory_space<hbm>> -> memref<10000x128xf32, #tpu.memory_space<hbm>>
        tpu.wait_indirect_dma semaphore(%arg31 : memref<!tpu.dma_semaphore, #tpu.memory_space<semaphore_mem>>) src(%dma_wait3A_173 : memref<10000x128xf32, #tpu.memory_space<hbm>>) dst(%arg14 : memref<40x128xf32, #tpu.memory_space<vmem>>)
        %parallel_loop3A = arith.constant 0 : i32
        %parallel_loop3A_174 = arith.constant 40 : i32
        %parallel_loop3A_175 = arith.constant 1 : i32
        scf.for %parallel_loop3A_179 = %parallel_loop3A to %parallel_loop3A_174 step %parallel_loop3A_175  : i32 {
          %parallel_loop3A_180 = arith.constant 16 : i32
          %parallel_loop3A_181 = arith.muli %parallel_loop3A_179, %parallel_loop3A_180 : i32
          %parallel_loop3A_182 = arith.index_cast %parallel_loop3A_181 : i32 to index
          %parallel_loop3A_183 = tpu.vector_load %arg12[%parallel_loop3A_182] {strides = array<i32>} : memref<640xf32, #tpu.memory_space<vmem>>, vector<16xf32>,
          %parallel_loop3A_184 = vector.shape_cast %parallel_loop3A_183 : vector<16xf32> to vector<16xf32>
          %parallel_loop3A_185 = arith.index_cast %parallel_loop3A_179 : i32 to index
          %parallel_loop3A_186 = arith.constant 0 : index
          %parallel_loop3A_187 = tpu.vector_load %arg13[%parallel_loop3A_185, %parallel_loop3A_186] {strides = array<i32>} : memref<40x128xf32, #tpu.memory_space<vmem>>, vector<1x16xf32>,
          %parallel_loop3A_188 = vector.shape_cast %parallel_loop3A_187 : vector<1x16xf32> to vector<16xf32>
          %parallel_loop3A_189 = arith.index_cast %parallel_loop3A_179 : i32 to index
          %parallel_loop3A_190 = arith.constant 0 : index
          %parallel_loop3A_191 = tpu.vector_load %arg14[%parallel_loop3A_189, %parallel_loop3A_190] {strides = array<i32>} : memref<40x128xf32, #tpu.memory_space<vmem>>, vector<1x16xf32>,
          %parallel_loop3A_192 = vector.shape_cast %parallel_loop3A_191 : vector<1x16xf32> to vector<16xf32>
          %parallel_loop3A_193 = arith.addf %parallel_loop3A_188, %parallel_loop3A_192 : vector<16xf32>
          %parallel_loop3A_194 = arith.mulf %parallel_loop3A_184, %get3A_6 : vector<16xf32>
          %parallel_loop3A_195 = arith.addf %parallel_loop3A_193, %parallel_loop3A_194 : vector<16xf32>
          %parallel_loop3A_196 = arith.constant 0.000000e+00 : f32
          %parallel_loop3A_197 = vector.broadcast %parallel_loop3A_196 : f32 to vector<16xf32>
          %parallel_loop3A_198 = arith.maximumf %parallel_loop3A_195, %parallel_loop3A_197 : vector<16xf32>
          %parallel_loop3A_199 = arith.index_cast %parallel_loop3A_179 : i32 to index
          %parallel_loop3A_200 = arith.constant 0 : index
          %parallel_loop3A_201 = tpu.vector_load %arg15[%parallel_loop3A_199, %parallel_loop3A_200] {strides = array<i32>} : memref<40x128xf32, #tpu.memory_space<vmem>>, vector<1x16xf32>,
          %parallel_loop3A_202 = vector.shape_cast %parallel_loop3A_201 : vector<1x16xf32> to vector<16xf32>
          %parallel_loop3A_203 = vector.shape_cast %parallel_loop3A_198 : vector<16xf32> to vector<1x16xf32>
          tpu.vector_store %arg15[%parallel_loop3A_199, %parallel_loop3A_200], %parallel_loop3A_203 {strides = array<i32>} : memref<40x128xf32, #tpu.memory_space<vmem>>, vector<1x16xf32>,
          %parallel_loop3A_204 = arith.index_cast %parallel_loop3A_179 : i32 to index
          %parallel_loop3A_205 = arith.constant 16 : index
          %parallel_loop3A_206 = tpu.vector_load %arg13[%parallel_loop3A_204, %parallel_loop3A_205] {strides = array<i32>} : memref<40x128xf32, #tpu.memory_space<vmem>>, vector<1x16xf32>,
          %parallel_loop3A_207 = vector.shape_cast %parallel_loop3A_206 : vector<1x16xf32> to vector<16xf32>
          %parallel_loop3A_208 = arith.index_cast %parallel_loop3A_179 : i32 to index
          %parallel_loop3A_209 = arith.constant 16 : index
          %parallel_loop3A_210 = tpu.vector_load %arg14[%parallel_loop3A_208, %parallel_loop3A_209] {strides = array<i32>} : memref<40x128xf32, #tpu.memory_space<vmem>>, vector<1x16xf32>,
          %parallel_loop3A_211 = vector.shape_cast %parallel_loop3A_210 : vector<1x16xf32> to vector<16xf32>
          %parallel_loop3A_212 = arith.addf %parallel_loop3A_207, %parallel_loop3A_211 : vector<16xf32>
          %parallel_loop3A_213 = arith.mulf %parallel_loop3A_184, %get3A_9 : vector<16xf32>
          %parallel_loop3A_214 = arith.addf %parallel_loop3A_212, %parallel_loop3A_213 : vector<16xf32>
          %parallel_loop3A_215 = arith.constant 0.000000e+00 : f32
          %parallel_loop3A_216 = vector.broadcast %parallel_loop3A_215 : f32 to vector<16xf32>
          %parallel_loop3A_217 = arith.maximumf %parallel_loop3A_214, %parallel_loop3A_216 : vector<16xf32>
          %parallel_loop3A_218 = arith.index_cast %parallel_loop3A_179 : i32 to index
          %parallel_loop3A_219 = arith.constant 16 : index
          %parallel_loop3A_220 = tpu.vector_load %arg15[%parallel_loop3A_218, %parallel_loop3A_219] {strides = array<i32>} : memref<40x128xf32, #tpu.memory_space<vmem>>, vector<1x16xf32>,
          %parallel_loop3A_221 = vector.shape_cast %parallel_loop3A_220 : vector<1x16xf32> to vector<16xf32>
          %parallel_loop3A_222 = vector.shape_cast %parallel_loop3A_217 : vector<16xf32> to vector<1x16xf32>
          tpu.vector_store %arg15[%parallel_loop3A_218, %parallel_loop3A_219], %parallel_loop3A_222 {strides = array<i32>} : memref<40x128xf32, #tpu.memory_space<vmem>>, vector<1x16xf32>,
          %parallel_loop3A_223 = arith.index_cast %parallel_loop3A_179 : i32 to index
          %parallel_loop3A_224 = arith.constant 32 : index
          %parallel_loop3A_225 = tpu.vector_load %arg13[%parallel_loop3A_223, %parallel_loop3A_224] {strides = array<i32>} : memref<40x128xf32, #tpu.memory_space<vmem>>, vector<1x16xf32>,
          %parallel_loop3A_226 = vector.shape_cast %parallel_loop3A_225 : vector<1x16xf32> to vector<16xf32>
          %parallel_loop3A_227 = arith.index_cast %parallel_loop3A_179 : i32 to index
          %parallel_loop3A_228 = arith.constant 32 : index
          %parallel_loop3A_229 = tpu.vector_load %arg14[%parallel_loop3A_227, %parallel_loop3A_228] {strides = array<i32>} : memref<40x128xf32, #tpu.memory_space<vmem>>, vector<1x16xf32>,
          %parallel_loop3A_230 = vector.shape_cast %parallel_loop3A_229 : vector<1x16xf32> to vector<16xf32>
          %parallel_loop3A_231 = arith.addf %parallel_loop3A_226, %parallel_loop3A_230 : vector<16xf32>
          %parallel_loop3A_232 = arith.mulf %parallel_loop3A_184, %get3A_12 : vector<16xf32>
          %parallel_loop3A_233 = arith.addf %parallel_loop3A_231, %parallel_loop3A_232 : vector<16xf32>
          %parallel_loop3A_234 = arith.constant 0.000000e+00 : f32
          %parallel_loop3A_235 = vector.broadcast %parallel_loop3A_234 : f32 to vector<16xf32>
          %parallel_loop3A_236 = arith.maximumf %parallel_loop3A_233, %parallel_loop3A_235 : vector<16xf32>
          %parallel_loop3A_237 = arith.index_cast %parallel_loop3A_179 : i32 to index
          %parallel_loop3A_238 = arith.constant 32 : index
          %parallel_loop3A_239 = tpu.vector_load %arg15[%parallel_loop3A_237, %parallel_loop3A_238] {strides = array<i32>} : memref<40x128xf32, #tpu.memory_space<vmem>>, vector<1x16xf32>,
          %parallel_loop3A_240 = vector.shape_cast %parallel_loop3A_239 : vector<1x16xf32> to vector<16xf32>
          %parallel_loop3A_241 = vector.shape_cast %parallel_loop3A_236 : vector<16xf32> to vector<1x16xf32>
          tpu.vector_store %arg15[%parallel_loop3A_237, %parallel_loop3A_238], %parallel_loop3A_241 {strides = array<i32>} : memref<40x128xf32, #tpu.memory_space<vmem>>, vector<1x16xf32>,
          %parallel_loop3A_242 = arith.index_cast %parallel_loop3A_179 : i32 to index
          %parallel_loop3A_243 = arith.constant 48 : index
          %parallel_loop3A_244 = tpu.vector_load %arg13[%parallel_loop3A_242, %parallel_loop3A_243] {strides = array<i32>} : memref<40x128xf32, #tpu.memory_space<vmem>>, vector<1x16xf32>,
          %parallel_loop3A_245 = vector.shape_cast %parallel_loop3A_244 : vector<1x16xf32> to vector<16xf32>
          %parallel_loop3A_246 = arith.index_cast %parallel_loop3A_179 : i32 to index
          %parallel_loop3A_247 = arith.constant 48 : index
          %parallel_loop3A_248 = tpu.vector_load %arg14[%parallel_loop3A_246, %parallel_loop3A_247] {strides = array<i32>} : memref<40x128xf32, #tpu.memory_space<vmem>>, vector<1x16xf32>,
          %parallel_loop3A_249 = vector.shape_cast %parallel_loop3A_248 : vector<1x16xf32> to vector<16xf32>
          %parallel_loop3A_250 = arith.addf %parallel_loop3A_245, %parallel_loop3A_249 : vector<16xf32>
          %parallel_loop3A_251 = arith.mulf %parallel_loop3A_184, %get3A_15 : vector<16xf32>
          %parallel_loop3A_252 = arith.addf %parallel_loop3A_250, %parallel_loop3A_251 : vector<16xf32>
          %parallel_loop3A_253 = arith.constant 0.000000e+00 : f32
          %parallel_loop3A_254 = vector.broadcast %parallel_loop3A_253 : f32 to vector<16xf32>
          %parallel_loop3A_255 = arith.maximumf %parallel_loop3A_252, %parallel_loop3A_254 : vector<16xf32>
          %parallel_loop3A_256 = arith.index_cast %parallel_loop3A_179 : i32 to index
          %parallel_loop3A_257 = arith.constant 48 : index
          %parallel_loop3A_258 = tpu.vector_load %arg15[%parallel_loop3A_256, %parallel_loop3A_257] {strides = array<i32>} : memref<40x128xf32, #tpu.memory_space<vmem>>, vector<1x16xf32>,
          %parallel_loop3A_259 = vector.shape_cast %parallel_loop3A_258 : vector<1x16xf32> to vector<16xf32>
          %parallel_loop3A_260 = vector.shape_cast %parallel_loop3A_255 : vector<16xf32> to vector<1x16xf32>
          tpu.vector_store %arg15[%parallel_loop3A_256, %parallel_loop3A_257], %parallel_loop3A_260 {strides = array<i32>} : memref<40x128xf32, #tpu.memory_space<vmem>>, vector<1x16xf32>,
          %parallel_loop3A_261 = arith.index_cast %parallel_loop3A_179 : i32 to index
          %parallel_loop3A_262 = arith.constant 64 : index
          %parallel_loop3A_263 = tpu.vector_load %arg13[%parallel_loop3A_261, %parallel_loop3A_262] {strides = array<i32>} : memref<40x128xf32, #tpu.memory_space<vmem>>, vector<1x16xf32>,
          %parallel_loop3A_264 = vector.shape_cast %parallel_loop3A_263 : vector<1x16xf32> to vector<16xf32>
          %parallel_loop3A_265 = arith.index_cast %parallel_loop3A_179 : i32 to index
          %parallel_loop3A_266 = arith.constant 64 : index
          %parallel_loop3A_267 = tpu.vector_load %arg14[%parallel_loop3A_265, %parallel_loop3A_266] {strides = array<i32>} : memref<40x128xf32, #tpu.memory_space<vmem>>, vector<1x16xf32>,
          %parallel_loop3A_268 = vector.shape_cast %parallel_loop3A_267 : vector<1x16xf32> to vector<16xf32>
          %parallel_loop3A_269 = arith.addf %parallel_loop3A_264, %parallel_loop3A_268 : vector<16xf32>
          %parallel_loop3A_270 = arith.mulf %parallel_loop3A_184, %get3A_18 : vector<16xf32>
          %parallel_loop3A_271 = arith.addf %parallel_loop3A_269, %parallel_loop3A_270 : vector<16xf32>
          %parallel_loop3A_272 = arith.constant 0.000000e+00 : f32
          %parallel_loop3A_273 = vector.broadcast %parallel_loop3A_272 : f32 to vector<16xf32>
          %parallel_loop3A_274 = arith.maximumf %parallel_loop3A_271, %parallel_loop3A_273 : vector<16xf32>
          %parallel_loop3A_275 = arith.index_cast %parallel_loop3A_179 : i32 to index
          %parallel_loop3A_276 = arith.constant 64 : index
          %parallel_loop3A_277 = tpu.vector_load %arg15[%parallel_loop3A_275, %parallel_loop3A_276] {strides = array<i32>} : memref<40x128xf32, #tpu.memory_space<vmem>>, vector<1x16xf32>,
          %parallel_loop3A_278 = vector.shape_cast %parallel_loop3A_277 : vector<1x16xf32> to vector<16xf32>
          %parallel_loop3A_279 = vector.shape_cast %parallel_loop3A_274 : vector<16xf32> to vector<1x16xf32>
          tpu.vector_store %arg15[%parallel_loop3A_275, %parallel_loop3A_276], %parallel_loop3A_279 {strides = array<i32>} : memref<40x128xf32, #tpu.memory_space<vmem>>, vector<1x16xf32>,
          %parallel_loop3A_280 = arith.index_cast %parallel_loop3A_179 : i32 to index
          %parallel_loop3A_281 = arith.constant 80 : index
          %parallel_loop3A_282 = tpu.vector_load %arg13[%parallel_loop3A_280, %parallel_loop3A_281] {strides = array<i32>} : memref<40x128xf32, #tpu.memory_space<vmem>>, vector<1x16xf32>,
          %parallel_loop3A_283 = vector.shape_cast %parallel_loop3A_282 : vector<1x16xf32> to vector<16xf32>
          %parallel_loop3A_284 = arith.index_cast %parallel_loop3A_179 : i32 to index
          %parallel_loop3A_285 = arith.constant 80 : index
          %parallel_loop3A_286 = tpu.vector_load %arg14[%parallel_loop3A_284, %parallel_loop3A_285] {strides = array<i32>} : memref<40x128xf32, #tpu.memory_space<vmem>>, vector<1x16xf32>,
          %parallel_loop3A_287 = vector.shape_cast %parallel_loop3A_286 : vector<1x16xf32> to vector<16xf32>
          %parallel_loop3A_288 = arith.addf %parallel_loop3A_283, %parallel_loop3A_287 : vector<16xf32>
          %parallel_loop3A_289 = arith.mulf %parallel_loop3A_184, %get3A_21 : vector<16xf32>
          %parallel_loop3A_290 = arith.addf %parallel_loop3A_288, %parallel_loop3A_289 : vector<16xf32>
          %parallel_loop3A_291 = arith.constant 0.000000e+00 : f32
          %parallel_loop3A_292 = vector.broadcast %parallel_loop3A_291 : f32 to vector<16xf32>
          %parallel_loop3A_293 = arith.maximumf %parallel_loop3A_290, %parallel_loop3A_292 : vector<16xf32>
          %parallel_loop3A_294 = arith.index_cast %parallel_loop3A_179 : i32 to index
          %parallel_loop3A_295 = arith.constant 80 : index
          %parallel_loop3A_296 = tpu.vector_load %arg15[%parallel_loop3A_294, %parallel_loop3A_295] {strides = array<i32>} : memref<40x128xf32, #tpu.memory_space<vmem>>, vector<1x16xf32>,
          %parallel_loop3A_297 = vector.shape_cast %parallel_loop3A_296 : vector<1x16xf32> to vector<16xf32>
          %parallel_loop3A_298 = vector.shape_cast %parallel_loop3A_293 : vector<16xf32> to vector<1x16xf32>
          tpu.vector_store %arg15[%parallel_loop3A_294, %parallel_loop3A_295], %parallel_loop3A_298 {strides = array<i32>} : memref<40x128xf32, #tpu.memory_space<vmem>>, vector<1x16xf32>,
          %parallel_loop3A_299 = arith.index_cast %parallel_loop3A_179 : i32 to index
          %parallel_loop3A_300 = arith.constant 96 : index
          %parallel_loop3A_301 = tpu.vector_load %arg13[%parallel_loop3A_299, %parallel_loop3A_300] {strides = array<i32>} : memref<40x128xf32, #tpu.memory_space<vmem>>, vector<1x16xf32>,
          %parallel_loop3A_302 = vector.shape_cast %parallel_loop3A_301 : vector<1x16xf32> to vector<16xf32>
          %parallel_loop3A_303 = arith.index_cast %parallel_loop3A_179 : i32 to index
          %parallel_loop3A_304 = arith.constant 96 : index
          %parallel_loop3A_305 = tpu.vector_load %arg14[%parallel_loop3A_303, %parallel_loop3A_304] {strides = array<i32>} : memref<40x128xf32, #tpu.memory_space<vmem>>, vector<1x16xf32>,
          %parallel_loop3A_306 = vector.shape_cast %parallel_loop3A_305 : vector<1x16xf32> to vector<16xf32>
          %parallel_loop3A_307 = arith.addf %parallel_loop3A_302, %parallel_loop3A_306 : vector<16xf32>
          %parallel_loop3A_308 = arith.mulf %parallel_loop3A_184, %get3A_24 : vector<16xf32>
          %parallel_loop3A_309 = arith.addf %parallel_loop3A_307, %parallel_loop3A_308 : vector<16xf32>
          %parallel_loop3A_310 = arith.constant 0.000000e+00 : f32
          %parallel_loop3A_311 = vector.broadcast %parallel_loop3A_310 : f32 to vector<16xf32>
          %parallel_loop3A_312 = arith.maximumf %parallel_loop3A_309, %parallel_loop3A_311 : vector<16xf32>
          %parallel_loop3A_313 = arith.index_cast %parallel_loop3A_179 : i32 to index
          %parallel_loop3A_314 = arith.constant 96 : index
          %parallel_loop3A_315 = tpu.vector_load %arg15[%parallel_loop3A_313, %parallel_loop3A_314] {strides = array<i32>} : memref<40x128xf32, #tpu.memory_space<vmem>>, vector<1x16xf32>,
          %parallel_loop3A_316 = vector.shape_cast %parallel_loop3A_315 : vector<1x16xf32> to vector<16xf32>
          %parallel_loop3A_317 = vector.shape_cast %parallel_loop3A_312 : vector<16xf32> to vector<1x16xf32>
          tpu.vector_store %arg15[%parallel_loop3A_313, %parallel_loop3A_314], %parallel_loop3A_317 {strides = array<i32>} : memref<40x128xf32, #tpu.memory_space<vmem>>, vector<1x16xf32>,
          %parallel_loop3A_318 = arith.index_cast %parallel_loop3A_179 : i32 to index
          %parallel_loop3A_319 = arith.constant 112 : index
          %parallel_loop3A_320 = tpu.vector_load %arg13[%parallel_loop3A_318, %parallel_loop3A_319] {strides = array<i32>} : memref<40x128xf32, #tpu.memory_space<vmem>>, vector<1x16xf32>,
          %parallel_loop3A_321 = vector.shape_cast %parallel_loop3A_320 : vector<1x16xf32> to vector<16xf32>
          %parallel_loop3A_322 = arith.index_cast %parallel_loop3A_179 : i32 to index
          %parallel_loop3A_323 = arith.constant 112 : index
          %parallel_loop3A_324 = tpu.vector_load %arg14[%parallel_loop3A_322, %parallel_loop3A_323] {strides = array<i32>} : memref<40x128xf32, #tpu.memory_space<vmem>>, vector<1x16xf32>,
          %parallel_loop3A_325 = vector.shape_cast %parallel_loop3A_324 : vector<1x16xf32> to vector<16xf32>
          %parallel_loop3A_326 = arith.addf %parallel_loop3A_321, %parallel_loop3A_325 : vector<16xf32>
          %parallel_loop3A_327 = arith.mulf %parallel_loop3A_184, %get3A_27 : vector<16xf32>
          %parallel_loop3A_328 = arith.addf %parallel_loop3A_326, %parallel_loop3A_327 : vector<16xf32>
          %parallel_loop3A_329 = arith.constant 0.000000e+00 : f32
          %parallel_loop3A_330 = vector.broadcast %parallel_loop3A_329 : f32 to vector<16xf32>
          %parallel_loop3A_331 = arith.maximumf %parallel_loop3A_328, %parallel_loop3A_330 : vector<16xf32>
          %parallel_loop3A_332 = arith.index_cast %parallel_loop3A_179 : i32 to index
          %parallel_loop3A_333 = arith.constant 112 : index
          %parallel_loop3A_334 = tpu.vector_load %arg15[%parallel_loop3A_332, %parallel_loop3A_333] {strides = array<i32>} : memref<40x128xf32, #tpu.memory_space<vmem>>, vector<1x16xf32>,
          %parallel_loop3A_335 = vector.shape_cast %parallel_loop3A_334 : vector<1x16xf32> to vector<16xf32>
          %parallel_loop3A_336 = vector.shape_cast %parallel_loop3A_331 : vector<16xf32> to vector<1x16xf32>
          tpu.vector_store %arg15[%parallel_loop3A_332, %parallel_loop3A_333], %parallel_loop3A_336 {strides = array<i32>} : memref<40x128xf32, #tpu.memory_space<vmem>>, vector<1x16xf32>,
        } {sc.loop_unroll_factor = 4 : i64, sc.parallel_access}
        %dma_start3A_176 = arith.constant 0 : i32
        %dma_start3A_177 = arith.constant 0 : i32
        %dma_start3A_178 = tpu.memref_slice %arg29[%dma_start3A_176, %dma_start3A_177] : memref<10000x128xf32, #tpu.memory_space<vmem_shared>> -> memref<10000x128xf32, #tpu.memory_space<vmem_shared>>
        tpu.enqueue_indirect_dma source(%arg15 : memref<40x128xf32, #tpu.memory_space<vmem>>) target(%dma_start3A_178 : memref<10000x128xf32, #tpu.memory_space<vmem_shared>>) offsets(%arg10 : memref<40xi32, #tpu.memory_space<vmem>>) semaphore(%arg32 : memref<!tpu.dma_semaphore, #tpu.memory_space<semaphore_mem>>) {add = true}
      } else {
      }
      %add3A_86 = arith.constant 1 : i32
      %add3A_87 = arith.addi %add3A_81, %add3A_86 : i32
      %lt3A_88 = arith.constant 250 : i32
      %lt3A_89 = arith.cmpi slt, %add3A_87, %lt3A_88 : i32
      %convert_element_type3A_90 = arith.extui %lt3A_89 : i1 to i32
      %cond3A_91 = arith.constant 0 : i32
      %cond3A_92 = arith.cmpi ne, %convert_element_type3A_90, %cond3A_91 : i32
      scf.if %cond3A_92 {
        %dma_wait3A_168 = arith.constant 0 : i32
        %dma_wait3A_169 = tpu.memref_slice %arg5[%dma_wait3A_168] : memref<320000xi32, #tpu.memory_space<hbm>> -> memref<40xi32, #tpu.memory_space<hbm>>
        %dma_wait3A_170 = arith.constant 0 : i32
        %dma_wait3A_171 = tpu.memref_slice %arg5[%dma_wait3A_170] : memref<320000xi32, #tpu.memory_space<hbm>> -> memref<40xi32, #tpu.memory_space<hbm>>
        tpu.wait_dma2 semaphore(%arg33 : memref<!tpu.dma_semaphore, #tpu.memory_space<semaphore_mem>>) src(%dma_wait3A_171 : memref<40xi32, #tpu.memory_space<hbm>>) dst(%arg16 : memref<40xi32, #tpu.memory_space<vmem>>)
        %dma_wait3A_172 = arith.constant 0 : i32
        %dma_wait3A_173 = tpu.memref_slice %arg6[%dma_wait3A_172] : memref<320000xi32, #tpu.memory_space<hbm>> -> memref<40xi32, #tpu.memory_space<hbm>>
        %dma_wait3A_174 = arith.constant 0 : i32
        %dma_wait3A_175 = tpu.memref_slice %arg6[%dma_wait3A_174] : memref<320000xi32, #tpu.memory_space<hbm>> -> memref<40xi32, #tpu.memory_space<hbm>>
        tpu.wait_dma2 semaphore(%arg33 : memref<!tpu.dma_semaphore, #tpu.memory_space<semaphore_mem>>) src(%dma_wait3A_175 : memref<40xi32, #tpu.memory_space<hbm>>) dst(%arg17 : memref<40xi32, #tpu.memory_space<vmem>>)
        %dma_wait3A_176 = arith.constant 0 : i32
        %dma_wait3A_177 = tpu.memref_slice %arg7[%dma_wait3A_176] : memref<5120000xf32, #tpu.memory_space<hbm>> -> memref<640xf32, #tpu.memory_space<hbm>>
        %dma_wait3A_178 = arith.constant 0 : i32
        %dma_wait3A_179 = tpu.memref_slice %arg7[%dma_wait3A_178] : memref<5120000xf32, #tpu.memory_space<hbm>> -> memref<640xf32, #tpu.memory_space<hbm>>
        tpu.wait_dma2 semaphore(%arg33 : memref<!tpu.dma_semaphore, #tpu.memory_space<semaphore_mem>>) src(%dma_wait3A_179 : memref<640xf32, #tpu.memory_space<hbm>>) dst(%arg18 : memref<640xf32, #tpu.memory_space<vmem>>)
        %dma_start3A_180 = arith.constant 0 : i32
        %dma_start3A_181 = arith.constant 0 : i32
        %dma_start3A_182 = tpu.memref_slice %arg2[%dma_start3A_180, %dma_start3A_181] : memref<10000x128xf32, #tpu.memory_space<hbm>> -> memref<10000x128xf32, #tpu.memory_space<hbm>>
        tpu.enqueue_indirect_dma source(%dma_start3A_182 : memref<10000x128xf32, #tpu.memory_space<hbm>>) target(%arg19 : memref<40x128xf32, #tpu.memory_space<vmem>>) offsets(%arg17 : memref<40xi32, #tpu.memory_space<vmem>>) semaphore(%arg34 : memref<!tpu.dma_semaphore, #tpu.memory_space<semaphore_mem>>)
        %dma_start3A_183 = arith.constant 0 : i32
        %dma_start3A_184 = arith.constant 0 : i32
        %dma_start3A_185 = tpu.memref_slice %arg3[%dma_start3A_183, %dma_start3A_184] : memref<10000x128xf32, #tpu.memory_space<hbm>> -> memref<10000x128xf32, #tpu.memory_space<hbm>>
        tpu.enqueue_indirect_dma source(%dma_start3A_185 : memref<10000x128xf32, #tpu.memory_space<hbm>>) target(%arg20 : memref<40x128xf32, #tpu.memory_space<vmem>>) offsets(%arg16 : memref<40xi32, #tpu.memory_space<vmem>>) semaphore(%arg34 : memref<!tpu.dma_semaphore, #tpu.memory_space<semaphore_mem>>)
      } else {
      }
      %ge3A = arith.constant 1 : i32
      %ge3A_93 = arith.cmpi sge, %add3A_81, %ge3A : i32
      %le3A = arith.constant 250 : i32
      %le3A_94 = arith.cmpi sle, %add3A_81, %le3A : i32
      %and3A = arith.andi %ge3A_93, %le3A_94 : i1
      %convert_element_type3A_95 = arith.extui %and3A : i1 to i32
      %cond3A_96 = arith.constant 0 : i32
      %cond3A_97 = arith.cmpi ne, %convert_element_type3A_95, %cond3A_96 : i32
      scf.if %cond3A_97 {
        %dma_wait3A_168 = arith.constant 0 : i32
        %dma_wait3A_169 = arith.constant 0 : i32
        %dma_wait3A_170 = tpu.memref_slice %arg29[%dma_wait3A_168, %dma_wait3A_169] : memref<10000x128xf32, #tpu.memory_space<vmem_shared>> -> memref<10000x128xf32, #tpu.memory_space<vmem_shared>>
        tpu.wait_indirect_dma semaphore(%arg38 : memref<!tpu.dma_semaphore, #tpu.memory_space<semaphore_mem>>) src(%arg27 : memref<40x128xf32, #tpu.memory_space<vmem>>) dst(%dma_wait3A_170 : memref<10000x128xf32, #tpu.memory_space<vmem_shared>>)
      } else {
      }
      %add3A_98 = arith.constant 2 : i32
      %add3A_99 = arith.addi %add3A_81, %add3A_98 : i32
      %lt3A_100 = arith.constant 250 : i32
      %lt3A_101 = arith.cmpi slt, %add3A_99, %lt3A_100 : i32
      %convert_element_type3A_102 = arith.extui %lt3A_101 : i1 to i32
      %cond3A_103 = arith.constant 0 : i32
      %cond3A_104 = arith.cmpi ne, %convert_element_type3A_102, %cond3A_103 : i32
      scf.if %cond3A_104 {
        %add3A_168 = arith.constant 2 : i32
        %add3A_169 = arith.addi %add3A_81, %add3A_168 : i32
        %mul3A_170 = arith.constant 40 : i32
        %mul3A_171 = arith.muli %add3A_169, %mul3A_170 : i32
        %add3A_172 = arith.addi %mul3A_2, %mul3A_171 : i32
        %dma_start3A_173 = tpu.memref_slice %arg5[%add3A_172] : memref<320000xi32, #tpu.memory_space<hbm>> -> memref<40xi32, #tpu.memory_space<hbm>>
        %dma_start3A_174 = tpu.memref_slice %arg5[%add3A_172] : memref<320000xi32, #tpu.memory_space<hbm>> -> memref<40xi32, #tpu.memory_space<hbm>>
        tpu.enqueue_dma source(%dma_start3A_174 : memref<40xi32, #tpu.memory_space<hbm>>) target(%arg22 : memref<40xi32, #tpu.memory_space<vmem>>) target_semaphore(%arg36 : memref<!tpu.dma_semaphore, #tpu.memory_space<semaphore_mem>>)
        %dma_start3A_175 = tpu.memref_slice %arg6[%add3A_172] : memref<320000xi32, #tpu.memory_space<hbm>> -> memref<40xi32, #tpu.memory_space<hbm>>
        %dma_start3A_176 = tpu.memref_slice %arg6[%add3A_172] : memref<320000xi32, #tpu.memory_space<hbm>> -> memref<40xi32, #tpu.memory_space<hbm>>
        tpu.enqueue_dma source(%dma_start3A_176 : memref<40xi32, #tpu.memory_space<hbm>>) target(%arg23 : memref<40xi32, #tpu.memory_space<vmem>>) target_semaphore(%arg36 : memref<!tpu.dma_semaphore, #tpu.memory_space<semaphore_mem>>)
        %mul3A_177 = arith.constant 16 : i32
        %mul3A_178 = arith.muli %add3A_172, %mul3A_177 : i32
        %dma_start3A_179 = tpu.memref_slice %arg7[%mul3A_178] : memref<5120000xf32, #tpu.memory_space<hbm>> -> memref<640xf32, #tpu.memory_space<hbm>>
        %dma_start3A_180 = tpu.memref_slice %arg7[%mul3A_178] : memref<5120000xf32, #tpu.memory_space<hbm>> -> memref<640xf32, #tpu.memory_space<hbm>>
        tpu.enqueue_dma source(%dma_start3A_180 : memref<640xf32, #tpu.memory_space<hbm>>) target(%arg24 : memref<640xf32, #tpu.memory_space<vmem>>) target_semaphore(%arg36 : memref<!tpu.dma_semaphore, #tpu.memory_space<semaphore_mem>>)
      } else {
      }
      %mul3A_105 = arith.constant 3 : i32
      %mul3A_106 = arith.muli %mul3A_105, %scan3A_76 : i32
      %add3A_107 = arith.constant 1 : i32
      %add3A_108 = arith.addi %mul3A_106, %add3A_107 : i32
      %lt3A_109 = arith.constant 250 : i32
      %lt3A_110 = arith.cmpi slt, %add3A_108, %lt3A_109 : i32
      %convert_element_type3A_111 = arith.extui %lt3A_110 : i1 to i32
      %cond3A_112 = arith.constant 0 : i32
      %cond3A_113 = arith.cmpi ne, %convert_element_type3A_111, %cond3A_112 : i32
      scf.if %cond3A_113 {
        %dma_wait3A_168 = arith.constant 0 : i32
        %dma_wait3A_169 = arith.constant 0 : i32
        %dma_wait3A_170 = tpu.memref_slice %arg2[%dma_wait3A_168, %dma_wait3A_169] : memref<10000x128xf32, #tpu.memory_space<hbm>> -> memref<10000x128xf32, #tpu.memory_space<hbm>>
        tpu.wait_indirect_dma semaphore(%arg34 : memref<!tpu.dma_semaphore, #tpu.memory_space<semaphore_mem>>) src(%dma_wait3A_170 : memref<10000x128xf32, #tpu.memory_space<hbm>>) dst(%arg19 : memref<40x128xf32, #tpu.memory_space<vmem>>)
        %dma_wait3A_171 = arith.constant 0 : i32
        %dma_wait3A_172 = arith.constant 0 : i32
        %dma_wait3A_173 = tpu.memref_slice %arg3[%dma_wait3A_171, %dma_wait3A_172] : memref<10000x128xf32, #tpu.memory_space<hbm>> -> memref<10000x128xf32, #tpu.memory_space<hbm>>
        tpu.wait_indirect_dma semaphore(%arg34 : memref<!tpu.dma_semaphore, #tpu.memory_space<semaphore_mem>>) src(%dma_wait3A_173 : memref<10000x128xf32, #tpu.memory_space<hbm>>) dst(%arg20 : memref<40x128xf32, #tpu.memory_space<vmem>>)
        %parallel_loop3A = arith.constant 0 : i32
        %parallel_loop3A_174 = arith.constant 40 : i32
        %parallel_loop3A_175 = arith.constant 1 : i32
        scf.for %parallel_loop3A_179 = %parallel_loop3A to %parallel_loop3A_174 step %parallel_loop3A_175  : i32 {
          %parallel_loop3A_180 = arith.constant 16 : i32
          %parallel_loop3A_181 = arith.muli %parallel_loop3A_179, %parallel_loop3A_180 : i32
          %parallel_loop3A_182 = arith.index_cast %parallel_loop3A_181 : i32 to index
          %parallel_loop3A_183 = tpu.vector_load %arg18[%parallel_loop3A_182] {strides = array<i32>} : memref<640xf32, #tpu.memory_space<vmem>>, vector<16xf32>,
          %parallel_loop3A_184 = vector.shape_cast %parallel_loop3A_183 : vector<16xf32> to vector<16xf32>
          %parallel_loop3A_185 = arith.index_cast %parallel_loop3A_179 : i32 to index
          %parallel_loop3A_186 = arith.constant 0 : index
          %parallel_loop3A_187 = tpu.vector_load %arg19[%parallel_loop3A_185, %parallel_loop3A_186] {strides = array<i32>} : memref<40x128xf32, #tpu.memory_space<vmem>>, vector<1x16xf32>,
          %parallel_loop3A_188 = vector.shape_cast %parallel_loop3A_187 : vector<1x16xf32> to vector<16xf32>
          %parallel_loop3A_189 = arith.index_cast %parallel_loop3A_179 : i32 to index
          %parallel_loop3A_190 = arith.constant 0 : index
          %parallel_loop3A_191 = tpu.vector_load %arg20[%parallel_loop3A_189, %parallel_loop3A_190] {strides = array<i32>} : memref<40x128xf32, #tpu.memory_space<vmem>>, vector<1x16xf32>,
          %parallel_loop3A_192 = vector.shape_cast %parallel_loop3A_191 : vector<1x16xf32> to vector<16xf32>
          %parallel_loop3A_193 = arith.addf %parallel_loop3A_188, %parallel_loop3A_192 : vector<16xf32>
          %parallel_loop3A_194 = arith.mulf %parallel_loop3A_184, %get3A_6 : vector<16xf32>
          %parallel_loop3A_195 = arith.addf %parallel_loop3A_193, %parallel_loop3A_194 : vector<16xf32>
          %parallel_loop3A_196 = arith.constant 0.000000e+00 : f32
          %parallel_loop3A_197 = vector.broadcast %parallel_loop3A_196 : f32 to vector<16xf32>
          %parallel_loop3A_198 = arith.maximumf %parallel_loop3A_195, %parallel_loop3A_197 : vector<16xf32>
          %parallel_loop3A_199 = arith.index_cast %parallel_loop3A_179 : i32 to index
          %parallel_loop3A_200 = arith.constant 0 : index
          %parallel_loop3A_201 = tpu.vector_load %arg21[%parallel_loop3A_199, %parallel_loop3A_200] {strides = array<i32>} : memref<40x128xf32, #tpu.memory_space<vmem>>, vector<1x16xf32>,
          %parallel_loop3A_202 = vector.shape_cast %parallel_loop3A_201 : vector<1x16xf32> to vector<16xf32>
          %parallel_loop3A_203 = vector.shape_cast %parallel_loop3A_198 : vector<16xf32> to vector<1x16xf32>
          tpu.vector_store %arg21[%parallel_loop3A_199, %parallel_loop3A_200], %parallel_loop3A_203 {strides = array<i32>} : memref<40x128xf32, #tpu.memory_space<vmem>>, vector<1x16xf32>,
          %parallel_loop3A_204 = arith.index_cast %parallel_loop3A_179 : i32 to index
          %parallel_loop3A_205 = arith.constant 16 : index
          %parallel_loop3A_206 = tpu.vector_load %arg19[%parallel_loop3A_204, %parallel_loop3A_205] {strides = array<i32>} : memref<40x128xf32, #tpu.memory_space<vmem>>, vector<1x16xf32>,
          %parallel_loop3A_207 = vector.shape_cast %parallel_loop3A_206 : vector<1x16xf32> to vector<16xf32>
          %parallel_loop3A_208 = arith.index_cast %parallel_loop3A_179 : i32 to index
          %parallel_loop3A_209 = arith.constant 16 : index
          %parallel_loop3A_210 = tpu.vector_load %arg20[%parallel_loop3A_208, %parallel_loop3A_209] {strides = array<i32>} : memref<40x128xf32, #tpu.memory_space<vmem>>, vector<1x16xf32>,
          %parallel_loop3A_211 = vector.shape_cast %parallel_loop3A_210 : vector<1x16xf32> to vector<16xf32>
          %parallel_loop3A_212 = arith.addf %parallel_loop3A_207, %parallel_loop3A_211 : vector<16xf32>
          %parallel_loop3A_213 = arith.mulf %parallel_loop3A_184, %get3A_9 : vector<16xf32>
          %parallel_loop3A_214 = arith.addf %parallel_loop3A_212, %parallel_loop3A_213 : vector<16xf32>
          %parallel_loop3A_215 = arith.constant 0.000000e+00 : f32
          %parallel_loop3A_216 = vector.broadcast %parallel_loop3A_215 : f32 to vector<16xf32>
          %parallel_loop3A_217 = arith.maximumf %parallel_loop3A_214, %parallel_loop3A_216 : vector<16xf32>
          %parallel_loop3A_218 = arith.index_cast %parallel_loop3A_179 : i32 to index
          %parallel_loop3A_219 = arith.constant 16 : index
          %parallel_loop3A_220 = tpu.vector_load %arg21[%parallel_loop3A_218, %parallel_loop3A_219] {strides = array<i32>} : memref<40x128xf32, #tpu.memory_space<vmem>>, vector<1x16xf32>,
          %parallel_loop3A_221 = vector.shape_cast %parallel_loop3A_220 : vector<1x16xf32> to vector<16xf32>
          %parallel_loop3A_222 = vector.shape_cast %parallel_loop3A_217 : vector<16xf32> to vector<1x16xf32>
          tpu.vector_store %arg21[%parallel_loop3A_218, %parallel_loop3A_219], %parallel_loop3A_222 {strides = array<i32>} : memref<40x128xf32, #tpu.memory_space<vmem>>, vector<1x16xf32>,
          %parallel_loop3A_223 = arith.index_cast %parallel_loop3A_179 : i32 to index
          %parallel_loop3A_224 = arith.constant 32 : index
          %parallel_loop3A_225 = tpu.vector_load %arg19[%parallel_loop3A_223, %parallel_loop3A_224] {strides = array<i32>} : memref<40x128xf32, #tpu.memory_space<vmem>>, vector<1x16xf32>,
          %parallel_loop3A_226 = vector.shape_cast %parallel_loop3A_225 : vector<1x16xf32> to vector<16xf32>
          %parallel_loop3A_227 = arith.index_cast %parallel_loop3A_179 : i32 to index
          %parallel_loop3A_228 = arith.constant 32 : index
          %parallel_loop3A_229 = tpu.vector_load %arg20[%parallel_loop3A_227, %parallel_loop3A_228] {strides = array<i32>} : memref<40x128xf32, #tpu.memory_space<vmem>>, vector<1x16xf32>,
          %parallel_loop3A_230 = vector.shape_cast %parallel_loop3A_229 : vector<1x16xf32> to vector<16xf32>
          %parallel_loop3A_231 = arith.addf %parallel_loop3A_226, %parallel_loop3A_230 : vector<16xf32>
          %parallel_loop3A_232 = arith.mulf %parallel_loop3A_184, %get3A_12 : vector<16xf32>
          %parallel_loop3A_233 = arith.addf %parallel_loop3A_231, %parallel_loop3A_232 : vector<16xf32>
          %parallel_loop3A_234 = arith.constant 0.000000e+00 : f32
          %parallel_loop3A_235 = vector.broadcast %parallel_loop3A_234 : f32 to vector<16xf32>
          %parallel_loop3A_236 = arith.maximumf %parallel_loop3A_233, %parallel_loop3A_235 : vector<16xf32>
          %parallel_loop3A_237 = arith.index_cast %parallel_loop3A_179 : i32 to index
          %parallel_loop3A_238 = arith.constant 32 : index
          %parallel_loop3A_239 = tpu.vector_load %arg21[%parallel_loop3A_237, %parallel_loop3A_238] {strides = array<i32>} : memref<40x128xf32, #tpu.memory_space<vmem>>, vector<1x16xf32>,
          %parallel_loop3A_240 = vector.shape_cast %parallel_loop3A_239 : vector<1x16xf32> to vector<16xf32>
          %parallel_loop3A_241 = vector.shape_cast %parallel_loop3A_236 : vector<16xf32> to vector<1x16xf32>
          tpu.vector_store %arg21[%parallel_loop3A_237, %parallel_loop3A_238], %parallel_loop3A_241 {strides = array<i32>} : memref<40x128xf32, #tpu.memory_space<vmem>>, vector<1x16xf32>,
          %parallel_loop3A_242 = arith.index_cast %parallel_loop3A_179 : i32 to index
          %parallel_loop3A_243 = arith.constant 48 : index
          %parallel_loop3A_244 = tpu.vector_load %arg19[%parallel_loop3A_242, %parallel_loop3A_243] {strides = array<i32>} : memref<40x128xf32, #tpu.memory_space<vmem>>, vector<1x16xf32>,
          %parallel_loop3A_245 = vector.shape_cast %parallel_loop3A_244 : vector<1x16xf32> to vector<16xf32>
          %parallel_loop3A_246 = arith.index_cast %parallel_loop3A_179 : i32 to index
          %parallel_loop3A_247 = arith.constant 48 : index
          %parallel_loop3A_248 = tpu.vector_load %arg20[%parallel_loop3A_246, %parallel_loop3A_247] {strides = array<i32>} : memref<40x128xf32, #tpu.memory_space<vmem>>, vector<1x16xf32>,
          %parallel_loop3A_249 = vector.shape_cast %parallel_loop3A_248 : vector<1x16xf32> to vector<16xf32>
          %parallel_loop3A_250 = arith.addf %parallel_loop3A_245, %parallel_loop3A_249 : vector<16xf32>
          %parallel_loop3A_251 = arith.mulf %parallel_loop3A_184, %get3A_15 : vector<16xf32>
          %parallel_loop3A_252 = arith.addf %parallel_loop3A_250, %parallel_loop3A_251 : vector<16xf32>
          %parallel_loop3A_253 = arith.constant 0.000000e+00 : f32
          %parallel_loop3A_254 = vector.broadcast %parallel_loop3A_253 : f32 to vector<16xf32>
          %parallel_loop3A_255 = arith.maximumf %parallel_loop3A_252, %parallel_loop3A_254 : vector<16xf32>
          %parallel_loop3A_256 = arith.index_cast %parallel_loop3A_179 : i32 to index
          %parallel_loop3A_257 = arith.constant 48 : index
          %parallel_loop3A_258 = tpu.vector_load %arg21[%parallel_loop3A_256, %parallel_loop3A_257] {strides = array<i32>} : memref<40x128xf32, #tpu.memory_space<vmem>>, vector<1x16xf32>,
          %parallel_loop3A_259 = vector.shape_cast %parallel_loop3A_258 : vector<1x16xf32> to vector<16xf32>
          %parallel_loop3A_260 = vector.shape_cast %parallel_loop3A_255 : vector<16xf32> to vector<1x16xf32>
          tpu.vector_store %arg21[%parallel_loop3A_256, %parallel_loop3A_257], %parallel_loop3A_260 {strides = array<i32>} : memref<40x128xf32, #tpu.memory_space<vmem>>, vector<1x16xf32>,
          %parallel_loop3A_261 = arith.index_cast %parallel_loop3A_179 : i32 to index
          %parallel_loop3A_262 = arith.constant 64 : index
          %parallel_loop3A_263 = tpu.vector_load %arg19[%parallel_loop3A_261, %parallel_loop3A_262] {strides = array<i32>} : memref<40x128xf32, #tpu.memory_space<vmem>>, vector<1x16xf32>,
          %parallel_loop3A_264 = vector.shape_cast %parallel_loop3A_263 : vector<1x16xf32> to vector<16xf32>
          %parallel_loop3A_265 = arith.index_cast %parallel_loop3A_179 : i32 to index
          %parallel_loop3A_266 = arith.constant 64 : index
          %parallel_loop3A_267 = tpu.vector_load %arg20[%parallel_loop3A_265, %parallel_loop3A_266] {strides = array<i32>} : memref<40x128xf32, #tpu.memory_space<vmem>>, vector<1x16xf32>,
          %parallel_loop3A_268 = vector.shape_cast %parallel_loop3A_267 : vector<1x16xf32> to vector<16xf32>
          %parallel_loop3A_269 = arith.addf %parallel_loop3A_264, %parallel_loop3A_268 : vector<16xf32>
          %parallel_loop3A_270 = arith.mulf %parallel_loop3A_184, %get3A_18 : vector<16xf32>
          %parallel_loop3A_271 = arith.addf %parallel_loop3A_269, %parallel_loop3A_270 : vector<16xf32>
          %parallel_loop3A_272 = arith.constant 0.000000e+00 : f32
          %parallel_loop3A_273 = vector.broadcast %parallel_loop3A_272 : f32 to vector<16xf32>
          %parallel_loop3A_274 = arith.maximumf %parallel_loop3A_271, %parallel_loop3A_273 : vector<16xf32>
          %parallel_loop3A_275 = arith.index_cast %parallel_loop3A_179 : i32 to index
          %parallel_loop3A_276 = arith.constant 64 : index
          %parallel_loop3A_277 = tpu.vector_load %arg21[%parallel_loop3A_275, %parallel_loop3A_276] {strides = array<i32>} : memref<40x128xf32, #tpu.memory_space<vmem>>, vector<1x16xf32>,
          %parallel_loop3A_278 = vector.shape_cast %parallel_loop3A_277 : vector<1x16xf32> to vector<16xf32>
          %parallel_loop3A_279 = vector.shape_cast %parallel_loop3A_274 : vector<16xf32> to vector<1x16xf32>
          tpu.vector_store %arg21[%parallel_loop3A_275, %parallel_loop3A_276], %parallel_loop3A_279 {strides = array<i32>} : memref<40x128xf32, #tpu.memory_space<vmem>>, vector<1x16xf32>,
          %parallel_loop3A_280 = arith.index_cast %parallel_loop3A_179 : i32 to index
          %parallel_loop3A_281 = arith.constant 80 : index
          %parallel_loop3A_282 = tpu.vector_load %arg19[%parallel_loop3A_280, %parallel_loop3A_281] {strides = array<i32>} : memref<40x128xf32, #tpu.memory_space<vmem>>, vector<1x16xf32>,
          %parallel_loop3A_283 = vector.shape_cast %parallel_loop3A_282 : vector<1x16xf32> to vector<16xf32>
          %parallel_loop3A_284 = arith.index_cast %parallel_loop3A_179 : i32 to index
          %parallel_loop3A_285 = arith.constant 80 : index
          %parallel_loop3A_286 = tpu.vector_load %arg20[%parallel_loop3A_284, %parallel_loop3A_285] {strides = array<i32>} : memref<40x128xf32, #tpu.memory_space<vmem>>, vector<1x16xf32>,
          %parallel_loop3A_287 = vector.shape_cast %parallel_loop3A_286 : vector<1x16xf32> to vector<16xf32>
          %parallel_loop3A_288 = arith.addf %parallel_loop3A_283, %parallel_loop3A_287 : vector<16xf32>
          %parallel_loop3A_289 = arith.mulf %parallel_loop3A_184, %get3A_21 : vector<16xf32>
          %parallel_loop3A_290 = arith.addf %parallel_loop3A_288, %parallel_loop3A_289 : vector<16xf32>
          %parallel_loop3A_291 = arith.constant 0.000000e+00 : f32
          %parallel_loop3A_292 = vector.broadcast %parallel_loop3A_291 : f32 to vector<16xf32>
          %parallel_loop3A_293 = arith.maximumf %parallel_loop3A_290, %parallel_loop3A_292 : vector<16xf32>
          %parallel_loop3A_294 = arith.index_cast %parallel_loop3A_179 : i32 to index
          %parallel_loop3A_295 = arith.constant 80 : index
          %parallel_loop3A_296 = tpu.vector_load %arg21[%parallel_loop3A_294, %parallel_loop3A_295] {strides = array<i32>} : memref<40x128xf32, #tpu.memory_space<vmem>>, vector<1x16xf32>,
          %parallel_loop3A_297 = vector.shape_cast %parallel_loop3A_296 : vector<1x16xf32> to vector<16xf32>
          %parallel_loop3A_298 = vector.shape_cast %parallel_loop3A_293 : vector<16xf32> to vector<1x16xf32>
          tpu.vector_store %arg21[%parallel_loop3A_294, %parallel_loop3A_295], %parallel_loop3A_298 {strides = array<i32>} : memref<40x128xf32, #tpu.memory_space<vmem>>, vector<1x16xf32>,
          %parallel_loop3A_299 = arith.index_cast %parallel_loop3A_179 : i32 to index
          %parallel_loop3A_300 = arith.constant 96 : index
          %parallel_loop3A_301 = tpu.vector_load %arg19[%parallel_loop3A_299, %parallel_loop3A_300] {strides = array<i32>} : memref<40x128xf32, #tpu.memory_space<vmem>>, vector<1x16xf32>,
          %parallel_loop3A_302 = vector.shape_cast %parallel_loop3A_301 : vector<1x16xf32> to vector<16xf32>
          %parallel_loop3A_303 = arith.index_cast %parallel_loop3A_179 : i32 to index
          %parallel_loop3A_304 = arith.constant 96 : index
          %parallel_loop3A_305 = tpu.vector_load %arg20[%parallel_loop3A_303, %parallel_loop3A_304] {strides = array<i32>} : memref<40x128xf32, #tpu.memory_space<vmem>>, vector<1x16xf32>,
          %parallel_loop3A_306 = vector.shape_cast %parallel_loop3A_305 : vector<1x16xf32> to vector<16xf32>
          %parallel_loop3A_307 = arith.addf %parallel_loop3A_302, %parallel_loop3A_306 : vector<16xf32>
          %parallel_loop3A_308 = arith.mulf %parallel_loop3A_184, %get3A_24 : vector<16xf32>
          %parallel_loop3A_309 = arith.addf %parallel_loop3A_307, %parallel_loop3A_308 : vector<16xf32>
          %parallel_loop3A_310 = arith.constant 0.000000e+00 : f32
          %parallel_loop3A_311 = vector.broadcast %parallel_loop3A_310 : f32 to vector<16xf32>
          %parallel_loop3A_312 = arith.maximumf %parallel_loop3A_309, %parallel_loop3A_311 : vector<16xf32>
          %parallel_loop3A_313 = arith.index_cast %parallel_loop3A_179 : i32 to index
          %parallel_loop3A_314 = arith.constant 96 : index
          %parallel_loop3A_315 = tpu.vector_load %arg21[%parallel_loop3A_313, %parallel_loop3A_314] {strides = array<i32>} : memref<40x128xf32, #tpu.memory_space<vmem>>, vector<1x16xf32>,
          %parallel_loop3A_316 = vector.shape_cast %parallel_loop3A_315 : vector<1x16xf32> to vector<16xf32>
          %parallel_loop3A_317 = vector.shape_cast %parallel_loop3A_312 : vector<16xf32> to vector<1x16xf32>
          tpu.vector_store %arg21[%parallel_loop3A_313, %parallel_loop3A_314], %parallel_loop3A_317 {strides = array<i32>} : memref<40x128xf32, #tpu.memory_space<vmem>>, vector<1x16xf32>,
          %parallel_loop3A_318 = arith.index_cast %parallel_loop3A_179 : i32 to index
          %parallel_loop3A_319 = arith.constant 112 : index
          %parallel_loop3A_320 = tpu.vector_load %arg19[%parallel_loop3A_318, %parallel_loop3A_319] {strides = array<i32>} : memref<40x128xf32, #tpu.memory_space<vmem>>, vector<1x16xf32>,
          %parallel_loop3A_321 = vector.shape_cast %parallel_loop3A_320 : vector<1x16xf32> to vector<16xf32>
          %parallel_loop3A_322 = arith.index_cast %parallel_loop3A_179 : i32 to index
          %parallel_loop3A_323 = arith.constant 112 : index
          %parallel_loop3A_324 = tpu.vector_load %arg20[%parallel_loop3A_322, %parallel_loop3A_323] {strides = array<i32>} : memref<40x128xf32, #tpu.memory_space<vmem>>, vector<1x16xf32>,
          %parallel_loop3A_325 = vector.shape_cast %parallel_loop3A_324 : vector<1x16xf32> to vector<16xf32>
          %parallel_loop3A_326 = arith.addf %parallel_loop3A_321, %parallel_loop3A_325 : vector<16xf32>
          %parallel_loop3A_327 = arith.mulf %parallel_loop3A_184, %get3A_27 : vector<16xf32>
          %parallel_loop3A_328 = arith.addf %parallel_loop3A_326, %parallel_loop3A_327 : vector<16xf32>
          %parallel_loop3A_329 = arith.constant 0.000000e+00 : f32
          %parallel_loop3A_330 = vector.broadcast %parallel_loop3A_329 : f32 to vector<16xf32>
          %parallel_loop3A_331 = arith.maximumf %parallel_loop3A_328, %parallel_loop3A_330 : vector<16xf32>
          %parallel_loop3A_332 = arith.index_cast %parallel_loop3A_179 : i32 to index
          %parallel_loop3A_333 = arith.constant 112 : index
          %parallel_loop3A_334 = tpu.vector_load %arg21[%parallel_loop3A_332, %parallel_loop3A_333] {strides = array<i32>} : memref<40x128xf32, #tpu.memory_space<vmem>>, vector<1x16xf32>,
          %parallel_loop3A_335 = vector.shape_cast %parallel_loop3A_334 : vector<1x16xf32> to vector<16xf32>
          %parallel_loop3A_336 = vector.shape_cast %parallel_loop3A_331 : vector<16xf32> to vector<1x16xf32>
          tpu.vector_store %arg21[%parallel_loop3A_332, %parallel_loop3A_333], %parallel_loop3A_336 {strides = array<i32>} : memref<40x128xf32, #tpu.memory_space<vmem>>, vector<1x16xf32>,
        } {sc.loop_unroll_factor = 4 : i64, sc.parallel_access}
        %dma_start3A_176 = arith.constant 0 : i32
        %dma_start3A_177 = arith.constant 0 : i32
        %dma_start3A_178 = tpu.memref_slice %arg29[%dma_start3A_176, %dma_start3A_177] : memref<10000x128xf32, #tpu.memory_space<vmem_shared>> -> memref<10000x128xf32, #tpu.memory_space<vmem_shared>>
        tpu.enqueue_indirect_dma source(%arg21 : memref<40x128xf32, #tpu.memory_space<vmem>>) target(%dma_start3A_178 : memref<10000x128xf32, #tpu.memory_space<vmem_shared>>) offsets(%arg16 : memref<40xi32, #tpu.memory_space<vmem>>) semaphore(%arg35 : memref<!tpu.dma_semaphore, #tpu.memory_space<semaphore_mem>>) {add = true}
      } else {
      }
      %add3A_114 = arith.constant 1 : i32
      %add3A_115 = arith.addi %add3A_108, %add3A_114 : i32
      %lt3A_116 = arith.constant 250 : i32
      %lt3A_117 = arith.cmpi slt, %add3A_115, %lt3A_116 : i32
      %convert_element_type3A_118 = arith.extui %lt3A_117 : i1 to i32
      %cond3A_119 = arith.constant 0 : i32
      %cond3A_120 = arith.cmpi ne, %convert_element_type3A_118, %cond3A_119 : i32
      scf.if %cond3A_120 {
        %dma_wait3A_168 = arith.constant 0 : i32
        %dma_wait3A_169 = tpu.memref_slice %arg5[%dma_wait3A_168] : memref<320000xi32, #tpu.memory_space<hbm>> -> memref<40xi32, #tpu.memory_space<hbm>>
        %dma_wait3A_170 = arith.constant 0 : i32
        %dma_wait3A_171 = tpu.memref_slice %arg5[%dma_wait3A_170] : memref<320000xi32, #tpu.memory_space<hbm>> -> memref<40xi32, #tpu.memory_space<hbm>>
        tpu.wait_dma2 semaphore(%arg36 : memref<!tpu.dma_semaphore, #tpu.memory_space<semaphore_mem>>) src(%dma_wait3A_171 : memref<40xi32, #tpu.memory_space<hbm>>) dst(%arg22 : memref<40xi32, #tpu.memory_space<vmem>>)
        %dma_wait3A_172 = arith.constant 0 : i32
        %dma_wait3A_173 = tpu.memref_slice %arg6[%dma_wait3A_172] : memref<320000xi32, #tpu.memory_space<hbm>> -> memref<40xi32, #tpu.memory_space<hbm>>
        %dma_wait3A_174 = arith.constant 0 : i32
        %dma_wait3A_175 = tpu.memref_slice %arg6[%dma_wait3A_174] : memref<320000xi32, #tpu.memory_space<hbm>> -> memref<40xi32, #tpu.memory_space<hbm>>
        tpu.wait_dma2 semaphore(%arg36 : memref<!tpu.dma_semaphore, #tpu.memory_space<semaphore_mem>>) src(%dma_wait3A_175 : memref<40xi32, #tpu.memory_space<hbm>>) dst(%arg23 : memref<40xi32, #tpu.memory_space<vmem>>)
        %dma_wait3A_176 = arith.constant 0 : i32
        %dma_wait3A_177 = tpu.memref_slice %arg7[%dma_wait3A_176] : memref<5120000xf32, #tpu.memory_space<hbm>> -> memref<640xf32, #tpu.memory_space<hbm>>
        %dma_wait3A_178 = arith.constant 0 : i32
        %dma_wait3A_179 = tpu.memref_slice %arg7[%dma_wait3A_178] : memref<5120000xf32, #tpu.memory_space<hbm>> -> memref<640xf32, #tpu.memory_space<hbm>>
        tpu.wait_dma2 semaphore(%arg36 : memref<!tpu.dma_semaphore, #tpu.memory_space<semaphore_mem>>) src(%dma_wait3A_179 : memref<640xf32, #tpu.memory_space<hbm>>) dst(%arg24 : memref<640xf32, #tpu.memory_space<vmem>>)
        %dma_start3A_180 = arith.constant 0 : i32
        %dma_start3A_181 = arith.constant 0 : i32
        %dma_start3A_182 = tpu.memref_slice %arg2[%dma_start3A_180, %dma_start3A_181] : memref<10000x128xf32, #tpu.memory_space<hbm>> -> memref<10000x128xf32, #tpu.memory_space<hbm>>
        tpu.enqueue_indirect_dma source(%dma_start3A_182 : memref<10000x128xf32, #tpu.memory_space<hbm>>) target(%arg25 : memref<40x128xf32, #tpu.memory_space<vmem>>) offsets(%arg23 : memref<40xi32, #tpu.memory_space<vmem>>) semaphore(%arg37 : memref<!tpu.dma_semaphore, #tpu.memory_space<semaphore_mem>>)
        %dma_start3A_183 = arith.constant 0 : i32
        %dma_start3A_184 = arith.constant 0 : i32
        %dma_start3A_185 = tpu.memref_slice %arg3[%dma_start3A_183, %dma_start3A_184] : memref<10000x128xf32, #tpu.memory_space<hbm>> -> memref<10000x128xf32, #tpu.memory_space<hbm>>
        tpu.enqueue_indirect_dma source(%dma_start3A_185 : memref<10000x128xf32, #tpu.memory_space<hbm>>) target(%arg26 : memref<40x128xf32, #tpu.memory_space<vmem>>) offsets(%arg22 : memref<40xi32, #tpu.memory_space<vmem>>) semaphore(%arg37 : memref<!tpu.dma_semaphore, #tpu.memory_space<semaphore_mem>>)
      } else {
      }
      %ge3A_121 = arith.constant 1 : i32
      %ge3A_122 = arith.cmpi sge, %add3A_108, %ge3A_121 : i32
      %le3A_123 = arith.constant 250 : i32
      %le3A_124 = arith.cmpi sle, %add3A_108, %le3A_123 : i32
      %and3A_125 = arith.andi %ge3A_122, %le3A_124 : i1
      %convert_element_type3A_126 = arith.extui %and3A_125 : i1 to i32
      %cond3A_127 = arith.constant 0 : i32
      %cond3A_128 = arith.cmpi ne, %convert_element_type3A_126, %cond3A_127 : i32
      scf.if %cond3A_128 {
        %dma_wait3A_168 = arith.constant 0 : i32
        %dma_wait3A_169 = arith.constant 0 : i32
        %dma_wait3A_170 = tpu.memref_slice %arg29[%dma_wait3A_168, %dma_wait3A_169] : memref<10000x128xf32, #tpu.memory_space<vmem_shared>> -> memref<10000x128xf32, #tpu.memory_space<vmem_shared>>
        tpu.wait_indirect_dma semaphore(%arg32 : memref<!tpu.dma_semaphore, #tpu.memory_space<semaphore_mem>>) src(%arg15 : memref<40x128xf32, #tpu.memory_space<vmem>>) dst(%dma_wait3A_170 : memref<10000x128xf32, #tpu.memory_space<vmem_shared>>)
      } else {
      }
      %add3A_129 = arith.constant 2 : i32
      %add3A_130 = arith.addi %add3A_108, %add3A_129 : i32
      %lt3A_131 = arith.constant 250 : i32
      %lt3A_132 = arith.cmpi slt, %add3A_130, %lt3A_131 : i32
      %convert_element_type3A_133 = arith.extui %lt3A_132 : i1 to i32
      %cond3A_134 = arith.constant 0 : i32
      %cond3A_135 = arith.cmpi ne, %convert_element_type3A_133, %cond3A_134 : i32
      scf.if %cond3A_135 {
        %add3A_168 = arith.constant 2 : i32
        %add3A_169 = arith.addi %add3A_108, %add3A_168 : i32
        %mul3A_170 = arith.constant 40 : i32
        %mul3A_171 = arith.muli %add3A_169, %mul3A_170 : i32
        %add3A_172 = arith.addi %mul3A_2, %mul3A_171 : i32
        %dma_start3A_173 = tpu.memref_slice %arg5[%add3A_172] : memref<320000xi32, #tpu.memory_space<hbm>> -> memref<40xi32, #tpu.memory_space<hbm>>
        %dma_start3A_174 = tpu.memref_slice %arg5[%add3A_172] : memref<320000xi32, #tpu.memory_space<hbm>> -> memref<40xi32, #tpu.memory_space<hbm>>
        tpu.enqueue_dma source(%dma_start3A_174 : memref<40xi32, #tpu.memory_space<hbm>>) target(%arg10 : memref<40xi32, #tpu.memory_space<vmem>>) target_semaphore(%arg30 : memref<!tpu.dma_semaphore, #tpu.memory_space<semaphore_mem>>)
        %dma_start3A_175 = tpu.memref_slice %arg6[%add3A_172] : memref<320000xi32, #tpu.memory_space<hbm>> -> memref<40xi32, #tpu.memory_space<hbm>>
        %dma_start3A_176 = tpu.memref_slice %arg6[%add3A_172] : memref<320000xi32, #tpu.memory_space<hbm>> -> memref<40xi32, #tpu.memory_space<hbm>>
        tpu.enqueue_dma source(%dma_start3A_176 : memref<40xi32, #tpu.memory_space<hbm>>) target(%arg11 : memref<40xi32, #tpu.memory_space<vmem>>) target_semaphore(%arg30 : memref<!tpu.dma_semaphore, #tpu.memory_space<semaphore_mem>>)
        %mul3A_177 = arith.constant 16 : i32
        %mul3A_178 = arith.muli %add3A_172, %mul3A_177 : i32
        %dma_start3A_179 = tpu.memref_slice %arg7[%mul3A_178] : memref<5120000xf32, #tpu.memory_space<hbm>> -> memref<640xf32, #tpu.memory_space<hbm>>
        %dma_start3A_180 = tpu.memref_slice %arg7[%mul3A_178] : memref<5120000xf32, #tpu.memory_space<hbm>> -> memref<640xf32, #tpu.memory_space<hbm>>
        tpu.enqueue_dma source(%dma_start3A_180 : memref<640xf32, #tpu.memory_space<hbm>>) target(%arg12 : memref<640xf32, #tpu.memory_space<vmem>>) target_semaphore(%arg30 : memref<!tpu.dma_semaphore, #tpu.memory_space<semaphore_mem>>)
      } else {
      }
      %mul3A_136 = arith.constant 3 : i32
      %mul3A_137 = arith.muli %mul3A_136, %scan3A_76 : i32
      %add3A_138 = arith.constant 2 : i32
      %add3A_139 = arith.addi %mul3A_137, %add3A_138 : i32
      %lt3A_140 = arith.constant 250 : i32
      %lt3A_141 = arith.cmpi slt, %add3A_139, %lt3A_140 : i32
      %convert_element_type3A_142 = arith.extui %lt3A_141 : i1 to i32
      %cond3A_143 = arith.constant 0 : i32
      %cond3A_144 = arith.cmpi ne, %convert_element_type3A_142, %cond3A_143 : i32
      scf.if %cond3A_144 {
        %dma_wait3A_168 = arith.constant 0 : i32
        %dma_wait3A_169 = arith.constant 0 : i32
        %dma_wait3A_170 = tpu.memref_slice %arg2[%dma_wait3A_168, %dma_wait3A_169] : memref<10000x128xf32, #tpu.memory_space<hbm>> -> memref<10000x128xf32, #tpu.memory_space<hbm>>
        tpu.wait_indirect_dma semaphore(%arg37 : memref<!tpu.dma_semaphore, #tpu.memory_space<semaphore_mem>>) src(%dma_wait3A_170 : memref<10000x128xf32, #tpu.memory_space<hbm>>) dst(%arg25 : memref<40x128xf32, #tpu.memory_space<vmem>>)
        %dma_wait3A_171 = arith.constant 0 : i32
        %dma_wait3A_172 = arith.constant 0 : i32
        %dma_wait3A_173 = tpu.memref_slice %arg3[%dma_wait3A_171, %dma_wait3A_172] : memref<10000x128xf32, #tpu.memory_space<hbm>> -> memref<10000x128xf32, #tpu.memory_space<hbm>>
        tpu.wait_indirect_dma semaphore(%arg37 : memref<!tpu.dma_semaphore, #tpu.memory_space<semaphore_mem>>) src(%dma_wait3A_173 : memref<10000x128xf32, #tpu.memory_space<hbm>>) dst(%arg26 : memref<40x128xf32, #tpu.memory_space<vmem>>)
        %parallel_loop3A = arith.constant 0 : i32
        %parallel_loop3A_174 = arith.constant 40 : i32
        %parallel_loop3A_175 = arith.constant 1 : i32
        scf.for %parallel_loop3A_179 = %parallel_loop3A to %parallel_loop3A_174 step %parallel_loop3A_175  : i32 {
          %parallel_loop3A_180 = arith.constant 16 : i32
          %parallel_loop3A_181 = arith.muli %parallel_loop3A_179, %parallel_loop3A_180 : i32
          %parallel_loop3A_182 = arith.index_cast %parallel_loop3A_181 : i32 to index
          %parallel_loop3A_183 = tpu.vector_load %arg24[%parallel_loop3A_182] {strides = array<i32>} : memref<640xf32, #tpu.memory_space<vmem>>, vector<16xf32>,
          %parallel_loop3A_184 = vector.shape_cast %parallel_loop3A_183 : vector<16xf32> to vector<16xf32>
          %parallel_loop3A_185 = arith.index_cast %parallel_loop3A_179 : i32 to index
          %parallel_loop3A_186 = arith.constant 0 : index
          %parallel_loop3A_187 = tpu.vector_load %arg25[%parallel_loop3A_185, %parallel_loop3A_186] {strides = array<i32>} : memref<40x128xf32, #tpu.memory_space<vmem>>, vector<1x16xf32>,
          %parallel_loop3A_188 = vector.shape_cast %parallel_loop3A_187 : vector<1x16xf32> to vector<16xf32>
          %parallel_loop3A_189 = arith.index_cast %parallel_loop3A_179 : i32 to index
          %parallel_loop3A_190 = arith.constant 0 : index
          %parallel_loop3A_191 = tpu.vector_load %arg26[%parallel_loop3A_189, %parallel_loop3A_190] {strides = array<i32>} : memref<40x128xf32, #tpu.memory_space<vmem>>, vector<1x16xf32>,
          %parallel_loop3A_192 = vector.shape_cast %parallel_loop3A_191 : vector<1x16xf32> to vector<16xf32>
          %parallel_loop3A_193 = arith.addf %parallel_loop3A_188, %parallel_loop3A_192 : vector<16xf32>
          %parallel_loop3A_194 = arith.mulf %parallel_loop3A_184, %get3A_6 : vector<16xf32>
          %parallel_loop3A_195 = arith.addf %parallel_loop3A_193, %parallel_loop3A_194 : vector<16xf32>
          %parallel_loop3A_196 = arith.constant 0.000000e+00 : f32
          %parallel_loop3A_197 = vector.broadcast %parallel_loop3A_196 : f32 to vector<16xf32>
          %parallel_loop3A_198 = arith.maximumf %parallel_loop3A_195, %parallel_loop3A_197 : vector<16xf32>
          %parallel_loop3A_199 = arith.index_cast %parallel_loop3A_179 : i32 to index
          %parallel_loop3A_200 = arith.constant 0 : index
          %parallel_loop3A_201 = tpu.vector_load %arg27[%parallel_loop3A_199, %parallel_loop3A_200] {strides = array<i32>} : memref<40x128xf32, #tpu.memory_space<vmem>>, vector<1x16xf32>,
          %parallel_loop3A_202 = vector.shape_cast %parallel_loop3A_201 : vector<1x16xf32> to vector<16xf32>
          %parallel_loop3A_203 = vector.shape_cast %parallel_loop3A_198 : vector<16xf32> to vector<1x16xf32>
          tpu.vector_store %arg27[%parallel_loop3A_199, %parallel_loop3A_200], %parallel_loop3A_203 {strides = array<i32>} : memref<40x128xf32, #tpu.memory_space<vmem>>, vector<1x16xf32>,
          %parallel_loop3A_204 = arith.index_cast %parallel_loop3A_179 : i32 to index
          %parallel_loop3A_205 = arith.constant 16 : index
          %parallel_loop3A_206 = tpu.vector_load %arg25[%parallel_loop3A_204, %parallel_loop3A_205] {strides = array<i32>} : memref<40x128xf32, #tpu.memory_space<vmem>>, vector<1x16xf32>,
          %parallel_loop3A_207 = vector.shape_cast %parallel_loop3A_206 : vector<1x16xf32> to vector<16xf32>
          %parallel_loop3A_208 = arith.index_cast %parallel_loop3A_179 : i32 to index
          %parallel_loop3A_209 = arith.constant 16 : index
          %parallel_loop3A_210 = tpu.vector_load %arg26[%parallel_loop3A_208, %parallel_loop3A_209] {strides = array<i32>} : memref<40x128xf32, #tpu.memory_space<vmem>>, vector<1x16xf32>,
          %parallel_loop3A_211 = vector.shape_cast %parallel_loop3A_210 : vector<1x16xf32> to vector<16xf32>
          %parallel_loop3A_212 = arith.addf %parallel_loop3A_207, %parallel_loop3A_211 : vector<16xf32>
          %parallel_loop3A_213 = arith.mulf %parallel_loop3A_184, %get3A_9 : vector<16xf32>
          %parallel_loop3A_214 = arith.addf %parallel_loop3A_212, %parallel_loop3A_213 : vector<16xf32>
          %parallel_loop3A_215 = arith.constant 0.000000e+00 : f32
          %parallel_loop3A_216 = vector.broadcast %parallel_loop3A_215 : f32 to vector<16xf32>
          %parallel_loop3A_217 = arith.maximumf %parallel_loop3A_214, %parallel_loop3A_216 : vector<16xf32>
          %parallel_loop3A_218 = arith.index_cast %parallel_loop3A_179 : i32 to index
          %parallel_loop3A_219 = arith.constant 16 : index
          %parallel_loop3A_220 = tpu.vector_load %arg27[%parallel_loop3A_218, %parallel_loop3A_219] {strides = array<i32>} : memref<40x128xf32, #tpu.memory_space<vmem>>, vector<1x16xf32>,
          %parallel_loop3A_221 = vector.shape_cast %parallel_loop3A_220 : vector<1x16xf32> to vector<16xf32>
          %parallel_loop3A_222 = vector.shape_cast %parallel_loop3A_217 : vector<16xf32> to vector<1x16xf32>
          tpu.vector_store %arg27[%parallel_loop3A_218, %parallel_loop3A_219], %parallel_loop3A_222 {strides = array<i32>} : memref<40x128xf32, #tpu.memory_space<vmem>>, vector<1x16xf32>,
          %parallel_loop3A_223 = arith.index_cast %parallel_loop3A_179 : i32 to index
          %parallel_loop3A_224 = arith.constant 32 : index
          %parallel_loop3A_225 = tpu.vector_load %arg25[%parallel_loop3A_223, %parallel_loop3A_224] {strides = array<i32>} : memref<40x128xf32, #tpu.memory_space<vmem>>, vector<1x16xf32>,
          %parallel_loop3A_226 = vector.shape_cast %parallel_loop3A_225 : vector<1x16xf32> to vector<16xf32>
          %parallel_loop3A_227 = arith.index_cast %parallel_loop3A_179 : i32 to index
          %parallel_loop3A_228 = arith.constant 32 : index
          %parallel_loop3A_229 = tpu.vector_load %arg26[%parallel_loop3A_227, %parallel_loop3A_228] {strides = array<i32>} : memref<40x128xf32, #tpu.memory_space<vmem>>, vector<1x16xf32>,
          %parallel_loop3A_230 = vector.shape_cast %parallel_loop3A_229 : vector<1x16xf32> to vector<16xf32>
          %parallel_loop3A_231 = arith.addf %parallel_loop3A_226, %parallel_loop3A_230 : vector<16xf32>
          %parallel_loop3A_232 = arith.mulf %parallel_loop3A_184, %get3A_12 : vector<16xf32>
          %parallel_loop3A_233 = arith.addf %parallel_loop3A_231, %parallel_loop3A_232 : vector<16xf32>
          %parallel_loop3A_234 = arith.constant 0.000000e+00 : f32
          %parallel_loop3A_235 = vector.broadcast %parallel_loop3A_234 : f32 to vector<16xf32>
          %parallel_loop3A_236 = arith.maximumf %parallel_loop3A_233, %parallel_loop3A_235 : vector<16xf32>
          %parallel_loop3A_237 = arith.index_cast %parallel_loop3A_179 : i32 to index
          %parallel_loop3A_238 = arith.constant 32 : index
          %parallel_loop3A_239 = tpu.vector_load %arg27[%parallel_loop3A_237, %parallel_loop3A_238] {strides = array<i32>} : memref<40x128xf32, #tpu.memory_space<vmem>>, vector<1x16xf32>,
          %parallel_loop3A_240 = vector.shape_cast %parallel_loop3A_239 : vector<1x16xf32> to vector<16xf32>
          %parallel_loop3A_241 = vector.shape_cast %parallel_loop3A_236 : vector<16xf32> to vector<1x16xf32>
          tpu.vector_store %arg27[%parallel_loop3A_237, %parallel_loop3A_238], %parallel_loop3A_241 {strides = array<i32>} : memref<40x128xf32, #tpu.memory_space<vmem>>, vector<1x16xf32>,
          %parallel_loop3A_242 = arith.index_cast %parallel_loop3A_179 : i32 to index
          %parallel_loop3A_243 = arith.constant 48 : index
          %parallel_loop3A_244 = tpu.vector_load %arg25[%parallel_loop3A_242, %parallel_loop3A_243] {strides = array<i32>} : memref<40x128xf32, #tpu.memory_space<vmem>>, vector<1x16xf32>,
          %parallel_loop3A_245 = vector.shape_cast %parallel_loop3A_244 : vector<1x16xf32> to vector<16xf32>
          %parallel_loop3A_246 = arith.index_cast %parallel_loop3A_179 : i32 to index
          %parallel_loop3A_247 = arith.constant 48 : index
          %parallel_loop3A_248 = tpu.vector_load %arg26[%parallel_loop3A_246, %parallel_loop3A_247] {strides = array<i32>} : memref<40x128xf32, #tpu.memory_space<vmem>>, vector<1x16xf32>,
          %parallel_loop3A_249 = vector.shape_cast %parallel_loop3A_248 : vector<1x16xf32> to vector<16xf32>
          %parallel_loop3A_250 = arith.addf %parallel_loop3A_245, %parallel_loop3A_249 : vector<16xf32>
          %parallel_loop3A_251 = arith.mulf %parallel_loop3A_184, %get3A_15 : vector<16xf32>
          %parallel_loop3A_252 = arith.addf %parallel_loop3A_250, %parallel_loop3A_251 : vector<16xf32>
          %parallel_loop3A_253 = arith.constant 0.000000e+00 : f32
          %parallel_loop3A_254 = vector.broadcast %parallel_loop3A_253 : f32 to vector<16xf32>
          %parallel_loop3A_255 = arith.maximumf %parallel_loop3A_252, %parallel_loop3A_254 : vector<16xf32>
          %parallel_loop3A_256 = arith.index_cast %parallel_loop3A_179 : i32 to index
          %parallel_loop3A_257 = arith.constant 48 : index
          %parallel_loop3A_258 = tpu.vector_load %arg27[%parallel_loop3A_256, %parallel_loop3A_257] {strides = array<i32>} : memref<40x128xf32, #tpu.memory_space<vmem>>, vector<1x16xf32>,
          %parallel_loop3A_259 = vector.shape_cast %parallel_loop3A_258 : vector<1x16xf32> to vector<16xf32>
          %parallel_loop3A_260 = vector.shape_cast %parallel_loop3A_255 : vector<16xf32> to vector<1x16xf32>
          tpu.vector_store %arg27[%parallel_loop3A_256, %parallel_loop3A_257], %parallel_loop3A_260 {strides = array<i32>} : memref<40x128xf32, #tpu.memory_space<vmem>>, vector<1x16xf32>,
          %parallel_loop3A_261 = arith.index_cast %parallel_loop3A_179 : i32 to index
          %parallel_loop3A_262 = arith.constant 64 : index
          %parallel_loop3A_263 = tpu.vector_load %arg25[%parallel_loop3A_261, %parallel_loop3A_262] {strides = array<i32>} : memref<40x128xf32, #tpu.memory_space<vmem>>, vector<1x16xf32>,
          %parallel_loop3A_264 = vector.shape_cast %parallel_loop3A_263 : vector<1x16xf32> to vector<16xf32>
          %parallel_loop3A_265 = arith.index_cast %parallel_loop3A_179 : i32 to index
          %parallel_loop3A_266 = arith.constant 64 : index
          %parallel_loop3A_267 = tpu.vector_load %arg26[%parallel_loop3A_265, %parallel_loop3A_266] {strides = array<i32>} : memref<40x128xf32, #tpu.memory_space<vmem>>, vector<1x16xf32>,
          %parallel_loop3A_268 = vector.shape_cast %parallel_loop3A_267 : vector<1x16xf32> to vector<16xf32>
          %parallel_loop3A_269 = arith.addf %parallel_loop3A_264, %parallel_loop3A_268 : vector<16xf32>
          %parallel_loop3A_270 = arith.mulf %parallel_loop3A_184, %get3A_18 : vector<16xf32>
          %parallel_loop3A_271 = arith.addf %parallel_loop3A_269, %parallel_loop3A_270 : vector<16xf32>
          %parallel_loop3A_272 = arith.constant 0.000000e+00 : f32
          %parallel_loop3A_273 = vector.broadcast %parallel_loop3A_272 : f32 to vector<16xf32>
          %parallel_loop3A_274 = arith.maximumf %parallel_loop3A_271, %parallel_loop3A_273 : vector<16xf32>
          %parallel_loop3A_275 = arith.index_cast %parallel_loop3A_179 : i32 to index
          %parallel_loop3A_276 = arith.constant 64 : index
          %parallel_loop3A_277 = tpu.vector_load %arg27[%parallel_loop3A_275, %parallel_loop3A_276] {strides = array<i32>} : memref<40x128xf32, #tpu.memory_space<vmem>>, vector<1x16xf32>,
          %parallel_loop3A_278 = vector.shape_cast %parallel_loop3A_277 : vector<1x16xf32> to vector<16xf32>
          %parallel_loop3A_279 = vector.shape_cast %parallel_loop3A_274 : vector<16xf32> to vector<1x16xf32>
          tpu.vector_store %arg27[%parallel_loop3A_275, %parallel_loop3A_276], %parallel_loop3A_279 {strides = array<i32>} : memref<40x128xf32, #tpu.memory_space<vmem>>, vector<1x16xf32>,
          %parallel_loop3A_280 = arith.index_cast %parallel_loop3A_179 : i32 to index
          %parallel_loop3A_281 = arith.constant 80 : index
          %parallel_loop3A_282 = tpu.vector_load %arg25[%parallel_loop3A_280, %parallel_loop3A_281] {strides = array<i32>} : memref<40x128xf32, #tpu.memory_space<vmem>>, vector<1x16xf32>,
          %parallel_loop3A_283 = vector.shape_cast %parallel_loop3A_282 : vector<1x16xf32> to vector<16xf32>
          %parallel_loop3A_284 = arith.index_cast %parallel_loop3A_179 : i32 to index
          %parallel_loop3A_285 = arith.constant 80 : index
          %parallel_loop3A_286 = tpu.vector_load %arg26[%parallel_loop3A_284, %parallel_loop3A_285] {strides = array<i32>} : memref<40x128xf32, #tpu.memory_space<vmem>>, vector<1x16xf32>,
          %parallel_loop3A_287 = vector.shape_cast %parallel_loop3A_286 : vector<1x16xf32> to vector<16xf32>
          %parallel_loop3A_288 = arith.addf %parallel_loop3A_283, %parallel_loop3A_287 : vector<16xf32>
          %parallel_loop3A_289 = arith.mulf %parallel_loop3A_184, %get3A_21 : vector<16xf32>
          %parallel_loop3A_290 = arith.addf %parallel_loop3A_288, %parallel_loop3A_289 : vector<16xf32>
          %parallel_loop3A_291 = arith.constant 0.000000e+00 : f32
          %parallel_loop3A_292 = vector.broadcast %parallel_loop3A_291 : f32 to vector<16xf32>
          %parallel_loop3A_293 = arith.maximumf %parallel_loop3A_290, %parallel_loop3A_292 : vector<16xf32>
          %parallel_loop3A_294 = arith.index_cast %parallel_loop3A_179 : i32 to index
          %parallel_loop3A_295 = arith.constant 80 : index
          %parallel_loop3A_296 = tpu.vector_load %arg27[%parallel_loop3A_294, %parallel_loop3A_295] {strides = array<i32>} : memref<40x128xf32, #tpu.memory_space<vmem>>, vector<1x16xf32>,
          %parallel_loop3A_297 = vector.shape_cast %parallel_loop3A_296 : vector<1x16xf32> to vector<16xf32>
          %parallel_loop3A_298 = vector.shape_cast %parallel_loop3A_293 : vector<16xf32> to vector<1x16xf32>
          tpu.vector_store %arg27[%parallel_loop3A_294, %parallel_loop3A_295], %parallel_loop3A_298 {strides = array<i32>} : memref<40x128xf32, #tpu.memory_space<vmem>>, vector<1x16xf32>,
          %parallel_loop3A_299 = arith.index_cast %parallel_loop3A_179 : i32 to index
          %parallel_loop3A_300 = arith.constant 96 : index
          %parallel_loop3A_301 = tpu.vector_load %arg25[%parallel_loop3A_299, %parallel_loop3A_300] {strides = array<i32>} : memref<40x128xf32, #tpu.memory_space<vmem>>, vector<1x16xf32>,
          %parallel_loop3A_302 = vector.shape_cast %parallel_loop3A_301 : vector<1x16xf32> to vector<16xf32>
          %parallel_loop3A_303 = arith.index_cast %parallel_loop3A_179 : i32 to index
          %parallel_loop3A_304 = arith.constant 96 : index
          %parallel_loop3A_305 = tpu.vector_load %arg26[%parallel_loop3A_303, %parallel_loop3A_304] {strides = array<i32>} : memref<40x128xf32, #tpu.memory_space<vmem>>, vector<1x16xf32>,
          %parallel_loop3A_306 = vector.shape_cast %parallel_loop3A_305 : vector<1x16xf32> to vector<16xf32>
          %parallel_loop3A_307 = arith.addf %parallel_loop3A_302, %parallel_loop3A_306 : vector<16xf32>
          %parallel_loop3A_308 = arith.mulf %parallel_loop3A_184, %get3A_24 : vector<16xf32>
          %parallel_loop3A_309 = arith.addf %parallel_loop3A_307, %parallel_loop3A_308 : vector<16xf32>
          %parallel_loop3A_310 = arith.constant 0.000000e+00 : f32
          %parallel_loop3A_311 = vector.broadcast %parallel_loop3A_310 : f32 to vector<16xf32>
          %parallel_loop3A_312 = arith.maximumf %parallel_loop3A_309, %parallel_loop3A_311 : vector<16xf32>
          %parallel_loop3A_313 = arith.index_cast %parallel_loop3A_179 : i32 to index
          %parallel_loop3A_314 = arith.constant 96 : index
          %parallel_loop3A_315 = tpu.vector_load %arg27[%parallel_loop3A_313, %parallel_loop3A_314] {strides = array<i32>} : memref<40x128xf32, #tpu.memory_space<vmem>>, vector<1x16xf32>,
          %parallel_loop3A_316 = vector.shape_cast %parallel_loop3A_315 : vector<1x16xf32> to vector<16xf32>
          %parallel_loop3A_317 = vector.shape_cast %parallel_loop3A_312 : vector<16xf32> to vector<1x16xf32>
          tpu.vector_store %arg27[%parallel_loop3A_313, %parallel_loop3A_314], %parallel_loop3A_317 {strides = array<i32>} : memref<40x128xf32, #tpu.memory_space<vmem>>, vector<1x16xf32>,
          %parallel_loop3A_318 = arith.index_cast %parallel_loop3A_179 : i32 to index
          %parallel_loop3A_319 = arith.constant 112 : index
          %parallel_loop3A_320 = tpu.vector_load %arg25[%parallel_loop3A_318, %parallel_loop3A_319] {strides = array<i32>} : memref<40x128xf32, #tpu.memory_space<vmem>>, vector<1x16xf32>,
          %parallel_loop3A_321 = vector.shape_cast %parallel_loop3A_320 : vector<1x16xf32> to vector<16xf32>
          %parallel_loop3A_322 = arith.index_cast %parallel_loop3A_179 : i32 to index
          %parallel_loop3A_323 = arith.constant 112 : index
          %parallel_loop3A_324 = tpu.vector_load %arg26[%parallel_loop3A_322, %parallel_loop3A_323] {strides = array<i32>} : memref<40x128xf32, #tpu.memory_space<vmem>>, vector<1x16xf32>,
          %parallel_loop3A_325 = vector.shape_cast %parallel_loop3A_324 : vector<1x16xf32> to vector<16xf32>
          %parallel_loop3A_326 = arith.addf %parallel_loop3A_321, %parallel_loop3A_325 : vector<16xf32>
          %parallel_loop3A_327 = arith.mulf %parallel_loop3A_184, %get3A_27 : vector<16xf32>
          %parallel_loop3A_328 = arith.addf %parallel_loop3A_326, %parallel_loop3A_327 : vector<16xf32>
          %parallel_loop3A_329 = arith.constant 0.000000e+00 : f32
          %parallel_loop3A_330 = vector.broadcast %parallel_loop3A_329 : f32 to vector<16xf32>
          %parallel_loop3A_331 = arith.maximumf %parallel_loop3A_328, %parallel_loop3A_330 : vector<16xf32>
          %parallel_loop3A_332 = arith.index_cast %parallel_loop3A_179 : i32 to index
          %parallel_loop3A_333 = arith.constant 112 : index
          %parallel_loop3A_334 = tpu.vector_load %arg27[%parallel_loop3A_332, %parallel_loop3A_333] {strides = array<i32>} : memref<40x128xf32, #tpu.memory_space<vmem>>, vector<1x16xf32>,
          %parallel_loop3A_335 = vector.shape_cast %parallel_loop3A_334 : vector<1x16xf32> to vector<16xf32>
          %parallel_loop3A_336 = vector.shape_cast %parallel_loop3A_331 : vector<16xf32> to vector<1x16xf32>
          tpu.vector_store %arg27[%parallel_loop3A_332, %parallel_loop3A_333], %parallel_loop3A_336 {strides = array<i32>} : memref<40x128xf32, #tpu.memory_space<vmem>>, vector<1x16xf32>,
        } {sc.loop_unroll_factor = 4 : i64, sc.parallel_access}
        %dma_start3A_176 = arith.constant 0 : i32
        %dma_start3A_177 = arith.constant 0 : i32
        %dma_start3A_178 = tpu.memref_slice %arg29[%dma_start3A_176, %dma_start3A_177] : memref<10000x128xf32, #tpu.memory_space<vmem_shared>> -> memref<10000x128xf32, #tpu.memory_space<vmem_shared>>
        tpu.enqueue_indirect_dma source(%arg27 : memref<40x128xf32, #tpu.memory_space<vmem>>) target(%dma_start3A_178 : memref<10000x128xf32, #tpu.memory_space<vmem_shared>>) offsets(%arg22 : memref<40xi32, #tpu.memory_space<vmem>>) semaphore(%arg38 : memref<!tpu.dma_semaphore, #tpu.memory_space<semaphore_mem>>) {add = true}
      } else {
      }
      %add3A_145 = arith.constant 1 : i32
      %add3A_146 = arith.addi %add3A_139, %add3A_145 : i32
      %lt3A_147 = arith.constant 250 : i32
      %lt3A_148 = arith.cmpi slt, %add3A_146, %lt3A_147 : i32
      %convert_element_type3A_149 = arith.extui %lt3A_148 : i1 to i32
      %cond3A_150 = arith.constant 0 : i32
      %cond3A_151 = arith.cmpi ne, %convert_element_type3A_149, %cond3A_150 : i32
      scf.if %cond3A_151 {
        %dma_wait3A_168 = arith.constant 0 : i32
        %dma_wait3A_169 = tpu.memref_slice %arg5[%dma_wait3A_168] : memref<320000xi32, #tpu.memory_space<hbm>> -> memref<40xi32, #tpu.memory_space<hbm>>
        %dma_wait3A_170 = arith.constant 0 : i32
        %dma_wait3A_171 = tpu.memref_slice %arg5[%dma_wait3A_170] : memref<320000xi32, #tpu.memory_space<hbm>> -> memref<40xi32, #tpu.memory_space<hbm>>
        tpu.wait_dma2 semaphore(%arg30 : memref<!tpu.dma_semaphore, #tpu.memory_space<semaphore_mem>>) src(%dma_wait3A_171 : memref<40xi32, #tpu.memory_space<hbm>>) dst(%arg10 : memref<40xi32, #tpu.memory_space<vmem>>)
        %dma_wait3A_172 = arith.constant 0 : i32
        %dma_wait3A_173 = tpu.memref_slice %arg6[%dma_wait3A_172] : memref<320000xi32, #tpu.memory_space<hbm>> -> memref<40xi32, #tpu.memory_space<hbm>>
        %dma_wait3A_174 = arith.constant 0 : i32
        %dma_wait3A_175 = tpu.memref_slice %arg6[%dma_wait3A_174] : memref<320000xi32, #tpu.memory_space<hbm>> -> memref<40xi32, #tpu.memory_space<hbm>>
        tpu.wait_dma2 semaphore(%arg30 : memref<!tpu.dma_semaphore, #tpu.memory_space<semaphore_mem>>) src(%dma_wait3A_175 : memref<40xi32, #tpu.memory_space<hbm>>) dst(%arg11 : memref<40xi32, #tpu.memory_space<vmem>>)
        %dma_wait3A_176 = arith.constant 0 : i32
        %dma_wait3A_177 = tpu.memref_slice %arg7[%dma_wait3A_176] : memref<5120000xf32, #tpu.memory_space<hbm>> -> memref<640xf32, #tpu.memory_space<hbm>>
        %dma_wait3A_178 = arith.constant 0 : i32
        %dma_wait3A_179 = tpu.memref_slice %arg7[%dma_wait3A_178] : memref<5120000xf32, #tpu.memory_space<hbm>> -> memref<640xf32, #tpu.memory_space<hbm>>
        tpu.wait_dma2 semaphore(%arg30 : memref<!tpu.dma_semaphore, #tpu.memory_space<semaphore_mem>>) src(%dma_wait3A_179 : memref<640xf32, #tpu.memory_space<hbm>>) dst(%arg12 : memref<640xf32, #tpu.memory_space<vmem>>)
        %dma_start3A_180 = arith.constant 0 : i32
        %dma_start3A_181 = arith.constant 0 : i32
        %dma_start3A_182 = tpu.memref_slice %arg2[%dma_start3A_180, %dma_start3A_181] : memref<10000x128xf32, #tpu.memory_space<hbm>> -> memref<10000x128xf32, #tpu.memory_space<hbm>>
        tpu.enqueue_indirect_dma source(%dma_start3A_182 : memref<10000x128xf32, #tpu.memory_space<hbm>>) target(%arg13 : memref<40x128xf32, #tpu.memory_space<vmem>>) offsets(%arg11 : memref<40xi32, #tpu.memory_space<vmem>>) semaphore(%arg31 : memref<!tpu.dma_semaphore, #tpu.memory_space<semaphore_mem>>)
        %dma_start3A_183 = arith.constant 0 : i32
        %dma_start3A_184 = arith.constant 0 : i32
        %dma_start3A_185 = tpu.memref_slice %arg3[%dma_start3A_183, %dma_start3A_184] : memref<10000x128xf32, #tpu.memory_space<hbm>> -> memref<10000x128xf32, #tpu.memory_space<hbm>>
        tpu.enqueue_indirect_dma source(%dma_start3A_185 : memref<10000x128xf32, #tpu.memory_space<hbm>>) target(%arg14 : memref<40x128xf32, #tpu.memory_space<vmem>>) offsets(%arg10 : memref<40xi32, #tpu.memory_space<vmem>>) semaphore(%arg31 : memref<!tpu.dma_semaphore, #tpu.memory_space<semaphore_mem>>)
      } else {
      }
      %ge3A_152 = arith.constant 1 : i32
      %ge3A_153 = arith.cmpi sge, %add3A_139, %ge3A_152 : i32
      %le3A_154 = arith.constant 250 : i32
      %le3A_155 = arith.cmpi sle, %add3A_139, %le3A_154 : i32
      %and3A_156 = arith.andi %ge3A_153, %le3A_155 : i1
      %convert_element_type3A_157 = arith.extui %and3A_156 : i1 to i32
      %cond3A_158 = arith.constant 0 : i32
      %cond3A_159 = arith.cmpi ne, %convert_element_type3A_157, %cond3A_158 : i32
      scf.if %cond3A_159 {
        %dma_wait3A_168 = arith.constant 0 : i32
        %dma_wait3A_169 = arith.constant 0 : i32
        %dma_wait3A_170 = tpu.memref_slice %arg29[%dma_wait3A_168, %dma_wait3A_169] : memref<10000x128xf32, #tpu.memory_space<vmem_shared>> -> memref<10000x128xf32, #tpu.memory_space<vmem_shared>>
        tpu.wait_indirect_dma semaphore(%arg35 : memref<!tpu.dma_semaphore, #tpu.memory_space<semaphore_mem>>) src(%arg21 : memref<40x128xf32, #tpu.memory_space<vmem>>) dst(%dma_wait3A_170 : memref<10000x128xf32, #tpu.memory_space<vmem_shared>>)
      } else {
      }
      %add3A_160 = arith.constant 2 : i32
      %add3A_161 = arith.addi %add3A_139, %add3A_160 : i32
      %lt3A_162 = arith.constant 250 : i32
      %lt3A_163 = arith.cmpi slt, %add3A_161, %lt3A_162 : i32
      %convert_element_type3A_164 = arith.extui %lt3A_163 : i1 to i32
      %cond3A_165 = arith.constant 0 : i32
      %cond3A_166 = arith.cmpi ne, %convert_element_type3A_164, %cond3A_165 : i32
      scf.if %cond3A_166 {
        %add3A_168 = arith.constant 2 : i32
        %add3A_169 = arith.addi %add3A_139, %add3A_168 : i32
        %mul3A_170 = arith.constant 40 : i32
        %mul3A_171 = arith.muli %add3A_169, %mul3A_170 : i32
        %add3A_172 = arith.addi %mul3A_2, %mul3A_171 : i32
        %dma_start3A_173 = tpu.memref_slice %arg5[%add3A_172] : memref<320000xi32, #tpu.memory_space<hbm>> -> memref<40xi32, #tpu.memory_space<hbm>>
        %dma_start3A_174 = tpu.memref_slice %arg5[%add3A_172] : memref<320000xi32, #tpu.memory_space<hbm>> -> memref<40xi32, #tpu.memory_space<hbm>>
        tpu.enqueue_dma source(%dma_start3A_174 : memref<40xi32, #tpu.memory_space<hbm>>) target(%arg16 : memref<40xi32, #tpu.memory_space<vmem>>) target_semaphore(%arg33 : memref<!tpu.dma_semaphore, #tpu.memory_space<semaphore_mem>>)
        %dma_start3A_175 = tpu.memref_slice %arg6[%add3A_172] : memref<320000xi32, #tpu.memory_space<hbm>> -> memref<40xi32, #tpu.memory_space<hbm>>
        %dma_start3A_176 = tpu.memref_slice %arg6[%add3A_172] : memref<320000xi32, #tpu.memory_space<hbm>> -> memref<40xi32, #tpu.memory_space<hbm>>
        tpu.enqueue_dma source(%dma_start3A_176 : memref<40xi32, #tpu.memory_space<hbm>>) target(%arg17 : memref<40xi32, #tpu.memory_space<vmem>>) target_semaphore(%arg33 : memref<!tpu.dma_semaphore, #tpu.memory_space<semaphore_mem>>)
        %mul3A_177 = arith.constant 16 : i32
        %mul3A_178 = arith.muli %add3A_172, %mul3A_177 : i32
        %dma_start3A_179 = tpu.memref_slice %arg7[%mul3A_178] : memref<5120000xf32, #tpu.memory_space<hbm>> -> memref<640xf32, #tpu.memory_space<hbm>>
        %dma_start3A_180 = tpu.memref_slice %arg7[%mul3A_178] : memref<5120000xf32, #tpu.memory_space<hbm>> -> memref<640xf32, #tpu.memory_space<hbm>>
        tpu.enqueue_dma source(%dma_start3A_180 : memref<640xf32, #tpu.memory_space<hbm>>) target(%arg18 : memref<640xf32, #tpu.memory_space<vmem>>) target_semaphore(%arg33 : memref<!tpu.dma_semaphore, #tpu.memory_space<semaphore_mem>>)
      } else {
      }
      %scan3A_167 = arith.constant 0 : i32
      scf.yield %scan3A_167 : i32
    }
    %scan3A_69 = arith.constant 84 : i32
    %barrier3A_70 = arith.constant 0 : index
    tpu.barrier barrier_id(%barrier3A_70)
    %eq3A_71 = arith.constant 0 : i32
    %eq3A_72 = arith.cmpi eq, %arg1, %eq3A_71 : i32
    %convert_element_type3A_73 = arith.extui %eq3A_72 : i1 to i32
    %cond3A_74 = arith.constant 0 : i32
    %cond3A_75 = arith.cmpi ne, %convert_element_type3A_73, %cond3A_74 : i32
    scf.if %cond3A_75 {
      "tpu.region"() ({
        %run_scoped3A = tpu.sem_alloc : memref<!tpu.dma_semaphore, #tpu.memory_space<semaphore_mem>>
        %dma_start3A_76 = arith.constant 0 : i32
        %dma_start3A_77 = arith.constant 0 : i32
        %dma_start3A_78 = tpu.memref_slice %arg9[%arg0, %dma_start3A_76, %dma_start3A_77] : memref<2x10000x128xf32, #tpu.memory_space<hbm>> -> memref<1x10000x128xf32, #tpu.memory_space<hbm>>
        %dma_start3A_79 = tpu.memref_squeeze %dma_start3A_78 : memref<1x10000x128xf32, #tpu.memory_space<hbm>> -> memref<10000x128xf32, #tpu.memory_space<hbm>>
        tpu.enqueue_dma source(%arg29 : memref<10000x128xf32, #tpu.memory_space<vmem_shared>>) target(%dma_start3A_79 : memref<10000x128xf32, #tpu.memory_space<hbm>>) target_semaphore(%run_scoped3A : memref<!tpu.dma_semaphore, #tpu.memory_space<semaphore_mem>>)
        %dma_wait3A_80 = arith.constant 0 : i32
        %dma_wait3A_81 = arith.constant 0 : i32
        %dma_wait3A_82 = tpu.memref_slice %arg9[%arg0, %dma_wait3A_80, %dma_wait3A_81] : memref<2x10000x128xf32, #tpu.memory_space<hbm>> -> memref<1x10000x128xf32, #tpu.memory_space<hbm>>
        %dma_wait3A_83 = tpu.memref_squeeze %dma_wait3A_82 : memref<1x10000x128xf32, #tpu.memory_space<hbm>> -> memref<10000x128xf32, #tpu.memory_space<hbm>>
        tpu.wait_dma2 semaphore(%run_scoped3A : memref<!tpu.dma_semaphore, #tpu.memory_space<semaphore_mem>>) src(%arg29 : memref<10000x128xf32, #tpu.memory_space<vmem_shared>>) dst(%dma_wait3A_83 : memref<10000x128xf32, #tpu.memory_space<hbm>>)
        tpu.yield
      }) : () -> ()
    } else {
    }
    return
  }
}

#map = affine_map<(d0, d1) -> (0, 0)>
#map1 = affine_map<(d0, d1) -> (0)>
#map2 = affine_map<(d0, d1) -> (0, 0, 0)>
module attributes {stable_mosaic.version = 14 : i64} {
  func.func @_sc_edge_body(%arg0: i32, %arg1: i32, %arg2: memref<10000x128xf32, #tpu.memory_space<hbm>>, %arg3: memref<10000x128xf32, #tpu.memory_space<hbm>>, %arg4: memref<128xf32, #tpu.memory_space<hbm>>, %arg5: memref<320000xi32, #tpu.memory_space<hbm>>, %arg6: memref<320000xi32, #tpu.memory_space<hbm>>, %arg7: memref<5120000xf32, #tpu.memory_space<hbm>>, %arg8: memref<10000x128xf32, #tpu.memory_space<hbm>>, %arg9: memref<2x10000x128xf32, #tpu.memory_space<hbm>>, %arg10: memref<40xi32, #tpu.memory_space<vmem>>, %arg11: memref<40xi32, #tpu.memory_space<vmem>>, %arg12: memref<640xf32, #tpu.memory_space<vmem>>, %arg13: memref<40x128xf32, #tpu.memory_space<vmem>>, %arg14: memref<40x128xf32, #tpu.memory_space<vmem>>, %arg15: memref<40x128xf32, #tpu.memory_space<vmem>>, %arg16: memref<40xi32, #tpu.memory_space<vmem>>, %arg17: memref<40xi32, #tpu.memory_space<vmem>>, %arg18: memref<640xf32, #tpu.memory_space<vmem>>, %arg19: memref<40x128xf32, #tpu.memory_space<vmem>>, %arg20: memref<40x128xf32, #tpu.memory_space<vmem>>, %arg21: memref<40x128xf32, #tpu.memory_space<vmem>>, %arg22: memref<40xi32, #tpu.memory_space<vmem>>, %arg23: memref<40xi32, #tpu.memory_space<vmem>>, %arg24: memref<640xf32, #tpu.memory_space<vmem>>, %arg25: memref<40x128xf32, #tpu.memory_space<vmem>>, %arg26: memref<40x128xf32, #tpu.memory_space<vmem>>, %arg27: memref<40x128xf32, #tpu.memory_space<vmem>>, %arg28: memref<128xf32, #tpu.memory_space<vmem>>, %arg29: memref<10000x128xf32, #tpu.memory_space<vmem_shared>>, %arg30: memref<!tpu.dma_semaphore, #tpu.memory_space<semaphore_mem>>, %arg31: memref<!tpu.dma_semaphore, #tpu.memory_space<semaphore_mem>>, %arg32: memref<!tpu.dma_semaphore, #tpu.memory_space<semaphore_mem>>, %arg33: memref<!tpu.dma_semaphore, #tpu.memory_space<semaphore_mem>>, %arg34: memref<!tpu.dma_semaphore, #tpu.memory_space<semaphore_mem>>, %arg35: memref<!tpu.dma_semaphore, #tpu.memory_space<semaphore_mem>>, %arg36: memref<!tpu.dma_semaphore, #tpu.memory_space<semaphore_mem>>, %arg37: memref<!tpu.dma_semaphore, #tpu.memory_space<semaphore_mem>>, %arg38: memref<!tpu.dma_semaphore, #tpu.memory_space<semaphore_mem>>) attributes {dimension_semantics = [#tpu.dimension_semantics<core_parallel>, #tpu.dimension_semantics<subcore_parallel>], iteration_bounds = array<i64: 2, 16>, scalar_prefetch = 0 : i64, scratch_operands = 29 : i64, tpu.core_type = #tpu.core_type<sc_vector_subcore>, window_params = [{transform_indices = #map}, {transform_indices = #map}, {transform_indices = #map1}, {transform_indices = #map1}, {transform_indices = #map1}, {transform_indices = #map1}, {transform_indices = #map}, {transform_indices = #map2}]} {
    %mul3A = arith.constant 2 : i32
    %mul3A_0 = arith.muli %arg1, %mul3A : i32
    %add3A = arith.addi %mul3A_0, %arg0 : i32
    %mul3A_1 = arith.constant 10000 : i32
    %mul3A_2 = arith.muli %add3A, %mul3A_1 : i32
    %eq3A = arith.constant 0 : i32
    %eq3A_3 = arith.cmpi eq, %arg1, %eq3A : i32
    %convert_element_type3A = arith.extui %eq3A_3 : i1 to i32
    %cond3A = arith.constant 0 : i32
    %cond3A_4 = arith.cmpi ne, %convert_element_type3A, %cond3A : i32
    scf.if %cond3A_4 {
      "tpu.region"() ({
        %run_scoped3A = tpu.sem_alloc : memref<!tpu.dma_semaphore, #tpu.memory_space<semaphore_mem>>
        tpu.enqueue_dma source(%arg8 : memref<10000x128xf32, #tpu.memory_space<hbm>>) target(%arg29 : memref<10000x128xf32, #tpu.memory_space<vmem_shared>>) target_semaphore(%run_scoped3A : memref<!tpu.dma_semaphore, #tpu.memory_space<semaphore_mem>>)
        tpu.wait_dma2 semaphore(%run_scoped3A : memref<!tpu.dma_semaphore, #tpu.memory_space<semaphore_mem>>) src(%arg8 : memref<10000x128xf32, #tpu.memory_space<hbm>>) dst(%arg29 : memref<10000x128xf32, #tpu.memory_space<vmem_shared>>)
        tpu.yield
      }) : () -> ()
    } else {
    }
    %barrier3A = arith.constant 0 : index
    tpu.barrier barrier_id(%barrier3A)
    "tpu.region"() ({
      %run_scoped3A = tpu.sem_alloc : memref<!tpu.dma_semaphore, #tpu.memory_space<semaphore_mem>>
      tpu.enqueue_dma source(%arg4 : memref<128xf32, #tpu.memory_space<hbm>>) target(%arg28 : memref<128xf32, #tpu.memory_space<vmem>>) target_semaphore(%run_scoped3A : memref<!tpu.dma_semaphore, #tpu.memory_space<semaphore_mem>>)
      tpu.wait_dma2 semaphore(%run_scoped3A : memref<!tpu.dma_semaphore, #tpu.memory_space<semaphore_mem>>) src(%arg4 : memref<128xf32, #tpu.memory_space<hbm>>) dst(%arg28 : memref<128xf32, #tpu.memory_space<vmem>>)
      tpu.yield
    }) : () -> ()
    %get3A = arith.constant 0 : index
    %get3A_5 = tpu.vector_load %arg28[%get3A] {strides = array<i32>} : memref<128xf32, #tpu.memory_space<vmem>>, vector<16xf32>,
    %get3A_6 = vector.shape_cast %get3A_5 : vector<16xf32> to vector<16xf32>
    %get3A_7 = arith.constant 16 : index
    %get3A_8 = tpu.vector_load %arg28[%get3A_7] {strides = array<i32>} : memref<128xf32, #tpu.memory_space<vmem>>, vector<16xf32>,
    %get3A_9 = vector.shape_cast %get3A_8 : vector<16xf32> to vector<16xf32>
    %get3A_10 = arith.constant 32 : index
    %get3A_11 = tpu.vector_load %arg28[%get3A_10] {strides = array<i32>} : memref<128xf32, #tpu.memory_space<vmem>>, vector<16xf32>,
    %get3A_12 = vector.shape_cast %get3A_11 : vector<16xf32> to vector<16xf32>
    %get3A_13 = arith.constant 48 : index
    %get3A_14 = tpu.vector_load %arg28[%get3A_13] {strides = array<i32>} : memref<128xf32, #tpu.memory_space<vmem>>, vector<16xf32>,
    %get3A_15 = vector.shape_cast %get3A_14 : vector<16xf32> to vector<16xf32>
    %get3A_16 = arith.constant 64 : index
    %get3A_17 = tpu.vector_load %arg28[%get3A_16] {strides = array<i32>} : memref<128xf32, #tpu.memory_space<vmem>>, vector<16xf32>,
    %get3A_18 = vector.shape_cast %get3A_17 : vector<16xf32> to vector<16xf32>
    %get3A_19 = arith.constant 80 : index
    %get3A_20 = tpu.vector_load %arg28[%get3A_19] {strides = array<i32>} : memref<128xf32, #tpu.memory_space<vmem>>, vector<16xf32>,
    %get3A_21 = vector.shape_cast %get3A_20 : vector<16xf32> to vector<16xf32>
    %get3A_22 = arith.constant 96 : index
    %get3A_23 = tpu.vector_load %arg28[%get3A_22] {strides = array<i32>} : memref<128xf32, #tpu.memory_space<vmem>>, vector<16xf32>,
    %get3A_24 = vector.shape_cast %get3A_23 : vector<16xf32> to vector<16xf32>
    %get3A_25 = arith.constant 112 : index
    %get3A_26 = tpu.vector_load %arg28[%get3A_25] {strides = array<i32>} : memref<128xf32, #tpu.memory_space<vmem>>, vector<16xf32>,
    %get3A_27 = vector.shape_cast %get3A_26 : vector<16xf32> to vector<16xf32>
    %add3A_28 = arith.constant 0 : i32
    %add3A_29 = arith.addi %mul3A_2, %add3A_28 : i32
    %dma_start3A = tpu.memref_slice %arg5[%add3A_29] : memref<320000xi32, #tpu.memory_space<hbm>> -> memref<40xi32, #tpu.memory_space<hbm>>
    %dma_start3A_30 = tpu.memref_slice %arg5[%add3A_29] : memref<320000xi32, #tpu.memory_space<hbm>> -> memref<40xi32, #tpu.memory_space<hbm>>
    tpu.enqueue_dma source(%dma_start3A_30 : memref<40xi32, #tpu.memory_space<hbm>>) target(%arg10 : memref<40xi32, #tpu.memory_space<vmem>>) target_semaphore(%arg30 : memref<!tpu.dma_semaphore, #tpu.memory_space<semaphore_mem>>)
    %dma_start3A_31 = tpu.memref_slice %arg6[%add3A_29] : memref<320000xi32, #tpu.memory_space<hbm>> -> memref<40xi32, #tpu.memory_space<hbm>>
    %dma_start3A_32 = tpu.memref_slice %arg6[%add3A_29] : memref<320000xi32, #tpu.memory_space<hbm>> -> memref<40xi32, #tpu.memory_space<hbm>>
    tpu.enqueue_dma source(%dma_start3A_32 : memref<40xi32, #tpu.memory_space<hbm>>) target(%arg11 : memref<40xi32, #tpu.memory_space<vmem>>) target_semaphore(%arg30 : memref<!tpu.dma_semaphore, #tpu.memory_space<semaphore_mem>>)
    %mul3A_33 = arith.constant 16 : i32
    %mul3A_34 = arith.muli %add3A_29, %mul3A_33 : i32
    %dma_start3A_35 = tpu.memref_slice %arg7[%mul3A_34] : memref<5120000xf32, #tpu.memory_space<hbm>> -> memref<640xf32, #tpu.memory_space<hbm>>
    %dma_start3A_36 = tpu.memref_slice %arg7[%mul3A_34] : memref<5120000xf32, #tpu.memory_space<hbm>> -> memref<640xf32, #tpu.memory_space<hbm>>
    tpu.enqueue_dma source(%dma_start3A_36 : memref<640xf32, #tpu.memory_space<hbm>>) target(%arg12 : memref<640xf32, #tpu.memory_space<vmem>>) target_semaphore(%arg30 : memref<!tpu.dma_semaphore, #tpu.memory_space<semaphore_mem>>)
    %add3A_37 = arith.constant 40 : i32
    %add3A_38 = arith.addi %mul3A_2, %add3A_37 : i32
    %dma_start3A_39 = tpu.memref_slice %arg5[%add3A_38] : memref<320000xi32, #tpu.memory_space<hbm>> -> memref<40xi32, #tpu.memory_space<hbm>>
    %dma_start3A_40 = tpu.memref_slice %arg5[%add3A_38] : memref<320000xi32, #tpu.memory_space<hbm>> -> memref<40xi32, #tpu.memory_space<hbm>>
    tpu.enqueue_dma source(%dma_start3A_40 : memref<40xi32, #tpu.memory_space<hbm>>) target(%arg16 : memref<40xi32, #tpu.memory_space<vmem>>) target_semaphore(%arg33 : memref<!tpu.dma_semaphore, #tpu.memory_space<semaphore_mem>>)
    %dma_start3A_41 = tpu.memref_slice %arg6[%add3A_38] : memref<320000xi32, #tpu.memory_space<hbm>> -> memref<40xi32, #tpu.memory_space<hbm>>
    %dma_start3A_42 = tpu.memref_slice %arg6[%add3A_38] : memref<320000xi32, #tpu.memory_space<hbm>> -> memref<40xi32, #tpu.memory_space<hbm>>
    tpu.enqueue_dma source(%dma_start3A_42 : memref<40xi32, #tpu.memory_space<hbm>>) target(%arg17 : memref<40xi32, #tpu.memory_space<vmem>>) target_semaphore(%arg33 : memref<!tpu.dma_semaphore, #tpu.memory_space<semaphore_mem>>)
    %mul3A_43 = arith.constant 16 : i32
    %mul3A_44 = arith.muli %add3A_38, %mul3A_43 : i32
    %dma_start3A_45 = tpu.memref_slice %arg7[%mul3A_44] : memref<5120000xf32, #tpu.memory_space<hbm>> -> memref<640xf32, #tpu.memory_space<hbm>>
    %dma_start3A_46 = tpu.memref_slice %arg7[%mul3A_44] : memref<5120000xf32, #tpu.memory_space<hbm>> -> memref<640xf32, #tpu.memory_space<hbm>>
    tpu.enqueue_dma source(%dma_start3A_46 : memref<640xf32, #tpu.memory_space<hbm>>) target(%arg18 : memref<640xf32, #tpu.memory_space<vmem>>) target_semaphore(%arg33 : memref<!tpu.dma_semaphore, #tpu.memory_space<semaphore_mem>>)
    %dma_wait3A = arith.constant 0 : i32
    %dma_wait3A_47 = tpu.memref_slice %arg5[%dma_wait3A] : memref<320000xi32, #tpu.memory_space<hbm>> -> memref<40xi32, #tpu.memory_space<hbm>>
    %dma_wait3A_48 = arith.constant 0 : i32
    %dma_wait3A_49 = tpu.memref_slice %arg5[%dma_wait3A_48] : memref<320000xi32, #tpu.memory_space<hbm>> -> memref<40xi32, #tpu.memory_space<hbm>>
    tpu.wait_dma2 semaphore(%arg30 : memref<!tpu.dma_semaphore, #tpu.memory_space<semaphore_mem>>) src(%dma_wait3A_49 : memref<40xi32, #tpu.memory_space<hbm>>) dst(%arg10 : memref<40xi32, #tpu.memory_space<vmem>>)
    %dma_wait3A_50 = arith.constant 0 : i32
    %dma_wait3A_51 = tpu.memref_slice %arg6[%dma_wait3A_50] : memref<320000xi32, #tpu.memory_space<hbm>> -> memref<40xi32, #tpu.memory_space<hbm>>
    %dma_wait3A_52 = arith.constant 0 : i32
    %dma_wait3A_53 = tpu.memref_slice %arg6[%dma_wait3A_52] : memref<320000xi32, #tpu.memory_space<hbm>> -> memref<40xi32, #tpu.memory_space<hbm>>
    tpu.wait_dma2 semaphore(%arg30 : memref<!tpu.dma_semaphore, #tpu.memory_space<semaphore_mem>>) src(%dma_wait3A_53 : memref<40xi32, #tpu.memory_space<hbm>>) dst(%arg11 : memref<40xi32, #tpu.memory_space<vmem>>)
    %dma_wait3A_54 = arith.constant 0 : i32
    %dma_wait3A_55 = tpu.memref_slice %arg7[%dma_wait3A_54] : memref<5120000xf32, #tpu.memory_space<hbm>> -> memref<640xf32, #tpu.memory_space<hbm>>
    %dma_wait3A_56 = arith.constant 0 : i32
    %dma_wait3A_57 = tpu.memref_slice %arg7[%dma_wait3A_56] : memref<5120000xf32, #tpu.memory_space<hbm>> -> memref<640xf32, #tpu.memory_space<hbm>>
    tpu.wait_dma2 semaphore(%arg30 : memref<!tpu.dma_semaphore, #tpu.memory_space<semaphore_mem>>) src(%dma_wait3A_57 : memref<640xf32, #tpu.memory_space<hbm>>) dst(%arg12 : memref<640xf32, #tpu.memory_space<vmem>>)
    %dma_start3A_58 = arith.constant 0 : i32
    %dma_start3A_59 = arith.constant 0 : i32
    %dma_start3A_60 = tpu.memref_slice %arg2[%dma_start3A_58, %dma_start3A_59] : memref<10000x128xf32, #tpu.memory_space<hbm>> -> memref<10000x128xf32, #tpu.memory_space<hbm>>
    tpu.enqueue_indirect_dma source(%dma_start3A_60 : memref<10000x128xf32, #tpu.memory_space<hbm>>) target(%arg13 : memref<40x128xf32, #tpu.memory_space<vmem>>) offsets(%arg11 : memref<40xi32, #tpu.memory_space<vmem>>) semaphore(%arg31 : memref<!tpu.dma_semaphore, #tpu.memory_space<semaphore_mem>>)
    %dma_start3A_61 = arith.constant 0 : i32
    %dma_start3A_62 = arith.constant 0 : i32
    %dma_start3A_63 = tpu.memref_slice %arg3[%dma_start3A_61, %dma_start3A_62] : memref<10000x128xf32, #tpu.memory_space<hbm>> -> memref<10000x128xf32, #tpu.memory_space<hbm>>
    tpu.enqueue_indirect_dma source(%dma_start3A_63 : memref<10000x128xf32, #tpu.memory_space<hbm>>) target(%arg14 : memref<40x128xf32, #tpu.memory_space<vmem>>) offsets(%arg10 : memref<40xi32, #tpu.memory_space<vmem>>) semaphore(%arg31 : memref<!tpu.dma_semaphore, #tpu.memory_space<semaphore_mem>>)
    %scan3A = arith.constant 0 : i32
    %scan3A_64 = arith.constant 0 : i32
    %scan3A_65 = arith.constant 84 : i32
    %scan3A_66 = arith.addi %scan3A_64, %scan3A_65 : i32
    %scan3A_67 = arith.constant 1 : i32
    %scan3A_68 = scf.for %scan3A_76 = %scan3A_64 to %scan3A_66 step %scan3A_67 iter_args(%scan3A_77 = %scan3A) -> (i32)  : i32 {
      %mul3A_78 = arith.constant 3 : i32
      %mul3A_79 = arith.muli %mul3A_78, %scan3A_76 : i32
      %add3A_80 = arith.constant 0 : i32
      %add3A_81 = arith.addi %mul3A_79, %add3A_80 : i32
      %lt3A = arith.constant 250 : i32
      %lt3A_82 = arith.cmpi slt, %add3A_81, %lt3A : i32
      %convert_element_type3A_83 = arith.extui %lt3A_82 : i1 to i32
      %cond3A_84 = arith.constant 0 : i32
      %cond3A_85 = arith.cmpi ne, %convert_element_type3A_83, %cond3A_84 : i32
      scf.if %cond3A_85 {
        %dma_wait3A_168 = arith.constant 0 : i32
        %dma_wait3A_169 = arith.constant 0 : i32
        %dma_wait3A_170 = tpu.memref_slice %arg2[%dma_wait3A_168, %dma_wait3A_169] : memref<10000x128xf32, #tpu.memory_space<hbm>> -> memref<10000x128xf32, #tpu.memory_space<hbm>>
        tpu.wait_indirect_dma semaphore(%arg31 : memref<!tpu.dma_semaphore, #tpu.memory_space<semaphore_mem>>) src(%dma_wait3A_170 : memref<10000x128xf32, #tpu.memory_space<hbm>>) dst(%arg13 : memref<40x128xf32, #tpu.memory_space<vmem>>)
        %dma_wait3A_171 = arith.constant 0 : i32
        %dma_wait3A_172 = arith.constant 0 : i32
        %dma_wait3A_173 = tpu.memref_slice %arg3[%dma_wait3A_171, %dma_wait3A_172] : memref<10000x128xf32, #tpu.memory_space<hbm>> -> memref<10000x128xf32, #tpu.memory_space<hbm>>
        tpu.wait_indirect_dma semaphore(%arg31 : memref<!tpu.dma_semaphore, #tpu.memory_space<semaphore_mem>>) src(%dma_wait3A_173 : memref<10000x128xf32, #tpu.memory_space<hbm>>) dst(%arg14 : memref<40x128xf32, #tpu.memory_space<vmem>>)
        %parallel_loop3A = arith.constant 0 : i32
        %parallel_loop3A_174 = arith.constant 40 : i32
        %parallel_loop3A_175 = arith.constant 1 : i32
        scf.for %parallel_loop3A_179 = %parallel_loop3A to %parallel_loop3A_174 step %parallel_loop3A_175  : i32 {
          %parallel_loop3A_180 = arith.constant 16 : i32
          %parallel_loop3A_181 = arith.muli %parallel_loop3A_179, %parallel_loop3A_180 : i32
          %parallel_loop3A_182 = arith.index_cast %parallel_loop3A_181 : i32 to index
          %parallel_loop3A_183 = tpu.vector_load %arg12[%parallel_loop3A_182] {strides = array<i32>} : memref<640xf32, #tpu.memory_space<vmem>>, vector<16xf32>,
          %parallel_loop3A_184 = vector.shape_cast %parallel_loop3A_183 : vector<16xf32> to vector<16xf32>
          %parallel_loop3A_185 = arith.index_cast %parallel_loop3A_179 : i32 to index
          %parallel_loop3A_186 = arith.constant 0 : index
          %parallel_loop3A_187 = tpu.vector_load %arg13[%parallel_loop3A_185, %parallel_loop3A_186] {strides = array<i32>} : memref<40x128xf32, #tpu.memory_space<vmem>>, vector<1x16xf32>,
          %parallel_loop3A_188 = vector.shape_cast %parallel_loop3A_187 : vector<1x16xf32> to vector<16xf32>
          %parallel_loop3A_189 = arith.index_cast %parallel_loop3A_179 : i32 to index
          %parallel_loop3A_190 = arith.constant 0 : index
          %parallel_loop3A_191 = tpu.vector_load %arg14[%parallel_loop3A_189, %parallel_loop3A_190] {strides = array<i32>} : memref<40x128xf32, #tpu.memory_space<vmem>>, vector<1x16xf32>,
          %parallel_loop3A_192 = vector.shape_cast %parallel_loop3A_191 : vector<1x16xf32> to vector<16xf32>
          %parallel_loop3A_193 = arith.addf %parallel_loop3A_188, %parallel_loop3A_192 : vector<16xf32>
          %parallel_loop3A_194 = arith.mulf %parallel_loop3A_184, %get3A_6 : vector<16xf32>
          %parallel_loop3A_195 = arith.addf %parallel_loop3A_193, %parallel_loop3A_194 : vector<16xf32>
          %parallel_loop3A_196 = arith.constant 0.000000e+00 : f32
          %parallel_loop3A_197 = vector.broadcast %parallel_loop3A_196 : f32 to vector<16xf32>
          %parallel_loop3A_198 = arith.maximumf %parallel_loop3A_195, %parallel_loop3A_197 : vector<16xf32>
          %parallel_loop3A_199 = arith.index_cast %parallel_loop3A_179 : i32 to index
          %parallel_loop3A_200 = arith.constant 0 : index
          %parallel_loop3A_201 = tpu.vector_load %arg15[%parallel_loop3A_199, %parallel_loop3A_200] {strides = array<i32>} : memref<40x128xf32, #tpu.memory_space<vmem>>, vector<1x16xf32>,
          %parallel_loop3A_202 = vector.shape_cast %parallel_loop3A_201 : vector<1x16xf32> to vector<16xf32>
          %parallel_loop3A_203 = vector.shape_cast %parallel_loop3A_198 : vector<16xf32> to vector<1x16xf32>
          tpu.vector_store %arg15[%parallel_loop3A_199, %parallel_loop3A_200], %parallel_loop3A_203 {strides = array<i32>} : memref<40x128xf32, #tpu.memory_space<vmem>>, vector<1x16xf32>,
          %parallel_loop3A_204 = arith.index_cast %parallel_loop3A_179 : i32 to index
          %parallel_loop3A_205 = arith.constant 16 : index
          %parallel_loop3A_206 = tpu.vector_load %arg13[%parallel_loop3A_204, %parallel_loop3A_205] {strides = array<i32>} : memref<40x128xf32, #tpu.memory_space<vmem>>, vector<1x16xf32>,
          %parallel_loop3A_207 = vector.shape_cast %parallel_loop3A_206 : vector<1x16xf32> to vector<16xf32>
          %parallel_loop3A_208 = arith.index_cast %parallel_loop3A_179 : i32 to index
          %parallel_loop3A_209 = arith.constant 16 : index
          %parallel_loop3A_210 = tpu.vector_load %arg14[%parallel_loop3A_208, %parallel_loop3A_209] {strides = array<i32>} : memref<40x128xf32, #tpu.memory_space<vmem>>, vector<1x16xf32>,
          %parallel_loop3A_211 = vector.shape_cast %parallel_loop3A_210 : vector<1x16xf32> to vector<16xf32>
          %parallel_loop3A_212 = arith.addf %parallel_loop3A_207, %parallel_loop3A_211 : vector<16xf32>
          %parallel_loop3A_213 = arith.mulf %parallel_loop3A_184, %get3A_9 : vector<16xf32>
          %parallel_loop3A_214 = arith.addf %parallel_loop3A_212, %parallel_loop3A_213 : vector<16xf32>
          %parallel_loop3A_215 = arith.constant 0.000000e+00 : f32
          %parallel_loop3A_216 = vector.broadcast %parallel_loop3A_215 : f32 to vector<16xf32>
          %parallel_loop3A_217 = arith.maximumf %parallel_loop3A_214, %parallel_loop3A_216 : vector<16xf32>
          %parallel_loop3A_218 = arith.index_cast %parallel_loop3A_179 : i32 to index
          %parallel_loop3A_219 = arith.constant 16 : index
          %parallel_loop3A_220 = tpu.vector_load %arg15[%parallel_loop3A_218, %parallel_loop3A_219] {strides = array<i32>} : memref<40x128xf32, #tpu.memory_space<vmem>>, vector<1x16xf32>,
          %parallel_loop3A_221 = vector.shape_cast %parallel_loop3A_220 : vector<1x16xf32> to vector<16xf32>
          %parallel_loop3A_222 = vector.shape_cast %parallel_loop3A_217 : vector<16xf32> to vector<1x16xf32>
          tpu.vector_store %arg15[%parallel_loop3A_218, %parallel_loop3A_219], %parallel_loop3A_222 {strides = array<i32>} : memref<40x128xf32, #tpu.memory_space<vmem>>, vector<1x16xf32>,
          %parallel_loop3A_223 = arith.index_cast %parallel_loop3A_179 : i32 to index
          %parallel_loop3A_224 = arith.constant 32 : index
          %parallel_loop3A_225 = tpu.vector_load %arg13[%parallel_loop3A_223, %parallel_loop3A_224] {strides = array<i32>} : memref<40x128xf32, #tpu.memory_space<vmem>>, vector<1x16xf32>,
          %parallel_loop3A_226 = vector.shape_cast %parallel_loop3A_225 : vector<1x16xf32> to vector<16xf32>
          %parallel_loop3A_227 = arith.index_cast %parallel_loop3A_179 : i32 to index
          %parallel_loop3A_228 = arith.constant 32 : index
          %parallel_loop3A_229 = tpu.vector_load %arg14[%parallel_loop3A_227, %parallel_loop3A_228] {strides = array<i32>} : memref<40x128xf32, #tpu.memory_space<vmem>>, vector<1x16xf32>,
          %parallel_loop3A_230 = vector.shape_cast %parallel_loop3A_229 : vector<1x16xf32> to vector<16xf32>
          %parallel_loop3A_231 = arith.addf %parallel_loop3A_226, %parallel_loop3A_230 : vector<16xf32>
          %parallel_loop3A_232 = arith.mulf %parallel_loop3A_184, %get3A_12 : vector<16xf32>
          %parallel_loop3A_233 = arith.addf %parallel_loop3A_231, %parallel_loop3A_232 : vector<16xf32>
          %parallel_loop3A_234 = arith.constant 0.000000e+00 : f32
          %parallel_loop3A_235 = vector.broadcast %parallel_loop3A_234 : f32 to vector<16xf32>
          %parallel_loop3A_236 = arith.maximumf %parallel_loop3A_233, %parallel_loop3A_235 : vector<16xf32>
          %parallel_loop3A_237 = arith.index_cast %parallel_loop3A_179 : i32 to index
          %parallel_loop3A_238 = arith.constant 32 : index
          %parallel_loop3A_239 = tpu.vector_load %arg15[%parallel_loop3A_237, %parallel_loop3A_238] {strides = array<i32>} : memref<40x128xf32, #tpu.memory_space<vmem>>, vector<1x16xf32>,
          %parallel_loop3A_240 = vector.shape_cast %parallel_loop3A_239 : vector<1x16xf32> to vector<16xf32>
          %parallel_loop3A_241 = vector.shape_cast %parallel_loop3A_236 : vector<16xf32> to vector<1x16xf32>
          tpu.vector_store %arg15[%parallel_loop3A_237, %parallel_loop3A_238], %parallel_loop3A_241 {strides = array<i32>} : memref<40x128xf32, #tpu.memory_space<vmem>>, vector<1x16xf32>,
          %parallel_loop3A_242 = arith.index_cast %parallel_loop3A_179 : i32 to index
          %parallel_loop3A_243 = arith.constant 48 : index
          %parallel_loop3A_244 = tpu.vector_load %arg13[%parallel_loop3A_242, %parallel_loop3A_243] {strides = array<i32>} : memref<40x128xf32, #tpu.memory_space<vmem>>, vector<1x16xf32>,
          %parallel_loop3A_245 = vector.shape_cast %parallel_loop3A_244 : vector<1x16xf32> to vector<16xf32>
          %parallel_loop3A_246 = arith.index_cast %parallel_loop3A_179 : i32 to index
          %parallel_loop3A_247 = arith.constant 48 : index
          %parallel_loop3A_248 = tpu.vector_load %arg14[%parallel_loop3A_246, %parallel_loop3A_247] {strides = array<i32>} : memref<40x128xf32, #tpu.memory_space<vmem>>, vector<1x16xf32>,
          %parallel_loop3A_249 = vector.shape_cast %parallel_loop3A_248 : vector<1x16xf32> to vector<16xf32>
          %parallel_loop3A_250 = arith.addf %parallel_loop3A_245, %parallel_loop3A_249 : vector<16xf32>
          %parallel_loop3A_251 = arith.mulf %parallel_loop3A_184, %get3A_15 : vector<16xf32>
          %parallel_loop3A_252 = arith.addf %parallel_loop3A_250, %parallel_loop3A_251 : vector<16xf32>
          %parallel_loop3A_253 = arith.constant 0.000000e+00 : f32
          %parallel_loop3A_254 = vector.broadcast %parallel_loop3A_253 : f32 to vector<16xf32>
          %parallel_loop3A_255 = arith.maximumf %parallel_loop3A_252, %parallel_loop3A_254 : vector<16xf32>
          %parallel_loop3A_256 = arith.index_cast %parallel_loop3A_179 : i32 to index
          %parallel_loop3A_257 = arith.constant 48 : index
          %parallel_loop3A_258 = tpu.vector_load %arg15[%parallel_loop3A_256, %parallel_loop3A_257] {strides = array<i32>} : memref<40x128xf32, #tpu.memory_space<vmem>>, vector<1x16xf32>,
          %parallel_loop3A_259 = vector.shape_cast %parallel_loop3A_258 : vector<1x16xf32> to vector<16xf32>
          %parallel_loop3A_260 = vector.shape_cast %parallel_loop3A_255 : vector<16xf32> to vector<1x16xf32>
          tpu.vector_store %arg15[%parallel_loop3A_256, %parallel_loop3A_257], %parallel_loop3A_260 {strides = array<i32>} : memref<40x128xf32, #tpu.memory_space<vmem>>, vector<1x16xf32>,
          %parallel_loop3A_261 = arith.index_cast %parallel_loop3A_179 : i32 to index
          %parallel_loop3A_262 = arith.constant 64 : index
          %parallel_loop3A_263 = tpu.vector_load %arg13[%parallel_loop3A_261, %parallel_loop3A_262] {strides = array<i32>} : memref<40x128xf32, #tpu.memory_space<vmem>>, vector<1x16xf32>,
          %parallel_loop3A_264 = vector.shape_cast %parallel_loop3A_263 : vector<1x16xf32> to vector<16xf32>
          %parallel_loop3A_265 = arith.index_cast %parallel_loop3A_179 : i32 to index
          %parallel_loop3A_266 = arith.constant 64 : index
          %parallel_loop3A_267 = tpu.vector_load %arg14[%parallel_loop3A_265, %parallel_loop3A_266] {strides = array<i32>} : memref<40x128xf32, #tpu.memory_space<vmem>>, vector<1x16xf32>,
          %parallel_loop3A_268 = vector.shape_cast %parallel_loop3A_267 : vector<1x16xf32> to vector<16xf32>
          %parallel_loop3A_269 = arith.addf %parallel_loop3A_264, %parallel_loop3A_268 : vector<16xf32>
          %parallel_loop3A_270 = arith.mulf %parallel_loop3A_184, %get3A_18 : vector<16xf32>
          %parallel_loop3A_271 = arith.addf %parallel_loop3A_269, %parallel_loop3A_270 : vector<16xf32>
          %parallel_loop3A_272 = arith.constant 0.000000e+00 : f32
          %parallel_loop3A_273 = vector.broadcast %parallel_loop3A_272 : f32 to vector<16xf32>
          %parallel_loop3A_274 = arith.maximumf %parallel_loop3A_271, %parallel_loop3A_273 : vector<16xf32>
          %parallel_loop3A_275 = arith.index_cast %parallel_loop3A_179 : i32 to index
          %parallel_loop3A_276 = arith.constant 64 : index
          %parallel_loop3A_277 = tpu.vector_load %arg15[%parallel_loop3A_275, %parallel_loop3A_276] {strides = array<i32>} : memref<40x128xf32, #tpu.memory_space<vmem>>, vector<1x16xf32>,
          %parallel_loop3A_278 = vector.shape_cast %parallel_loop3A_277 : vector<1x16xf32> to vector<16xf32>
          %parallel_loop3A_279 = vector.shape_cast %parallel_loop3A_274 : vector<16xf32> to vector<1x16xf32>
          tpu.vector_store %arg15[%parallel_loop3A_275, %parallel_loop3A_276], %parallel_loop3A_279 {strides = array<i32>} : memref<40x128xf32, #tpu.memory_space<vmem>>, vector<1x16xf32>,
          %parallel_loop3A_280 = arith.index_cast %parallel_loop3A_179 : i32 to index
          %parallel_loop3A_281 = arith.constant 80 : index
          %parallel_loop3A_282 = tpu.vector_load %arg13[%parallel_loop3A_280, %parallel_loop3A_281] {strides = array<i32>} : memref<40x128xf32, #tpu.memory_space<vmem>>, vector<1x16xf32>,
          %parallel_loop3A_283 = vector.shape_cast %parallel_loop3A_282 : vector<1x16xf32> to vector<16xf32>
          %parallel_loop3A_284 = arith.index_cast %parallel_loop3A_179 : i32 to index
          %parallel_loop3A_285 = arith.constant 80 : index
          %parallel_loop3A_286 = tpu.vector_load %arg14[%parallel_loop3A_284, %parallel_loop3A_285] {strides = array<i32>} : memref<40x128xf32, #tpu.memory_space<vmem>>, vector<1x16xf32>,
          %parallel_loop3A_287 = vector.shape_cast %parallel_loop3A_286 : vector<1x16xf32> to vector<16xf32>
          %parallel_loop3A_288 = arith.addf %parallel_loop3A_283, %parallel_loop3A_287 : vector<16xf32>
          %parallel_loop3A_289 = arith.mulf %parallel_loop3A_184, %get3A_21 : vector<16xf32>
          %parallel_loop3A_290 = arith.addf %parallel_loop3A_288, %parallel_loop3A_289 : vector<16xf32>
          %parallel_loop3A_291 = arith.constant 0.000000e+00 : f32
          %parallel_loop3A_292 = vector.broadcast %parallel_loop3A_291 : f32 to vector<16xf32>
          %parallel_loop3A_293 = arith.maximumf %parallel_loop3A_290, %parallel_loop3A_292 : vector<16xf32>
          %parallel_loop3A_294 = arith.index_cast %parallel_loop3A_179 : i32 to index
          %parallel_loop3A_295 = arith.constant 80 : index
          %parallel_loop3A_296 = tpu.vector_load %arg15[%parallel_loop3A_294, %parallel_loop3A_295] {strides = array<i32>} : memref<40x128xf32, #tpu.memory_space<vmem>>, vector<1x16xf32>,
          %parallel_loop3A_297 = vector.shape_cast %parallel_loop3A_296 : vector<1x16xf32> to vector<16xf32>
          %parallel_loop3A_298 = vector.shape_cast %parallel_loop3A_293 : vector<16xf32> to vector<1x16xf32>
          tpu.vector_store %arg15[%parallel_loop3A_294, %parallel_loop3A_295], %parallel_loop3A_298 {strides = array<i32>} : memref<40x128xf32, #tpu.memory_space<vmem>>, vector<1x16xf32>,
          %parallel_loop3A_299 = arith.index_cast %parallel_loop3A_179 : i32 to index
          %parallel_loop3A_300 = arith.constant 96 : index
          %parallel_loop3A_301 = tpu.vector_load %arg13[%parallel_loop3A_299, %parallel_loop3A_300] {strides = array<i32>} : memref<40x128xf32, #tpu.memory_space<vmem>>, vector<1x16xf32>,
          %parallel_loop3A_302 = vector.shape_cast %parallel_loop3A_301 : vector<1x16xf32> to vector<16xf32>
          %parallel_loop3A_303 = arith.index_cast %parallel_loop3A_179 : i32 to index
          %parallel_loop3A_304 = arith.constant 96 : index
          %parallel_loop3A_305 = tpu.vector_load %arg14[%parallel_loop3A_303, %parallel_loop3A_304] {strides = array<i32>} : memref<40x128xf32, #tpu.memory_space<vmem>>, vector<1x16xf32>,
          %parallel_loop3A_306 = vector.shape_cast %parallel_loop3A_305 : vector<1x16xf32> to vector<16xf32>
          %parallel_loop3A_307 = arith.addf %parallel_loop3A_302, %parallel_loop3A_306 : vector<16xf32>
          %parallel_loop3A_308 = arith.mulf %parallel_loop3A_184, %get3A_24 : vector<16xf32>
          %parallel_loop3A_309 = arith.addf %parallel_loop3A_307, %parallel_loop3A_308 : vector<16xf32>
          %parallel_loop3A_310 = arith.constant 0.000000e+00 : f32
          %parallel_loop3A_311 = vector.broadcast %parallel_loop3A_310 : f32 to vector<16xf32>
          %parallel_loop3A_312 = arith.maximumf %parallel_loop3A_309, %parallel_loop3A_311 : vector<16xf32>
          %parallel_loop3A_313 = arith.index_cast %parallel_loop3A_179 : i32 to index
          %parallel_loop3A_314 = arith.constant 96 : index
          %parallel_loop3A_315 = tpu.vector_load %arg15[%parallel_loop3A_313, %parallel_loop3A_314] {strides = array<i32>} : memref<40x128xf32, #tpu.memory_space<vmem>>, vector<1x16xf32>,
          %parallel_loop3A_316 = vector.shape_cast %parallel_loop3A_315 : vector<1x16xf32> to vector<16xf32>
          %parallel_loop3A_317 = vector.shape_cast %parallel_loop3A_312 : vector<16xf32> to vector<1x16xf32>
          tpu.vector_store %arg15[%parallel_loop3A_313, %parallel_loop3A_314], %parallel_loop3A_317 {strides = array<i32>} : memref<40x128xf32, #tpu.memory_space<vmem>>, vector<1x16xf32>,
          %parallel_loop3A_318 = arith.index_cast %parallel_loop3A_179 : i32 to index
          %parallel_loop3A_319 = arith.constant 112 : index
          %parallel_loop3A_320 = tpu.vector_load %arg13[%parallel_loop3A_318, %parallel_loop3A_319] {strides = array<i32>} : memref<40x128xf32, #tpu.memory_space<vmem>>, vector<1x16xf32>,
          %parallel_loop3A_321 = vector.shape_cast %parallel_loop3A_320 : vector<1x16xf32> to vector<16xf32>
          %parallel_loop3A_322 = arith.index_cast %parallel_loop3A_179 : i32 to index
          %parallel_loop3A_323 = arith.constant 112 : index
          %parallel_loop3A_324 = tpu.vector_load %arg14[%parallel_loop3A_322, %parallel_loop3A_323] {strides = array<i32>} : memref<40x128xf32, #tpu.memory_space<vmem>>, vector<1x16xf32>,
          %parallel_loop3A_325 = vector.shape_cast %parallel_loop3A_324 : vector<1x16xf32> to vector<16xf32>
          %parallel_loop3A_326 = arith.addf %parallel_loop3A_321, %parallel_loop3A_325 : vector<16xf32>
          %parallel_loop3A_327 = arith.mulf %parallel_loop3A_184, %get3A_27 : vector<16xf32>
          %parallel_loop3A_328 = arith.addf %parallel_loop3A_326, %parallel_loop3A_327 : vector<16xf32>
          %parallel_loop3A_329 = arith.constant 0.000000e+00 : f32
          %parallel_loop3A_330 = vector.broadcast %parallel_loop3A_329 : f32 to vector<16xf32>
          %parallel_loop3A_331 = arith.maximumf %parallel_loop3A_328, %parallel_loop3A_330 : vector<16xf32>
          %parallel_loop3A_332 = arith.index_cast %parallel_loop3A_179 : i32 to index
          %parallel_loop3A_333 = arith.constant 112 : index
          %parallel_loop3A_334 = tpu.vector_load %arg15[%parallel_loop3A_332, %parallel_loop3A_333] {strides = array<i32>} : memref<40x128xf32, #tpu.memory_space<vmem>>, vector<1x16xf32>,
          %parallel_loop3A_335 = vector.shape_cast %parallel_loop3A_334 : vector<1x16xf32> to vector<16xf32>
          %parallel_loop3A_336 = vector.shape_cast %parallel_loop3A_331 : vector<16xf32> to vector<1x16xf32>
          tpu.vector_store %arg15[%parallel_loop3A_332, %parallel_loop3A_333], %parallel_loop3A_336 {strides = array<i32>} : memref<40x128xf32, #tpu.memory_space<vmem>>, vector<1x16xf32>,
        } {sc.loop_unroll_factor = 4 : i64, sc.parallel_access}
        %dma_start3A_176 = arith.constant 0 : i32
        %dma_start3A_177 = arith.constant 0 : i32
        %dma_start3A_178 = tpu.memref_slice %arg29[%dma_start3A_176, %dma_start3A_177] : memref<10000x128xf32, #tpu.memory_space<vmem_shared>> -> memref<10000x128xf32, #tpu.memory_space<vmem_shared>>
        tpu.enqueue_indirect_dma source(%arg15 : memref<40x128xf32, #tpu.memory_space<vmem>>) target(%dma_start3A_178 : memref<10000x128xf32, #tpu.memory_space<vmem_shared>>) offsets(%arg10 : memref<40xi32, #tpu.memory_space<vmem>>) semaphore(%arg32 : memref<!tpu.dma_semaphore, #tpu.memory_space<semaphore_mem>>) {add = true}
      } else {
      }
      %add3A_86 = arith.constant 1 : i32
      %add3A_87 = arith.addi %add3A_81, %add3A_86 : i32
      %lt3A_88 = arith.constant 250 : i32
      %lt3A_89 = arith.cmpi slt, %add3A_87, %lt3A_88 : i32
      %convert_element_type3A_90 = arith.extui %lt3A_89 : i1 to i32
      %cond3A_91 = arith.constant 0 : i32
      %cond3A_92 = arith.cmpi ne, %convert_element_type3A_90, %cond3A_91 : i32
      scf.if %cond3A_92 {
        %dma_wait3A_168 = arith.constant 0 : i32
        %dma_wait3A_169 = tpu.memref_slice %arg5[%dma_wait3A_168] : memref<320000xi32, #tpu.memory_space<hbm>> -> memref<40xi32, #tpu.memory_space<hbm>>
        %dma_wait3A_170 = arith.constant 0 : i32
        %dma_wait3A_171 = tpu.memref_slice %arg5[%dma_wait3A_170] : memref<320000xi32, #tpu.memory_space<hbm>> -> memref<40xi32, #tpu.memory_space<hbm>>
        tpu.wait_dma2 semaphore(%arg33 : memref<!tpu.dma_semaphore, #tpu.memory_space<semaphore_mem>>) src(%dma_wait3A_171 : memref<40xi32, #tpu.memory_space<hbm>>) dst(%arg16 : memref<40xi32, #tpu.memory_space<vmem>>)
        %dma_wait3A_172 = arith.constant 0 : i32
        %dma_wait3A_173 = tpu.memref_slice %arg6[%dma_wait3A_172] : memref<320000xi32, #tpu.memory_space<hbm>> -> memref<40xi32, #tpu.memory_space<hbm>>
        %dma_wait3A_174 = arith.constant 0 : i32
        %dma_wait3A_175 = tpu.memref_slice %arg6[%dma_wait3A_174] : memref<320000xi32, #tpu.memory_space<hbm>> -> memref<40xi32, #tpu.memory_space<hbm>>
        tpu.wait_dma2 semaphore(%arg33 : memref<!tpu.dma_semaphore, #tpu.memory_space<semaphore_mem>>) src(%dma_wait3A_175 : memref<40xi32, #tpu.memory_space<hbm>>) dst(%arg17 : memref<40xi32, #tpu.memory_space<vmem>>)
        %dma_wait3A_176 = arith.constant 0 : i32
        %dma_wait3A_177 = tpu.memref_slice %arg7[%dma_wait3A_176] : memref<5120000xf32, #tpu.memory_space<hbm>> -> memref<640xf32, #tpu.memory_space<hbm>>
        %dma_wait3A_178 = arith.constant 0 : i32
        %dma_wait3A_179 = tpu.memref_slice %arg7[%dma_wait3A_178] : memref<5120000xf32, #tpu.memory_space<hbm>> -> memref<640xf32, #tpu.memory_space<hbm>>
        tpu.wait_dma2 semaphore(%arg33 : memref<!tpu.dma_semaphore, #tpu.memory_space<semaphore_mem>>) src(%dma_wait3A_179 : memref<640xf32, #tpu.memory_space<hbm>>) dst(%arg18 : memref<640xf32, #tpu.memory_space<vmem>>)
        %dma_start3A_180 = arith.constant 0 : i32
        %dma_start3A_181 = arith.constant 0 : i32
        %dma_start3A_182 = tpu.memref_slice %arg2[%dma_start3A_180, %dma_start3A_181] : memref<10000x128xf32, #tpu.memory_space<hbm>> -> memref<10000x128xf32, #tpu.memory_space<hbm>>
        tpu.enqueue_indirect_dma source(%dma_start3A_182 : memref<10000x128xf32, #tpu.memory_space<hbm>>) target(%arg19 : memref<40x128xf32, #tpu.memory_space<vmem>>) offsets(%arg17 : memref<40xi32, #tpu.memory_space<vmem>>) semaphore(%arg34 : memref<!tpu.dma_semaphore, #tpu.memory_space<semaphore_mem>>)
        %dma_start3A_183 = arith.constant 0 : i32
        %dma_start3A_184 = arith.constant 0 : i32
        %dma_start3A_185 = tpu.memref_slice %arg3[%dma_start3A_183, %dma_start3A_184] : memref<10000x128xf32, #tpu.memory_space<hbm>> -> memref<10000x128xf32, #tpu.memory_space<hbm>>
        tpu.enqueue_indirect_dma source(%dma_start3A_185 : memref<10000x128xf32, #tpu.memory_space<hbm>>) target(%arg20 : memref<40x128xf32, #tpu.memory_space<vmem>>) offsets(%arg16 : memref<40xi32, #tpu.memory_space<vmem>>) semaphore(%arg34 : memref<!tpu.dma_semaphore, #tpu.memory_space<semaphore_mem>>)
      } else {
      }
      %ge3A = arith.constant 1 : i32
      %ge3A_93 = arith.cmpi sge, %add3A_81, %ge3A : i32
      %le3A = arith.constant 250 : i32
      %le3A_94 = arith.cmpi sle, %add3A_81, %le3A : i32
      %and3A = arith.andi %ge3A_93, %le3A_94 : i1
      %convert_element_type3A_95 = arith.extui %and3A : i1 to i32
      %cond3A_96 = arith.constant 0 : i32
      %cond3A_97 = arith.cmpi ne, %convert_element_type3A_95, %cond3A_96 : i32
      scf.if %cond3A_97 {
        %dma_wait3A_168 = arith.constant 0 : i32
        %dma_wait3A_169 = arith.constant 0 : i32
        %dma_wait3A_170 = tpu.memref_slice %arg29[%dma_wait3A_168, %dma_wait3A_169] : memref<10000x128xf32, #tpu.memory_space<vmem_shared>> -> memref<10000x128xf32, #tpu.memory_space<vmem_shared>>
        tpu.wait_indirect_dma semaphore(%arg38 : memref<!tpu.dma_semaphore, #tpu.memory_space<semaphore_mem>>) src(%arg27 : memref<40x128xf32, #tpu.memory_space<vmem>>) dst(%dma_wait3A_170 : memref<10000x128xf32, #tpu.memory_space<vmem_shared>>)
      } else {
      }
      %add3A_98 = arith.constant 2 : i32
      %add3A_99 = arith.addi %add3A_81, %add3A_98 : i32
      %lt3A_100 = arith.constant 250 : i32
      %lt3A_101 = arith.cmpi slt, %add3A_99, %lt3A_100 : i32
      %convert_element_type3A_102 = arith.extui %lt3A_101 : i1 to i32
      %cond3A_103 = arith.constant 0 : i32
      %cond3A_104 = arith.cmpi ne, %convert_element_type3A_102, %cond3A_103 : i32
      scf.if %cond3A_104 {
        %add3A_168 = arith.constant 2 : i32
        %add3A_169 = arith.addi %add3A_81, %add3A_168 : i32
        %mul3A_170 = arith.constant 40 : i32
        %mul3A_171 = arith.muli %add3A_169, %mul3A_170 : i32
        %add3A_172 = arith.addi %mul3A_2, %mul3A_171 : i32
        %dma_start3A_173 = tpu.memref_slice %arg5[%add3A_172] : memref<320000xi32, #tpu.memory_space<hbm>> -> memref<40xi32, #tpu.memory_space<hbm>>
        %dma_start3A_174 = tpu.memref_slice %arg5[%add3A_172] : memref<320000xi32, #tpu.memory_space<hbm>> -> memref<40xi32, #tpu.memory_space<hbm>>
        tpu.enqueue_dma source(%dma_start3A_174 : memref<40xi32, #tpu.memory_space<hbm>>) target(%arg22 : memref<40xi32, #tpu.memory_space<vmem>>) target_semaphore(%arg36 : memref<!tpu.dma_semaphore, #tpu.memory_space<semaphore_mem>>)
        %dma_start3A_175 = tpu.memref_slice %arg6[%add3A_172] : memref<320000xi32, #tpu.memory_space<hbm>> -> memref<40xi32, #tpu.memory_space<hbm>>
        %dma_start3A_176 = tpu.memref_slice %arg6[%add3A_172] : memref<320000xi32, #tpu.memory_space<hbm>> -> memref<40xi32, #tpu.memory_space<hbm>>
        tpu.enqueue_dma source(%dma_start3A_176 : memref<40xi32, #tpu.memory_space<hbm>>) target(%arg23 : memref<40xi32, #tpu.memory_space<vmem>>) target_semaphore(%arg36 : memref<!tpu.dma_semaphore, #tpu.memory_space<semaphore_mem>>)
        %mul3A_177 = arith.constant 16 : i32
        %mul3A_178 = arith.muli %add3A_172, %mul3A_177 : i32
        %dma_start3A_179 = tpu.memref_slice %arg7[%mul3A_178] : memref<5120000xf32, #tpu.memory_space<hbm>> -> memref<640xf32, #tpu.memory_space<hbm>>
        %dma_start3A_180 = tpu.memref_slice %arg7[%mul3A_178] : memref<5120000xf32, #tpu.memory_space<hbm>> -> memref<640xf32, #tpu.memory_space<hbm>>
        tpu.enqueue_dma source(%dma_start3A_180 : memref<640xf32, #tpu.memory_space<hbm>>) target(%arg24 : memref<640xf32, #tpu.memory_space<vmem>>) target_semaphore(%arg36 : memref<!tpu.dma_semaphore, #tpu.memory_space<semaphore_mem>>)
      } else {
      }
      %mul3A_105 = arith.constant 3 : i32
      %mul3A_106 = arith.muli %mul3A_105, %scan3A_76 : i32
      %add3A_107 = arith.constant 1 : i32
      %add3A_108 = arith.addi %mul3A_106, %add3A_107 : i32
      %lt3A_109 = arith.constant 250 : i32
      %lt3A_110 = arith.cmpi slt, %add3A_108, %lt3A_109 : i32
      %convert_element_type3A_111 = arith.extui %lt3A_110 : i1 to i32
      %cond3A_112 = arith.constant 0 : i32
      %cond3A_113 = arith.cmpi ne, %convert_element_type3A_111, %cond3A_112 : i32
      scf.if %cond3A_113 {
        %dma_wait3A_168 = arith.constant 0 : i32
        %dma_wait3A_169 = arith.constant 0 : i32
        %dma_wait3A_170 = tpu.memref_slice %arg2[%dma_wait3A_168, %dma_wait3A_169] : memref<10000x128xf32, #tpu.memory_space<hbm>> -> memref<10000x128xf32, #tpu.memory_space<hbm>>
        tpu.wait_indirect_dma semaphore(%arg34 : memref<!tpu.dma_semaphore, #tpu.memory_space<semaphore_mem>>) src(%dma_wait3A_170 : memref<10000x128xf32, #tpu.memory_space<hbm>>) dst(%arg19 : memref<40x128xf32, #tpu.memory_space<vmem>>)
        %dma_wait3A_171 = arith.constant 0 : i32
        %dma_wait3A_172 = arith.constant 0 : i32
        %dma_wait3A_173 = tpu.memref_slice %arg3[%dma_wait3A_171, %dma_wait3A_172] : memref<10000x128xf32, #tpu.memory_space<hbm>> -> memref<10000x128xf32, #tpu.memory_space<hbm>>
        tpu.wait_indirect_dma semaphore(%arg34 : memref<!tpu.dma_semaphore, #tpu.memory_space<semaphore_mem>>) src(%dma_wait3A_173 : memref<10000x128xf32, #tpu.memory_space<hbm>>) dst(%arg20 : memref<40x128xf32, #tpu.memory_space<vmem>>)
        %parallel_loop3A = arith.constant 0 : i32
        %parallel_loop3A_174 = arith.constant 40 : i32
        %parallel_loop3A_175 = arith.constant 1 : i32
        scf.for %parallel_loop3A_179 = %parallel_loop3A to %parallel_loop3A_174 step %parallel_loop3A_175  : i32 {
          %parallel_loop3A_180 = arith.constant 16 : i32
          %parallel_loop3A_181 = arith.muli %parallel_loop3A_179, %parallel_loop3A_180 : i32
          %parallel_loop3A_182 = arith.index_cast %parallel_loop3A_181 : i32 to index
          %parallel_loop3A_183 = tpu.vector_load %arg18[%parallel_loop3A_182] {strides = array<i32>} : memref<640xf32, #tpu.memory_space<vmem>>, vector<16xf32>,
          %parallel_loop3A_184 = vector.shape_cast %parallel_loop3A_183 : vector<16xf32> to vector<16xf32>
          %parallel_loop3A_185 = arith.index_cast %parallel_loop3A_179 : i32 to index
          %parallel_loop3A_186 = arith.constant 0 : index
          %parallel_loop3A_187 = tpu.vector_load %arg19[%parallel_loop3A_185, %parallel_loop3A_186] {strides = array<i32>} : memref<40x128xf32, #tpu.memory_space<vmem>>, vector<1x16xf32>,
          %parallel_loop3A_188 = vector.shape_cast %parallel_loop3A_187 : vector<1x16xf32> to vector<16xf32>
          %parallel_loop3A_189 = arith.index_cast %parallel_loop3A_179 : i32 to index
          %parallel_loop3A_190 = arith.constant 0 : index
          %parallel_loop3A_191 = tpu.vector_load %arg20[%parallel_loop3A_189, %parallel_loop3A_190] {strides = array<i32>} : memref<40x128xf32, #tpu.memory_space<vmem>>, vector<1x16xf32>,
          %parallel_loop3A_192 = vector.shape_cast %parallel_loop3A_191 : vector<1x16xf32> to vector<16xf32>
          %parallel_loop3A_193 = arith.addf %parallel_loop3A_188, %parallel_loop3A_192 : vector<16xf32>
          %parallel_loop3A_194 = arith.mulf %parallel_loop3A_184, %get3A_6 : vector<16xf32>
          %parallel_loop3A_195 = arith.addf %parallel_loop3A_193, %parallel_loop3A_194 : vector<16xf32>
          %parallel_loop3A_196 = arith.constant 0.000000e+00 : f32
          %parallel_loop3A_197 = vector.broadcast %parallel_loop3A_196 : f32 to vector<16xf32>
          %parallel_loop3A_198 = arith.maximumf %parallel_loop3A_195, %parallel_loop3A_197 : vector<16xf32>
          %parallel_loop3A_199 = arith.index_cast %parallel_loop3A_179 : i32 to index
          %parallel_loop3A_200 = arith.constant 0 : index
          %parallel_loop3A_201 = tpu.vector_load %arg21[%parallel_loop3A_199, %parallel_loop3A_200] {strides = array<i32>} : memref<40x128xf32, #tpu.memory_space<vmem>>, vector<1x16xf32>,
          %parallel_loop3A_202 = vector.shape_cast %parallel_loop3A_201 : vector<1x16xf32> to vector<16xf32>
          %parallel_loop3A_203 = vector.shape_cast %parallel_loop3A_198 : vector<16xf32> to vector<1x16xf32>
          tpu.vector_store %arg21[%parallel_loop3A_199, %parallel_loop3A_200], %parallel_loop3A_203 {strides = array<i32>} : memref<40x128xf32, #tpu.memory_space<vmem>>, vector<1x16xf32>,
          %parallel_loop3A_204 = arith.index_cast %parallel_loop3A_179 : i32 to index
          %parallel_loop3A_205 = arith.constant 16 : index
          %parallel_loop3A_206 = tpu.vector_load %arg19[%parallel_loop3A_204, %parallel_loop3A_205] {strides = array<i32>} : memref<40x128xf32, #tpu.memory_space<vmem>>, vector<1x16xf32>,
          %parallel_loop3A_207 = vector.shape_cast %parallel_loop3A_206 : vector<1x16xf32> to vector<16xf32>
          %parallel_loop3A_208 = arith.index_cast %parallel_loop3A_179 : i32 to index
          %parallel_loop3A_209 = arith.constant 16 : index
          %parallel_loop3A_210 = tpu.vector_load %arg20[%parallel_loop3A_208, %parallel_loop3A_209] {strides = array<i32>} : memref<40x128xf32, #tpu.memory_space<vmem>>, vector<1x16xf32>,
          %parallel_loop3A_211 = vector.shape_cast %parallel_loop3A_210 : vector<1x16xf32> to vector<16xf32>
          %parallel_loop3A_212 = arith.addf %parallel_loop3A_207, %parallel_loop3A_211 : vector<16xf32>
          %parallel_loop3A_213 = arith.mulf %parallel_loop3A_184, %get3A_9 : vector<16xf32>
          %parallel_loop3A_214 = arith.addf %parallel_loop3A_212, %parallel_loop3A_213 : vector<16xf32>
          %parallel_loop3A_215 = arith.constant 0.000000e+00 : f32
          %parallel_loop3A_216 = vector.broadcast %parallel_loop3A_215 : f32 to vector<16xf32>
          %parallel_loop3A_217 = arith.maximumf %parallel_loop3A_214, %parallel_loop3A_216 : vector<16xf32>
          %parallel_loop3A_218 = arith.index_cast %parallel_loop3A_179 : i32 to index
          %parallel_loop3A_219 = arith.constant 16 : index
          %parallel_loop3A_220 = tpu.vector_load %arg21[%parallel_loop3A_218, %parallel_loop3A_219] {strides = array<i32>} : memref<40x128xf32, #tpu.memory_space<vmem>>, vector<1x16xf32>,
          %parallel_loop3A_221 = vector.shape_cast %parallel_loop3A_220 : vector<1x16xf32> to vector<16xf32>
          %parallel_loop3A_222 = vector.shape_cast %parallel_loop3A_217 : vector<16xf32> to vector<1x16xf32>
          tpu.vector_store %arg21[%parallel_loop3A_218, %parallel_loop3A_219], %parallel_loop3A_222 {strides = array<i32>} : memref<40x128xf32, #tpu.memory_space<vmem>>, vector<1x16xf32>,
          %parallel_loop3A_223 = arith.index_cast %parallel_loop3A_179 : i32 to index
          %parallel_loop3A_224 = arith.constant 32 : index
          %parallel_loop3A_225 = tpu.vector_load %arg19[%parallel_loop3A_223, %parallel_loop3A_224] {strides = array<i32>} : memref<40x128xf32, #tpu.memory_space<vmem>>, vector<1x16xf32>,
          %parallel_loop3A_226 = vector.shape_cast %parallel_loop3A_225 : vector<1x16xf32> to vector<16xf32>
          %parallel_loop3A_227 = arith.index_cast %parallel_loop3A_179 : i32 to index
          %parallel_loop3A_228 = arith.constant 32 : index
          %parallel_loop3A_229 = tpu.vector_load %arg20[%parallel_loop3A_227, %parallel_loop3A_228] {strides = array<i32>} : memref<40x128xf32, #tpu.memory_space<vmem>>, vector<1x16xf32>,
          %parallel_loop3A_230 = vector.shape_cast %parallel_loop3A_229 : vector<1x16xf32> to vector<16xf32>
          %parallel_loop3A_231 = arith.addf %parallel_loop3A_226, %parallel_loop3A_230 : vector<16xf32>
          %parallel_loop3A_232 = arith.mulf %parallel_loop3A_184, %get3A_12 : vector<16xf32>
          %parallel_loop3A_233 = arith.addf %parallel_loop3A_231, %parallel_loop3A_232 : vector<16xf32>
          %parallel_loop3A_234 = arith.constant 0.000000e+00 : f32
          %parallel_loop3A_235 = vector.broadcast %parallel_loop3A_234 : f32 to vector<16xf32>
          %parallel_loop3A_236 = arith.maximumf %parallel_loop3A_233, %parallel_loop3A_235 : vector<16xf32>
          %parallel_loop3A_237 = arith.index_cast %parallel_loop3A_179 : i32 to index
          %parallel_loop3A_238 = arith.constant 32 : index
          %parallel_loop3A_239 = tpu.vector_load %arg21[%parallel_loop3A_237, %parallel_loop3A_238] {strides = array<i32>} : memref<40x128xf32, #tpu.memory_space<vmem>>, vector<1x16xf32>,
          %parallel_loop3A_240 = vector.shape_cast %parallel_loop3A_239 : vector<1x16xf32> to vector<16xf32>
          %parallel_loop3A_241 = vector.shape_cast %parallel_loop3A_236 : vector<16xf32> to vector<1x16xf32>
          tpu.vector_store %arg21[%parallel_loop3A_237, %parallel_loop3A_238], %parallel_loop3A_241 {strides = array<i32>} : memref<40x128xf32, #tpu.memory_space<vmem>>, vector<1x16xf32>,
          %parallel_loop3A_242 = arith.index_cast %parallel_loop3A_179 : i32 to index
          %parallel_loop3A_243 = arith.constant 48 : index
          %parallel_loop3A_244 = tpu.vector_load %arg19[%parallel_loop3A_242, %parallel_loop3A_243] {strides = array<i32>} : memref<40x128xf32, #tpu.memory_space<vmem>>, vector<1x16xf32>,
          %parallel_loop3A_245 = vector.shape_cast %parallel_loop3A_244 : vector<1x16xf32> to vector<16xf32>
          %parallel_loop3A_246 = arith.index_cast %parallel_loop3A_179 : i32 to index
          %parallel_loop3A_247 = arith.constant 48 : index
          %parallel_loop3A_248 = tpu.vector_load %arg20[%parallel_loop3A_246, %parallel_loop3A_247] {strides = array<i32>} : memref<40x128xf32, #tpu.memory_space<vmem>>, vector<1x16xf32>,
          %parallel_loop3A_249 = vector.shape_cast %parallel_loop3A_248 : vector<1x16xf32> to vector<16xf32>
          %parallel_loop3A_250 = arith.addf %parallel_loop3A_245, %parallel_loop3A_249 : vector<16xf32>
          %parallel_loop3A_251 = arith.mulf %parallel_loop3A_184, %get3A_15 : vector<16xf32>
          %parallel_loop3A_252 = arith.addf %parallel_loop3A_250, %parallel_loop3A_251 : vector<16xf32>
          %parallel_loop3A_253 = arith.constant 0.000000e+00 : f32
          %parallel_loop3A_254 = vector.broadcast %parallel_loop3A_253 : f32 to vector<16xf32>
          %parallel_loop3A_255 = arith.maximumf %parallel_loop3A_252, %parallel_loop3A_254 : vector<16xf32>
          %parallel_loop3A_256 = arith.index_cast %parallel_loop3A_179 : i32 to index
          %parallel_loop3A_257 = arith.constant 48 : index
          %parallel_loop3A_258 = tpu.vector_load %arg21[%parallel_loop3A_256, %parallel_loop3A_257] {strides = array<i32>} : memref<40x128xf32, #tpu.memory_space<vmem>>, vector<1x16xf32>,
          %parallel_loop3A_259 = vector.shape_cast %parallel_loop3A_258 : vector<1x16xf32> to vector<16xf32>
          %parallel_loop3A_260 = vector.shape_cast %parallel_loop3A_255 : vector<16xf32> to vector<1x16xf32>
          tpu.vector_store %arg21[%parallel_loop3A_256, %parallel_loop3A_257], %parallel_loop3A_260 {strides = array<i32>} : memref<40x128xf32, #tpu.memory_space<vmem>>, vector<1x16xf32>,
          %parallel_loop3A_261 = arith.index_cast %parallel_loop3A_179 : i32 to index
          %parallel_loop3A_262 = arith.constant 64 : index
          %parallel_loop3A_263 = tpu.vector_load %arg19[%parallel_loop3A_261, %parallel_loop3A_262] {strides = array<i32>} : memref<40x128xf32, #tpu.memory_space<vmem>>, vector<1x16xf32>,
          %parallel_loop3A_264 = vector.shape_cast %parallel_loop3A_263 : vector<1x16xf32> to vector<16xf32>
          %parallel_loop3A_265 = arith.index_cast %parallel_loop3A_179 : i32 to index
          %parallel_loop3A_266 = arith.constant 64 : index
          %parallel_loop3A_267 = tpu.vector_load %arg20[%parallel_loop3A_265, %parallel_loop3A_266] {strides = array<i32>} : memref<40x128xf32, #tpu.memory_space<vmem>>, vector<1x16xf32>,
          %parallel_loop3A_268 = vector.shape_cast %parallel_loop3A_267 : vector<1x16xf32> to vector<16xf32>
          %parallel_loop3A_269 = arith.addf %parallel_loop3A_264, %parallel_loop3A_268 : vector<16xf32>
          %parallel_loop3A_270 = arith.mulf %parallel_loop3A_184, %get3A_18 : vector<16xf32>
          %parallel_loop3A_271 = arith.addf %parallel_loop3A_269, %parallel_loop3A_270 : vector<16xf32>
          %parallel_loop3A_272 = arith.constant 0.000000e+00 : f32
          %parallel_loop3A_273 = vector.broadcast %parallel_loop3A_272 : f32 to vector<16xf32>
          %parallel_loop3A_274 = arith.maximumf %parallel_loop3A_271, %parallel_loop3A_273 : vector<16xf32>
          %parallel_loop3A_275 = arith.index_cast %parallel_loop3A_179 : i32 to index
          %parallel_loop3A_276 = arith.constant 64 : index
          %parallel_loop3A_277 = tpu.vector_load %arg21[%parallel_loop3A_275, %parallel_loop3A_276] {strides = array<i32>} : memref<40x128xf32, #tpu.memory_space<vmem>>, vector<1x16xf32>,
          %parallel_loop3A_278 = vector.shape_cast %parallel_loop3A_277 : vector<1x16xf32> to vector<16xf32>
          %parallel_loop3A_279 = vector.shape_cast %parallel_loop3A_274 : vector<16xf32> to vector<1x16xf32>
          tpu.vector_store %arg21[%parallel_loop3A_275, %parallel_loop3A_276], %parallel_loop3A_279 {strides = array<i32>} : memref<40x128xf32, #tpu.memory_space<vmem>>, vector<1x16xf32>,
          %parallel_loop3A_280 = arith.index_cast %parallel_loop3A_179 : i32 to index
          %parallel_loop3A_281 = arith.constant 80 : index
          %parallel_loop3A_282 = tpu.vector_load %arg19[%parallel_loop3A_280, %parallel_loop3A_281] {strides = array<i32>} : memref<40x128xf32, #tpu.memory_space<vmem>>, vector<1x16xf32>,
          %parallel_loop3A_283 = vector.shape_cast %parallel_loop3A_282 : vector<1x16xf32> to vector<16xf32>
          %parallel_loop3A_284 = arith.index_cast %parallel_loop3A_179 : i32 to index
          %parallel_loop3A_285 = arith.constant 80 : index
          %parallel_loop3A_286 = tpu.vector_load %arg20[%parallel_loop3A_284, %parallel_loop3A_285] {strides = array<i32>} : memref<40x128xf32, #tpu.memory_space<vmem>>, vector<1x16xf32>,
          %parallel_loop3A_287 = vector.shape_cast %parallel_loop3A_286 : vector<1x16xf32> to vector<16xf32>
          %parallel_loop3A_288 = arith.addf %parallel_loop3A_283, %parallel_loop3A_287 : vector<16xf32>
          %parallel_loop3A_289 = arith.mulf %parallel_loop3A_184, %get3A_21 : vector<16xf32>
          %parallel_loop3A_290 = arith.addf %parallel_loop3A_288, %parallel_loop3A_289 : vector<16xf32>
          %parallel_loop3A_291 = arith.constant 0.000000e+00 : f32
          %parallel_loop3A_292 = vector.broadcast %parallel_loop3A_291 : f32 to vector<16xf32>
          %parallel_loop3A_293 = arith.maximumf %parallel_loop3A_290, %parallel_loop3A_292 : vector<16xf32>
          %parallel_loop3A_294 = arith.index_cast %parallel_loop3A_179 : i32 to index
          %parallel_loop3A_295 = arith.constant 80 : index
          %parallel_loop3A_296 = tpu.vector_load %arg21[%parallel_loop3A_294, %parallel_loop3A_295] {strides = array<i32>} : memref<40x128xf32, #tpu.memory_space<vmem>>, vector<1x16xf32>,
          %parallel_loop3A_297 = vector.shape_cast %parallel_loop3A_296 : vector<1x16xf32> to vector<16xf32>
          %parallel_loop3A_298 = vector.shape_cast %parallel_loop3A_293 : vector<16xf32> to vector<1x16xf32>
          tpu.vector_store %arg21[%parallel_loop3A_294, %parallel_loop3A_295], %parallel_loop3A_298 {strides = array<i32>} : memref<40x128xf32, #tpu.memory_space<vmem>>, vector<1x16xf32>,
          %parallel_loop3A_299 = arith.index_cast %parallel_loop3A_179 : i32 to index
          %parallel_loop3A_300 = arith.constant 96 : index
          %parallel_loop3A_301 = tpu.vector_load %arg19[%parallel_loop3A_299, %parallel_loop3A_300] {strides = array<i32>} : memref<40x128xf32, #tpu.memory_space<vmem>>, vector<1x16xf32>,
          %parallel_loop3A_302 = vector.shape_cast %parallel_loop3A_301 : vector<1x16xf32> to vector<16xf32>
          %parallel_loop3A_303 = arith.index_cast %parallel_loop3A_179 : i32 to index
          %parallel_loop3A_304 = arith.constant 96 : index
          %parallel_loop3A_305 = tpu.vector_load %arg20[%parallel_loop3A_303, %parallel_loop3A_304] {strides = array<i32>} : memref<40x128xf32, #tpu.memory_space<vmem>>, vector<1x16xf32>,
          %parallel_loop3A_306 = vector.shape_cast %parallel_loop3A_305 : vector<1x16xf32> to vector<16xf32>
          %parallel_loop3A_307 = arith.addf %parallel_loop3A_302, %parallel_loop3A_306 : vector<16xf32>
          %parallel_loop3A_308 = arith.mulf %parallel_loop3A_184, %get3A_24 : vector<16xf32>
          %parallel_loop3A_309 = arith.addf %parallel_loop3A_307, %parallel_loop3A_308 : vector<16xf32>
          %parallel_loop3A_310 = arith.constant 0.000000e+00 : f32
          %parallel_loop3A_311 = vector.broadcast %parallel_loop3A_310 : f32 to vector<16xf32>
          %parallel_loop3A_312 = arith.maximumf %parallel_loop3A_309, %parallel_loop3A_311 : vector<16xf32>
          %parallel_loop3A_313 = arith.index_cast %parallel_loop3A_179 : i32 to index
          %parallel_loop3A_314 = arith.constant 96 : index
          %parallel_loop3A_315 = tpu.vector_load %arg21[%parallel_loop3A_313, %parallel_loop3A_314] {strides = array<i32>} : memref<40x128xf32, #tpu.memory_space<vmem>>, vector<1x16xf32>,
          %parallel_loop3A_316 = vector.shape_cast %parallel_loop3A_315 : vector<1x16xf32> to vector<16xf32>
          %parallel_loop3A_317 = vector.shape_cast %parallel_loop3A_312 : vector<16xf32> to vector<1x16xf32>
          tpu.vector_store %arg21[%parallel_loop3A_313, %parallel_loop3A_314], %parallel_loop3A_317 {strides = array<i32>} : memref<40x128xf32, #tpu.memory_space<vmem>>, vector<1x16xf32>,
          %parallel_loop3A_318 = arith.index_cast %parallel_loop3A_179 : i32 to index
          %parallel_loop3A_319 = arith.constant 112 : index
          %parallel_loop3A_320 = tpu.vector_load %arg19[%parallel_loop3A_318, %parallel_loop3A_319] {strides = array<i32>} : memref<40x128xf32, #tpu.memory_space<vmem>>, vector<1x16xf32>,
          %parallel_loop3A_321 = vector.shape_cast %parallel_loop3A_320 : vector<1x16xf32> to vector<16xf32>
          %parallel_loop3A_322 = arith.index_cast %parallel_loop3A_179 : i32 to index
          %parallel_loop3A_323 = arith.constant 112 : index
          %parallel_loop3A_324 = tpu.vector_load %arg20[%parallel_loop3A_322, %parallel_loop3A_323] {strides = array<i32>} : memref<40x128xf32, #tpu.memory_space<vmem>>, vector<1x16xf32>,
          %parallel_loop3A_325 = vector.shape_cast %parallel_loop3A_324 : vector<1x16xf32> to vector<16xf32>
          %parallel_loop3A_326 = arith.addf %parallel_loop3A_321, %parallel_loop3A_325 : vector<16xf32>
          %parallel_loop3A_327 = arith.mulf %parallel_loop3A_184, %get3A_27 : vector<16xf32>
          %parallel_loop3A_328 = arith.addf %parallel_loop3A_326, %parallel_loop3A_327 : vector<16xf32>
          %parallel_loop3A_329 = arith.constant 0.000000e+00 : f32
          %parallel_loop3A_330 = vector.broadcast %parallel_loop3A_329 : f32 to vector<16xf32>
          %parallel_loop3A_331 = arith.maximumf %parallel_loop3A_328, %parallel_loop3A_330 : vector<16xf32>
          %parallel_loop3A_332 = arith.index_cast %parallel_loop3A_179 : i32 to index
          %parallel_loop3A_333 = arith.constant 112 : index
          %parallel_loop3A_334 = tpu.vector_load %arg21[%parallel_loop3A_332, %parallel_loop3A_333] {strides = array<i32>} : memref<40x128xf32, #tpu.memory_space<vmem>>, vector<1x16xf32>,
          %parallel_loop3A_335 = vector.shape_cast %parallel_loop3A_334 : vector<1x16xf32> to vector<16xf32>
          %parallel_loop3A_336 = vector.shape_cast %parallel_loop3A_331 : vector<16xf32> to vector<1x16xf32>
          tpu.vector_store %arg21[%parallel_loop3A_332, %parallel_loop3A_333], %parallel_loop3A_336 {strides = array<i32>} : memref<40x128xf32, #tpu.memory_space<vmem>>, vector<1x16xf32>,
        } {sc.loop_unroll_factor = 4 : i64, sc.parallel_access}
        %dma_start3A_176 = arith.constant 0 : i32
        %dma_start3A_177 = arith.constant 0 : i32
        %dma_start3A_178 = tpu.memref_slice %arg29[%dma_start3A_176, %dma_start3A_177] : memref<10000x128xf32, #tpu.memory_space<vmem_shared>> -> memref<10000x128xf32, #tpu.memory_space<vmem_shared>>
        tpu.enqueue_indirect_dma source(%arg21 : memref<40x128xf32, #tpu.memory_space<vmem>>) target(%dma_start3A_178 : memref<10000x128xf32, #tpu.memory_space<vmem_shared>>) offsets(%arg16 : memref<40xi32, #tpu.memory_space<vmem>>) semaphore(%arg35 : memref<!tpu.dma_semaphore, #tpu.memory_space<semaphore_mem>>) {add = true}
      } else {
      }
      %add3A_114 = arith.constant 1 : i32
      %add3A_115 = arith.addi %add3A_108, %add3A_114 : i32
      %lt3A_116 = arith.constant 250 : i32
      %lt3A_117 = arith.cmpi slt, %add3A_115, %lt3A_116 : i32
      %convert_element_type3A_118 = arith.extui %lt3A_117 : i1 to i32
      %cond3A_119 = arith.constant 0 : i32
      %cond3A_120 = arith.cmpi ne, %convert_element_type3A_118, %cond3A_119 : i32
      scf.if %cond3A_120 {
        %dma_wait3A_168 = arith.constant 0 : i32
        %dma_wait3A_169 = tpu.memref_slice %arg5[%dma_wait3A_168] : memref<320000xi32, #tpu.memory_space<hbm>> -> memref<40xi32, #tpu.memory_space<hbm>>
        %dma_wait3A_170 = arith.constant 0 : i32
        %dma_wait3A_171 = tpu.memref_slice %arg5[%dma_wait3A_170] : memref<320000xi32, #tpu.memory_space<hbm>> -> memref<40xi32, #tpu.memory_space<hbm>>
        tpu.wait_dma2 semaphore(%arg36 : memref<!tpu.dma_semaphore, #tpu.memory_space<semaphore_mem>>) src(%dma_wait3A_171 : memref<40xi32, #tpu.memory_space<hbm>>) dst(%arg22 : memref<40xi32, #tpu.memory_space<vmem>>)
        %dma_wait3A_172 = arith.constant 0 : i32
        %dma_wait3A_173 = tpu.memref_slice %arg6[%dma_wait3A_172] : memref<320000xi32, #tpu.memory_space<hbm>> -> memref<40xi32, #tpu.memory_space<hbm>>
        %dma_wait3A_174 = arith.constant 0 : i32
        %dma_wait3A_175 = tpu.memref_slice %arg6[%dma_wait3A_174] : memref<320000xi32, #tpu.memory_space<hbm>> -> memref<40xi32, #tpu.memory_space<hbm>>
        tpu.wait_dma2 semaphore(%arg36 : memref<!tpu.dma_semaphore, #tpu.memory_space<semaphore_mem>>) src(%dma_wait3A_175 : memref<40xi32, #tpu.memory_space<hbm>>) dst(%arg23 : memref<40xi32, #tpu.memory_space<vmem>>)
        %dma_wait3A_176 = arith.constant 0 : i32
        %dma_wait3A_177 = tpu.memref_slice %arg7[%dma_wait3A_176] : memref<5120000xf32, #tpu.memory_space<hbm>> -> memref<640xf32, #tpu.memory_space<hbm>>
        %dma_wait3A_178 = arith.constant 0 : i32
        %dma_wait3A_179 = tpu.memref_slice %arg7[%dma_wait3A_178] : memref<5120000xf32, #tpu.memory_space<hbm>> -> memref<640xf32, #tpu.memory_space<hbm>>
        tpu.wait_dma2 semaphore(%arg36 : memref<!tpu.dma_semaphore, #tpu.memory_space<semaphore_mem>>) src(%dma_wait3A_179 : memref<640xf32, #tpu.memory_space<hbm>>) dst(%arg24 : memref<640xf32, #tpu.memory_space<vmem>>)
        %dma_start3A_180 = arith.constant 0 : i32
        %dma_start3A_181 = arith.constant 0 : i32
        %dma_start3A_182 = tpu.memref_slice %arg2[%dma_start3A_180, %dma_start3A_181] : memref<10000x128xf32, #tpu.memory_space<hbm>> -> memref<10000x128xf32, #tpu.memory_space<hbm>>
        tpu.enqueue_indirect_dma source(%dma_start3A_182 : memref<10000x128xf32, #tpu.memory_space<hbm>>) target(%arg25 : memref<40x128xf32, #tpu.memory_space<vmem>>) offsets(%arg23 : memref<40xi32, #tpu.memory_space<vmem>>) semaphore(%arg37 : memref<!tpu.dma_semaphore, #tpu.memory_space<semaphore_mem>>)
        %dma_start3A_183 = arith.constant 0 : i32
        %dma_start3A_184 = arith.constant 0 : i32
        %dma_start3A_185 = tpu.memref_slice %arg3[%dma_start3A_183, %dma_start3A_184] : memref<10000x128xf32, #tpu.memory_space<hbm>> -> memref<10000x128xf32, #tpu.memory_space<hbm>>
        tpu.enqueue_indirect_dma source(%dma_start3A_185 : memref<10000x128xf32, #tpu.memory_space<hbm>>) target(%arg26 : memref<40x128xf32, #tpu.memory_space<vmem>>) offsets(%arg22 : memref<40xi32, #tpu.memory_space<vmem>>) semaphore(%arg37 : memref<!tpu.dma_semaphore, #tpu.memory_space<semaphore_mem>>)
      } else {
      }
      %ge3A_121 = arith.constant 1 : i32
      %ge3A_122 = arith.cmpi sge, %add3A_108, %ge3A_121 : i32
      %le3A_123 = arith.constant 250 : i32
      %le3A_124 = arith.cmpi sle, %add3A_108, %le3A_123 : i32
      %and3A_125 = arith.andi %ge3A_122, %le3A_124 : i1
      %convert_element_type3A_126 = arith.extui %and3A_125 : i1 to i32
      %cond3A_127 = arith.constant 0 : i32
      %cond3A_128 = arith.cmpi ne, %convert_element_type3A_126, %cond3A_127 : i32
      scf.if %cond3A_128 {
        %dma_wait3A_168 = arith.constant 0 : i32
        %dma_wait3A_169 = arith.constant 0 : i32
        %dma_wait3A_170 = tpu.memref_slice %arg29[%dma_wait3A_168, %dma_wait3A_169] : memref<10000x128xf32, #tpu.memory_space<vmem_shared>> -> memref<10000x128xf32, #tpu.memory_space<vmem_shared>>
        tpu.wait_indirect_dma semaphore(%arg32 : memref<!tpu.dma_semaphore, #tpu.memory_space<semaphore_mem>>) src(%arg15 : memref<40x128xf32, #tpu.memory_space<vmem>>) dst(%dma_wait3A_170 : memref<10000x128xf32, #tpu.memory_space<vmem_shared>>)
      } else {
      }
      %add3A_129 = arith.constant 2 : i32
      %add3A_130 = arith.addi %add3A_108, %add3A_129 : i32
      %lt3A_131 = arith.constant 250 : i32
      %lt3A_132 = arith.cmpi slt, %add3A_130, %lt3A_131 : i32
      %convert_element_type3A_133 = arith.extui %lt3A_132 : i1 to i32
      %cond3A_134 = arith.constant 0 : i32
      %cond3A_135 = arith.cmpi ne, %convert_element_type3A_133, %cond3A_134 : i32
      scf.if %cond3A_135 {
        %add3A_168 = arith.constant 2 : i32
        %add3A_169 = arith.addi %add3A_108, %add3A_168 : i32
        %mul3A_170 = arith.constant 40 : i32
        %mul3A_171 = arith.muli %add3A_169, %mul3A_170 : i32
        %add3A_172 = arith.addi %mul3A_2, %mul3A_171 : i32
        %dma_start3A_173 = tpu.memref_slice %arg5[%add3A_172] : memref<320000xi32, #tpu.memory_space<hbm>> -> memref<40xi32, #tpu.memory_space<hbm>>
        %dma_start3A_174 = tpu.memref_slice %arg5[%add3A_172] : memref<320000xi32, #tpu.memory_space<hbm>> -> memref<40xi32, #tpu.memory_space<hbm>>
        tpu.enqueue_dma source(%dma_start3A_174 : memref<40xi32, #tpu.memory_space<hbm>>) target(%arg10 : memref<40xi32, #tpu.memory_space<vmem>>) target_semaphore(%arg30 : memref<!tpu.dma_semaphore, #tpu.memory_space<semaphore_mem>>)
        %dma_start3A_175 = tpu.memref_slice %arg6[%add3A_172] : memref<320000xi32, #tpu.memory_space<hbm>> -> memref<40xi32, #tpu.memory_space<hbm>>
        %dma_start3A_176 = tpu.memref_slice %arg6[%add3A_172] : memref<320000xi32, #tpu.memory_space<hbm>> -> memref<40xi32, #tpu.memory_space<hbm>>
        tpu.enqueue_dma source(%dma_start3A_176 : memref<40xi32, #tpu.memory_space<hbm>>) target(%arg11 : memref<40xi32, #tpu.memory_space<vmem>>) target_semaphore(%arg30 : memref<!tpu.dma_semaphore, #tpu.memory_space<semaphore_mem>>)
        %mul3A_177 = arith.constant 16 : i32
        %mul3A_178 = arith.muli %add3A_172, %mul3A_177 : i32
        %dma_start3A_179 = tpu.memref_slice %arg7[%mul3A_178] : memref<5120000xf32, #tpu.memory_space<hbm>> -> memref<640xf32, #tpu.memory_space<hbm>>
        %dma_start3A_180 = tpu.memref_slice %arg7[%mul3A_178] : memref<5120000xf32, #tpu.memory_space<hbm>> -> memref<640xf32, #tpu.memory_space<hbm>>
        tpu.enqueue_dma source(%dma_start3A_180 : memref<640xf32, #tpu.memory_space<hbm>>) target(%arg12 : memref<640xf32, #tpu.memory_space<vmem>>) target_semaphore(%arg30 : memref<!tpu.dma_semaphore, #tpu.memory_space<semaphore_mem>>)
      } else {
      }
      %mul3A_136 = arith.constant 3 : i32
      %mul3A_137 = arith.muli %mul3A_136, %scan3A_76 : i32
      %add3A_138 = arith.constant 2 : i32
      %add3A_139 = arith.addi %mul3A_137, %add3A_138 : i32
      %lt3A_140 = arith.constant 250 : i32
      %lt3A_141 = arith.cmpi slt, %add3A_139, %lt3A_140 : i32
      %convert_element_type3A_142 = arith.extui %lt3A_141 : i1 to i32
      %cond3A_143 = arith.constant 0 : i32
      %cond3A_144 = arith.cmpi ne, %convert_element_type3A_142, %cond3A_143 : i32
      scf.if %cond3A_144 {
        %dma_wait3A_168 = arith.constant 0 : i32
        %dma_wait3A_169 = arith.constant 0 : i32
        %dma_wait3A_170 = tpu.memref_slice %arg2[%dma_wait3A_168, %dma_wait3A_169] : memref<10000x128xf32, #tpu.memory_space<hbm>> -> memref<10000x128xf32, #tpu.memory_space<hbm>>
        tpu.wait_indirect_dma semaphore(%arg37 : memref<!tpu.dma_semaphore, #tpu.memory_space<semaphore_mem>>) src(%dma_wait3A_170 : memref<10000x128xf32, #tpu.memory_space<hbm>>) dst(%arg25 : memref<40x128xf32, #tpu.memory_space<vmem>>)
        %dma_wait3A_171 = arith.constant 0 : i32
        %dma_wait3A_172 = arith.constant 0 : i32
        %dma_wait3A_173 = tpu.memref_slice %arg3[%dma_wait3A_171, %dma_wait3A_172] : memref<10000x128xf32, #tpu.memory_space<hbm>> -> memref<10000x128xf32, #tpu.memory_space<hbm>>
        tpu.wait_indirect_dma semaphore(%arg37 : memref<!tpu.dma_semaphore, #tpu.memory_space<semaphore_mem>>) src(%dma_wait3A_173 : memref<10000x128xf32, #tpu.memory_space<hbm>>) dst(%arg26 : memref<40x128xf32, #tpu.memory_space<vmem>>)
        %parallel_loop3A = arith.constant 0 : i32
        %parallel_loop3A_174 = arith.constant 40 : i32
        %parallel_loop3A_175 = arith.constant 1 : i32
        scf.for %parallel_loop3A_179 = %parallel_loop3A to %parallel_loop3A_174 step %parallel_loop3A_175  : i32 {
          %parallel_loop3A_180 = arith.constant 16 : i32
          %parallel_loop3A_181 = arith.muli %parallel_loop3A_179, %parallel_loop3A_180 : i32
          %parallel_loop3A_182 = arith.index_cast %parallel_loop3A_181 : i32 to index
          %parallel_loop3A_183 = tpu.vector_load %arg24[%parallel_loop3A_182] {strides = array<i32>} : memref<640xf32, #tpu.memory_space<vmem>>, vector<16xf32>,
          %parallel_loop3A_184 = vector.shape_cast %parallel_loop3A_183 : vector<16xf32> to vector<16xf32>
          %parallel_loop3A_185 = arith.index_cast %parallel_loop3A_179 : i32 to index
          %parallel_loop3A_186 = arith.constant 0 : index
          %parallel_loop3A_187 = tpu.vector_load %arg25[%parallel_loop3A_185, %parallel_loop3A_186] {strides = array<i32>} : memref<40x128xf32, #tpu.memory_space<vmem>>, vector<1x16xf32>,
          %parallel_loop3A_188 = vector.shape_cast %parallel_loop3A_187 : vector<1x16xf32> to vector<16xf32>
          %parallel_loop3A_189 = arith.index_cast %parallel_loop3A_179 : i32 to index
          %parallel_loop3A_190 = arith.constant 0 : index
          %parallel_loop3A_191 = tpu.vector_load %arg26[%parallel_loop3A_189, %parallel_loop3A_190] {strides = array<i32>} : memref<40x128xf32, #tpu.memory_space<vmem>>, vector<1x16xf32>,
          %parallel_loop3A_192 = vector.shape_cast %parallel_loop3A_191 : vector<1x16xf32> to vector<16xf32>
          %parallel_loop3A_193 = arith.addf %parallel_loop3A_188, %parallel_loop3A_192 : vector<16xf32>
          %parallel_loop3A_194 = arith.mulf %parallel_loop3A_184, %get3A_6 : vector<16xf32>
          %parallel_loop3A_195 = arith.addf %parallel_loop3A_193, %parallel_loop3A_194 : vector<16xf32>
          %parallel_loop3A_196 = arith.constant 0.000000e+00 : f32
          %parallel_loop3A_197 = vector.broadcast %parallel_loop3A_196 : f32 to vector<16xf32>
          %parallel_loop3A_198 = arith.maximumf %parallel_loop3A_195, %parallel_loop3A_197 : vector<16xf32>
          %parallel_loop3A_199 = arith.index_cast %parallel_loop3A_179 : i32 to index
          %parallel_loop3A_200 = arith.constant 0 : index
          %parallel_loop3A_201 = tpu.vector_load %arg27[%parallel_loop3A_199, %parallel_loop3A_200] {strides = array<i32>} : memref<40x128xf32, #tpu.memory_space<vmem>>, vector<1x16xf32>,
          %parallel_loop3A_202 = vector.shape_cast %parallel_loop3A_201 : vector<1x16xf32> to vector<16xf32>
          %parallel_loop3A_203 = vector.shape_cast %parallel_loop3A_198 : vector<16xf32> to vector<1x16xf32>
          tpu.vector_store %arg27[%parallel_loop3A_199, %parallel_loop3A_200], %parallel_loop3A_203 {strides = array<i32>} : memref<40x128xf32, #tpu.memory_space<vmem>>, vector<1x16xf32>,
          %parallel_loop3A_204 = arith.index_cast %parallel_loop3A_179 : i32 to index
          %parallel_loop3A_205 = arith.constant 16 : index
          %parallel_loop3A_206 = tpu.vector_load %arg25[%parallel_loop3A_204, %parallel_loop3A_205] {strides = array<i32>} : memref<40x128xf32, #tpu.memory_space<vmem>>, vector<1x16xf32>,
          %parallel_loop3A_207 = vector.shape_cast %parallel_loop3A_206 : vector<1x16xf32> to vector<16xf32>
          %parallel_loop3A_208 = arith.index_cast %parallel_loop3A_179 : i32 to index
          %parallel_loop3A_209 = arith.constant 16 : index
          %parallel_loop3A_210 = tpu.vector_load %arg26[%parallel_loop3A_208, %parallel_loop3A_209] {strides = array<i32>} : memref<40x128xf32, #tpu.memory_space<vmem>>, vector<1x16xf32>,
          %parallel_loop3A_211 = vector.shape_cast %parallel_loop3A_210 : vector<1x16xf32> to vector<16xf32>
          %parallel_loop3A_212 = arith.addf %parallel_loop3A_207, %parallel_loop3A_211 : vector<16xf32>
          %parallel_loop3A_213 = arith.mulf %parallel_loop3A_184, %get3A_9 : vector<16xf32>
          %parallel_loop3A_214 = arith.addf %parallel_loop3A_212, %parallel_loop3A_213 : vector<16xf32>
          %parallel_loop3A_215 = arith.constant 0.000000e+00 : f32
          %parallel_loop3A_216 = vector.broadcast %parallel_loop3A_215 : f32 to vector<16xf32>
          %parallel_loop3A_217 = arith.maximumf %parallel_loop3A_214, %parallel_loop3A_216 : vector<16xf32>
          %parallel_loop3A_218 = arith.index_cast %parallel_loop3A_179 : i32 to index
          %parallel_loop3A_219 = arith.constant 16 : index
          %parallel_loop3A_220 = tpu.vector_load %arg27[%parallel_loop3A_218, %parallel_loop3A_219] {strides = array<i32>} : memref<40x128xf32, #tpu.memory_space<vmem>>, vector<1x16xf32>,
          %parallel_loop3A_221 = vector.shape_cast %parallel_loop3A_220 : vector<1x16xf32> to vector<16xf32>
          %parallel_loop3A_222 = vector.shape_cast %parallel_loop3A_217 : vector<16xf32> to vector<1x16xf32>
          tpu.vector_store %arg27[%parallel_loop3A_218, %parallel_loop3A_219], %parallel_loop3A_222 {strides = array<i32>} : memref<40x128xf32, #tpu.memory_space<vmem>>, vector<1x16xf32>,
          %parallel_loop3A_223 = arith.index_cast %parallel_loop3A_179 : i32 to index
          %parallel_loop3A_224 = arith.constant 32 : index
          %parallel_loop3A_225 = tpu.vector_load %arg25[%parallel_loop3A_223, %parallel_loop3A_224] {strides = array<i32>} : memref<40x128xf32, #tpu.memory_space<vmem>>, vector<1x16xf32>,
          %parallel_loop3A_226 = vector.shape_cast %parallel_loop3A_225 : vector<1x16xf32> to vector<16xf32>
          %parallel_loop3A_227 = arith.index_cast %parallel_loop3A_179 : i32 to index
          %parallel_loop3A_228 = arith.constant 32 : index
          %parallel_loop3A_229 = tpu.vector_load %arg26[%parallel_loop3A_227, %parallel_loop3A_228] {strides = array<i32>} : memref<40x128xf32, #tpu.memory_space<vmem>>, vector<1x16xf32>,
          %parallel_loop3A_230 = vector.shape_cast %parallel_loop3A_229 : vector<1x16xf32> to vector<16xf32>
          %parallel_loop3A_231 = arith.addf %parallel_loop3A_226, %parallel_loop3A_230 : vector<16xf32>
          %parallel_loop3A_232 = arith.mulf %parallel_loop3A_184, %get3A_12 : vector<16xf32>
          %parallel_loop3A_233 = arith.addf %parallel_loop3A_231, %parallel_loop3A_232 : vector<16xf32>
          %parallel_loop3A_234 = arith.constant 0.000000e+00 : f32
          %parallel_loop3A_235 = vector.broadcast %parallel_loop3A_234 : f32 to vector<16xf32>
          %parallel_loop3A_236 = arith.maximumf %parallel_loop3A_233, %parallel_loop3A_235 : vector<16xf32>
          %parallel_loop3A_237 = arith.index_cast %parallel_loop3A_179 : i32 to index
          %parallel_loop3A_238 = arith.constant 32 : index
          %parallel_loop3A_239 = tpu.vector_load %arg27[%parallel_loop3A_237, %parallel_loop3A_238] {strides = array<i32>} : memref<40x128xf32, #tpu.memory_space<vmem>>, vector<1x16xf32>,
          %parallel_loop3A_240 = vector.shape_cast %parallel_loop3A_239 : vector<1x16xf32> to vector<16xf32>
          %parallel_loop3A_241 = vector.shape_cast %parallel_loop3A_236 : vector<16xf32> to vector<1x16xf32>
          tpu.vector_store %arg27[%parallel_loop3A_237, %parallel_loop3A_238], %parallel_loop3A_241 {strides = array<i32>} : memref<40x128xf32, #tpu.memory_space<vmem>>, vector<1x16xf32>,
          %parallel_loop3A_242 = arith.index_cast %parallel_loop3A_179 : i32 to index
          %parallel_loop3A_243 = arith.constant 48 : index
          %parallel_loop3A_244 = tpu.vector_load %arg25[%parallel_loop3A_242, %parallel_loop3A_243] {strides = array<i32>} : memref<40x128xf32, #tpu.memory_space<vmem>>, vector<1x16xf32>,
          %parallel_loop3A_245 = vector.shape_cast %parallel_loop3A_244 : vector<1x16xf32> to vector<16xf32>
          %parallel_loop3A_246 = arith.index_cast %parallel_loop3A_179 : i32 to index
          %parallel_loop3A_247 = arith.constant 48 : index
          %parallel_loop3A_248 = tpu.vector_load %arg26[%parallel_loop3A_246, %parallel_loop3A_247] {strides = array<i32>} : memref<40x128xf32, #tpu.memory_space<vmem>>, vector<1x16xf32>,
          %parallel_loop3A_249 = vector.shape_cast %parallel_loop3A_248 : vector<1x16xf32> to vector<16xf32>
          %parallel_loop3A_250 = arith.addf %parallel_loop3A_245, %parallel_loop3A_249 : vector<16xf32>
          %parallel_loop3A_251 = arith.mulf %parallel_loop3A_184, %get3A_15 : vector<16xf32>
          %parallel_loop3A_252 = arith.addf %parallel_loop3A_250, %parallel_loop3A_251 : vector<16xf32>
          %parallel_loop3A_253 = arith.constant 0.000000e+00 : f32
          %parallel_loop3A_254 = vector.broadcast %parallel_loop3A_253 : f32 to vector<16xf32>
          %parallel_loop3A_255 = arith.maximumf %parallel_loop3A_252, %parallel_loop3A_254 : vector<16xf32>
          %parallel_loop3A_256 = arith.index_cast %parallel_loop3A_179 : i32 to index
          %parallel_loop3A_257 = arith.constant 48 : index
          %parallel_loop3A_258 = tpu.vector_load %arg27[%parallel_loop3A_256, %parallel_loop3A_257] {strides = array<i32>} : memref<40x128xf32, #tpu.memory_space<vmem>>, vector<1x16xf32>,
          %parallel_loop3A_259 = vector.shape_cast %parallel_loop3A_258 : vector<1x16xf32> to vector<16xf32>
          %parallel_loop3A_260 = vector.shape_cast %parallel_loop3A_255 : vector<16xf32> to vector<1x16xf32>
          tpu.vector_store %arg27[%parallel_loop3A_256, %parallel_loop3A_257], %parallel_loop3A_260 {strides = array<i32>} : memref<40x128xf32, #tpu.memory_space<vmem>>, vector<1x16xf32>,
          %parallel_loop3A_261 = arith.index_cast %parallel_loop3A_179 : i32 to index
          %parallel_loop3A_262 = arith.constant 64 : index
          %parallel_loop3A_263 = tpu.vector_load %arg25[%parallel_loop3A_261, %parallel_loop3A_262] {strides = array<i32>} : memref<40x128xf32, #tpu.memory_space<vmem>>, vector<1x16xf32>,
          %parallel_loop3A_264 = vector.shape_cast %parallel_loop3A_263 : vector<1x16xf32> to vector<16xf32>
          %parallel_loop3A_265 = arith.index_cast %parallel_loop3A_179 : i32 to index
          %parallel_loop3A_266 = arith.constant 64 : index
          %parallel_loop3A_267 = tpu.vector_load %arg26[%parallel_loop3A_265, %parallel_loop3A_266] {strides = array<i32>} : memref<40x128xf32, #tpu.memory_space<vmem>>, vector<1x16xf32>,
          %parallel_loop3A_268 = vector.shape_cast %parallel_loop3A_267 : vector<1x16xf32> to vector<16xf32>
          %parallel_loop3A_269 = arith.addf %parallel_loop3A_264, %parallel_loop3A_268 : vector<16xf32>
          %parallel_loop3A_270 = arith.mulf %parallel_loop3A_184, %get3A_18 : vector<16xf32>
          %parallel_loop3A_271 = arith.addf %parallel_loop3A_269, %parallel_loop3A_270 : vector<16xf32>
          %parallel_loop3A_272 = arith.constant 0.000000e+00 : f32
          %parallel_loop3A_273 = vector.broadcast %parallel_loop3A_272 : f32 to vector<16xf32>
          %parallel_loop3A_274 = arith.maximumf %parallel_loop3A_271, %parallel_loop3A_273 : vector<16xf32>
          %parallel_loop3A_275 = arith.index_cast %parallel_loop3A_179 : i32 to index
          %parallel_loop3A_276 = arith.constant 64 : index
          %parallel_loop3A_277 = tpu.vector_load %arg27[%parallel_loop3A_275, %parallel_loop3A_276] {strides = array<i32>} : memref<40x128xf32, #tpu.memory_space<vmem>>, vector<1x16xf32>,
          %parallel_loop3A_278 = vector.shape_cast %parallel_loop3A_277 : vector<1x16xf32> to vector<16xf32>
          %parallel_loop3A_279 = vector.shape_cast %parallel_loop3A_274 : vector<16xf32> to vector<1x16xf32>
          tpu.vector_store %arg27[%parallel_loop3A_275, %parallel_loop3A_276], %parallel_loop3A_279 {strides = array<i32>} : memref<40x128xf32, #tpu.memory_space<vmem>>, vector<1x16xf32>,
          %parallel_loop3A_280 = arith.index_cast %parallel_loop3A_179 : i32 to index
          %parallel_loop3A_281 = arith.constant 80 : index
          %parallel_loop3A_282 = tpu.vector_load %arg25[%parallel_loop3A_280, %parallel_loop3A_281] {strides = array<i32>} : memref<40x128xf32, #tpu.memory_space<vmem>>, vector<1x16xf32>,
          %parallel_loop3A_283 = vector.shape_cast %parallel_loop3A_282 : vector<1x16xf32> to vector<16xf32>
          %parallel_loop3A_284 = arith.index_cast %parallel_loop3A_179 : i32 to index
          %parallel_loop3A_285 = arith.constant 80 : index
          %parallel_loop3A_286 = tpu.vector_load %arg26[%parallel_loop3A_284, %parallel_loop3A_285] {strides = array<i32>} : memref<40x128xf32, #tpu.memory_space<vmem>>, vector<1x16xf32>,
          %parallel_loop3A_287 = vector.shape_cast %parallel_loop3A_286 : vector<1x16xf32> to vector<16xf32>
          %parallel_loop3A_288 = arith.addf %parallel_loop3A_283, %parallel_loop3A_287 : vector<16xf32>
          %parallel_loop3A_289 = arith.mulf %parallel_loop3A_184, %get3A_21 : vector<16xf32>
          %parallel_loop3A_290 = arith.addf %parallel_loop3A_288, %parallel_loop3A_289 : vector<16xf32>
          %parallel_loop3A_291 = arith.constant 0.000000e+00 : f32
          %parallel_loop3A_292 = vector.broadcast %parallel_loop3A_291 : f32 to vector<16xf32>
          %parallel_loop3A_293 = arith.maximumf %parallel_loop3A_290, %parallel_loop3A_292 : vector<16xf32>
          %parallel_loop3A_294 = arith.index_cast %parallel_loop3A_179 : i32 to index
          %parallel_loop3A_295 = arith.constant 80 : index
          %parallel_loop3A_296 = tpu.vector_load %arg27[%parallel_loop3A_294, %parallel_loop3A_295] {strides = array<i32>} : memref<40x128xf32, #tpu.memory_space<vmem>>, vector<1x16xf32>,
          %parallel_loop3A_297 = vector.shape_cast %parallel_loop3A_296 : vector<1x16xf32> to vector<16xf32>
          %parallel_loop3A_298 = vector.shape_cast %parallel_loop3A_293 : vector<16xf32> to vector<1x16xf32>
          tpu.vector_store %arg27[%parallel_loop3A_294, %parallel_loop3A_295], %parallel_loop3A_298 {strides = array<i32>} : memref<40x128xf32, #tpu.memory_space<vmem>>, vector<1x16xf32>,
          %parallel_loop3A_299 = arith.index_cast %parallel_loop3A_179 : i32 to index
          %parallel_loop3A_300 = arith.constant 96 : index
          %parallel_loop3A_301 = tpu.vector_load %arg25[%parallel_loop3A_299, %parallel_loop3A_300] {strides = array<i32>} : memref<40x128xf32, #tpu.memory_space<vmem>>, vector<1x16xf32>,
          %parallel_loop3A_302 = vector.shape_cast %parallel_loop3A_301 : vector<1x16xf32> to vector<16xf32>
          %parallel_loop3A_303 = arith.index_cast %parallel_loop3A_179 : i32 to index
          %parallel_loop3A_304 = arith.constant 96 : index
          %parallel_loop3A_305 = tpu.vector_load %arg26[%parallel_loop3A_303, %parallel_loop3A_304] {strides = array<i32>} : memref<40x128xf32, #tpu.memory_space<vmem>>, vector<1x16xf32>,
          %parallel_loop3A_306 = vector.shape_cast %parallel_loop3A_305 : vector<1x16xf32> to vector<16xf32>
          %parallel_loop3A_307 = arith.addf %parallel_loop3A_302, %parallel_loop3A_306 : vector<16xf32>
          %parallel_loop3A_308 = arith.mulf %parallel_loop3A_184, %get3A_24 : vector<16xf32>
          %parallel_loop3A_309 = arith.addf %parallel_loop3A_307, %parallel_loop3A_308 : vector<16xf32>
          %parallel_loop3A_310 = arith.constant 0.000000e+00 : f32
          %parallel_loop3A_311 = vector.broadcast %parallel_loop3A_310 : f32 to vector<16xf32>
          %parallel_loop3A_312 = arith.maximumf %parallel_loop3A_309, %parallel_loop3A_311 : vector<16xf32>
          %parallel_loop3A_313 = arith.index_cast %parallel_loop3A_179 : i32 to index
          %parallel_loop3A_314 = arith.constant 96 : index
          %parallel_loop3A_315 = tpu.vector_load %arg27[%parallel_loop3A_313, %parallel_loop3A_314] {strides = array<i32>} : memref<40x128xf32, #tpu.memory_space<vmem>>, vector<1x16xf32>,
          %parallel_loop3A_316 = vector.shape_cast %parallel_loop3A_315 : vector<1x16xf32> to vector<16xf32>
          %parallel_loop3A_317 = vector.shape_cast %parallel_loop3A_312 : vector<16xf32> to vector<1x16xf32>
          tpu.vector_store %arg27[%parallel_loop3A_313, %parallel_loop3A_314], %parallel_loop3A_317 {strides = array<i32>} : memref<40x128xf32, #tpu.memory_space<vmem>>, vector<1x16xf32>,
          %parallel_loop3A_318 = arith.index_cast %parallel_loop3A_179 : i32 to index
          %parallel_loop3A_319 = arith.constant 112 : index
          %parallel_loop3A_320 = tpu.vector_load %arg25[%parallel_loop3A_318, %parallel_loop3A_319] {strides = array<i32>} : memref<40x128xf32, #tpu.memory_space<vmem>>, vector<1x16xf32>,
          %parallel_loop3A_321 = vector.shape_cast %parallel_loop3A_320 : vector<1x16xf32> to vector<16xf32>
          %parallel_loop3A_322 = arith.index_cast %parallel_loop3A_179 : i32 to index
          %parallel_loop3A_323 = arith.constant 112 : index
          %parallel_loop3A_324 = tpu.vector_load %arg26[%parallel_loop3A_322, %parallel_loop3A_323] {strides = array<i32>} : memref<40x128xf32, #tpu.memory_space<vmem>>, vector<1x16xf32>,
          %parallel_loop3A_325 = vector.shape_cast %parallel_loop3A_324 : vector<1x16xf32> to vector<16xf32>
          %parallel_loop3A_326 = arith.addf %parallel_loop3A_321, %parallel_loop3A_325 : vector<16xf32>
          %parallel_loop3A_327 = arith.mulf %parallel_loop3A_184, %get3A_27 : vector<16xf32>
          %parallel_loop3A_328 = arith.addf %parallel_loop3A_326, %parallel_loop3A_327 : vector<16xf32>
          %parallel_loop3A_329 = arith.constant 0.000000e+00 : f32
          %parallel_loop3A_330 = vector.broadcast %parallel_loop3A_329 : f32 to vector<16xf32>
          %parallel_loop3A_331 = arith.maximumf %parallel_loop3A_328, %parallel_loop3A_330 : vector<16xf32>
          %parallel_loop3A_332 = arith.index_cast %parallel_loop3A_179 : i32 to index
          %parallel_loop3A_333 = arith.constant 112 : index
          %parallel_loop3A_334 = tpu.vector_load %arg27[%parallel_loop3A_332, %parallel_loop3A_333] {strides = array<i32>} : memref<40x128xf32, #tpu.memory_space<vmem>>, vector<1x16xf32>,
          %parallel_loop3A_335 = vector.shape_cast %parallel_loop3A_334 : vector<1x16xf32> to vector<16xf32>
          %parallel_loop3A_336 = vector.shape_cast %parallel_loop3A_331 : vector<16xf32> to vector<1x16xf32>
          tpu.vector_store %arg27[%parallel_loop3A_332, %parallel_loop3A_333], %parallel_loop3A_336 {strides = array<i32>} : memref<40x128xf32, #tpu.memory_space<vmem>>, vector<1x16xf32>,
        } {sc.loop_unroll_factor = 4 : i64, sc.parallel_access}
        %dma_start3A_176 = arith.constant 0 : i32
        %dma_start3A_177 = arith.constant 0 : i32
        %dma_start3A_178 = tpu.memref_slice %arg29[%dma_start3A_176, %dma_start3A_177] : memref<10000x128xf32, #tpu.memory_space<vmem_shared>> -> memref<10000x128xf32, #tpu.memory_space<vmem_shared>>
        tpu.enqueue_indirect_dma source(%arg27 : memref<40x128xf32, #tpu.memory_space<vmem>>) target(%dma_start3A_178 : memref<10000x128xf32, #tpu.memory_space<vmem_shared>>) offsets(%arg22 : memref<40xi32, #tpu.memory_space<vmem>>) semaphore(%arg38 : memref<!tpu.dma_semaphore, #tpu.memory_space<semaphore_mem>>) {add = true}
      } else {
      }
      %add3A_145 = arith.constant 1 : i32
      %add3A_146 = arith.addi %add3A_139, %add3A_145 : i32
      %lt3A_147 = arith.constant 250 : i32
      %lt3A_148 = arith.cmpi slt, %add3A_146, %lt3A_147 : i32
      %convert_element_type3A_149 = arith.extui %lt3A_148 : i1 to i32
      %cond3A_150 = arith.constant 0 : i32
      %cond3A_151 = arith.cmpi ne, %convert_element_type3A_149, %cond3A_150 : i32
      scf.if %cond3A_151 {
        %dma_wait3A_168 = arith.constant 0 : i32
        %dma_wait3A_169 = tpu.memref_slice %arg5[%dma_wait3A_168] : memref<320000xi32, #tpu.memory_space<hbm>> -> memref<40xi32, #tpu.memory_space<hbm>>
        %dma_wait3A_170 = arith.constant 0 : i32
        %dma_wait3A_171 = tpu.memref_slice %arg5[%dma_wait3A_170] : memref<320000xi32, #tpu.memory_space<hbm>> -> memref<40xi32, #tpu.memory_space<hbm>>
        tpu.wait_dma2 semaphore(%arg30 : memref<!tpu.dma_semaphore, #tpu.memory_space<semaphore_mem>>) src(%dma_wait3A_171 : memref<40xi32, #tpu.memory_space<hbm>>) dst(%arg10 : memref<40xi32, #tpu.memory_space<vmem>>)
        %dma_wait3A_172 = arith.constant 0 : i32
        %dma_wait3A_173 = tpu.memref_slice %arg6[%dma_wait3A_172] : memref<320000xi32, #tpu.memory_space<hbm>> -> memref<40xi32, #tpu.memory_space<hbm>>
        %dma_wait3A_174 = arith.constant 0 : i32
        %dma_wait3A_175 = tpu.memref_slice %arg6[%dma_wait3A_174] : memref<320000xi32, #tpu.memory_space<hbm>> -> memref<40xi32, #tpu.memory_space<hbm>>
        tpu.wait_dma2 semaphore(%arg30 : memref<!tpu.dma_semaphore, #tpu.memory_space<semaphore_mem>>) src(%dma_wait3A_175 : memref<40xi32, #tpu.memory_space<hbm>>) dst(%arg11 : memref<40xi32, #tpu.memory_space<vmem>>)
        %dma_wait3A_176 = arith.constant 0 : i32
        %dma_wait3A_177 = tpu.memref_slice %arg7[%dma_wait3A_176] : memref<5120000xf32, #tpu.memory_space<hbm>> -> memref<640xf32, #tpu.memory_space<hbm>>
        %dma_wait3A_178 = arith.constant 0 : i32
        %dma_wait3A_179 = tpu.memref_slice %arg7[%dma_wait3A_178] : memref<5120000xf32, #tpu.memory_space<hbm>> -> memref<640xf32, #tpu.memory_space<hbm>>
        tpu.wait_dma2 semaphore(%arg30 : memref<!tpu.dma_semaphore, #tpu.memory_space<semaphore_mem>>) src(%dma_wait3A_179 : memref<640xf32, #tpu.memory_space<hbm>>) dst(%arg12 : memref<640xf32, #tpu.memory_space<vmem>>)
        %dma_start3A_180 = arith.constant 0 : i32
        %dma_start3A_181 = arith.constant 0 : i32
        %dma_start3A_182 = tpu.memref_slice %arg2[%dma_start3A_180, %dma_start3A_181] : memref<10000x128xf32, #tpu.memory_space<hbm>> -> memref<10000x128xf32, #tpu.memory_space<hbm>>
        tpu.enqueue_indirect_dma source(%dma_start3A_182 : memref<10000x128xf32, #tpu.memory_space<hbm>>) target(%arg13 : memref<40x128xf32, #tpu.memory_space<vmem>>) offsets(%arg11 : memref<40xi32, #tpu.memory_space<vmem>>) semaphore(%arg31 : memref<!tpu.dma_semaphore, #tpu.memory_space<semaphore_mem>>)
        %dma_start3A_183 = arith.constant 0 : i32
        %dma_start3A_184 = arith.constant 0 : i32
        %dma_start3A_185 = tpu.memref_slice %arg3[%dma_start3A_183, %dma_start3A_184] : memref<10000x128xf32, #tpu.memory_space<hbm>> -> memref<10000x128xf32, #tpu.memory_space<hbm>>
        tpu.enqueue_indirect_dma source(%dma_start3A_185 : memref<10000x128xf32, #tpu.memory_space<hbm>>) target(%arg14 : memref<40x128xf32, #tpu.memory_space<vmem>>) offsets(%arg10 : memref<40xi32, #tpu.memory_space<vmem>>) semaphore(%arg31 : memref<!tpu.dma_semaphore, #tpu.memory_space<semaphore_mem>>)
      } else {
      }
      %ge3A_152 = arith.constant 1 : i32
      %ge3A_153 = arith.cmpi sge, %add3A_139, %ge3A_152 : i32
      %le3A_154 = arith.constant 250 : i32
      %le3A_155 = arith.cmpi sle, %add3A_139, %le3A_154 : i32
      %and3A_156 = arith.andi %ge3A_153, %le3A_155 : i1
      %convert_element_type3A_157 = arith.extui %and3A_156 : i1 to i32
      %cond3A_158 = arith.constant 0 : i32
      %cond3A_159 = arith.cmpi ne, %convert_element_type3A_157, %cond3A_158 : i32
      scf.if %cond3A_159 {
        %dma_wait3A_168 = arith.constant 0 : i32
        %dma_wait3A_169 = arith.constant 0 : i32
        %dma_wait3A_170 = tpu.memref_slice %arg29[%dma_wait3A_168, %dma_wait3A_169] : memref<10000x128xf32, #tpu.memory_space<vmem_shared>> -> memref<10000x128xf32, #tpu.memory_space<vmem_shared>>
        tpu.wait_indirect_dma semaphore(%arg35 : memref<!tpu.dma_semaphore, #tpu.memory_space<semaphore_mem>>) src(%arg21 : memref<40x128xf32, #tpu.memory_space<vmem>>) dst(%dma_wait3A_170 : memref<10000x128xf32, #tpu.memory_space<vmem_shared>>)
      } else {
      }
      %add3A_160 = arith.constant 2 : i32
      %add3A_161 = arith.addi %add3A_139, %add3A_160 : i32
      %lt3A_162 = arith.constant 250 : i32
      %lt3A_163 = arith.cmpi slt, %add3A_161, %lt3A_162 : i32
      %convert_element_type3A_164 = arith.extui %lt3A_163 : i1 to i32
      %cond3A_165 = arith.constant 0 : i32
      %cond3A_166 = arith.cmpi ne, %convert_element_type3A_164, %cond3A_165 : i32
      scf.if %cond3A_166 {
        %add3A_168 = arith.constant 2 : i32
        %add3A_169 = arith.addi %add3A_139, %add3A_168 : i32
        %mul3A_170 = arith.constant 40 : i32
        %mul3A_171 = arith.muli %add3A_169, %mul3A_170 : i32
        %add3A_172 = arith.addi %mul3A_2, %mul3A_171 : i32
        %dma_start3A_173 = tpu.memref_slice %arg5[%add3A_172] : memref<320000xi32, #tpu.memory_space<hbm>> -> memref<40xi32, #tpu.memory_space<hbm>>
        %dma_start3A_174 = tpu.memref_slice %arg5[%add3A_172] : memref<320000xi32, #tpu.memory_space<hbm>> -> memref<40xi32, #tpu.memory_space<hbm>>
        tpu.enqueue_dma source(%dma_start3A_174 : memref<40xi32, #tpu.memory_space<hbm>>) target(%arg16 : memref<40xi32, #tpu.memory_space<vmem>>) target_semaphore(%arg33 : memref<!tpu.dma_semaphore, #tpu.memory_space<semaphore_mem>>)
        %dma_start3A_175 = tpu.memref_slice %arg6[%add3A_172] : memref<320000xi32, #tpu.memory_space<hbm>> -> memref<40xi32, #tpu.memory_space<hbm>>
        %dma_start3A_176 = tpu.memref_slice %arg6[%add3A_172] : memref<320000xi32, #tpu.memory_space<hbm>> -> memref<40xi32, #tpu.memory_space<hbm>>
        tpu.enqueue_dma source(%dma_start3A_176 : memref<40xi32, #tpu.memory_space<hbm>>) target(%arg17 : memref<40xi32, #tpu.memory_space<vmem>>) target_semaphore(%arg33 : memref<!tpu.dma_semaphore, #tpu.memory_space<semaphore_mem>>)
        %mul3A_177 = arith.constant 16 : i32
        %mul3A_178 = arith.muli %add3A_172, %mul3A_177 : i32
        %dma_start3A_179 = tpu.memref_slice %arg7[%mul3A_178] : memref<5120000xf32, #tpu.memory_space<hbm>> -> memref<640xf32, #tpu.memory_space<hbm>>
        %dma_start3A_180 = tpu.memref_slice %arg7[%mul3A_178] : memref<5120000xf32, #tpu.memory_space<hbm>> -> memref<640xf32, #tpu.memory_space<hbm>>
        tpu.enqueue_dma source(%dma_start3A_180 : memref<640xf32, #tpu.memory_space<hbm>>) target(%arg18 : memref<640xf32, #tpu.memory_space<vmem>>) target_semaphore(%arg33 : memref<!tpu.dma_semaphore, #tpu.memory_space<semaphore_mem>>)
      } else {
      }
      %scan3A_167 = arith.constant 0 : i32
      scf.yield %scan3A_167 : i32
    }
    %scan3A_69 = arith.constant 84 : i32
    %barrier3A_70 = arith.constant 0 : index
    tpu.barrier barrier_id(%barrier3A_70)
    %eq3A_71 = arith.constant 0 : i32
    %eq3A_72 = arith.cmpi eq, %arg1, %eq3A_71 : i32
    %convert_element_type3A_73 = arith.extui %eq3A_72 : i1 to i32
    %cond3A_74 = arith.constant 0 : i32
    %cond3A_75 = arith.cmpi ne, %convert_element_type3A_73, %cond3A_74 : i32
    scf.if %cond3A_75 {
      "tpu.region"() ({
        %run_scoped3A = tpu.sem_alloc : memref<!tpu.dma_semaphore, #tpu.memory_space<semaphore_mem>>
        %dma_start3A_76 = arith.constant 0 : i32
        %dma_start3A_77 = arith.constant 0 : i32
        %dma_start3A_78 = tpu.memref_slice %arg9[%arg0, %dma_start3A_76, %dma_start3A_77] : memref<2x10000x128xf32, #tpu.memory_space<hbm>> -> memref<1x10000x128xf32, #tpu.memory_space<hbm>>
        %dma_start3A_79 = tpu.memref_squeeze %dma_start3A_78 : memref<1x10000x128xf32, #tpu.memory_space<hbm>> -> memref<10000x128xf32, #tpu.memory_space<hbm>>
        tpu.enqueue_dma source(%arg29 : memref<10000x128xf32, #tpu.memory_space<vmem_shared>>) target(%dma_start3A_79 : memref<10000x128xf32, #tpu.memory_space<hbm>>) target_semaphore(%run_scoped3A : memref<!tpu.dma_semaphore, #tpu.memory_space<semaphore_mem>>)
        %dma_wait3A_80 = arith.constant 0 : i32
        %dma_wait3A_81 = arith.constant 0 : i32
        %dma_wait3A_82 = tpu.memref_slice %arg9[%arg0, %dma_wait3A_80, %dma_wait3A_81] : memref<2x10000x128xf32, #tpu.memory_space<hbm>> -> memref<1x10000x128xf32, #tpu.memory_space<hbm>>
        %dma_wait3A_83 = tpu.memref_squeeze %dma_wait3A_82 : memref<1x10000x128xf32, #tpu.memory_space<hbm>> -> memref<10000x128xf32, #tpu.memory_space<hbm>>
        tpu.wait_dma2 semaphore(%run_scoped3A : memref<!tpu.dma_semaphore, #tpu.memory_space<semaphore_mem>>) src(%arg29 : memref<10000x128xf32, #tpu.memory_space<vmem_shared>>) dst(%dma_wait3A_83 : memref<10000x128xf32, #tpu.memory_space<hbm>>)
        tpu.yield
      }) : () -> ()
    } else {
    }
    return
  }
}

module attributes {stable_mosaic.version = 14 : i64} {
  func.func @_pre_body(%arg0: memref<10000x128xf32, #tpu.memory_space<vmem>>, %arg1: memref<128x128xf32, #tpu.memory_space<vmem>>, %arg2: memref<128x128xf32, #tpu.memory_space<vmem>>, %arg3: memref<1x128xf32, #tpu.memory_space<vmem>>, %arg4: memref<10000x128xf32, #tpu.memory_space<vmem>>, %arg5: memref<10000x128xf32, #tpu.memory_space<vmem>>) attributes {dimension_semantics = [], scalar_prefetch = 0 : i64, scratch_operands = 0 : i64, tpu.core_type = #tpu.core_type<tc>} {
    %get3A = arith.constant 0 : index
    %get3A_0 = arith.constant 0 : index
    %get3A_1 = vector.load %arg0[%get3A, %get3A_0] : memref<10000x128xf32, #tpu.memory_space<vmem>>, vector<10000x128xf32>
    %get3A_2 = arith.constant 0 : index
    %get3A_3 = arith.constant 0 : index
    %get3A_4 = vector.load %arg1[%get3A_2, %get3A_3] : memref<128x128xf32, #tpu.memory_space<vmem>>, vector<128x128xf32>
    %dot_general3A = arith.constant dense<0.000000e+00> : vector<10000x128xf32>
    %dot_general3A_5 = tpu.matmul %get3A_1, %get3A_4, %dot_general3A {dimension_numbers = #tpu.dot_dimension_numbers<[1], [0], [0], [1], [0, 0, 1, 1], [], []>, transpose_lhs_hint = false} : vector<10000x128xf32>, vector<128x128xf32>, vector<10000x128xf32> -> vector<10000x128xf32>
    %swap3A = arith.constant 0 : index
    %swap3A_6 = arith.constant 0 : index
    %swap3A_7 = vector.load %arg4[%swap3A, %swap3A_6] : memref<10000x128xf32, #tpu.memory_space<vmem>>, vector<10000x128xf32>
    tpu.vector_store %arg4[%swap3A, %swap3A_6], %dot_general3A_5 {strides = array<i32>} : memref<10000x128xf32, #tpu.memory_space<vmem>>, vector<10000x128xf32>,
    %get3A_8 = arith.constant 0 : index
    %get3A_9 = arith.constant 0 : index
    %get3A_10 = vector.load %arg2[%get3A_8, %get3A_9] : memref<128x128xf32, #tpu.memory_space<vmem>>, vector<128x128xf32>
    %dot_general3A_11 = arith.constant dense<0.000000e+00> : vector<10000x128xf32>
    %dot_general3A_12 = tpu.matmul %get3A_1, %get3A_10, %dot_general3A_11 {dimension_numbers = #tpu.dot_dimension_numbers<[1], [0], [0], [1], [0, 0, 1, 1], [], []>, transpose_lhs_hint = false} : vector<10000x128xf32>, vector<128x128xf32>, vector<10000x128xf32> -> vector<10000x128xf32>
    %get3A_13 = arith.constant 0 : index
    %get3A_14 = arith.constant 0 : index
    %get3A_15 = vector.load %arg3[%get3A_13, %get3A_14] : memref<1x128xf32, #tpu.memory_space<vmem>>, vector<1x128xf32>
    %add3A = vector.broadcast %get3A_15 : vector<1x128xf32> to vector<10000x128xf32>
    %add3A_16 = arith.addf %dot_general3A_12, %add3A : vector<10000x128xf32>
    %swap3A_17 = arith.constant 0 : index
    %swap3A_18 = arith.constant 0 : index
    %swap3A_19 = vector.load %arg5[%swap3A_17, %swap3A_18] : memref<10000x128xf32, #tpu.memory_space<vmem>>, vector<10000x128xf32>
    tpu.vector_store %arg5[%swap3A_17, %swap3A_18], %add3A_16 {strides = array<i32>} : memref<10000x128xf32, #tpu.memory_space<vmem>>, vector<10000x128xf32>,
    return
  }
}

module attributes {stable_mosaic.version = 14 : i64} {
  func.func @_post_pre_body(%arg0: memref<10000x128xf32, #tpu.memory_space<vmem>>, %arg1: memref<10000x128xf32, #tpu.memory_space<vmem>>, %arg2: memref<10000x128xf32, #tpu.memory_space<vmem>>, %arg3: memref<128x128xf32, #tpu.memory_space<vmem>>, %arg4: memref<128x128xf32, #tpu.memory_space<vmem>>, %arg5: memref<128x128xf32, #tpu.memory_space<vmem>>, %arg6: memref<1x128xf32, #tpu.memory_space<vmem>>, %arg7: memref<128x128xf32, #tpu.memory_space<vmem>>, %arg8: memref<128x128xf32, #tpu.memory_space<vmem>>, %arg9: memref<1x128xf32, #tpu.memory_space<vmem>>, %arg10: memref<10000x128xf32, #tpu.memory_space<vmem>>, %arg11: memref<10000x128xf32, #tpu.memory_space<vmem>>, %arg12: memref<10000x128xf32, #tpu.memory_space<vmem>>) attributes {dimension_semantics = [], scalar_prefetch = 0 : i64, scratch_operands = 0 : i64, tpu.core_type = #tpu.core_type<tc>} {
    %get3A = arith.constant 0 : index
    %get3A_0 = arith.constant 0 : index
    %get3A_1 = vector.load %arg0[%get3A, %get3A_0] : memref<10000x128xf32, #tpu.memory_space<vmem>>, vector<10000x128xf32>
    %get3A_2 = arith.constant 0 : index
    %get3A_3 = arith.constant 0 : index
    %get3A_4 = vector.load %arg1[%get3A_2, %get3A_3] : memref<10000x128xf32, #tpu.memory_space<vmem>>, vector<10000x128xf32>
    %get3A_5 = arith.constant 0 : index
    %get3A_6 = arith.constant 0 : index
    %get3A_7 = vector.load %arg2[%get3A_5, %get3A_6] : memref<10000x128xf32, #tpu.memory_space<vmem>>, vector<10000x128xf32>
    %add3A = arith.addf %get3A_4, %get3A_7 : vector<10000x128xf32>
    %get3A_8 = arith.constant 0 : index
    %get3A_9 = arith.constant 0 : index
    %get3A_10 = vector.load %arg4[%get3A_8, %get3A_9] : memref<128x128xf32, #tpu.memory_space<vmem>>, vector<128x128xf32>
    %dot_general3A = arith.constant dense<0.000000e+00> : vector<10000x128xf32>
    %dot_general3A_11 = tpu.matmul %get3A_1, %get3A_10, %dot_general3A {dimension_numbers = #tpu.dot_dimension_numbers<[1], [0], [0], [1], [0, 0, 1, 1], [], []>, transpose_lhs_hint = false} : vector<10000x128xf32>, vector<128x128xf32>, vector<10000x128xf32> -> vector<10000x128xf32>
    %get3A_12 = arith.constant 0 : index
    %get3A_13 = arith.constant 0 : index
    %get3A_14 = vector.load %arg5[%get3A_12, %get3A_13] : memref<128x128xf32, #tpu.memory_space<vmem>>, vector<128x128xf32>
    %dot_general3A_15 = arith.constant dense<0.000000e+00> : vector<10000x128xf32>
    %dot_general3A_16 = tpu.matmul %add3A, %get3A_14, %dot_general3A_15 {dimension_numbers = #tpu.dot_dimension_numbers<[1], [0], [0], [1], [0, 0, 1, 1], [], []>, transpose_lhs_hint = false} : vector<10000x128xf32>, vector<128x128xf32>, vector<10000x128xf32> -> vector<10000x128xf32>
    %add3A_17 = arith.addf %dot_general3A_11, %dot_general3A_16 : vector<10000x128xf32>
    %get3A_18 = arith.constant 0 : index
    %get3A_19 = arith.constant 0 : index
    %get3A_20 = vector.load %arg6[%get3A_18, %get3A_19] : memref<1x128xf32, #tpu.memory_space<vmem>>, vector<1x128xf32>
    %add3A_21 = vector.broadcast %get3A_20 : vector<1x128xf32> to vector<10000x128xf32>
    %add3A_22 = arith.addf %add3A_17, %add3A_21 : vector<10000x128xf32>
    %get3A_23 = arith.constant 0 : index
    %get3A_24 = arith.constant 0 : index
    %get3A_25 = vector.load %arg3[%get3A_23, %get3A_24] : memref<128x128xf32, #tpu.memory_space<vmem>>, vector<128x128xf32>
    %dot_general3A_26 = arith.constant dense<0.000000e+00> : vector<10000x128xf32>
    %dot_general3A_27 = tpu.matmul %get3A_1, %get3A_25, %dot_general3A_26 {dimension_numbers = #tpu.dot_dimension_numbers<[1], [0], [0], [1], [0, 0, 1, 1], [], []>, transpose_lhs_hint = false} : vector<10000x128xf32>, vector<128x128xf32>, vector<10000x128xf32> -> vector<10000x128xf32>
    %max3A = arith.constant 0.000000e+00 : f32
    %max3A_28 = vector.broadcast %max3A : f32 to vector<10000x128xf32>
    %max3A_29 = arith.maximumf %add3A_22, %max3A_28 : vector<10000x128xf32>
    %add3A_30 = arith.addf %dot_general3A_27, %max3A_29 : vector<10000x128xf32>
    %swap3A = arith.constant 0 : index
    %swap3A_31 = arith.constant 0 : index
    %swap3A_32 = vector.load %arg10[%swap3A, %swap3A_31] : memref<10000x128xf32, #tpu.memory_space<vmem>>, vector<10000x128xf32>
    tpu.vector_store %arg10[%swap3A, %swap3A_31], %add3A_30 {strides = array<i32>} : memref<10000x128xf32, #tpu.memory_space<vmem>>, vector<10000x128xf32>,
    %get3A_33 = arith.constant 0 : index
    %get3A_34 = arith.constant 0 : index
    %get3A_35 = vector.load %arg7[%get3A_33, %get3A_34] : memref<128x128xf32, #tpu.memory_space<vmem>>, vector<128x128xf32>
    %dot_general3A_36 = arith.constant dense<0.000000e+00> : vector<10000x128xf32>
    %dot_general3A_37 = tpu.matmul %add3A_30, %get3A_35, %dot_general3A_36 {dimension_numbers = #tpu.dot_dimension_numbers<[1], [0], [0], [1], [0, 0, 1, 1], [], []>, transpose_lhs_hint = false} : vector<10000x128xf32>, vector<128x128xf32>, vector<10000x128xf32> -> vector<10000x128xf32>
    %swap3A_38 = arith.constant 0 : index
    %swap3A_39 = arith.constant 0 : index
    %swap3A_40 = vector.load %arg11[%swap3A_38, %swap3A_39] : memref<10000x128xf32, #tpu.memory_space<vmem>>, vector<10000x128xf32>
    tpu.vector_store %arg11[%swap3A_38, %swap3A_39], %dot_general3A_37 {strides = array<i32>} : memref<10000x128xf32, #tpu.memory_space<vmem>>, vector<10000x128xf32>,
    %get3A_41 = arith.constant 0 : index
    %get3A_42 = arith.constant 0 : index
    %get3A_43 = vector.load %arg8[%get3A_41, %get3A_42] : memref<128x128xf32, #tpu.memory_space<vmem>>, vector<128x128xf32>
    %dot_general3A_44 = arith.constant dense<0.000000e+00> : vector<10000x128xf32>
    %dot_general3A_45 = tpu.matmul %add3A_30, %get3A_43, %dot_general3A_44 {dimension_numbers = #tpu.dot_dimension_numbers<[1], [0], [0], [1], [0, 0, 1, 1], [], []>, transpose_lhs_hint = false} : vector<10000x128xf32>, vector<128x128xf32>, vector<10000x128xf32> -> vector<10000x128xf32>
    %get3A_46 = arith.constant 0 : index
    %get3A_47 = arith.constant 0 : index
    %get3A_48 = vector.load %arg9[%get3A_46, %get3A_47] : memref<1x128xf32, #tpu.memory_space<vmem>>, vector<1x128xf32>
    %add3A_49 = vector.broadcast %get3A_48 : vector<1x128xf32> to vector<10000x128xf32>
    %add3A_50 = arith.addf %dot_general3A_45, %add3A_49 : vector<10000x128xf32>
    %swap3A_51 = arith.constant 0 : index
    %swap3A_52 = arith.constant 0 : index
    %swap3A_53 = vector.load %arg12[%swap3A_51, %swap3A_52] : memref<10000x128xf32, #tpu.memory_space<vmem>>, vector<10000x128xf32>
    tpu.vector_store %arg12[%swap3A_51, %swap3A_52], %add3A_50 {strides = array<i32>} : memref<10000x128xf32, #tpu.memory_space<vmem>>, vector<10000x128xf32>,
    return
  }
}

module attributes {stable_mosaic.version = 14 : i64} {
  func.func @_post_readout_body(%arg0: memref<10000x128xf32, #tpu.memory_space<vmem>>, %arg1: memref<10000x128xf32, #tpu.memory_space<vmem>>, %arg2: memref<10000x128xf32, #tpu.memory_space<vmem>>, %arg3: memref<128x128xf32, #tpu.memory_space<vmem>>, %arg4: memref<128x128xf32, #tpu.memory_space<vmem>>, %arg5: memref<128x128xf32, #tpu.memory_space<vmem>>, %arg6: memref<1x128xf32, #tpu.memory_space<vmem>>, %arg7: memref<8x10000xi32, #tpu.memory_space<vmem>>, %arg8: memref<128x128xf32, #tpu.memory_space<vmem>>, %arg9: memref<1x128xf32, #tpu.memory_space<vmem>>, %arg10: memref<128x128xf32, #tpu.memory_space<vmem>>, %arg11: memref<1x128xf32, #tpu.memory_space<vmem>>, %arg12: memref<64x128xf32, #tpu.memory_space<vmem>>) attributes {dimension_semantics = [], scalar_prefetch = 0 : i64, scratch_operands = 0 : i64, tpu.core_type = #tpu.core_type<tc>} {
    %get3A = arith.constant 0 : index
    %get3A_0 = arith.constant 0 : index
    %get3A_1 = vector.load %arg0[%get3A, %get3A_0] : memref<10000x128xf32, #tpu.memory_space<vmem>>, vector<10000x128xf32>
    %get3A_2 = arith.constant 0 : index
    %get3A_3 = arith.constant 0 : index
    %get3A_4 = vector.load %arg1[%get3A_2, %get3A_3] : memref<10000x128xf32, #tpu.memory_space<vmem>>, vector<10000x128xf32>
    %get3A_5 = arith.constant 0 : index
    %get3A_6 = arith.constant 0 : index
    %get3A_7 = vector.load %arg2[%get3A_5, %get3A_6] : memref<10000x128xf32, #tpu.memory_space<vmem>>, vector<10000x128xf32>
    %add3A = arith.addf %get3A_4, %get3A_7 : vector<10000x128xf32>
    %get3A_8 = arith.constant 0 : index
    %get3A_9 = arith.constant 0 : index
    %get3A_10 = vector.load %arg4[%get3A_8, %get3A_9] : memref<128x128xf32, #tpu.memory_space<vmem>>, vector<128x128xf32>
    %dot_general3A = arith.constant dense<0.000000e+00> : vector<10000x128xf32>
    %dot_general3A_11 = tpu.matmul %get3A_1, %get3A_10, %dot_general3A {dimension_numbers = #tpu.dot_dimension_numbers<[1], [0], [0], [1], [0, 0, 1, 1], [], []>, transpose_lhs_hint = false} : vector<10000x128xf32>, vector<128x128xf32>, vector<10000x128xf32> -> vector<10000x128xf32>
    %get3A_12 = arith.constant 0 : index
    %get3A_13 = arith.constant 0 : index
    %get3A_14 = vector.load %arg5[%get3A_12, %get3A_13] : memref<128x128xf32, #tpu.memory_space<vmem>>, vector<128x128xf32>
    %dot_general3A_15 = arith.constant dense<0.000000e+00> : vector<10000x128xf32>
    %dot_general3A_16 = tpu.matmul %add3A, %get3A_14, %dot_general3A_15 {dimension_numbers = #tpu.dot_dimension_numbers<[1], [0], [0], [1], [0, 0, 1, 1], [], []>, transpose_lhs_hint = false} : vector<10000x128xf32>, vector<128x128xf32>, vector<10000x128xf32> -> vector<10000x128xf32>
    %add3A_17 = arith.addf %dot_general3A_11, %dot_general3A_16 : vector<10000x128xf32>
    %get3A_18 = arith.constant 0 : index
    %get3A_19 = arith.constant 0 : index
    %get3A_20 = vector.load %arg6[%get3A_18, %get3A_19] : memref<1x128xf32, #tpu.memory_space<vmem>>, vector<1x128xf32>
    %add3A_21 = vector.broadcast %get3A_20 : vector<1x128xf32> to vector<10000x128xf32>
    %add3A_22 = arith.addf %add3A_17, %add3A_21 : vector<10000x128xf32>
    %get3A_23 = arith.constant 0 : index
    %get3A_24 = arith.constant 0 : index
    %get3A_25 = vector.load %arg3[%get3A_23, %get3A_24] : memref<128x128xf32, #tpu.memory_space<vmem>>, vector<128x128xf32>
    %dot_general3A_26 = arith.constant dense<0.000000e+00> : vector<10000x128xf32>
    %dot_general3A_27 = tpu.matmul %get3A_1, %get3A_25, %dot_general3A_26 {dimension_numbers = #tpu.dot_dimension_numbers<[1], [0], [0], [1], [0, 0, 1, 1], [], []>, transpose_lhs_hint = false} : vector<10000x128xf32>, vector<128x128xf32>, vector<10000x128xf32> -> vector<10000x128xf32>
    %max3A = arith.constant 0.000000e+00 : f32
    %max3A_28 = vector.broadcast %max3A : f32 to vector<10000x128xf32>
    %max3A_29 = arith.maximumf %add3A_22, %max3A_28 : vector<10000x128xf32>
    %add3A_30 = arith.addf %dot_general3A_27, %max3A_29 : vector<10000x128xf32>
    %get3A_31 = arith.constant 0 : index
    %get3A_32 = arith.constant 0 : index
    %get3A_33 = vector.load %arg7[%get3A_31, %get3A_32] : memref<8x10000xi32, #tpu.memory_space<vmem>>, vector<1x10000xi32>
    %iota3A = tpu.iota {dimensions = array<i32: 0>} : vector<64x10000xi32>
    %eq3A = vector.broadcast %get3A_33 : vector<1x10000xi32> to vector<64x10000xi32>
    %eq3A_34 = arith.cmpi eq, %iota3A, %eq3A : vector<64x10000xi32>
    %convert_element_type3A = arith.extui %eq3A_34 : vector<64x10000xi1> to vector<64x10000xi32>
    %convert_element_type3A_35 = arith.sitofp %convert_element_type3A : vector<64x10000xi32> to vector<64x10000xf32>
    %dot_general3A_36 = arith.constant dense<0.000000e+00> : vector<64x128xf32>
    %dot_general3A_37 = tpu.matmul %convert_element_type3A_35, %add3A_30, %dot_general3A_36 {dimension_numbers = #tpu.dot_dimension_numbers<[1], [0], [0], [1], [0, 0, 1, 1], [], []>, transpose_lhs_hint = false} : vector<64x10000xf32>, vector<10000x128xf32>, vector<64x128xf32> -> vector<64x128xf32>
    %get3A_38 = arith.constant 0 : index
    %get3A_39 = arith.constant 0 : index
    %get3A_40 = vector.load %arg8[%get3A_38, %get3A_39] : memref<128x128xf32, #tpu.memory_space<vmem>>, vector<128x128xf32>
    %dot_general3A_41 = arith.constant dense<0.000000e+00> : vector<64x128xf32>
    %dot_general3A_42 = tpu.matmul %dot_general3A_37, %get3A_40, %dot_general3A_41 {dimension_numbers = #tpu.dot_dimension_numbers<[1], [0], [0], [1], [0, 0, 1, 1], [], []>, transpose_lhs_hint = false} : vector<64x128xf32>, vector<128x128xf32>, vector<64x128xf32> -> vector<64x128xf32>
    %get3A_43 = arith.constant 0 : index
    %get3A_44 = arith.constant 0 : index
    %get3A_45 = vector.load %arg9[%get3A_43, %get3A_44] : memref<1x128xf32, #tpu.memory_space<vmem>>, vector<1x128xf32>
    %add3A_46 = vector.broadcast %get3A_45 : vector<1x128xf32> to vector<64x128xf32>
    %add3A_47 = arith.addf %dot_general3A_42, %add3A_46 : vector<64x128xf32>
    %max3A_48 = arith.constant 0.000000e+00 : f32
    %max3A_49 = vector.broadcast %max3A_48 : f32 to vector<64x128xf32>
    %max3A_50 = arith.maximumf %add3A_47, %max3A_49 : vector<64x128xf32>
    %get3A_51 = arith.constant 0 : index
    %get3A_52 = arith.constant 0 : index
    %get3A_53 = vector.load %arg10[%get3A_51, %get3A_52] : memref<128x128xf32, #tpu.memory_space<vmem>>, vector<128x128xf32>
    %dot_general3A_54 = arith.constant dense<0.000000e+00> : vector<64x128xf32>
    %dot_general3A_55 = tpu.matmul %max3A_50, %get3A_53, %dot_general3A_54 {dimension_numbers = #tpu.dot_dimension_numbers<[1], [0], [0], [1], [0, 0, 1, 1], [], []>, transpose_lhs_hint = false} : vector<64x128xf32>, vector<128x128xf32>, vector<64x128xf32> -> vector<64x128xf32>
    %get3A_56 = arith.constant 0 : index
    %get3A_57 = arith.constant 0 : index
    %get3A_58 = vector.load %arg11[%get3A_56, %get3A_57] : memref<1x128xf32, #tpu.memory_space<vmem>>, vector<1x128xf32>
    %add3A_59 = vector.broadcast %get3A_58 : vector<1x128xf32> to vector<64x128xf32>
    %add3A_60 = arith.addf %dot_general3A_55, %add3A_59 : vector<64x128xf32>
    %swap3A = arith.constant 0 : index
    %swap3A_61 = arith.constant 0 : index
    %swap3A_62 = vector.load %arg12[%swap3A, %swap3A_61] : memref<64x128xf32, #tpu.memory_space<vmem>>, vector<64x128xf32>
    tpu.vector_store %arg12[%swap3A, %swap3A_61], %add3A_60 {strides = array<i32>} : memref<64x128xf32, #tpu.memory_space<vmem>>, vector<64x128xf32>,
    return
  }
}

</mosaic_0001>

<sc_bundles>
// kernel: kernel.10.cloned.1.call-start
scs
__scs_entry_jumppad:
0x0: {  	(pc) =	sbr.rel $0x88, $3  }
0x1: {  	(tag) =	ssettag $0x0;
	lr =	simm.s32 $0x1  }
0x2: {  	[smem:$0x3F8F] =	sst lr;
	_ =	strace $0xD0000000  }
0x3: {  	_ = 	snop  }
0x4: {  	_ = 	snop  }
0x5: {  	_ = 	snop  }
0x6: {  	_ = 	snop  }
0x7: {  	_ = 	snop  }
__scs_overlays_trampoline_lowered:
0x8: {  	[smem:$0x3F9E] =	sst s0  }
0x9: {  	[smem:$0x3F9F] =	sst s1  }
0xa: {  	[smem:$0x3FA0] =	sst s2  }
0xb: {  	[smem:$0x3FA1] =	sst s3  }
0xc: {  	[smem:$0x3FA2] =	sst s4  }
0xd: {  	[smem:$0x3FA3] =	sst s5  }
0xe: {  	[smem:$0x3FA4] =	sst s6  }
0xf: {  	[smem:$0x3FA5] =	sst s7  }
0x10: {  	[smem:$0x3FA6] =	sst s8  }
0x11: {  	[smem:$0x3FA7] =	sst s9;
	s0 =	simm.s32 @!p0 $0x0  }
0x12: {  	s1 =	sld [smem:$0x3F8D];
	s0 =	simm.s32 @p0 $0x1  }
0x13: {  	[smem:$0x3FA8] =	sst s0;
	s0 =	simm.s32 @!p1 $0x0  }
0x14: {  	s2 =	sld [smem:$0x3F8C];
	s0 =	simm.s32 @p1 $0x1  }
0x15: {  	[smem:$0x3FA9] =	sst s0;
	s0 =	simm.s32 @!p2 $0x0  }
0x16: {  	s3 =	sld [smem:$0x3FDB];
	s0 =	simm.s32 @p2 $0x1  }
0x17: {  	s4 =	simm.s32 $0x1BF5;
	[smem:$0x3FAB] =	sst s0  }
0x18: {  	s0 =	sld [smem:$0x3F8E];
	_ =	swait.ge [sflag:s4], $0x0  }
0x19: {  	s7 =	sld [smem:$0x3F8F]  }
0x1a: {  	s8 =	sadd.s32 $0xFFFFE003, lr  }
0x1b: {  	s9 =	sadd.s32 $0xFFFFFEF7, lr;
	s5 =	simm.s32 $0xFFFFFFFF;
	p2 =	slt.u32 s8, $0xFFFFF086  }
0x1c: {  	p1 =	slt.u32 s9, $0xF7A;
	s5 =	simm.s32 @!p2 $0x0  }
0x1d: {  	s5 =	simm.s32 @p1 $0x1;
	p0 =	seq.s32 s7, s2  }
0x1e: {  	s7 =	smul.u32 @!p0 $0xF7A, s2;
	p2 =	seq.s32 @!p0 s5, $0x0  }
0x1f: {  	s9 =	smul.u32 $0xF7A, s1;
	s8 =	simm.s32 @!p0 $0x1BF5;
	p2 =	por !p2, p0  }
0x20: {  	[sflag:s8] =	ssyncset.s32 @!p0 $0xFFFFF086;
	s6 =	sadd.s32 @!p0 s3, s7;
	s7 =	simm.s32 @!p0 $0x108  }
0x21: {  	s3 =	sadd.s32 s3, s9;
	s6 =	sadd.s32 @!p0 $0x88, s6;
	s7 =	simm.s32 @p2 $0x1082  }
0x22: {  	[simem:s7], [sflag:s8] =	dma.local @!p0 [hbm:s6], $0xF7A  }
0x23: {  	s9 =	sor.u32 $0xD0000000, s2;
	s6 =	simm.s32 $0x108;
	_ =	swait.ge @!p0 [sflag:s8], $0x0  }
0x24: {  	s3 =	sadd.s32 $0x88, s3;
	s6 =	simm.s32 @!p1 $0x1082;
	[sflag:s4] =	ssyncset.s32 $0xFFFFF086  }
0x25: {  	[simem:s6], [sflag:s4] =	dma.local [hbm:s3], $0xF7A  }
0x26: {  	[smem:$0x3F8F] =	sst s1;
	(tag) =	ssettag s2;
	_ =	strace s9  }
0x27: {  	s1 =	sld [smem:$0x3F9F]  }
0x28: {  	s2 =	sld [smem:$0x3FA0]  }
0x29: {  	s4 =	sld [smem:$0x3FA2]  }
0x2a: {  	p0 =	seq.s32 s5, $0x0;
	s5 =	sld [smem:$0x3FA3]  }
0x2b: {  	s6 =	sld [smem:$0x3FA4]  }
0x2c: {  	s7 =	sld [smem:$0x3FA5]  }
0x2d: {  	s3 =	simm.s32 $0x108;
	s8 =	sld [smem:$0x3FA6]  }
0x2e: {  	s3 =	simm.s32 @!p0 $0x1082;
	s9 =	sld [smem:$0x3FA7]  }
0x2f: {  	lr =	sadd.s32 s0, s3;
	s0 =	sld [smem:$0x3F9E]  }
0x30: {  	s3 =	sld [smem:$0x3FA1]  }
0x31: {  	[smem:$0x3FAA] =	sst s10  }
0x32: {  	s10 =	sld [smem:$0x3FA8];
	_ =	sdelay $0x3  }
0x33: {  	p0 =	seq.s32 s10, $0x1;
	s10 =	sld [smem:$0x3FAA];
	_ =	sdelay $0x3  }
0x34: {  	[smem:$0x3FAA] =	sst s10  }
0x35: {  	s10 =	sld [smem:$0x3FA9];
	_ =	sdelay $0x3  }
0x36: {  	p1 =	seq.s32 s10, $0x1;
	s10 =	sld [smem:$0x3FAA];
	_ =	sdelay $0x3  }
0x37: {  	[smem:$0x3FAA] =	sst s10  }
0x38: {  	s10 =	sld [smem:$0x3FAB]  }
0x39: {  	_ = 	snop;
	(pc) =	sbr.ind lr, $3  }
0x3a: {  	_ = 	snop  }
0x3b: {  	_ = 	snop  }
0x3c: {  	p2 =	seq.s32 s10, $0x1;
	s10 =	sld [smem:$0x3FAA]  }
0x3d: {  	_ =	shalt  }
0x3e: {  	_ =	shalt  }
0x3f: {  	_ =	shalt  }
0x40: {  	_ =	shalt  }
0x41: {  	_ =	shalt  }
0x42: {  	_ =	shalt  }
0x43: {  	_ =	shalt  }
0x44: {  	_ =	shalt  }
0x45: {  	_ =	shalt  }
0x46: {  	_ =	shalt  }
0x47: {  	_ =	shalt  }
0x48: {  	_ =	shalt  }
0x49: {  	_ =	shalt  }
0x4a: {  	_ =	shalt  }
0x4b: {  	_ =	shalt  }
0x4c: {  	_ =	shalt  }
0x4d: {  	_ =	shalt  }
0x4e: {  	_ =	shalt  }
0x4f: {  	_ =	shalt  }
0x50: {  	_ =	shalt  }
0x51: {  	_ =	shalt  }
0x52: {  	_ =	shalt  }
0x53: {  	_ =	shalt  }
0x54: {  	_ =	shalt  }
0x55: {  	_ =	shalt  }
0x56: {  	_ =	shalt  }
0x57: {  	_ =	shalt  }
0x58: {  	_ =	shalt  }
0x59: {  	_ =	shalt  }
0x5a: {  	_ =	shalt  }
0x5b: {  	_ =	shalt  }
0x5c: {  	_ =	shalt  }
0x5d: {  	_ =	shalt  }
0x5e: {  	_ =	shalt  }
0x5f: {  	_ =	shalt  }
0x60: {  	_ =	shalt  }
0x61: {  	_ =	shalt  }
0x62: {  	_ =	shalt  }
0x63: {  	_ =	shalt  }
0x64: {  	_ =	shalt  }
0x65: {  	_ =	shalt  }
0x66: {  	_ =	shalt  }
0x67: {  	_ =	shalt  }
0x68: {  	_ =	shalt  }
0x69: {  	_ =	shalt  }
0x6a: {  	_ =	shalt  }
0x6b: {  	_ =	shalt  }
0x6c: {  	_ =	shalt  }
0x6d: {  	_ =	shalt  }
0x6e: {  	_ =	shalt  }
0x6f: {  	_ =	shalt  }
0x70: {  	_ =	shalt  }
0x71: {  	_ =	shalt  }
0x72: {  	_ =	shalt  }
0x73: {  	_ =	shalt  }
0x74: {  	_ =	shalt  }
0x75: {  	_ =	shalt  }
0x76: {  	_ =	shalt  }
0x77: {  	_ =	shalt  }
0x78: {  	_ =	shalt  }
0x79: {  	_ =	shalt  }
0x7a: {  	_ =	shalt  }
0x7b: {  	_ =	shalt  }
0x7c: {  	_ =	shalt  }
0x7d: {  	_ =	shalt  }
0x7e: {  	_ =	shalt  }
0x7f: {  	_ =	shalt  }
0x80: {  	_ =	shalt  }
0x81: {  	_ =	shalt  }
0x82: {  	_ =	shalt  }
0x83: {  	_ =	shalt  }
0x84: {  	_ =	shalt  }
0x85: {  	_ =	shalt  }
0x86: {  	_ =	shalt  }
0x87: {  	_ =	shalt  }
.Lfunc_end0:
.L_simem_size_0:
called_computation.1_lowered:
.L_overlay_start_0:
0x88: {  	s2 =	sld [smem:$0x3FD9]  }
0x89: {  	s3 =	sld [smem:$0x3FFE];
	_ =	sdelay $0x1  }
0x8a: {  	s1 =	srdreg.scid  }
0x8b: {  	s0 =	sand.u32 $0x1, s1  }
0x8c: {  	s16 =	sshll.u32 s0, $0xA;
	s2 =	sadd.s32 s3, s2  }
0x8d: {  	s2 =	sadd.s32 s2, s16  }
0x8e: {  	[smem:$0x3FB6] =	sst s2  }
0x8f: {  	_ = 	snop  }
0x90: {  	(tm) =	ssettm $0x1  }
0x91: {  	s17 =	sld [smem:$0x3FFB];
	_ =	sdelay $0x3  }
0x92: {  	_ =	strace s17  }
0x93: {  	s2 =	sld [smem:$0x3FFC];
	_ =	sdelay $0x3  }
0x94: {  	_ =	strace s2  }
0x95: {  	s2 =	sld [smem:$0x3FFD];
	_ =	sdelay $0x3  }
0x96: {  	_ =	strace s2  }
0x97: {  	_ =	strace $0x8FFFFFFF  }
0x98: {  	s18 =	sld [smem:$0x3FDB];
	_ =	sdelay $0x1  }
0x99: {  	s19 =	simm.s32 $_scs_section_size  }
0x9a: {  	s4 =	simm.s32 $_size__tile_overlayer_lowered;
	s5 =	simm.s32 $_tile_overlayer_lowered  }
0x9b: {  	s22 =	simm.s32 $0x1BFF;
	s21 =	sshll.u32 s5, $0x1;
	s2 =	sadd.s32 s19, s18  }
0x9c: {  	s6 =	simm.s32 $0x0;
	s20 =	sshll.u32 s4, $0x1;
	s4 =	sadd.s32 s21, s2  }
0x9d: {  	[timem:s6], [sflag:s22] =	dma.local [hbm:s4], s20  }
0x9e: {  	_ =	swait.ge [sflag:s22], s20  }
0x9f: {  	s3 =	ssub.s32 $0x0, s20;
	[sflag:s22] =	ssyncset.done $0x0  }
0xa0: {  	[sflag:s22] =	ssyncadd.s32 s3;
	_ =	sdelay $0x1  }
0xa1: {  	s23 =	simm.s32 $0x1B8B  }
0xa2: {  	_ =	swait.ge [sflag:s23], $0x1  }
0xa3: {  	[sflag:s23] =	ssyncset.done $0x0  }
0xa4: {  	s25 =	simm.s32 $0x1B8E;
	s24 =	sld [smem:$0x3FFE];
	[sflag:s23] =	ssyncadd.s32 $0xFFFFFFFF  }
0xa5: {  	s26 =	simm.s32 $execute0_lowered;
	[smem:$0x3FD2] =	sst s25  }
0xa6: {  	s4 =	sshll.u32 s26, $0x1;
	_ =	strace $0x80000049;
	[dreg:$0x1] =	wrdreg $0xFFFFFFFF  }
0xa7: {  	s28 =	simm.s32 $_size_execute0_lowered;
	s2 =	sadd.s32 s2, s4;
	[dreg:$0x0] =	wrdreg $0x0  }
0xa8: {  	s4 =	sshll.u32 s28, $0x1;
	[dreg:$0x2] =	wrdreg s2  }
0xa9: {  	[dreg:$0x3] =	wrdreg s4  }
0xaa: {  	[dreg:$0x4] =	wrdreg $0xC0  }
0xab: {  	_ =	task [dreg:s6], $0x5FFFF  }
0xac: {  	[dreg:$0x1] =	wrdreg $0xFFFFFFFF  }
0xad: {  	[dreg:$0x0] =	wrdreg $0x60  }
0xae: {  	[dreg:$0x2] =	wrdreg s24  }
0xaf: {  	[dreg:$0x3] =	wrdreg $0xBF000  }
0xb0: {  	[dreg:$0x4] =	wrdreg $0x9  }
0xb1: {  	_ =	task.clear_ibuf [dreg:s6], $0x5FFFF;
	_ =	strace $0x90000049  }
0xb2: {  	s29 =	simm.s32 $0x9;
	_ =	strace $0x8000004B  }
0xb3: {  	_ =	swait.ge [sflag:s29], $0x1  }
0xb4: {  	[sflag:s29] =	ssyncadd.s32 $0xFFFFFFFF  }
0xb5: {  	_ =	strace $0x9000004B  }
0xb6: {  	_ =	sfence  }
0xb7: {  	s30 =	sld [smem:$0x0];
	_ =	sdelay $0x2  }
0xb8: {  	s31 =	sshll.u32 s1, $0xD;
	s1 =	sshrl.u32 s1, $0x2  }
0xb9: {  	s3 =	sand.u32 $0x4000, s31;
	s1 =	sadd.s32 s1, s30  }
0xba: {  	s0 =	sor.u32 s3, s0;
	s1 =	sshll.u32 s1, $0x11  }
0xbb: {  	s0 =	sor.u32 s1, s0  }
0xbc: {  	s0 =	sadd.s32 $0x8F2B, s0  }
0xbd: {  	[sflag:s0] =	ssyncadd.remote.s32 $0x1  }
0xbe: {  	_ =	sfence.sel $0xFFFF  }
0xbf: {  	[dreg:$0x0] =	wrdreg $0xFFFFFFFF;
	(pc) =	sbr.abs _section_cstart, $3  }
0xc0: {  	[dreg:$0x1] =	wrdreg $0xFFFFFFFF  }
0xc1: {  	_ =	task.clear_ibuf [dreg:s6], $0x2FFFF;
	_ =	strace $0x9FFFFFFF  }
0xc2: {  	(tm) =	ssettm $0x7FFFFFFF  }
0xc3: {  	_ =	shalt  }
tec
execute0_lowered:
.L_overlay_start_1:
0x0: {  	(tag) =	ssettag $0x1  }
0x1: {  	s0 =	rddreg [dreg:$0x0]  }
0x2: {  	s1 =	rddreg [dreg:$0x1];
	s2 =	simm.s32 $0x0  }
0x3: {  	s16 =	srdreg.scid;
	s9 =	stileid.u32;
	s30 =	simm.s32 $0x1  }
0x4: {  	s31 =	simm.s32 $0x28;
	s29 =	simm.s32 $0x2;
	s15 =	simm.s32 $0x0  }
0x5: {  	[smem:$0x7FF] =	sst s2;
	s3 =	sadd.s32 $0x8C600, s0;
	s4 =	sadd.s32 $0x17000, s0  }
0x6: {  	s5 =	sadd.s32 $0xDA800, s0;
	s6 =	sadd.s32 $0xD200, s0;
	s7 =	sadd.s32 $0x3400, s0  }
0x7: {  	s8 =	sshll.u32 s9, $0x1;
	s14 =	sadd.s32 $0x65400, s0;
	p0 =	sne.s32 s9, $0x0  }
0x8: {  	_ =	strace $0x8000004A;
	[dreg:$0x3] =	wrdreg s5;
	s5 =	sand.u32 $0x1, s16  }
0x9: {  	s10 =	smul.u32 $0x27100, s5;
	s11 =	ssub.s32 $0x2, s5;
	s5 =	sor.u32 s5, s8  }
0xa: {  	s9 =	simm.s32 $0x3;
	[dreg:$0x4] =	wrdreg s14;
	s13 =	smul.u32 $0x2710, s5  }
0xb: {  	s14 =	simm.s32 $0x7F80;
	s12 =	sshrl.u32 s11, $0x1;
	s5 =	smul.u32 $0x4E20, s5  }
0xc: {  	s8 =	sadd.s32 $0x4F9000, s0;
	s0 =	sadd.s32 s10, s0;
	s17 =	ssub.s32 s11, s12  }
0xd: {  	s10 =	simm.s32 $0x4;
	s12 =	simm.s32 $0x8;
	s5 =	sadd.s32 s8, s5  }
0xe: {  	s19 =	sshrl.u32 s13, $0x3;
	s25 =	sadd.s32 $0x50, s13;
	[dreg:$0x7] =	wrdreg s5  }
0xf: {  	s20 =	sadd.s32 $0x28, s13;
	s26 =	sadd.s32 $0x78, s13;
	[dreg:$0xb] =	wrdreg s25  }
0x10: {  	s18 =	sadd.s32 $0xA0, s13;
	s0 =	sadd.s32 $0xDAA00, s0;
	[dreg:$0xc] =	wrdreg s26  }
0x11: {  	s28 =	smax.u32 s17, $0x1;
	s13 =	simm.s32 $0x7F00;
	[dreg:$0xd] =	wrdreg s0  }
0x12: {  	s21 =	sadd.s32 s6, s19;
	s11 =	sadd.s32 s7, s19;
	[dreg:$0xe] =	wrdreg s28  }
0x13: {  	s22 =	sshrl.u32 s20, $0x3;
	s24 =	sshll.u32 s20, $0x1;
	[dreg:$0x5] =	wrdreg s21  }
.Ltmp0:
0x14: {  	[dreg:$0x6] =	wrdreg s11;
	s23 =	sadd.s32 s6, s22;
	(pc) =	sbr.rel .LBB2_1-.Ltmp0, $4  }
0x15: {  	s26 =	simm.s32 $0x3F80;
	s11 =	sadd.s32 s7, s22;
	[dreg:$0x8] =	wrdreg s23  }
0x16: {  	s19 =	simm.s32 $0x5;
	s5 =	sadd.s32 s8, s24;
	[dreg:$0x9] =	wrdreg s11  }
0x17: {  	s20 =	simm.s32 $0x6;
	[dreg:$0xa] =	wrdreg s5;
	s11 =	sshrl.u32 @!p0 s1, $0x3  }
0x18: {  	s24 =	simm.s32 $0x80;
	s23 =	simm.s32 $0x7;
	[dreg:$0xf] =	wrdreg s11  }
.LBB2_5:
0x19: {  	s0 =	simm.s32 $0x9  }
0x1a: {  	_ =	swait.ge [sflag:s0], $0x1400  }
0x1b: {  	[sflag:s0] =	ssyncset.done $0x0  }
0x1c: {  	[sflag:s0] =	ssyncadd.s32 $0xFFFFEC00  }
0x1d: {  	_ =	swait.ge [sflag:s9], $0x1400  }
0x1e: {  	[sflag:s9] =	ssyncset.done $0x0  }
0x1f: {  	[sflag:s9] =	ssyncadd.s32 $0xFFFFEC00  }
.LBB2_11:
0x20: {  	[bflag:$0x0] =	sbarrier.arrive $0xFFFF  }
0x21: {  	s5 =	rddreg [dreg:$0xd]  }
0x22: {  	s0 =	simm.s32 @!p0 $0x1C0A;
	s11 =	rddreg [dreg:$0xf]  }
0x23: {  	[hbm:s5], [sflag:s0] =	dma.local @!p0 [spmem:s11], $0x27100  }
0x24: {  	s0 =	simm.s32 @!p0 $0xA  }
0x25: {  	_ =	swait.ge @!p0 [sflag:s0], $0x27100  }
0x26: {  	s15 =	rddreg [dreg:$0x10]  }
0x27: {  	s28 =	rddreg [dreg:$0xe];
	s15 =	sadd.s32 $0x1, s15  }
0x28: {  	p1 =	sne.s32 s15, s28  }
.Ltmp1:
0x29: {  	_ = 	snop;
	(pc) =	sbr.rel @!p1 .LBB2_12-.Ltmp1, $3  }
0x2a: {  	_ =	sdelay $0x1  }
0x2b: {  	[sflag:s0] =	ssyncset.done @!p0 $0x0  }
0x2c: {  	[sflag:s0] =	ssyncadd.s32 @!p0 $0xFFFD8F00  }
.LBB2_1:
0x2d: {  	[dreg:$0x10] =	wrdreg s15  }
0x2e: {  	s0 =	simm.s32 @!p0 $0x1C0A;
	s5 =	rddreg [dreg:$0x4]  }
0x2f: {  	[spmem:s11], [sflag:s0] =	dma.local @!p0 [hbm:s5], $0x27100  }
0x30: {  	s0 =	simm.s32 @!p0 $0xA  }
0x31: {  	_ =	swait.ge @!p0 [sflag:s0], $0x27100  }
0x32: {  	[sflag:s0] =	ssyncset.done @!p0 $0x0  }
0x33: {  	[sflag:s0] =	ssyncadd.s32 @!p0 $0xFFFD8F00  }
0x34: {  	[bflag:$0x0] =	sbarrier.arrive $0xFFFF  }
0x35: {  	s21 =	simm.s32 $0xBE80;
	s22 =	simm.s32 $0xA;
	s17 =	rddreg [dreg:$0x3]  }
0x36: {  	[tilespmem:s21], [sflag:$0xA] =	stream.linear.gather [hbm4b:s17+s2], $0x80, $0x38;
	[tilespmem:$0x1F780] =	vst v63  }
0x37: {  	_ =	swait.ge [sflag:s22], $0x80  }
0x38: {  	[sflag:s22] =	ssyncset.done $0x0  }
0x39: {  	[sflag:s22] =	ssyncadd.s32 $0xFFFFFF80  }
0x3a: {  	v0 =	vld [tilespmem:$0xBE80]  }
0x3b: {  	v1 =	vld [tilespmem:$0xBE90]  }
0x3c: {  	v2 =	vld [tilespmem:$0xBEA0]  }
0x3d: {  	v3 =	vld [tilespmem:$0xBEB0]  }
0x3e: {  	v4 =	vld [tilespmem:$0xBEC0]  }
0x3f: {  	v5 =	vld [tilespmem:$0xBED0]  }
0x40: {  	s25 =	rddreg [dreg:$0x5];
	v6 =	vld [tilespmem:$0xBEE0]  }
0x41: {  	v7 =	vld [tilespmem:$0xBEF0];
	[tilespmem:s2], [sflag:$0x1] =	stream.linear.gather [hbm4b:s25+s2], $0x28, $0x38  }
0x42: {  	s28 =	rddreg [dreg:$0x6]  }
0x43: {  	[tilespmem:s24], [sflag:$0x1] =	stream.linear.gather [hbm4b:s28+s2], $0x28, $0x38;
	[tilespmem:$0x1F780] =	vst v63  }
0x44: {  	s11 =	simm.s32 $0x100;
	s5 =	rddreg [dreg:$0x7]  }
0x45: {  	[tilespmem:s11], [sflag:$0x1] =	stream.linear.gather [hbm4b:s5+s2], $0x280, $0x38;
	[tilespmem:$0x1F780] =	vst v63  }
0x46: {  	s15 =	rddreg [dreg:$0x8]  }
0x47: {  	[tilespmem:s26], [sflag:$0x4] =	stream.linear.gather [hbm4b:s15+s2], $0x28, $0x38;
	[tilespmem:$0x1F780] =	vst v63  }
0x48: {  	s17 =	simm.s32 $0x4000;
	s16 =	rddreg [dreg:$0x9]  }
0x49: {  	[tilespmem:s17], [sflag:$0x4] =	stream.linear.gather [hbm4b:s16+s2], $0x28, $0x38;
	[tilespmem:$0x1F780] =	vst v63  }
0x4a: {  	s21 =	rddreg [dreg:$0xa];
	s22 =	simm.s32 $0x4080  }
0x4b: {  	[tilespmem:s22], [sflag:$0x4] =	stream.linear.gather [hbm4b:s21+s2], $0x280, $0x38;
	[tilespmem:$0x1F780] =	vst v63  }
0x4c: {  	_ =	swait.ge [sflag:s30], $0x28  }
0x4d: {  	[sflag:s30] =	ssyncset.done $0x0  }
0x4e: {  	[sflag:s30] =	ssyncadd.s32 $0xFFFFFFD8  }
0x4f: {  	_ =	swait.ge [sflag:s30], $0x28  }
0x50: {  	[sflag:s30] =	ssyncset.done $0x0  }
0x51: {  	[sflag:s30] =	ssyncadd.s32 $0xFFFFFFD8  }
0x52: {  	_ =	swait.ge [sflag:s30], $0x280  }
0x53: {  	[sflag:s30] =	ssyncset.done $0x0  }
0x54: {  	s25 =	simm.s32 $0x380;
	[sflag:s30] =	ssyncadd.s32 $0xFFFFFD80  }
0x55: {  	[tilespmem:s25], [sflag:$0x2] =	stream.indirect.gather [hbm4b:s3+s31], $0x80, s24, s31, $0xb8;
	[tilespmem:$0x1F780] =	vst v63  }
0x56: {  	s28 =	simm.s32 $0x1780;
	s21 =	simm.s32 $0x0  }
0x57: {  	[tilespmem:s28], [sflag:$0x2] =	stream.indirect.gather [hbm4b:s4+s31], $0x80, s2, s31, $0xb8;
	[tilespmem:$0x1F780] =	vst v63  }
.LBB2_2:
0x58: {  	_ =	swait.ge [sflag:s29], $0x1400  }
0x59: {  	[sflag:s29] =	ssyncset.done $0x0  }
0x5a: {  	[sflag:s29] =	ssyncadd.s32 $0xFFFFEC00  }
0x5b: {  	_ =	swait.ge [sflag:s29], $0x1400  }
0x5c: {  	[sflag:s29] =	ssyncset.done $0x0  }
0x5d: {  	s5 =	simm.s32 $0x120;
	[sflag:s29] =	ssyncadd.s32 $0xFFFFEC00  }
0x5e: {  	s22 =	simm.s32 $0x480;
	v11 =	vld [tilespmem:s5+$0x10]  }
0x5f: {  	s0 =	simm.s32 $0x1880;
	v8 =	vld [tilespmem:s22+$0x80]  }
0x60: {  	v9 =	vld [tilespmem:s0+$0x80];
	_ =	sdelay $0x4  }
0x61: {  	v8 =	vadd.f32 v9, v8;
	v9 =	vmul.f32 v11, v0;
	_ =	sdelay $0x1  }
0x62: {  	v13 =	vld [tilespmem:s22+$0xFFFFFF00];
	v8 =	vadd.f32 v8, v9  }
0x63: {  	v12 =	vld [tilespmem:s22+$0xFFFFFF80]  }
0x64: {  	s11 =	simm.s32 $0x2C80;
	v14 =	vld [tilespmem:s0+$0xFFFFFF80];
	v8 =	vmax.f32 v8, $0.0e+00  }
0x65: {  	v9 =	vld [tilespmem:s5+$0xFFFFFFF0];
	[tilespmem:s11+$0x80] =	vst v8  }
0x66: {  	v8 =	vld [tilespmem:s22+$0x90]  }
0x67: {  	v15 =	vld [tilespmem:s0+$0x90]  }
0x68: {  	v10 =	vld [tilespmem:s5+$0x0]  }
0x69: {  	v16 =	vld [tilespmem:s22+$0x0]  }
0x6a: {  	v18 =	vld [tilespmem:s0+$0x0];
	v14 =	vadd.f32 v14, v12;
	v17 =	vmul.f32 v9, v0  }
0x6b: {  	v19 =	vld [tilespmem:s0+$0xFFFFFF00]  }
0x6c: {  	v12 =	vld [tilespmem:s5+$0xFFFFFFE0];
	v14 =	vadd.f32 v14, v17;
	v8 =	vadd.f32 v15, v8;
	v15 =	vmul.f32 v11, v1;
	_ =	sdelay $0x1  }
0x6d: {  	v14 =	vmax.f32 v14, $0.0e+00;
	v8 =	vadd.f32 v8, v15  }
0x6e: {  	v16 =	vadd.f32 v18, v16;
	[tilespmem:s11+$0xFFFFFF80] =	vst v14;
	v15 =	vmul.f32 v10, v0  }
0x6f: {  	v14 =	vld [tilespmem:s22+$0xFFFFFF90];
	v8 =	vmax.f32 v8, $0.0e+00  }
0x70: {  	v13 =	vadd.f32 v19, v13;
	v17 =	vld [tilespmem:s0+$0xFFFFFF90];
	v15 =	vadd.f32 v16, v15;
	v16 =	vmul.f32 v12, v0;
	[tilespmem:s11+$0x90] =	vst v8  }
0x71: {  	v8 =	vld [tilespmem:s22+$0xA0]  }
0x72: {  	v15 =	vmax.f32 v15, $0.0e+00;
	v13 =	vadd.f32 v13, v16;
	v16 =	vld [tilespmem:s0+$0xA0]  }
0x73: {  	[tilespmem:s11+$0x0] =	vst v15  }
0x74: {  	v15 =	vld [tilespmem:s22+$0x10];
	v13 =	vmax.f32 v13, $0.0e+00  }
0x75: {  	v18 =	vmul.f32 v9, v1;
	v19 =	vld [tilespmem:s0+$0x10];
	[tilespmem:s11+$0xFFFFFF00] =	vst v13;
	v13 =	vadd.f32 v17, v14  }
0x76: {  	v14 =	vld [tilespmem:s22+$0xFFFFFF10]  }
0x77: {  	v17 =	vld [tilespmem:s0+$0xFFFFFF10];
	v13 =	vadd.f32 v13, v18;
	v8 =	vadd.f32 v16, v8;
	v16 =	vmul.f32 v11, v2;
	_ =	sdelay $0x1  }
0x78: {  	v13 =	vmax.f32 v13, $0.0e+00;
	v8 =	vadd.f32 v8, v16  }
0x79: {  	v16 =	vmul.f32 v10, v1;
	v15 =	vadd.f32 v19, v15;
	[tilespmem:s11+$0xFFFFFF90] =	vst v13  }
0x7a: {  	v13 =	vld [tilespmem:s22+$0xFFFFFFA0];
	v8 =	vmax.f32 v8, $0.0e+00  }
0x7b: {  	v18 =	vmul.f32 v12, v1;
	v15 =	vadd.f32 v15, v16;
	v14 =	vadd.f32 v17, v14;
	v16 =	vld [tilespmem:s0+$0xFFFFFFA0];
	[tilespmem:s11+$0xA0] =	vst v8  }
0x7c: {  	v8 =	vld [tilespmem:s22+$0xB0]  }
0x7d: {  	v15 =	vmax.f32 v15, $0.0e+00;
	v14 =	vadd.f32 v14, v18;
	v17 =	vld [tilespmem:s0+$0xB0]  }
0x7e: {  	[tilespmem:s11+$0x10] =	vst v15  }
0x7f: {  	v15 =	vld [tilespmem:s22+$0x20];
	v14 =	vmax.f32 v14, $0.0e+00  }
0x80: {  	v18 =	vmul.f32 v9, v2;
	v19 =	vld [tilespmem:s0+$0x20];
	[tilespmem:s11+$0xFFFFFF10] =	vst v14;
	v13 =	vadd.f32 v16, v13  }
0x81: {  	v14 =	vld [tilespmem:s22+$0xFFFFFF20]  }
0x82: {  	v16 =	vld [tilespmem:s0+$0xFFFFFF20];
	v13 =	vadd.f32 v13, v18;
	v8 =	vadd.f32 v17, v8;
	v17 =	vmul.f32 v11, v3;
	_ =	sdelay $0x1  }
0x83: {  	v13 =	vmax.f32 v13, $0.0e+00;
	v8 =	vadd.f32 v8, v17  }
0x84: {  	[tilespmem:s11+$0xFFFFFFA0] =	vst v13  }
0x85: {  	v18 =	vmul.f32 v12, v2;
	v13 =	vld [tilespmem:s22+$0xFFFFFFB0];
	v8 =	vmax.f32 v8, $0.0e+00  }
0x86: {  	v17 =	vmul.f32 v10, v2;
	v15 =	vadd.f32 v19, v15;
	v14 =	vadd.f32 v16, v14;
	v16 =	vld [tilespmem:s0+$0xFFFFFFB0];
	[tilespmem:s11+$0xB0] =	vst v8  }
0x87: {  	v8 =	vld [tilespmem:s22+$0xC0]  }
0x88: {  	v15 =	vadd.f32 v15, v17;
	v14 =	vadd.f32 v14, v18;
	v17 =	vld [tilespmem:s0+$0xC0];
	_ =	sdelay $0x1  }
0x89: {  	v14 =	vmax.f32 v14, $0.0e+00  }
0x8a: {  	[tilespmem:s11+$0xFFFFFF20] =	vst v14  }
0x8b: {  	v14 =	vmul.f32 v9, v3;
	v13 =	vadd.f32 v16, v13;
	v16 =	vld [tilespmem:s22+$0xFFFFFF30]  }
0x8c: {  	v19 =	vld [tilespmem:s0+$0xFFFFFF30];
	v8 =	vadd.f32 v17, v8;
	v17 =	vmul.f32 v11, v4  }
0x8d: {  	v13 =	vadd.f32 v13, v14  }
0x8e: {  	s25 =	simm.s32 $0x1A80;
	v15 =	vmax.f32 v15, $0.0e+00;
	v8 =	vadd.f32 v8, v17  }
0x8f: {  	v22 =	vld [tilespmem:s25+$0x80];
	[tilespmem:s11+$0x20] =	vst v15;
	v13 =	vmax.f32 v13, $0.0e+00  }
0x90: {  	v15 =	vld [tilespmem:s22+$0x30];
	[tilespmem:s11+$0xFFFFFFB0] =	vst v13;
	v8 =	vmax.f32 v8, $0.0e+00  }
0x91: {  	v18 =	vld [tilespmem:s0+$0x30];
	v13 =	vmul.f32 v12, v3;
	v16 =	vadd.f32 v19, v16;
	[tilespmem:s11+$0xC0] =	vst v8  }
0x92: {  	v8 =	vld [tilespmem:s22+$0xD0]  }
0x93: {  	v13 =	vadd.f32 v16, v13;
	v16 =	vld [tilespmem:s0+$0xD0]  }
0x94: {  	v24 =	vld [tilespmem:s25+$0xFFFFFF00]  }
0x95: {  	v27 =	vld [tilespmem:s25+$0xFFFFFF80];
	s5 =	simm.s32 $0x680  }
0x96: {  	v21 =	vld [tilespmem:s5+$0x80]  }
0x97: {  	v23 =	vld [tilespmem:s5+$0xFFFFFF00];
	v14 =	vmul.f32 v10, v3  }
0x98: {  	v26 =	vld [tilespmem:s5+$0xFFFFFF80];
	v15 =	vadd.f32 v18, v15;
	v18 =	vmul.f32 v11, v5;
	v16 =	vadd.f32 v16, v8  }
0x99: {  	v29 =	vld [tilespmem:s5+$0x0]  }
0x9a: {  	s16 =	simm.s32 $0x160;
	v14 =	vadd.f32 v15, v14;
	v15 =	vld [tilespmem:s22+$0xFFFFFFC0];
	v13 =	vmax.f32 v13, $0.0e+00;
	v16 =	vadd.f32 v16, v18  }
0x9b: {  	[tilespmem:s11+$0xFFFFFF30] =	vst v13;
	v8 =	vld [tilespmem:s16+$0x10]  }
0x9c: {  	v13 =	vld [tilespmem:s22+$0xFFFFFF40];
	v16 =	vmax.f32 v16, $0.0e+00  }
0x9d: {  	v19 =	vld [tilespmem:s0+$0xFFFFFF40];
	[tilespmem:s11+$0xD0] =	vst v16  }
0x9e: {  	v16 =	vld [tilespmem:s22+$0xE0]  }
0x9f: {  	v14 =	vmax.f32 v14, $0.0e+00;
	v25 =	vld [tilespmem:s0+$0xE0]  }
0xa0: {  	v21 =	vadd.f32 v22, v21;
	v17 =	vld [tilespmem:s0+$0xFFFFFFC0];
	[tilespmem:s11+$0x30] =	vst v14;
	v22 =	vmul.f32 v8, v0  }
0xa1: {  	v14 =	vld [tilespmem:s22+$0x40]  }
0xa2: {  	v18 =	vld [tilespmem:s16+$0xFFFFFFF0];
	v22 =	vadd.f32 v21, v22  }
0xa3: {  	v28 =	vmul.f32 v12, v4;
	v20 =	vld [tilespmem:s0+$0x40];
	v13 =	vadd.f32 v19, v13  }
0xa4: {  	s15 =	simm.s32 $0x2E80;
	v21 =	vld [tilespmem:s16+$0x0];
	v19 =	vmax.f32 v22, $0.0e+00;
	v22 =	vmul.f32 v11, v6;
	v16 =	vadd.f32 v25, v16  }
0xa5: {  	v13 =	vadd.f32 v13, v28;
	[tilespmem:s15+$0x80] =	vst v19;
	v25 =	vld [tilespmem:s25+$0x0]  }
0xa6: {  	v28 =	vld [tilespmem:s5+$0x90];
	v16 =	vadd.f32 v16, v22  }
0xa7: {  	v26 =	vadd.f32 v27, v26;
	v13 =	vmax.f32 v13, $0.0e+00;
	v27 =	vld [tilespmem:s25+$0x90];
	v22 =	vmul.f32 v18, v0  }
0xa8: {  	[tilespmem:s11+$0xFFFFFF40] =	vst v13;
	v19 =	vld [tilespmem:s16+$0xFFFFFFE0];
	v13 =	vmax.f32 v16, $0.0e+00  }
0xa9: {  	v15 =	vadd.f32 v17, v15;
	v16 =	vmul.f32 v9, v4;
	v17 =	vadd.f32 v26, v22;
	v22 =	vld [tilespmem:s22+$0xFFFFFF50];
	[tilespmem:s11+$0xE0] =	vst v13  }
0xaa: {  	v26 =	vmul.f32 v21, v0;
	v25 =	vadd.f32 v25, v29;
	v13 =	vld [tilespmem:s22+$0xF0]  }
0xab: {  	v15 =	vadd.f32 v15, v16;
	v17 =	vmax.f32 v17, $0.0e+00;
	v16 =	vld [tilespmem:s0+$0xF0]  }
0xac: {  	[tilespmem:s15+$0xFFFFFF80] =	vst v17;
	v17 =	vadd.f32 v25, v26;
	v25 =	vadd.f32 v27, v28;
	v26 =	vmul.f32 v8, v1;
	v27 =	vld [tilespmem:s0+$0xFFFFFF50]  }
0xad: {  	v23 =	vadd.f32 v24, v23;
	v15 =	vmax.f32 v15, $0.0e+00;
	v24 =	vld [tilespmem:s5+$0xFFFFFF90]  }
0xae: {  	v28 =	vld [tilespmem:s25+$0xFFFFFF90];
	[tilespmem:s11+$0xFFFFFFC0] =	vst v15;
	v15 =	vmul.f32 v19, v0;
	v17 =	vmax.f32 v17, $0.0e+00;
	v25 =	vadd.f32 v25, v26  }
0xaf: {  	[tilespmem:s15+$0x0] =	vst v17;
	v17 =	vld [tilespmem:s22+$0xFFFFFFD0]  }
0xb0: {  	v15 =	vadd.f32 v23, v15;
	v23 =	vld [tilespmem:s5+$0x10];
	v25 =	vmax.f32 v25, $0.0e+00  }
0xb1: {  	v14 =	vadd.f32 v20, v14;
	v26 =	vmul.f32 v10, v4;
	v20 =	vld [tilespmem:s25+$0x10];
	[tilespmem:s15+$0x90] =	vst v25  }
0xb2: {  	v15 =	vmax.f32 v15, $0.0e+00;
	v25 =	vld [tilespmem:s5+$0xA0]  }
0xb3: {  	v14 =	vadd.f32 v14, v26;
	v26 =	vmul.f32 v18, v1;
	[tilespmem:s15+$0xFFFFFF00] =	vst v15;
	v15 =	vadd.f32 v28, v24;
	v24 =	vld [tilespmem:s25+$0xA0]  }
0xb4: {  	v22 =	vadd.f32 v27, v22;
	v29 =	vld [tilespmem:s5+$0xFFFFFF10]  }
0xb5: {  	v14 =	vmax.f32 v14, $0.0e+00;
	v28 =	vmul.f32 v12, v5;
	v27 =	vld [tilespmem:s25+$0xFFFFFF10];
	v15 =	vadd.f32 v15, v26  }
0xb6: {  	[tilespmem:s11+$0x40] =	vst v14;
	v14 =	vmul.f32 v21, v1;
	v20 =	vadd.f32 v20, v23;
	v23 =	vld [tilespmem:s0+$0xFFFFFFD0]  }
0xb7: {  	v22 =	vadd.f32 v22, v28;
	v26 =	vld [tilespmem:s22+$0x50];
	v15 =	vmax.f32 v15, $0.0e+00  }
0xb8: {  	v14 =	vadd.f32 v20, v14;
	v20 =	vmul.f32 v8, v2;
	[tilespmem:s15+$0xFFFFFF90] =	vst v15;
	v15 =	vadd.f32 v24, v25;
	v24 =	vld [tilespmem:s0+$0x50]  }
0xb9: {  	v22 =	vmax.f32 v22, $0.0e+00;
	v25 =	vmul.f32 v19, v1;
	v28 =	vld [tilespmem:s5+$0xFFFFFFA0]  }
0xba: {  	[tilespmem:s11+$0xFFFFFF50] =	vst v22;
	v22 =	vadd.f32 v27, v29;
	v27 =	vld [tilespmem:s25+$0xFFFFFFA0];
	v14 =	vmax.f32 v14, $0.0e+00;
	v15 =	vadd.f32 v15, v20  }
0xbb: {  	[tilespmem:s15+$0x10] =	vst v14;
	v14 =	vld [tilespmem:s22+$0xFFFFFF60]  }
0xbc: {  	v20 =	vadd.f32 v22, v25;
	v22 =	vld [tilespmem:s5+$0x20];
	v15 =	vmax.f32 v15, $0.0e+00  }
0xbd: {  	v17 =	vadd.f32 v23, v17;
	v25 =	vmul.f32 v9, v5;
	v23 =	vld [tilespmem:s25+$0x20];
	[tilespmem:s15+$0xA0] =	vst v15  }
0xbe: {  	v15 =	vmax.f32 v20, $0.0e+00;
	v20 =	vld [tilespmem:s5+$0xB0]  }
0xbf: {  	v29 =	vmul.f32 v18, v2;
	v17 =	vadd.f32 v17, v25;
	[tilespmem:s15+$0xFFFFFF10] =	vst v15;
	v15 =	vadd.f32 v27, v28;
	v25 =	vld [tilespmem:s25+$0xB0]  }
0xc0: {  	v24 =	vadd.f32 v24, v26;
	v28 =	vld [tilespmem:s5+$0xFFFFFF20]  }
0xc1: {  	v27 =	vmul.f32 v10, v5;
	v17 =	vmax.f32 v17, $0.0e+00;
	v26 =	vld [tilespmem:s25+$0xFFFFFF20];
	v15 =	vadd.f32 v15, v29  }
0xc2: {  	v29 =	vmul.f32 v21, v2;
	[tilespmem:s11+$0xFFFFFFD0] =	vst v17;
	v17 =	vadd.f32 v23, v22;
	v22 =	vld [tilespmem:s0+$0xFFFFFF60]  }
0xc3: {  	v23 =	vadd.f32 v24, v27;
	v24 =	vld [tilespmem:s22+$0xFFFFFFE0];
	v15 =	vmax.f32 v15, $0.0e+00  }
0xc4: {  	[tilespmem:s15+$0xFFFFFFA0] =	vst v15;
	v15 =	vadd.f32 v17, v29;
	v17 =	vadd.f32 v25, v20;
	v20 =	vmul.f32 v8, v3;
	v25 =	vld [tilespmem:s0+$0xFFFFFFE0]  }
0xc5: {  	v27 =	vmul.f32 v19, v2;
	v23 =	vmax.f32 v23, $0.0e+00;
	v29 =	vld [tilespmem:s5+$0xFFFFFFB0]  }
0xc6: {  	[tilespmem:s11+$0x50] =	vst v23;
	v23 =	vadd.f32 v26, v28;
	v26 =	vld [tilespmem:s25+$0xFFFFFFB0];
	v15 =	vmax.f32 v15, $0.0e+00;
	v17 =	vadd.f32 v17, v20  }
0xc7: {  	v20 =	vld [tilespmem:s22+$0x60];
	[tilespmem:s15+$0x20] =	vst v15  }
0xc8: {  	v15 =	vadd.f32 v23, v27;
	v23 =	vld [tilespmem:s5+$0x30];
	v17 =	vmax.f32 v17, $0.0e+00  }
0xc9: {  	v31 =	vmul.f32 v18, v3;
	v14 =	vadd.f32 v22, v14;
	v27 =	vmul.f32 v12, v6;
	v22 =	vld [tilespmem:s25+$0x30];
	[tilespmem:s15+$0xB0] =	vst v17  }
0xca: {  	v33 =	vmul.f32 v21, v4;
	v16 =	vadd.f32 v16, v13;
	v15 =	vmax.f32 v15, $0.0e+00;
	v30 =	vld [tilespmem:s5+$0xC0]  }
0xcb: {  	v13 =	vmul.f32 v18, v6;
	v14 =	vadd.f32 v14, v27;
	[tilespmem:s15+$0xFFFFFF20] =	vst v15;
	v15 =	vadd.f32 v26, v29;
	v26 =	vld [tilespmem:s25+$0xC0]  }
0xcc: {  	v28 =	vmul.f32 v10, v6;
	v17 =	vmul.f32 v9, v6;
	v27 =	vld [tilespmem:s5+$0xFFFFFF30]  }
0xcd: {  	v24 =	vadd.f32 v25, v24;
	v14 =	vmax.f32 v14, $0.0e+00;
	v25 =	vld [tilespmem:s25+$0xFFFFFF30];
	v15 =	vadd.f32 v15, v31  }
0xce: {  	v10 =	vmul.f32 v10, v7;
	v29 =	vmul.f32 v21, v3;
	[tilespmem:s11+$0xFFFFFF60] =	vst v14;
	v14 =	vadd.f32 v22, v23;
	v22 =	vld [tilespmem:s0+$0x60]  }
0xcf: {  	v12 =	vmul.f32 v12, v7;
	v17 =	vadd.f32 v24, v17;
	v31 =	vld [tilespmem:s22+$0xFFFFFF70];
	v15 =	vmax.f32 v15, $0.0e+00  }
0xd0: {  	[tilespmem:s15+$0xFFFFFFB0] =	vst v15;
	v15 =	vadd.f32 v14, v29;
	v24 =	vadd.f32 v26, v30;
	v26 =	vmul.f32 v8, v4;
	v29 =	vld [tilespmem:s0+$0xFFFFFF70]  }
0xd1: {  	v9 =	vmul.f32 v9, v7;
	v17 =	vmax.f32 v17, $0.0e+00;
	v30 =	vmul.f32 v19, v3;
	v32 =	vld [tilespmem:s5+$0xFFFFFFC0]  }
0xd2: {  	[tilespmem:s11+$0xFFFFFFE0] =	vst v17;
	v17 =	vadd.f32 v25, v27;
	v25 =	vld [tilespmem:s25+$0xFFFFFFC0];
	v27 =	vmax.f32 v15, $0.0e+00;
	v26 =	vadd.f32 v24, v26  }
0xd3: {  	v23 =	vmul.f32 v18, v4;
	v14 =	vmul.f32 v18, v5;
	v24 =	vld [tilespmem:s22+$0xFFFFFFF0];
	[tilespmem:s15+$0x30] =	vst v27  }
0xd4: {  	v27 =	vmul.f32 v11, v7;
	v17 =	vadd.f32 v17, v30;
	v30 =	vld [tilespmem:s5+$0x40];
	v26 =	vmax.f32 v26, $0.0e+00  }
0xd5: {  	v15 =	vmul.f32 v21, v5;
	v11 =	vmul.f32 v21, v6;
	v22 =	vadd.f32 v22, v20;
	v34 =	vld [tilespmem:s25+$0x40];
	[tilespmem:s15+$0xC0] =	vst v26  }
0xd6: {  	v16 =	vadd.f32 v16, v27;
	v26 =	vadd.f32 v29, v31;
	v17 =	vmax.f32 v17, $0.0e+00;
	v27 =	vld [tilespmem:s5+$0xD0]  }
0xd7: {  	v20 =	vmul.f32 v19, v4;
	v22 =	vadd.f32 v22, v28;
	[tilespmem:s15+$0xFFFFFF30] =	vst v17;
	v28 =	vadd.f32 v25, v32;
	v31 =	vld [tilespmem:s25+$0xD0]  }
0xd8: {  	v17 =	vmul.f32 v19, v5;
	v29 =	vmax.f32 v16, $0.0e+00;
	v63 =	vadd.f32 v26, v12;
	v25 =	vld [tilespmem:s5+$0xFFFFFF40]  }
0xd9: {  	v16 =	vmul.f32 v19, v6;
	v22 =	vmax.f32 v22, $0.0e+00;
	v26 =	vld [tilespmem:s25+$0xFFFFFF40];
	[tilespmem:s11+$0xF0] =	vst v29;
	v28 =	vadd.f32 v28, v23  }
0xda: {  	v12 =	vmul.f32 v19, v7;
	[tilespmem:s11+$0x60] =	vst v22;
	v23 =	vld [tilespmem:s0+$0xFFFFFFF0];
	v22 =	vmax.f32 v63, $0.0e+00;
	v29 =	vadd.f32 v34, v30  }
0xdb: {  	s28 =	simm.s32 $0x1A80;
	v19 =	vmul.f32 v18, v7;
	v18 =	vmul.f32 v21, v7;
	v21 =	vld [tilespmem:s22+$0x70];
	[tilespmem:s11+$0xFFFFFF70] =	vst v22;
	v22 =	vmax.f32 v28, $0.0e+00  }
0xdc: {  	s16 =	simm.s32 $0x4;
	s22 =	simm.s32 $0x1A0;
	v28 =	vmul.f32 v8, v5;
	[tilespmem:s15+$0xFFFFFFC0] =	vst v22;
	v29 =	vadd.f32 v29, v33;
	v27 =	vadd.f32 v31, v27;
	v22 =	vld [tilespmem:s0+$0x70];
	s0 =	simm.s32 $0x680  }
.LBB2_3:
0xdd: {  	v30 =	vld [tilespmem:s22+$0x10];
	s5 =	sadd.s32 $0x200, s5  }
0xde: {  	s25 =	sadd.s32 $0x200, s25;
	v31 =	vld [tilespmem:s5+$0x80];
	v25 =	vadd.f32 v26, v25;
	v26 =	vmax.f32 v29, $0.0e+00;
	v27 =	vadd.f32 v27, v28  }
0xdf: {  	v28 =	vld [tilespmem:s25+$0x80];
	[tilespmem:s15+$0x40] =	vst v26;
	v23 =	vadd.f32 v23, v24  }
0xe0: {  	v24 =	vld [tilespmem:s5+$0xFFFFFF00];
	v20 =	vadd.f32 v25, v20;
	v25 =	vmax.f32 v27, $0.0e+00  }
0xe1: {  	v26 =	vld [tilespmem:s25+$0xFFFFFF00];
	[tilespmem:s15+$0xD0] =	vst v25;
	v23 =	vadd.f32 v23, v9;
	v21 =	vadd.f32 v22, v21;
	v9 =	vmov v19  }
0xe2: {  	v19 =	vmax.f32 v20, $0.0e+00;
	v20 =	vld [tilespmem:s0+$0xE0]  }
0xe3: {  	[tilespmem:s15+$0xFFFFFF40] =	vst v19;
	v19 =	vld [tilespmem:s28+$0xE0];
	v22 =	vmax.f32 v23, $0.0e+00;
	v21 =	vadd.f32 v21, v10;
	v10 =	vmov v18  }
0xe4: {  	v25 =	vmul.f32 v30, v0;
	v18 =	vld [tilespmem:s22+$0xFFFFFFF0];
	v23 =	vadd.f32 v28, v31;
	[tilespmem:s11+$0xFFFFFFF0] =	vst v22  }
0xe5: {  	v22 =	vld [tilespmem:s5+$0xFFFFFF80];
	v21 =	vmax.f32 v21, $0.0e+00  }
0xe6: {  	s16 =	sadd.s32 $0x4, s16;
	v26 =	vadd.f32 v26, v24;
	v27 =	vld [tilespmem:s25+$0xFFFFFF80];
	v23 =	vadd.f32 v23, v25;
	[tilespmem:s11+$0x70] =	vst v21;
	s11 =	smov.u32 s15  }
0xe7: {  	p1 =	slt.u32 s16, $0x24;
	v31 =	vld [tilespmem:s22+$0x0]  }
0xe8: {  	s15 =	sadd.s32 $0x200, s15;
	v28 =	vld [tilespmem:s5+$0x0];
	v21 =	vmax.f32 v23, $0.0e+00;
	v19 =	vadd.f32 v19, v20;
	v20 =	vmul.f32 v8, v6  }
0xe9: {  	v23 =	vmul.f32 v18, v0;
	v32 =	vmul.f32 v18, v1;
	v33 =	vld [tilespmem:s25+$0x0];
	[tilespmem:s15+$0x80] =	vst v21  }
0xea: {  	v29 =	vmul.f32 v18, v2;
	v24 =	vmul.f32 v18, v3;
	v34 =	vld [tilespmem:s5+$0x90];
	v19 =	vadd.f32 v19, v20  }
0xeb: {  	v21 =	vmul.f32 v18, v4;
	v35 =	vmul.f32 v18, v5;
	v20 =	vadd.f32 v27, v22;
	v27 =	vld [tilespmem:s25+$0x90]  }
0xec: {  	v36 =	vld [tilespmem:s22+$0xFFFFFFE0];
	v37 =	vmul.f32 v31, v0;
	v38 =	vmul.f32 v31, v1;
	v19 =	vmax.f32 v19, $0.0e+00  }
0xed: {  	v39 =	vmul.f32 v31, v2;
	v25 =	vmul.f32 v31, v3;
	v20 =	vadd.f32 v20, v23;
	v40 =	vld [tilespmem:s0+$0xFFFFFF50];
	[tilespmem:s11+$0xE0] =	vst v19  }
0xee: {  	v22 =	vmul.f32 v31, v4;
	v19 =	vadd.f32 v33, v28;
	v33 =	vmul.f32 v31, v5;
	v41 =	vld [tilespmem:s0+$0xF0]  }
0xef: {  	v23 =	vmul.f32 v31, v6;
	v28 =	vmul.f32 v18, v6;
	v20 =	vmax.f32 v20, $0.0e+00;
	v42 =	vld [tilespmem:s28+$0xF0]  }
0xf0: {  	[tilespmem:s15+$0xFFFFFF80] =	vst v20;
	v19 =	vadd.f32 v19, v37;
	v20 =	vadd.f32 v27, v34;
	v27 =	vmul.f32 v30, v1;
	v34 =	vld [tilespmem:s28+$0xFFFFFF50]  }
0xf1: {  	v37 =	vmul.f32 v36, v0;
	v43 =	vmul.f32 v36, v1;
	v44 =	vld [tilespmem:s5+$0xFFFFFF90]  }
0xf2: {  	v45 =	vmul.f32 v36, v2;
	v46 =	vld [tilespmem:s25+$0xFFFFFF90];
	v19 =	vmax.f32 v19, $0.0e+00;
	v27 =	vadd.f32 v20, v27  }
0xf3: {  	v20 =	vmul.f32 v36, v4;
	v37 =	vadd.f32 v26, v37;
	v26 =	vmul.f32 v36, v3;
	[tilespmem:s15+$0x0] =	vst v19;
	v47 =	vld [tilespmem:s0+$0xFFFFFFD0]  }
0xf4: {  	v48 =	vld [tilespmem:s5+$0x10];
	v19 =	vmax.f32 v27, $0.0e+00;
	v41 =	vadd.f32 v42, v41;
	v42 =	vmul.f32 v8, v7;
	v8 =	vmovc v30  }
0xf5: {  	v30 =	vmul.f32 v36, v5;
	v27 =	vmax.f32 v37, $0.0e+00;
	v37 =	vld [tilespmem:s25+$0x10];
	[tilespmem:s15+$0x90] =	vst v19;
	v34 =	vadd.f32 v34, v40  }
0xf6: {  	v40 =	vmul.f32 v36, v6;
	[tilespmem:s15+$0xFFFFFF00] =	vst v27;
	v27 =	vmul.f32 v36, v7;
	v36 =	vld [tilespmem:s5+$0xA0];
	v41 =	vadd.f32 v41, v42  }
0xf7: {  	v19 =	vmul.f32 v18, v7;
	v42 =	vadd.f32 v46, v44;
	v44 =	vld [tilespmem:s25+$0xA0];
	v34 =	vadd.f32 v34, v17;
	v17 =	vmovc v30  }
0xf8: {  	v18 =	vmul.f32 v31, v7;
	v30 =	vld [tilespmem:s5+$0xFFFFFF10];
	v31 =	vmax.f32 v41, $0.0e+00  }
0xf9: {  	v41 =	vld [tilespmem:s25+$0xFFFFFF10];
	v32 =	vadd.f32 v42, v32;
	v34 =	vmax.f32 v34, $0.0e+00;
	[tilespmem:s11+$0xF0] =	vst v31  }
0xfa: {  	v31 =	vadd.f32 v37, v48;
	[tilespmem:s11+$0xFFFFFF50] =	vst v34;
	v34 =	vld [tilespmem:s28+$0xFFFFFFD0]  }
0xfb: {  	v32 =	vmax.f32 v32, $0.0e+00;
	v37 =	vld [tilespmem:s0+$0x50]  }
0xfc: {  	[tilespmem:s15+$0xFFFFFF90] =	vst v32;
	v31 =	vadd.f32 v31, v38;
	v32 =	vadd.f32 v44, v36;
	v36 =	vmul.f32 v8, v2;
	v38 =	vld [tilespmem:s28+$0x50]  }
0xfd: {  	v42 =	vld [tilespmem:s5+$0xFFFFFFA0]  }
0xfe: {  	v30 =	vadd.f32 v41, v30;
	v41 =	vld [tilespmem:s25+$0xFFFFFFA0];
	v31 =	vmax.f32 v31, $0.0e+00;
	v32 =	vadd.f32 v32, v36  }
0xff: {  	[tilespmem:s15+$0x10] =	vst v31;
	v31 =	vld [tilespmem:s0+$0xFFFFFF60];
	v34 =	vadd.f32 v34, v47  }
0x100: {  	v30 =	vadd.f32 v30, v43;
	v36 =	vld [tilespmem:s5+$0x20];
	v32 =	vmax.f32 v32, $0.0e+00  }
0x101: {  	v43 =	vld [tilespmem:s25+$0x20];
	[tilespmem:s15+$0xA0] =	vst v32;
	v32 =	vadd.f32 v34, v14;
	v34 =	vadd.f32 v38, v37;
	v14 =	vmov v35  }
0x102: {  	v30 =	vmax.f32 v30, $0.0e+00;
	v35 =	vld [tilespmem:s5+$0xB0]  }
0x103: {  	[tilespmem:s15+$0xFFFFFF10] =	vst v30;
	v30 =	vadd.f32 v41, v42;
	v37 =	vld [tilespmem:s25+$0xB0];
	v32 =	vmax.f32 v32, $0.0e+00;
	v34 =	vadd.f32 v34, v15;
	v15 =	vmovc v33  }
0x104: {  	v33 =	vld [tilespmem:s5+$0xFFFFFF20];
	[tilespmem:s11+$0xFFFFFFD0] =	vst v32  }
0x105: {  	v32 =	vld [tilespmem:s25+$0xFFFFFF20];
	v29 =	vadd.f32 v30, v29;
	v30 =	vmax.f32 v34, $0.0e+00  }
0x106: {  	v34 =	vadd.f32 v43, v36;
	v36 =	vld [tilespmem:s28+$0xFFFFFF60];
	[tilespmem:s11+$0x50] =	vst v30  }
0x107: {  	v29 =	vmax.f32 v29, $0.0e+00;
	v30 =	vld [tilespmem:s0+$0xFFFFFFE0]  }
0x108: {  	[tilespmem:s15+$0xFFFFFFA0] =	vst v29;
	v29 =	vadd.f32 v34, v39;
	v34 =	vadd.f32 v37, v35;
	v35 =	vmul.f32 v8, v3;
	v37 =	vld [tilespmem:s28+$0xFFFFFFE0]  }
0x109: {  	v38 =	vld [tilespmem:s5+$0xFFFFFFB0]  }
0x10a: {  	v32 =	vadd.f32 v32, v33;
	v33 =	vld [tilespmem:s25+$0xFFFFFFB0];
	v29 =	vmax.f32 v29, $0.0e+00;
	v34 =	vadd.f32 v34, v35  }
0x10b: {  	[tilespmem:s15+$0x20] =	vst v29;
	v29 =	vadd.f32 v36, v31;
	v31 =	vld [tilespmem:s0+$0x60]  }
0x10c: {  	v32 =	vadd.f32 v32, v45;
	v35 =	vld [tilespmem:s5+$0x30];
	v34 =	vmax.f32 v34, $0.0e+00  }
0x10d: {  	v36 =	vld [tilespmem:s25+$0x30];
	[tilespmem:s15+$0xB0] =	vst v34;
	v29 =	vadd.f32 v29, v16;
	v30 =	vadd.f32 v37, v30;
	v16 =	vmov v40  }
0x10e: {  	v32 =	vmax.f32 v32, $0.0e+00;
	v34 =	vld [tilespmem:s5+$0xC0]  }
0x10f: {  	[tilespmem:s15+$0xFFFFFF20] =	vst v32;
	v32 =	vadd.f32 v33, v38;
	v33 =	vld [tilespmem:s25+$0xC0];
	v29 =	vmax.f32 v29, $0.0e+00;
	v30 =	vadd.f32 v30, v13;
	v13 =	vmovc v28  }
0x110: {  	v28 =	vld [tilespmem:s5+$0xFFFFFF30];
	[tilespmem:s11+$0xFFFFFF60] =	vst v29  }
0x111: {  	v29 =	vld [tilespmem:s25+$0xFFFFFF30];
	v24 =	vadd.f32 v32, v24;
	v30 =	vmax.f32 v30, $0.0e+00  }
0x112: {  	v32 =	vadd.f32 v36, v35;
	[tilespmem:s11+$0xFFFFFFE0] =	vst v30;
	v30 =	vld [tilespmem:s28+$0x60]  }
0x113: {  	v24 =	vmax.f32 v24, $0.0e+00;
	v35 =	vld [tilespmem:s0+$0xFFFFFF70]  }
0x114: {  	[tilespmem:s15+$0xFFFFFFB0] =	vst v24;
	v24 =	vadd.f32 v32, v25;
	v25 =	vadd.f32 v33, v34;
	v32 =	vmul.f32 v8, v4;
	v33 =	vld [tilespmem:s28+$0xFFFFFF70]  }
0x115: {  	v34 =	vld [tilespmem:s5+$0xFFFFFFC0]  }
0x116: {  	v28 =	vadd.f32 v29, v28;
	v29 =	vld [tilespmem:s25+$0xFFFFFFC0];
	v24 =	vmax.f32 v24, $0.0e+00;
	v25 =	vadd.f32 v25, v32  }
0x117: {  	[tilespmem:s15+$0x30] =	vst v24;
	v24 =	vld [tilespmem:s0+$0xFFFFFFF0];
	v30 =	vadd.f32 v30, v31  }
0x118: {  	v26 =	vadd.f32 v28, v26;
	v28 =	vld [tilespmem:s5+$0x40];
	v25 =	vmax.f32 v25, $0.0e+00  }
0x119: {  	v31 =	vld [tilespmem:s25+$0x40];
	[tilespmem:s15+$0xC0] =	vst v25;
	v25 =	vadd.f32 v33, v35;
	v30 =	vadd.f32 v30, v11;
	v11 =	vmov v23  }
0x11a: {  	v23 =	vmax.f32 v26, $0.0e+00;
	v32 =	vld [tilespmem:s5+$0xD0]  }
0x11b: {  	[tilespmem:s15+$0xFFFFFF30] =	vst v23;
	v23 =	vadd.f32 v29, v34;
	v33 =	vld [tilespmem:s25+$0xD0];
	v29 =	vadd.f32 v25, v12;
	v26 =	vmax.f32 v30, $0.0e+00;
	v12 =	vmovc v27  }
.Ltmp2:
0x11c: {  	v25 =	vld [tilespmem:s5+$0xFFFFFF40];
	[tilespmem:s11+$0x60] =	vst v26;
	(pc) =	sbr.rel @p1 .LBB2_3-.Ltmp2, $4  }
0x11d: {  	v26 =	vld [tilespmem:s25+$0xFFFFFF40];
	v21 =	vadd.f32 v23, v21;
	v23 =	vmax.f32 v29, $0.0e+00  }
0x11e: {  	v27 =	vadd.f32 v31, v28;
	[tilespmem:s11+$0xFFFFFF70] =	vst v23;
	v23 =	vld [tilespmem:s28+$0xFFFFFFF0]  }
0x11f: {  	v28 =	vmax.f32 v21, $0.0e+00;
	v21 =	vld [tilespmem:s0+$0x70];
	s0 =	smov.u32 s5  }
0x120: {  	s22 =	sadd.s32 $0x40, s22;
	[tilespmem:s15+$0xFFFFFFC0] =	vst v28;
	v29 =	vadd.f32 v27, v22;
	v27 =	vadd.f32 v33, v32;
	v28 =	vmul.f32 v8, v5;
	v22 =	vld [tilespmem:s28+$0x70];
	s28 =	smov.u32 s25  }
0x121: {  	_ = 	snop  }
0x122: {  	v25 =	vadd.f32 v26, v25;
	_ =	sdelay $0x1  }
0x123: {  	v20 =	vadd.f32 v25, v20  }
0x124: {  	v39 =	vld [tilespmem:s0+$0xFFFFFFD0]  }
0x125: {  	v40 =	vld [tilespmem:s28+$0xFFFFFFD0];
	v20 =	vmax.f32 v20, $0.0e+00  }
0x126: {  	[tilespmem:s15+$0xFFFFFF40] =	vst v20  }
0x127: {  	v38 =	vmax.f32 v29, $0.0e+00;
	v20 =	vld [tilespmem:s0+$0xFFFFFF50]  }
0x128: {  	[tilespmem:s15+$0x40] =	vst v38;
	v37 =	vld [tilespmem:s28+$0xFFFFFF50]  }
0x129: {  	v30 =	vld [tilespmem:s0+$0x50]  }
0x12a: {  	v27 =	vadd.f32 v27, v28;
	v31 =	vld [tilespmem:s28+$0x50];
	v42 =	vadd.f32 v40, v39;
	_ =	sdelay $0x1  }
0x12b: {  	v41 =	vmax.f32 v27, $0.0e+00;
	v14 =	vadd.f32 v42, v14  }
0x12c: {  	[tilespmem:s15+$0xD0] =	vst v41;
	v20 =	vadd.f32 v37, v20  }
0x12d: {  	v25 =	vld [tilespmem:s0+$0xE0];
	v14 =	vmax.f32 v14, $0.0e+00  }
0x12e: {  	v44 =	vld [tilespmem:s28+$0xE0];
	v43 =	vadd.f32 v31, v30;
	[tilespmem:s15+$0xFFFFFFD0] =	vst v14;
	v17 =	vadd.f32 v20, v17  }
0x12f: {  	v46 =	vld [tilespmem:s0+$0xFFFFFFE0]  }
0x130: {  	v15 =	vadd.f32 v43, v15;
	v47 =	vld [tilespmem:s28+$0xFFFFFFE0];
	v17 =	vmax.f32 v17, $0.0e+00  }
0x131: {  	[tilespmem:s15+$0xFFFFFF50] =	vst v17  }
0x132: {  	v15 =	vmax.f32 v15, $0.0e+00;
	v17 =	vld [tilespmem:s0+$0xFFFFFF60]  }
0x133: {  	[tilespmem:s15+$0x50] =	vst v15;
	v45 =	vld [tilespmem:s28+$0xFFFFFF60]  }
0x134: {  	v48 =	vmul.f32 v8, v6;
	v25 =	vadd.f32 v44, v25;
	v49 =	vld [tilespmem:s0+$0x60]  }
0x135: {  	v50 =	vld [tilespmem:s28+$0x60];
	v15 =	vadd.f32 v47, v46  }
0x136: {  	v25 =	vadd.f32 v25, v48  }
0x137: {  	v13 =	vadd.f32 v15, v13  }
0x138: {  	v51 =	vmax.f32 v25, $0.0e+00;
	v14 =	vadd.f32 v45, v17  }
0x139: {  	[tilespmem:s15+$0xE0] =	vst v51;
	v13 =	vmax.f32 v13, $0.0e+00  }
0x13a: {  	v52 =	vld [tilespmem:s0+$0xF0];
	v53 =	vadd.f32 v50, v49;
	[tilespmem:s15+$0xFFFFFFE0] =	vst v13;
	v14 =	vadd.f32 v14, v16  }
0x13b: {  	v55 =	vld [tilespmem:s0+$0xFFFFFFF0]  }
0x13c: {  	v11 =	vadd.f32 v53, v11;
	v56 =	vld [tilespmem:s28+$0xFFFFFFF0];
	v14 =	vmax.f32 v14, $0.0e+00  }
0x13d: {  	v17 =	vld [tilespmem:s28+$0xF0];
	[tilespmem:s15+$0xFFFFFF60] =	vst v14  }
0x13e: {  	v11 =	vmax.f32 v11, $0.0e+00;
	v14 =	vld [tilespmem:s0+$0xFFFFFF70]  }
0x13f: {  	[tilespmem:s15+$0x60] =	vst v11;
	v54 =	vld [tilespmem:s28+$0xFFFFFF70]  }
0x140: {  	v57 =	vld [tilespmem:s0+$0x70]  }
0x141: {  	v23 =	vadd.f32 v23, v24;
	v58 =	vld [tilespmem:s28+$0x70]  }
0x142: {  	v21 =	vadd.f32 v22, v21  }
0x143: {  	v8 =	vmul.f32 v8, v7;
	v9 =	vadd.f32 v23, v9;
	v16 =	vadd.f32 v17, v52  }
0x144: {  	v10 =	vadd.f32 v21, v10;
	v13 =	vadd.f32 v54, v14  }
0x145: {  	v9 =	vmax.f32 v9, $0.0e+00;
	v11 =	vadd.f32 v56, v55;
	v8 =	vadd.f32 v16, v8  }
0x146: {  	[tilespmem:s11+$0xFFFFFFF0] =	vst v9;
	v59 =	vmax.f32 v10, $0.0e+00;
	v61 =	vadd.f32 v58, v57;
	v60 =	vadd.f32 v13, v12  }
0x147: {  	p1 =	sne.s32 s21, $0x53;
	[tilespmem:s11+$0x70] =	vst v59;
	v62 =	vadd.f32 v11, v19;
	v8 =	vmax.f32 v8, $0.0e+00  }
.Ltmp3:
0x148: {  	v63 =	vadd.f32 v61, v18;
	[tilespmem:s15+$0xF0] =	vst v8;
	v8 =	vmax.f32 v60, $0.0e+00;
	(pc) =	sbr.rel @!p1 .LBB2_5-.Ltmp3, $4  }
0x149: {  	[tilespmem:s15+$0xFFFFFF70] =	vst v8;
	v8 =	vmax.f32 v62, $0.0e+00  }
0x14a: {  	[tilespmem:s15+$0xFFFFFFF0] =	vst v8;
	v8 =	vmax.f32 v63, $0.0e+00  }
0x14b: {  	s28 =	simm.s32 $0x2B80;
	[tilespmem:s15+$0x70] =	vst v8  }
0x14c: {  	[spmem:s1] =	stream.indirect.scatter.add.f32 [tilespmem:s28], [sflag:$0x3], $0x80, s2, s31, $0xb8;
	[tilespmem:$0x1F780] =	vst v63  }
0x14d: {  	_ =	swait.ge [sflag:s10], $0x28  }
0x14e: {  	[sflag:s10] =	ssyncset.done $0x0  }
0x14f: {  	[sflag:s10] =	ssyncadd.s32 $0xFFFFFFD8  }
0x150: {  	_ =	swait.ge [sflag:s10], $0x28  }
0x151: {  	[sflag:s10] =	ssyncset.done $0x0  }
0x152: {  	[sflag:s10] =	ssyncadd.s32 $0xFFFFFFD8  }
0x153: {  	_ =	swait.ge [sflag:s10], $0x280  }
0x154: {  	s0 =	simm.s32 $0x4000;
	[sflag:s10] =	ssyncset.done $0x0  }
0x155: {  	s5 =	simm.s32 $0x4300;
	s16 =	smul.u32 $0x3, s21;
	[sflag:s10] =	ssyncadd.s32 $0xFFFFFD80  }
0x156: {  	[tilespmem:s5], [sflag:$0x5] =	stream.indirect.gather [hbm4b:s3+s31], $0x80, s0, s31, $0xb8;
	[tilespmem:$0x1F780] =	vst v63  }
0x157: {  	s0 =	sadd.s32 $0xFFFFFFFF, s16  }
0x158: {  	s17 =	simm.s32 $0x5700;
	p1 =	sgt.u32 s0, $0xF9  }
0x159: {  	[tilespmem:s17], [sflag:$0x5] =	stream.indirect.gather [hbm4b:s4+s31], $0x80, s26, s31, $0xb8;
	[tilespmem:$0x1F780] =	vst v63  }
0x15a: {  	s0 =	simm.s32 @!p1 $0x9  }
0x15b: {  	s11 =	smul.u32 $0x78, s21;
	_ =	swait.ge @!p1 [sflag:s0], $0x1400  }
0x15c: {  	s22 =	rddreg [dreg:$0xb]  }
0x15d: {  	s5 =	sadd.s32 s11, s22  }
0x15e: {  	[sflag:s0] =	ssyncset.done @!p1 $0x0;
	s15 =	sshrl.u32 s5, $0x3  }
0x15f: {  	[sflag:s0] =	ssyncadd.s32 @!p1 $0xFFFFEC00;
	s25 =	sadd.s32 s6, s15  }
0x160: {  	[tilespmem:s13], [sflag:$0x7] =	stream.linear.gather [hbm4b:s25+s2], $0x28, $0x38;
	[tilespmem:$0x1F780] =	vst v63  }
0x161: {  	s17 =	sshll.u32 s5, $0x1;
	s16 =	sadd.s32 s7, s15  }
0x162: {  	[tilespmem:s14], [sflag:$0x7] =	stream.linear.gather [hbm4b:s16+s2], $0x28, $0x38;
	[tilespmem:$0x1F780] =	vst v63  }
0x163: {  	s22 =	simm.s32 $0x8000;
	s0 =	sadd.s32 s8, s17  }
0x164: {  	[tilespmem:s22], [sflag:$0x7] =	stream.linear.gather [hbm4b:s0+s2], $0x280, $0x38;
	[tilespmem:$0x1F780] =	vst v63  }
0x165: {  	_ =	swait.ge [sflag:s19], $0x1400  }
0x166: {  	[sflag:s19] =	ssyncset.done $0x0  }
0x167: {  	[sflag:s19] =	ssyncadd.s32 $0xFFFFEC00  }
0x168: {  	_ =	swait.ge [sflag:s19], $0x1400  }
0x169: {  	[sflag:s19] =	ssyncset.done $0x0  }
0x16a: {  	s25 =	simm.s32 $0x40A0;
	[sflag:s19] =	ssyncadd.s32 $0xFFFFEC00  }
0x16b: {  	s22 =	simm.s32 $0x4400;
	v11 =	vld [tilespmem:s25+$0x10]  }
0x16c: {  	s0 =	simm.s32 $0x5800;
	v8 =	vld [tilespmem:s22+$0x80]  }
0x16d: {  	v9 =	vld [tilespmem:s0+$0x80];
	_ =	sdelay $0x4  }
0x16e: {  	v8 =	vadd.f32 v9, v8;
	v9 =	vmul.f32 v11, v0;
	_ =	sdelay $0x1  }
0x16f: {  	v13 =	vld [tilespmem:s22+$0xFFFFFF00];
	v8 =	vadd.f32 v8, v9  }
0x170: {  	v12 =	vld [tilespmem:s22+$0xFFFFFF80]  }
0x171: {  	s15 =	simm.s32 $0x6C00;
	v14 =	vld [tilespmem:s0+$0xFFFFFF80];
	v8 =	vmax.f32 v8, $0.0e+00  }
0x172: {  	v9 =	vld [tilespmem:s25+$0xFFFFFFF0];
	[tilespmem:s15+$0x80] =	vst v8  }
0x173: {  	v8 =	vld [tilespmem:s22+$0x90]  }
0x174: {  	v15 =	vld [tilespmem:s0+$0x90]  }
0x175: {  	v10 =	vld [tilespmem:s25+$0x0]  }
0x176: {  	v16 =	vld [tilespmem:s22+$0x0]  }
0x177: {  	v18 =	vld [tilespmem:s0+$0x0];
	v14 =	vadd.f32 v14, v12;
	v17 =	vmul.f32 v9, v0  }
0x178: {  	v19 =	vld [tilespmem:s0+$0xFFFFFF00]  }
0x179: {  	v12 =	vld [tilespmem:s25+$0xFFFFFFE0];
	v14 =	vadd.f32 v14, v17;
	v8 =	vadd.f32 v15, v8;
	v15 =	vmul.f32 v11, v1;
	_ =	sdelay $0x1  }
0x17a: {  	v14 =	vmax.f32 v14, $0.0e+00;
	v8 =	vadd.f32 v8, v15  }
0x17b: {  	v16 =	vadd.f32 v18, v16;
	[tilespmem:s15+$0xFFFFFF80] =	vst v14;
	v15 =	vmul.f32 v10, v0  }
0x17c: {  	v14 =	vld [tilespmem:s22+$0xFFFFFF90];
	v8 =	vmax.f32 v8, $0.0e+00  }
0x17d: {  	v13 =	vadd.f32 v19, v13;
	v17 =	vld [tilespmem:s0+$0xFFFFFF90];
	v15 =	vadd.f32 v16, v15;
	v16 =	vmul.f32 v12, v0;
	[tilespmem:s15+$0x90] =	vst v8  }
0x17e: {  	v8 =	vld [tilespmem:s22+$0xA0]  }
0x17f: {  	v15 =	vmax.f32 v15, $0.0e+00;
	v13 =	vadd.f32 v13, v16;
	v16 =	vld [tilespmem:s0+$0xA0]  }
0x180: {  	[tilespmem:s15+$0x0] =	vst v15  }
0x181: {  	v15 =	vld [tilespmem:s22+$0x10];
	v13 =	vmax.f32 v13, $0.0e+00  }
0x182: {  	v18 =	vmul.f32 v9, v1;
	v19 =	vld [tilespmem:s0+$0x10];
	[tilespmem:s15+$0xFFFFFF00] =	vst v13;
	v13 =	vadd.f32 v17, v14  }
0x183: {  	v14 =	vld [tilespmem:s22+$0xFFFFFF10]  }
0x184: {  	v17 =	vld [tilespmem:s0+$0xFFFFFF10];
	v13 =	vadd.f32 v13, v18;
	v8 =	vadd.f32 v16, v8;
	v16 =	vmul.f32 v11, v2;
	_ =	sdelay $0x1  }
0x185: {  	v13 =	vmax.f32 v13, $0.0e+00;
	v8 =	vadd.f32 v8, v16  }
0x186: {  	v16 =	vmul.f32 v10, v1;
	v15 =	vadd.f32 v19, v15;
	[tilespmem:s15+$0xFFFFFF90] =	vst v13  }
0x187: {  	v13 =	vld [tilespmem:s22+$0xFFFFFFA0];
	v8 =	vmax.f32 v8, $0.0e+00  }
0x188: {  	v18 =	vmul.f32 v12, v1;
	v15 =	vadd.f32 v15, v16;
	v14 =	vadd.f32 v17, v14;
	v16 =	vld [tilespmem:s0+$0xFFFFFFA0];
	[tilespmem:s15+$0xA0] =	vst v8  }
0x189: {  	v8 =	vld [tilespmem:s22+$0xB0]  }
0x18a: {  	v15 =	vmax.f32 v15, $0.0e+00;
	v14 =	vadd.f32 v14, v18;
	v17 =	vld [tilespmem:s0+$0xB0]  }
0x18b: {  	[tilespmem:s15+$0x10] =	vst v15  }
0x18c: {  	v15 =	vld [tilespmem:s22+$0x20];
	v14 =	vmax.f32 v14, $0.0e+00  }
0x18d: {  	v18 =	vmul.f32 v9, v2;
	v19 =	vld [tilespmem:s0+$0x20];
	[tilespmem:s15+$0xFFFFFF10] =	vst v14;
	v13 =	vadd.f32 v16, v13  }
0x18e: {  	v14 =	vld [tilespmem:s22+$0xFFFFFF20]  }
0x18f: {  	v16 =	vld [tilespmem:s0+$0xFFFFFF20];
	v13 =	vadd.f32 v13, v18;
	v8 =	vadd.f32 v17, v8;
	v17 =	vmul.f32 v11, v3;
	_ =	sdelay $0x1  }
0x190: {  	v13 =	vmax.f32 v13, $0.0e+00;
	v8 =	vadd.f32 v8, v17  }
0x191: {  	[tilespmem:s15+$0xFFFFFFA0] =	vst v13  }
0x192: {  	v18 =	vmul.f32 v12, v2;
	v13 =	vld [tilespmem:s22+$0xFFFFFFB0];
	v8 =	vmax.f32 v8, $0.0e+00  }
0x193: {  	v17 =	vmul.f32 v10, v2;
	v15 =	vadd.f32 v19, v15;
	v14 =	vadd.f32 v16, v14;
	v16 =	vld [tilespmem:s0+$0xFFFFFFB0];
	[tilespmem:s15+$0xB0] =	vst v8  }
0x194: {  	v8 =	vld [tilespmem:s22+$0xC0]  }
0x195: {  	v15 =	vadd.f32 v15, v17;
	v14 =	vadd.f32 v14, v18;
	v17 =	vld [tilespmem:s0+$0xC0];
	_ =	sdelay $0x1  }
0x196: {  	v14 =	vmax.f32 v14, $0.0e+00  }
0x197: {  	[tilespmem:s15+$0xFFFFFF20] =	vst v14  }
0x198: {  	v14 =	vmul.f32 v9, v3;
	v13 =	vadd.f32 v16, v13;
	v16 =	vld [tilespmem:s22+$0xFFFFFF30]  }
0x199: {  	v19 =	vld [tilespmem:s0+$0xFFFFFF30];
	v8 =	vadd.f32 v17, v8;
	v17 =	vmul.f32 v11, v4  }
0x19a: {  	v13 =	vadd.f32 v13, v14  }
0x19b: {  	s28 =	simm.s32 $0x5A00;
	v15 =	vmax.f32 v15, $0.0e+00;
	v8 =	vadd.f32 v8, v17  }
0x19c: {  	v22 =	vld [tilespmem:s28+$0x80];
	[tilespmem:s15+$0x20] =	vst v15;
	v13 =	vmax.f32 v13, $0.0e+00  }
0x19d: {  	v15 =	vld [tilespmem:s22+$0x30];
	[tilespmem:s15+$0xFFFFFFB0] =	vst v13;
	v8 =	vmax.f32 v8, $0.0e+00  }
0x19e: {  	v18 =	vld [tilespmem:s0+$0x30];
	v13 =	vmul.f32 v12, v3;
	v16 =	vadd.f32 v19, v16;
	[tilespmem:s15+$0xC0] =	vst v8  }
0x19f: {  	v8 =	vld [tilespmem:s22+$0xD0]  }
0x1a0: {  	v13 =	vadd.f32 v16, v13;
	v16 =	vld [tilespmem:s0+$0xD0]  }
0x1a1: {  	v24 =	vld [tilespmem:s28+$0xFFFFFF00]  }
0x1a2: {  	v27 =	vld [tilespmem:s28+$0xFFFFFF80];
	s25 =	simm.s32 $0x4600  }
0x1a3: {  	v21 =	vld [tilespmem:s25+$0x80]  }
0x1a4: {  	v23 =	vld [tilespmem:s25+$0xFFFFFF00];
	v14 =	vmul.f32 v10, v3  }
0x1a5: {  	v26 =	vld [tilespmem:s25+$0xFFFFFF80];
	v15 =	vadd.f32 v18, v15;
	v18 =	vmul.f32 v11, v5;
	v16 =	vadd.f32 v16, v8  }
0x1a6: {  	v29 =	vld [tilespmem:s25+$0x0]  }
0x1a7: {  	s16 =	simm.s32 $0x40E0;
	v14 =	vadd.f32 v15, v14;
	v15 =	vld [tilespmem:s22+$0xFFFFFFC0];
	v13 =	vmax.f32 v13, $0.0e+00;
	v16 =	vadd.f32 v16, v18  }
0x1a8: {  	[tilespmem:s15+$0xFFFFFF30] =	vst v13;
	v8 =	vld [tilespmem:s16+$0x10]  }
0x1a9: {  	v13 =	vld [tilespmem:s22+$0xFFFFFF40];
	v16 =	vmax.f32 v16, $0.0e+00  }
0x1aa: {  	v19 =	vld [tilespmem:s0+$0xFFFFFF40];
	[tilespmem:s15+$0xD0] =	vst v16  }
0x1ab: {  	v16 =	vld [tilespmem:s22+$0xE0]  }
0x1ac: {  	v14 =	vmax.f32 v14, $0.0e+00;
	v25 =	vld [tilespmem:s0+$0xE0]  }
0x1ad: {  	v21 =	vadd.f32 v22, v21;
	v17 =	vld [tilespmem:s0+$0xFFFFFFC0];
	[tilespmem:s15+$0x30] =	vst v14;
	v22 =	vmul.f32 v8, v0  }
0x1ae: {  	v14 =	vld [tilespmem:s22+$0x40]  }
0x1af: {  	v18 =	vld [tilespmem:s16+$0xFFFFFFF0];
	v22 =	vadd.f32 v21, v22  }
0x1b0: {  	v28 =	vmul.f32 v12, v4;
	v20 =	vld [tilespmem:s0+$0x40];
	v13 =	vadd.f32 v19, v13  }
0x1b1: {  	s5 =	simm.s32 $0x6E00;
	v21 =	vld [tilespmem:s16+$0x0];
	v19 =	vmax.f32 v22, $0.0e+00;
	v22 =	vmul.f32 v11, v6;
	v16 =	vadd.f32 v25, v16  }
0x1b2: {  	v13 =	vadd.f32 v13, v28;
	[tilespmem:s5+$0x80] =	vst v19;
	v25 =	vld [tilespmem:s28+$0x0]  }
0x1b3: {  	v28 =	vld [tilespmem:s25+$0x90];
	v16 =	vadd.f32 v16, v22  }
0x1b4: {  	v26 =	vadd.f32 v27, v26;
	v13 =	vmax.f32 v13, $0.0e+00;
	v27 =	vld [tilespmem:s28+$0x90];
	v22 =	vmul.f32 v18, v0  }
0x1b5: {  	[tilespmem:s15+$0xFFFFFF40] =	vst v13;
	v19 =	vld [tilespmem:s16+$0xFFFFFFE0];
	v13 =	vmax.f32 v16, $0.0e+00  }
0x1b6: {  	v15 =	vadd.f32 v17, v15;
	v16 =	vmul.f32 v9, v4;
	v17 =	vadd.f32 v26, v22;
	v22 =	vld [tilespmem:s22+$0xFFFFFF50];
	[tilespmem:s15+$0xE0] =	vst v13  }
0x1b7: {  	v26 =	vmul.f32 v21, v0;
	v25 =	vadd.f32 v25, v29;
	v13 =	vld [tilespmem:s22+$0xF0]  }
0x1b8: {  	v15 =	vadd.f32 v15, v16;
	v17 =	vmax.f32 v17, $0.0e+00;
	v16 =	vld [tilespmem:s0+$0xF0]  }
0x1b9: {  	[tilespmem:s5+$0xFFFFFF80] =	vst v17;
	v17 =	vadd.f32 v25, v26;
	v25 =	vadd.f32 v27, v28;
	v26 =	vmul.f32 v8, v1;
	v27 =	vld [tilespmem:s0+$0xFFFFFF50]  }
0x1ba: {  	v23 =	vadd.f32 v24, v23;
	v15 =	vmax.f32 v15, $0.0e+00;
	v24 =	vld [tilespmem:s25+$0xFFFFFF90]  }
0x1bb: {  	v28 =	vld [tilespmem:s28+$0xFFFFFF90];
	[tilespmem:s15+$0xFFFFFFC0] =	vst v15;
	v15 =	vmul.f32 v19, v0;
	v17 =	vmax.f32 v17, $0.0e+00;
	v25 =	vadd.f32 v25, v26  }
0x1bc: {  	[tilespmem:s5+$0x0] =	vst v17;
	v17 =	vld [tilespmem:s22+$0xFFFFFFD0]  }
0x1bd: {  	v15 =	vadd.f32 v23, v15;
	v23 =	vld [tilespmem:s25+$0x10];
	v25 =	vmax.f32 v25, $0.0e+00  }
0x1be: {  	v14 =	vadd.f32 v20, v14;
	v26 =	vmul.f32 v10, v4;
	v20 =	vld [tilespmem:s28+$0x10];
	[tilespmem:s5+$0x90] =	vst v25  }
0x1bf: {  	v15 =	vmax.f32 v15, $0.0e+00;
	v25 =	vld [tilespmem:s25+$0xA0]  }
0x1c0: {  	v14 =	vadd.f32 v14, v26;
	v26 =	vmul.f32 v18, v1;
	[tilespmem:s5+$0xFFFFFF00] =	vst v15;
	v15 =	vadd.f32 v28, v24;
	v24 =	vld [tilespmem:s28+$0xA0]  }
0x1c1: {  	v22 =	vadd.f32 v27, v22;
	v29 =	vld [tilespmem:s25+$0xFFFFFF10]  }
0x1c2: {  	v14 =	vmax.f32 v14, $0.0e+00;
	v28 =	vmul.f32 v12, v5;
	v27 =	vld [tilespmem:s28+$0xFFFFFF10];
	v15 =	vadd.f32 v15, v26  }
0x1c3: {  	[tilespmem:s15+$0x40] =	vst v14;
	v14 =	vmul.f32 v21, v1;
	v20 =	vadd.f32 v20, v23;
	v23 =	vld [tilespmem:s0+$0xFFFFFFD0]  }
0x1c4: {  	v22 =	vadd.f32 v22, v28;
	v26 =	vld [tilespmem:s22+$0x50];
	v15 =	vmax.f32 v15, $0.0e+00  }
0x1c5: {  	v14 =	vadd.f32 v20, v14;
	v20 =	vmul.f32 v8, v2;
	[tilespmem:s5+$0xFFFFFF90] =	vst v15;
	v15 =	vadd.f32 v24, v25;
	v24 =	vld [tilespmem:s0+$0x50]  }
0x1c6: {  	v22 =	vmax.f32 v22, $0.0e+00;
	v25 =	vmul.f32 v19, v1;
	v28 =	vld [tilespmem:s25+$0xFFFFFFA0]  }
0x1c7: {  	[tilespmem:s15+$0xFFFFFF50] =	vst v22;
	v22 =	vadd.f32 v27, v29;
	v27 =	vld [tilespmem:s28+$0xFFFFFFA0];
	v14 =	vmax.f32 v14, $0.0e+00;
	v15 =	vadd.f32 v15, v20  }
0x1c8: {  	[tilespmem:s5+$0x10] =	vst v14;
	v14 =	vld [tilespmem:s22+$0xFFFFFF60]  }
0x1c9: {  	v20 =	vadd.f32 v22, v25;
	v22 =	vld [tilespmem:s25+$0x20];
	v15 =	vmax.f32 v15, $0.0e+00  }
0x1ca: {  	v17 =	vadd.f32 v23, v17;
	v25 =	vmul.f32 v9, v5;
	v23 =	vld [tilespmem:s28+$0x20];
	[tilespmem:s5+$0xA0] =	vst v15  }
0x1cb: {  	v15 =	vmax.f32 v20, $0.0e+00;
	v20 =	vld [tilespmem:s25+$0xB0]  }
0x1cc: {  	v29 =	vmul.f32 v18, v2;
	v17 =	vadd.f32 v17, v25;
	[tilespmem:s5+$0xFFFFFF10] =	vst v15;
	v15 =	vadd.f32 v27, v28;
	v25 =	vld [tilespmem:s28+$0xB0]  }
0x1cd: {  	v24 =	vadd.f32 v24, v26;
	v28 =	vld [tilespmem:s25+$0xFFFFFF20]  }
0x1ce: {  	v27 =	vmul.f32 v10, v5;
	v17 =	vmax.f32 v17, $0.0e+00;
	v26 =	vld [tilespmem:s28+$0xFFFFFF20];
	v15 =	vadd.f32 v15, v29  }
0x1cf: {  	v29 =	vmul.f32 v21, v2;
	[tilespmem:s15+$0xFFFFFFD0] =	vst v17;
	v17 =	vadd.f32 v23, v22;
	v22 =	vld [tilespmem:s0+$0xFFFFFF60]  }
0x1d0: {  	v23 =	vadd.f32 v24, v27;
	v24 =	vld [tilespmem:s22+$0xFFFFFFE0];
	v15 =	vmax.f32 v15, $0.0e+00  }
0x1d1: {  	[tilespmem:s5+$0xFFFFFFA0] =	vst v15;
	v15 =	vadd.f32 v17, v29;
	v17 =	vadd.f32 v25, v20;
	v20 =	vmul.f32 v8, v3;
	v25 =	vld [tilespmem:s0+$0xFFFFFFE0]  }
0x1d2: {  	v27 =	vmul.f32 v19, v2;
	v23 =	vmax.f32 v23, $0.0e+00;
	v29 =	vld [tilespmem:s25+$0xFFFFFFB0]  }
0x1d3: {  	[tilespmem:s15+$0x50] =	vst v23;
	v23 =	vadd.f32 v26, v28;
	v26 =	vld [tilespmem:s28+$0xFFFFFFB0];
	v15 =	vmax.f32 v15, $0.0e+00;
	v17 =	vadd.f32 v17, v20  }
0x1d4: {  	v20 =	vld [tilespmem:s22+$0x60];
	[tilespmem:s5+$0x20] =	vst v15  }
0x1d5: {  	v15 =	vadd.f32 v23, v27;
	v23 =	vld [tilespmem:s25+$0x30];
	v17 =	vmax.f32 v17, $0.0e+00  }
0x1d6: {  	v31 =	vmul.f32 v18, v3;
	v14 =	vadd.f32 v22, v14;
	v27 =	vmul.f32 v12, v6;
	v22 =	vld [tilespmem:s28+$0x30];
	[tilespmem:s5+$0xB0] =	vst v17  }
0x1d7: {  	v33 =	vmul.f32 v21, v4;
	v16 =	vadd.f32 v16, v13;
	v15 =	vmax.f32 v15, $0.0e+00;
	v30 =	vld [tilespmem:s25+$0xC0]  }
0x1d8: {  	v13 =	vmul.f32 v18, v6;
	v14 =	vadd.f32 v14, v27;
	[tilespmem:s5+$0xFFFFFF20] =	vst v15;
	v15 =	vadd.f32 v26, v29;
	v26 =	vld [tilespmem:s28+$0xC0]  }
0x1d9: {  	v28 =	vmul.f32 v10, v6;
	v17 =	vmul.f32 v9, v6;
	v27 =	vld [tilespmem:s25+$0xFFFFFF30]  }
0x1da: {  	v24 =	vadd.f32 v25, v24;
	v14 =	vmax.f32 v14, $0.0e+00;
	v25 =	vld [tilespmem:s28+$0xFFFFFF30];
	v15 =	vadd.f32 v15, v31  }
0x1db: {  	v10 =	vmul.f32 v10, v7;
	v29 =	vmul.f32 v21, v3;
	[tilespmem:s15+$0xFFFFFF60] =	vst v14;
	v14 =	vadd.f32 v22, v23;
	v22 =	vld [tilespmem:s0+$0x60]  }
0x1dc: {  	v12 =	vmul.f32 v12, v7;
	v17 =	vadd.f32 v24, v17;
	v31 =	vld [tilespmem:s22+$0xFFFFFF70];
	v15 =	vmax.f32 v15, $0.0e+00  }
0x1dd: {  	[tilespmem:s5+$0xFFFFFFB0] =	vst v15;
	v15 =	vadd.f32 v14, v29;
	v24 =	vadd.f32 v26, v30;
	v26 =	vmul.f32 v8, v4;
	v29 =	vld [tilespmem:s0+$0xFFFFFF70]  }
0x1de: {  	v9 =	vmul.f32 v9, v7;
	v17 =	vmax.f32 v17, $0.0e+00;
	v30 =	vmul.f32 v19, v3;
	v32 =	vld [tilespmem:s25+$0xFFFFFFC0]  }
0x1df: {  	[tilespmem:s15+$0xFFFFFFE0] =	vst v17;
	v17 =	vadd.f32 v25, v27;
	v25 =	vld [tilespmem:s28+$0xFFFFFFC0];
	v27 =	vmax.f32 v15, $0.0e+00;
	v26 =	vadd.f32 v24, v26  }
0x1e0: {  	v23 =	vmul.f32 v18, v4;
	v14 =	vmul.f32 v18, v5;
	v24 =	vld [tilespmem:s22+$0xFFFFFFF0];
	[tilespmem:s5+$0x30] =	vst v27  }
0x1e1: {  	v27 =	vmul.f32 v11, v7;
	v17 =	vadd.f32 v17, v30;
	v30 =	vld [tilespmem:s25+$0x40];
	v26 =	vmax.f32 v26, $0.0e+00  }
0x1e2: {  	v15 =	vmul.f32 v21, v5;
	v11 =	vmul.f32 v21, v6;
	v22 =	vadd.f32 v22, v20;
	v34 =	vld [tilespmem:s28+$0x40];
	[tilespmem:s5+$0xC0] =	vst v26  }
0x1e3: {  	v16 =	vadd.f32 v16, v27;
	v26 =	vadd.f32 v29, v31;
	v17 =	vmax.f32 v17, $0.0e+00;
	v27 =	vld [tilespmem:s25+$0xD0]  }
0x1e4: {  	v20 =	vmul.f32 v19, v4;
	v22 =	vadd.f32 v22, v28;
	[tilespmem:s5+$0xFFFFFF30] =	vst v17;
	v28 =	vadd.f32 v25, v32;
	v31 =	vld [tilespmem:s28+$0xD0]  }
0x1e5: {  	v17 =	vmul.f32 v19, v5;
	v29 =	vmax.f32 v16, $0.0e+00;
	v63 =	vadd.f32 v26, v12;
	v25 =	vld [tilespmem:s25+$0xFFFFFF40]  }
0x1e6: {  	v16 =	vmul.f32 v19, v6;
	v22 =	vmax.f32 v22, $0.0e+00;
	v26 =	vld [tilespmem:s28+$0xFFFFFF40];
	[tilespmem:s15+$0xF0] =	vst v29;
	v28 =	vadd.f32 v28, v23  }
0x1e7: {  	v12 =	vmul.f32 v19, v7;
	[tilespmem:s15+$0x60] =	vst v22;
	v23 =	vld [tilespmem:s0+$0xFFFFFFF0];
	v22 =	vmax.f32 v63, $0.0e+00;
	v29 =	vadd.f32 v34, v30  }
0x1e8: {  	s17 =	simm.s32 $0x4120;
	v19 =	vmul.f32 v18, v7;
	v18 =	vmul.f32 v21, v7;
	v21 =	vld [tilespmem:s22+$0x70];
	[tilespmem:s15+$0xFFFFFF70] =	vst v22;
	v22 =	vmax.f32 v28, $0.0e+00  }
0x1e9: {  	s16 =	simm.s32 $0x4;
	s22 =	simm.s32 $0x4600;
	v28 =	vmul.f32 v8, v5;
	[tilespmem:s5+$0xFFFFFFC0] =	vst v22;
	v29 =	vadd.f32 v29, v33;
	v27 =	vadd.f32 v31, v27;
	v22 =	vld [tilespmem:s0+$0x70];
	s0 =	simm.s32 $0x5A00  }
.LBB2_7:
0x1ea: {  	v30 =	vld [tilespmem:s17+$0x10];
	s25 =	sadd.s32 $0x200, s25  }
0x1eb: {  	s28 =	sadd.s32 $0x200, s28;
	v31 =	vld [tilespmem:s25+$0x80];
	v25 =	vadd.f32 v26, v25;
	v26 =	vmax.f32 v29, $0.0e+00;
	v27 =	vadd.f32 v27, v28  }
0x1ec: {  	v28 =	vld [tilespmem:s28+$0x80];
	[tilespmem:s5+$0x40] =	vst v26;
	v23 =	vadd.f32 v23, v24  }
0x1ed: {  	v24 =	vld [tilespmem:s25+$0xFFFFFF00];
	v20 =	vadd.f32 v25, v20;
	v25 =	vmax.f32 v27, $0.0e+00  }
0x1ee: {  	v26 =	vld [tilespmem:s28+$0xFFFFFF00];
	[tilespmem:s5+$0xD0] =	vst v25;
	v23 =	vadd.f32 v23, v9;
	v21 =	vadd.f32 v22, v21;
	v9 =	vmov v19  }
0x1ef: {  	v19 =	vmax.f32 v20, $0.0e+00;
	v20 =	vld [tilespmem:s22+$0xE0]  }
0x1f0: {  	[tilespmem:s5+$0xFFFFFF40] =	vst v19;
	v19 =	vld [tilespmem:s0+$0xE0];
	v22 =	vmax.f32 v23, $0.0e+00;
	v21 =	vadd.f32 v21, v10;
	v10 =	vmov v18  }
0x1f1: {  	v25 =	vmul.f32 v30, v0;
	v18 =	vld [tilespmem:s17+$0xFFFFFFF0];
	v23 =	vadd.f32 v28, v31;
	[tilespmem:s15+$0xFFFFFFF0] =	vst v22  }
0x1f2: {  	v22 =	vld [tilespmem:s25+$0xFFFFFF80];
	v21 =	vmax.f32 v21, $0.0e+00  }
0x1f3: {  	s16 =	sadd.s32 $0x4, s16;
	v26 =	vadd.f32 v26, v24;
	v27 =	vld [tilespmem:s28+$0xFFFFFF80];
	v23 =	vadd.f32 v23, v25;
	[tilespmem:s15+$0x70] =	vst v21;
	s15 =	smov.u32 s5  }
0x1f4: {  	p1 =	slt.u32 s16, $0x24;
	v31 =	vld [tilespmem:s17+$0x0]  }
0x1f5: {  	s5 =	sadd.s32 $0x200, s5;
	v28 =	vld [tilespmem:s25+$0x0];
	v21 =	vmax.f32 v23, $0.0e+00;
	v19 =	vadd.f32 v19, v20;
	v20 =	vmul.f32 v8, v6  }
0x1f6: {  	v23 =	vmul.f32 v18, v0;
	v32 =	vmul.f32 v18, v1;
	v33 =	vld [tilespmem:s28+$0x0];
	[tilespmem:s5+$0x80] =	vst v21  }
0x1f7: {  	v29 =	vmul.f32 v18, v2;
	v24 =	vmul.f32 v18, v3;
	v34 =	vld [tilespmem:s25+$0x90];
	v19 =	vadd.f32 v19, v20  }
0x1f8: {  	v21 =	vmul.f32 v18, v4;
	v35 =	vmul.f32 v18, v5;
	v20 =	vadd.f32 v27, v22;
	v27 =	vld [tilespmem:s28+$0x90]  }
0x1f9: {  	v36 =	vld [tilespmem:s17+$0xFFFFFFE0];
	v37 =	vmul.f32 v31, v0;
	v38 =	vmul.f32 v31, v1;
	v19 =	vmax.f32 v19, $0.0e+00  }
0x1fa: {  	v39 =	vmul.f32 v31, v2;
	v25 =	vmul.f32 v31, v3;
	v20 =	vadd.f32 v20, v23;
	v40 =	vld [tilespmem:s22+$0xFFFFFF50];
	[tilespmem:s15+$0xE0] =	vst v19  }
0x1fb: {  	v22 =	vmul.f32 v31, v4;
	v19 =	vadd.f32 v33, v28;
	v33 =	vmul.f32 v31, v5;
	v41 =	vld [tilespmem:s22+$0xF0]  }
0x1fc: {  	v23 =	vmul.f32 v31, v6;
	v28 =	vmul.f32 v18, v6;
	v20 =	vmax.f32 v20, $0.0e+00;
	v42 =	vld [tilespmem:s0+$0xF0]  }
0x1fd: {  	[tilespmem:s5+$0xFFFFFF80] =	vst v20;
	v19 =	vadd.f32 v19, v37;
	v20 =	vadd.f32 v27, v34;
	v27 =	vmul.f32 v30, v1;
	v34 =	vld [tilespmem:s0+$0xFFFFFF50]  }
0x1fe: {  	v37 =	vmul.f32 v36, v0;
	v43 =	vmul.f32 v36, v1;
	v44 =	vld [tilespmem:s25+$0xFFFFFF90]  }
0x1ff: {  	v45 =	vmul.f32 v36, v2;
	v46 =	vld [tilespmem:s28+$0xFFFFFF90];
	v19 =	vmax.f32 v19, $0.0e+00;
	v27 =	vadd.f32 v20, v27  }
0x200: {  	v20 =	vmul.f32 v36, v4;
	v37 =	vadd.f32 v26, v37;
	v26 =	vmul.f32 v36, v3;
	[tilespmem:s5+$0x0] =	vst v19;
	v47 =	vld [tilespmem:s22+$0xFFFFFFD0]  }
0x201: {  	v48 =	vld [tilespmem:s25+$0x10];
	v19 =	vmax.f32 v27, $0.0e+00;
	v41 =	vadd.f32 v42, v41;
	v42 =	vmul.f32 v8, v7;
	v8 =	vmovc v30  }
0x202: {  	v30 =	vmul.f32 v36, v5;
	v27 =	vmax.f32 v37, $0.0e+00;
	v37 =	vld [tilespmem:s28+$0x10];
	[tilespmem:s5+$0x90] =	vst v19;
	v34 =	vadd.f32 v34, v40  }
0x203: {  	v40 =	vmul.f32 v36, v6;
	[tilespmem:s5+$0xFFFFFF00] =	vst v27;
	v27 =	vmul.f32 v36, v7;
	v36 =	vld [tilespmem:s25+$0xA0];
	v41 =	vadd.f32 v41, v42  }
0x204: {  	v19 =	vmul.f32 v18, v7;
	v42 =	vadd.f32 v46, v44;
	v44 =	vld [tilespmem:s28+$0xA0];
	v34 =	vadd.f32 v34, v17;
	v17 =	vmovc v30  }
0x205: {  	v18 =	vmul.f32 v31, v7;
	v30 =	vld [tilespmem:s25+$0xFFFFFF10];
	v31 =	vmax.f32 v41, $0.0e+00  }
0x206: {  	v41 =	vld [tilespmem:s28+$0xFFFFFF10];
	v32 =	vadd.f32 v42, v32;
	v34 =	vmax.f32 v34, $0.0e+00;
	[tilespmem:s15+$0xF0] =	vst v31  }
0x207: {  	v31 =	vadd.f32 v37, v48;
	[tilespmem:s15+$0xFFFFFF50] =	vst v34;
	v34 =	vld [tilespmem:s0+$0xFFFFFFD0]  }
0x208: {  	v32 =	vmax.f32 v32, $0.0e+00;
	v37 =	vld [tilespmem:s22+$0x50]  }
0x209: {  	[tilespmem:s5+$0xFFFFFF90] =	vst v32;
	v31 =	vadd.f32 v31, v38;
	v32 =	vadd.f32 v44, v36;
	v36 =	vmul.f32 v8, v2;
	v38 =	vld [tilespmem:s0+$0x50]  }
0x20a: {  	v42 =	vld [tilespmem:s25+$0xFFFFFFA0]  }
0x20b: {  	v30 =	vadd.f32 v41, v30;
	v41 =	vld [tilespmem:s28+$0xFFFFFFA0];
	v31 =	vmax.f32 v31, $0.0e+00;
	v32 =	vadd.f32 v32, v36  }
0x20c: {  	[tilespmem:s5+$0x10] =	vst v31;
	v31 =	vld [tilespmem:s22+$0xFFFFFF60];
	v34 =	vadd.f32 v34, v47  }
0x20d: {  	v30 =	vadd.f32 v30, v43;
	v36 =	vld [tilespmem:s25+$0x20];
	v32 =	vmax.f32 v32, $0.0e+00  }
0x20e: {  	v43 =	vld [tilespmem:s28+$0x20];
	[tilespmem:s5+$0xA0] =	vst v32;
	v32 =	vadd.f32 v34, v14;
	v34 =	vadd.f32 v38, v37;
	v14 =	vmov v35  }
0x20f: {  	v30 =	vmax.f32 v30, $0.0e+00;
	v35 =	vld [tilespmem:s25+$0xB0]  }
0x210: {  	[tilespmem:s5+$0xFFFFFF10] =	vst v30;
	v30 =	vadd.f32 v41, v42;
	v37 =	vld [tilespmem:s28+$0xB0];
	v32 =	vmax.f32 v32, $0.0e+00;
	v34 =	vadd.f32 v34, v15;
	v15 =	vmovc v33  }
0x211: {  	v33 =	vld [tilespmem:s25+$0xFFFFFF20];
	[tilespmem:s15+$0xFFFFFFD0] =	vst v32  }
0x212: {  	v32 =	vld [tilespmem:s28+$0xFFFFFF20];
	v29 =	vadd.f32 v30, v29;
	v30 =	vmax.f32 v34, $0.0e+00  }
0x213: {  	v34 =	vadd.f32 v43, v36;
	v36 =	vld [tilespmem:s0+$0xFFFFFF60];
	[tilespmem:s15+$0x50] =	vst v30  }
0x214: {  	v29 =	vmax.f32 v29, $0.0e+00;
	v30 =	vld [tilespmem:s22+$0xFFFFFFE0]  }
0x215: {  	[tilespmem:s5+$0xFFFFFFA0] =	vst v29;
	v29 =	vadd.f32 v34, v39;
	v34 =	vadd.f32 v37, v35;
	v35 =	vmul.f32 v8, v3;
	v37 =	vld [tilespmem:s0+$0xFFFFFFE0]  }
0x216: {  	v38 =	vld [tilespmem:s25+$0xFFFFFFB0]  }
0x217: {  	v32 =	vadd.f32 v32, v33;
	v33 =	vld [tilespmem:s28+$0xFFFFFFB0];
	v29 =	vmax.f32 v29, $0.0e+00;
	v34 =	vadd.f32 v34, v35  }
0x218: {  	[tilespmem:s5+$0x20] =	vst v29;
	v29 =	vadd.f32 v36, v31;
	v31 =	vld [tilespmem:s22+$0x60]  }
0x219: {  	v32 =	vadd.f32 v32, v45;
	v35 =	vld [tilespmem:s25+$0x30];
	v34 =	vmax.f32 v34, $0.0e+00  }
0x21a: {  	v36 =	vld [tilespmem:s28+$0x30];
	[tilespmem:s5+$0xB0] =	vst v34;
	v29 =	vadd.f32 v29, v16;
	v30 =	vadd.f32 v37, v30;
	v16 =	vmov v40  }
0x21b: {  	v32 =	vmax.f32 v32, $0.0e+00;
	v34 =	vld [tilespmem:s25+$0xC0]  }
0x21c: {  	[tilespmem:s5+$0xFFFFFF20] =	vst v32;
	v32 =	vadd.f32 v33, v38;
	v33 =	vld [tilespmem:s28+$0xC0];
	v29 =	vmax.f32 v29, $0.0e+00;
	v30 =	vadd.f32 v30, v13;
	v13 =	vmovc v28  }
0x21d: {  	v28 =	vld [tilespmem:s25+$0xFFFFFF30];
	[tilespmem:s15+$0xFFFFFF60] =	vst v29  }
0x21e: {  	v29 =	vld [tilespmem:s28+$0xFFFFFF30];
	v24 =	vadd.f32 v32, v24;
	v30 =	vmax.f32 v30, $0.0e+00  }
0x21f: {  	v32 =	vadd.f32 v36, v35;
	[tilespmem:s15+$0xFFFFFFE0] =	vst v30;
	v30 =	vld [tilespmem:s0+$0x60]  }
0x220: {  	v24 =	vmax.f32 v24, $0.0e+00;
	v35 =	vld [tilespmem:s22+$0xFFFFFF70]  }
0x221: {  	[tilespmem:s5+$0xFFFFFFB0] =	vst v24;
	v24 =	vadd.f32 v32, v25;
	v25 =	vadd.f32 v33, v34;
	v32 =	vmul.f32 v8, v4;
	v33 =	vld [tilespmem:s0+$0xFFFFFF70]  }
0x222: {  	v34 =	vld [tilespmem:s25+$0xFFFFFFC0]  }
0x223: {  	v28 =	vadd.f32 v29, v28;
	v29 =	vld [tilespmem:s28+$0xFFFFFFC0];
	v24 =	vmax.f32 v24, $0.0e+00;
	v25 =	vadd.f32 v25, v32  }
0x224: {  	[tilespmem:s5+$0x30] =	vst v24;
	v24 =	vld [tilespmem:s22+$0xFFFFFFF0];
	v30 =	vadd.f32 v30, v31  }
0x225: {  	v26 =	vadd.f32 v28, v26;
	v28 =	vld [tilespmem:s25+$0x40];
	v25 =	vmax.f32 v25, $0.0e+00  }
0x226: {  	v31 =	vld [tilespmem:s28+$0x40];
	[tilespmem:s5+$0xC0] =	vst v25;
	v25 =	vadd.f32 v33, v35;
	v30 =	vadd.f32 v30, v11;
	v11 =	vmov v23  }
0x227: {  	v23 =	vmax.f32 v26, $0.0e+00;
	v32 =	vld [tilespmem:s25+$0xD0]  }
0x228: {  	[tilespmem:s5+$0xFFFFFF30] =	vst v23;
	v23 =	vadd.f32 v29, v34;
	v33 =	vld [tilespmem:s28+$0xD0];
	v29 =	vadd.f32 v25, v12;
	v26 =	vmax.f32 v30, $0.0e+00;
	v12 =	vmovc v27  }
.Ltmp4:
0x229: {  	v25 =	vld [tilespmem:s25+$0xFFFFFF40];
	[tilespmem:s15+$0x60] =	vst v26;
	(pc) =	sbr.rel @p1 .LBB2_7-.Ltmp4, $4  }
0x22a: {  	v26 =	vld [tilespmem:s28+$0xFFFFFF40];
	v21 =	vadd.f32 v23, v21;
	v23 =	vmax.f32 v29, $0.0e+00  }
0x22b: {  	v27 =	vadd.f32 v31, v28;
	[tilespmem:s15+$0xFFFFFF70] =	vst v23;
	v23 =	vld [tilespmem:s0+$0xFFFFFFF0]  }
0x22c: {  	v28 =	vmax.f32 v21, $0.0e+00;
	v21 =	vld [tilespmem:s22+$0x70];
	s22 =	smov.u32 s25  }
0x22d: {  	s17 =	sadd.s32 $0x40, s17;
	[tilespmem:s5+$0xFFFFFFC0] =	vst v28;
	v29 =	vadd.f32 v27, v22;
	v27 =	vadd.f32 v33, v32;
	v28 =	vmul.f32 v8, v5;
	v22 =	vld [tilespmem:s0+$0x70];
	s0 =	smov.u32 s28  }
0x22e: {  	_ = 	snop  }
0x22f: {  	v25 =	vadd.f32 v26, v25;
	_ =	sdelay $0x1  }
0x230: {  	v20 =	vadd.f32 v25, v20;
	_ =	sdelay $0x1  }
0x231: {  	v20 =	vmax.f32 v20, $0.0e+00  }
0x232: {  	[tilespmem:s5+$0xFFFFFF40] =	vst v20  }
0x233: {  	v20 =	vld [tilespmem:s22+$0xFFFFFF50]  }
0x234: {  	v25 =	vld [tilespmem:s0+$0xFFFFFF50]  }
0x235: {  	v26 =	vmax.f32 v29, $0.0e+00;
	v29 =	vld [tilespmem:s22+$0xFFFFFFD0]  }
0x236: {  	[tilespmem:s5+$0x40] =	vst v26;
	v26 =	vld [tilespmem:s0+$0xFFFFFFD0]  }
0x237: {  	v30 =	vld [tilespmem:s22+$0x50]  }
0x238: {  	v31 =	vld [tilespmem:s0+$0x50]  }
0x239: {  	v27 =	vadd.f32 v27, v28;
	v20 =	vadd.f32 v25, v20;
	_ =	sdelay $0x1  }
0x23a: {  	v25 =	vmax.f32 v27, $0.0e+00;
	v17 =	vadd.f32 v20, v17;
	v20 =	vadd.f32 v26, v29  }
0x23b: {  	[tilespmem:s5+$0xD0] =	vst v25  }
0x23c: {  	v25 =	vld [tilespmem:s22+$0xE0];
	v17 =	vmax.f32 v17, $0.0e+00;
	v14 =	vadd.f32 v20, v14;
	v20 =	vadd.f32 v31, v30  }
0x23d: {  	v26 =	vld [tilespmem:s0+$0xE0];
	[tilespmem:s5+$0xFFFFFF50] =	vst v17  }
0x23e: {  	v17 =	vld [tilespmem:s22+$0xFFFFFF60];
	v14 =	vmax.f32 v14, $0.0e+00;
	v15 =	vadd.f32 v20, v15  }
0x23f: {  	[tilespmem:s5+$0xFFFFFFD0] =	vst v14;
	v14 =	vld [tilespmem:s0+$0xFFFFFF60]  }
0x240: {  	v15 =	vmax.f32 v15, $0.0e+00;
	v20 =	vld [tilespmem:s22+$0xFFFFFFE0]  }
0x241: {  	[tilespmem:s5+$0x50] =	vst v15;
	v15 =	vld [tilespmem:s0+$0xFFFFFFE0]  }
0x242: {  	v25 =	vadd.f32 v26, v25;
	v26 =	vmul.f32 v8, v6;
	v27 =	vld [tilespmem:s22+$0x60]  }
0x243: {  	v28 =	vld [tilespmem:s0+$0x60]  }
0x244: {  	v25 =	vadd.f32 v25, v26;
	v14 =	vadd.f32 v14, v17;
	_ =	sdelay $0x1  }
0x245: {  	v17 =	vmax.f32 v25, $0.0e+00;
	v14 =	vadd.f32 v14, v16;
	v15 =	vadd.f32 v15, v20  }
0x246: {  	[tilespmem:s5+$0xE0] =	vst v17  }
0x247: {  	v16 =	vld [tilespmem:s22+$0xF0];
	v14 =	vmax.f32 v14, $0.0e+00;
	v13 =	vadd.f32 v15, v13;
	v15 =	vadd.f32 v28, v27  }
0x248: {  	v17 =	vld [tilespmem:s0+$0xF0];
	[tilespmem:s5+$0xFFFFFF60] =	vst v14  }
0x249: {  	v13 =	vmax.f32 v13, $0.0e+00;
	v14 =	vld [tilespmem:s22+$0xFFFFFF70];
	v11 =	vadd.f32 v15, v11  }
0x24a: {  	[tilespmem:s5+$0xFFFFFFE0] =	vst v13;
	v13 =	vld [tilespmem:s0+$0xFFFFFF70]  }
0x24b: {  	v15 =	vld [tilespmem:s22+$0xFFFFFFF0];
	v11 =	vmax.f32 v11, $0.0e+00  }
0x24c: {  	[tilespmem:s5+$0x60] =	vst v11;
	v11 =	vld [tilespmem:s0+$0xFFFFFFF0]  }
0x24d: {  	v20 =	vld [tilespmem:s22+$0x70]  }
0x24e: {  	v23 =	vadd.f32 v23, v24;
	v24 =	vld [tilespmem:s0+$0x70]  }
0x24f: {  	v21 =	vadd.f32 v22, v21  }
0x250: {  	v9 =	vadd.f32 v23, v9;
	v8 =	vmul.f32 v8, v7;
	v16 =	vadd.f32 v17, v16  }
0x251: {  	v10 =	vadd.f32 v21, v10;
	v13 =	vadd.f32 v13, v14  }
0x252: {  	v9 =	vmax.f32 v9, $0.0e+00;
	v8 =	vadd.f32 v16, v8;
	v11 =	vadd.f32 v11, v15  }
0x253: {  	[tilespmem:s15+$0xFFFFFFF0] =	vst v9;
	v9 =	vmax.f32 v10, $0.0e+00;
	v10 =	vadd.f32 v13, v12;
	v12 =	vadd.f32 v24, v20  }
0x254: {  	[tilespmem:s15+$0x70] =	vst v9;
	v8 =	vmax.f32 v8, $0.0e+00;
	v9 =	vadd.f32 v11, v19  }
0x255: {  	[tilespmem:s5+$0xF0] =	vst v8;
	v8 =	vmax.f32 v10, $0.0e+00;
	v10 =	vadd.f32 v12, v18  }
0x256: {  	[tilespmem:s5+$0xFFFFFF70] =	vst v8;
	v8 =	vmax.f32 v9, $0.0e+00  }
0x257: {  	[tilespmem:s5+$0xFFFFFFF0] =	vst v8;
	v8 =	vmax.f32 v10, $0.0e+00  }
0x258: {  	[tilespmem:s5+$0x70] =	vst v8;
	s5 =	simm.s32 $0x6B00  }
0x259: {  	[spmem:s1] =	stream.indirect.scatter.add.f32 [tilespmem:s5], [sflag:$0x6], $0x80, s26, s31, $0xb8;
	[tilespmem:$0x1F780] =	vst v63  }
0x25a: {  	_ =	swait.ge [sflag:s23], $0x28  }
0x25b: {  	[sflag:s23] =	ssyncset.done $0x0  }
0x25c: {  	[sflag:s23] =	ssyncadd.s32 $0xFFFFFFD8  }
0x25d: {  	_ =	swait.ge [sflag:s23], $0x28  }
0x25e: {  	[sflag:s23] =	ssyncset.done $0x0  }
0x25f: {  	[sflag:s23] =	ssyncadd.s32 $0xFFFFFFD8  }
0x260: {  	_ =	swait.ge [sflag:s23], $0x280  }
0x261: {  	[sflag:s23] =	ssyncset.done $0x0  }
0x262: {  	s15 =	simm.s32 $0x8280;
	[sflag:s23] =	ssyncadd.s32 $0xFFFFFD80  }
0x263: {  	[tilespmem:s15], [sflag:$0x8] =	stream.indirect.gather [hbm4b:s3+s31], $0x80, s14, s31, $0xb8;
	[tilespmem:$0x1F780] =	vst v63  }
0x264: {  	s16 =	simm.s32 $0x9680  }
0x265: {  	[tilespmem:s16], [sflag:$0x8] =	stream.indirect.gather [hbm4b:s4+s31], $0x80, s13, s31, $0xb8;
	[tilespmem:$0x1F780] =	vst v63  }
0x266: {  	_ =	swait.ge [sflag:s9], $0x1400  }
0x267: {  	s17 =	rddreg [dreg:$0xc]  }
0x268: {  	s0 =	sadd.s32 s11, s17  }
0x269: {  	[sflag:s9] =	ssyncset.done $0x0;
	s22 =	sshrl.u32 s0, $0x3  }
0x26a: {  	[sflag:s9] =	ssyncadd.s32 $0xFFFFEC00;
	s0 =	sshll.u32 s0, $0x1;
	s25 =	sadd.s32 s6, s22  }
0x26b: {  	[tilespmem:s2], [sflag:$0x1] =	stream.linear.gather [hbm4b:s25+s2], $0x28, $0x38;
	[tilespmem:$0x1F780] =	vst v63  }
0x26c: {  	s5 =	sadd.s32 s7, s22;
	s0 =	sand.u32 $0x1FFFFFF0, s0  }
0x26d: {  	[tilespmem:s24], [sflag:$0x1] =	stream.linear.gather [hbm4b:s5+s2], $0x28, $0x38;
	[tilespmem:$0x1F780] =	vst v63  }
0x26e: {  	s15 =	simm.s32 $0x100;
	s0 =	sadd.s32 s8, s0  }
0x26f: {  	[tilespmem:s15], [sflag:$0x1] =	stream.linear.gather [hbm4b:s0+s2], $0x280, $0x38;
	[tilespmem:$0x1F780] =	vst v63  }
0x270: {  	_ =	swait.ge [sflag:s12], $0x1400  }
0x271: {  	[sflag:s12] =	ssyncset.done $0x0  }
0x272: {  	[sflag:s12] =	ssyncadd.s32 $0xFFFFEC00  }
0x273: {  	_ =	swait.ge [sflag:s12], $0x1400  }
0x274: {  	[sflag:s12] =	ssyncset.done $0x0  }
0x275: {  	s16 =	simm.s32 $0x8020;
	[sflag:s12] =	ssyncadd.s32 $0xFFFFEC00  }
0x276: {  	s17 =	simm.s32 $0x8380;
	v11 =	vld [tilespmem:s16+$0x10]  }
0x277: {  	s0 =	simm.s32 $0x9780;
	v8 =	vld [tilespmem:s17+$0x80]  }
0x278: {  	v9 =	vld [tilespmem:s0+$0x80];
	_ =	sdelay $0x4  }
0x279: {  	v8 =	vadd.f32 v9, v8;
	v9 =	vmul.f32 v11, v0;
	_ =	sdelay $0x1  }
0x27a: {  	v13 =	vld [tilespmem:s17+$0xFFFFFF00];
	v8 =	vadd.f32 v8, v9  }
0x27b: {  	v12 =	vld [tilespmem:s17+$0xFFFFFF80]  }
0x27c: {  	s15 =	simm.s32 $0xAB80;
	v14 =	vld [tilespmem:s0+$0xFFFFFF80];
	v8 =	vmax.f32 v8, $0.0e+00  }
0x27d: {  	v9 =	vld [tilespmem:s16+$0xFFFFFFF0];
	[tilespmem:s15+$0x80] =	vst v8  }
0x27e: {  	v8 =	vld [tilespmem:s17+$0x90]  }
0x27f: {  	v15 =	vld [tilespmem:s0+$0x90]  }
0x280: {  	v10 =	vld [tilespmem:s16+$0x0]  }
0x281: {  	v16 =	vld [tilespmem:s17+$0x0]  }
0x282: {  	v18 =	vld [tilespmem:s0+$0x0];
	v14 =	vadd.f32 v14, v12;
	v17 =	vmul.f32 v9, v0  }
0x283: {  	v19 =	vld [tilespmem:s0+$0xFFFFFF00]  }
0x284: {  	v12 =	vld [tilespmem:s16+$0xFFFFFFE0];
	v14 =	vadd.f32 v14, v17;
	v8 =	vadd.f32 v15, v8;
	v15 =	vmul.f32 v11, v1;
	_ =	sdelay $0x1  }
0x285: {  	v14 =	vmax.f32 v14, $0.0e+00;
	v8 =	vadd.f32 v8, v15  }
0x286: {  	v16 =	vadd.f32 v18, v16;
	[tilespmem:s15+$0xFFFFFF80] =	vst v14;
	v15 =	vmul.f32 v10, v0  }
0x287: {  	v14 =	vld [tilespmem:s17+$0xFFFFFF90];
	v8 =	vmax.f32 v8, $0.0e+00  }
0x288: {  	v13 =	vadd.f32 v19, v13;
	v17 =	vld [tilespmem:s0+$0xFFFFFF90];
	v15 =	vadd.f32 v16, v15;
	v16 =	vmul.f32 v12, v0;
	[tilespmem:s15+$0x90] =	vst v8  }
0x289: {  	v8 =	vld [tilespmem:s17+$0xA0]  }
0x28a: {  	v15 =	vmax.f32 v15, $0.0e+00;
	v13 =	vadd.f32 v13, v16;
	v16 =	vld [tilespmem:s0+$0xA0]  }
0x28b: {  	[tilespmem:s15+$0x0] =	vst v15  }
0x28c: {  	v15 =	vld [tilespmem:s17+$0x10];
	v13 =	vmax.f32 v13, $0.0e+00  }
0x28d: {  	v18 =	vmul.f32 v9, v1;
	v19 =	vld [tilespmem:s0+$0x10];
	[tilespmem:s15+$0xFFFFFF00] =	vst v13;
	v13 =	vadd.f32 v17, v14  }
0x28e: {  	v14 =	vld [tilespmem:s17+$0xFFFFFF10]  }
0x28f: {  	v17 =	vld [tilespmem:s0+$0xFFFFFF10];
	v13 =	vadd.f32 v13, v18;
	v8 =	vadd.f32 v16, v8;
	v16 =	vmul.f32 v11, v2;
	_ =	sdelay $0x1  }
0x290: {  	v13 =	vmax.f32 v13, $0.0e+00;
	v8 =	vadd.f32 v8, v16  }
0x291: {  	v16 =	vmul.f32 v10, v1;
	v15 =	vadd.f32 v19, v15;
	[tilespmem:s15+$0xFFFFFF90] =	vst v13  }
0x292: {  	v13 =	vld [tilespmem:s17+$0xFFFFFFA0];
	v8 =	vmax.f32 v8, $0.0e+00  }
0x293: {  	v18 =	vmul.f32 v12, v1;
	v15 =	vadd.f32 v15, v16;
	v14 =	vadd.f32 v17, v14;
	v16 =	vld [tilespmem:s0+$0xFFFFFFA0];
	[tilespmem:s15+$0xA0] =	vst v8  }
0x294: {  	v8 =	vld [tilespmem:s17+$0xB0]  }
0x295: {  	v15 =	vmax.f32 v15, $0.0e+00;
	v14 =	vadd.f32 v14, v18;
	v17 =	vld [tilespmem:s0+$0xB0]  }
0x296: {  	[tilespmem:s15+$0x10] =	vst v15  }
0x297: {  	v15 =	vld [tilespmem:s17+$0x20];
	v14 =	vmax.f32 v14, $0.0e+00  }
0x298: {  	v18 =	vmul.f32 v9, v2;
	v19 =	vld [tilespmem:s0+$0x20];
	[tilespmem:s15+$0xFFFFFF10] =	vst v14;
	v13 =	vadd.f32 v16, v13  }
0x299: {  	v14 =	vld [tilespmem:s17+$0xFFFFFF20]  }
0x29a: {  	v16 =	vld [tilespmem:s0+$0xFFFFFF20];
	v13 =	vadd.f32 v13, v18;
	v8 =	vadd.f32 v17, v8;
	v17 =	vmul.f32 v11, v3;
	_ =	sdelay $0x1  }
0x29b: {  	v13 =	vmax.f32 v13, $0.0e+00;
	v8 =	vadd.f32 v8, v17  }
0x29c: {  	[tilespmem:s15+$0xFFFFFFA0] =	vst v13  }
0x29d: {  	v18 =	vmul.f32 v12, v2;
	v13 =	vld [tilespmem:s17+$0xFFFFFFB0];
	v8 =	vmax.f32 v8, $0.0e+00  }
0x29e: {  	v17 =	vmul.f32 v10, v2;
	v15 =	vadd.f32 v19, v15;
	v14 =	vadd.f32 v16, v14;
	v16 =	vld [tilespmem:s0+$0xFFFFFFB0];
	[tilespmem:s15+$0xB0] =	vst v8  }
0x29f: {  	v8 =	vld [tilespmem:s17+$0xC0]  }
0x2a0: {  	v15 =	vadd.f32 v15, v17;
	v14 =	vadd.f32 v14, v18;
	v17 =	vld [tilespmem:s0+$0xC0];
	_ =	sdelay $0x1  }
0x2a1: {  	v14 =	vmax.f32 v14, $0.0e+00  }
0x2a2: {  	[tilespmem:s15+$0xFFFFFF20] =	vst v14  }
0x2a3: {  	v14 =	vmul.f32 v9, v3;
	v13 =	vadd.f32 v16, v13;
	v16 =	vld [tilespmem:s17+$0xFFFFFF30]  }
0x2a4: {  	v19 =	vld [tilespmem:s0+$0xFFFFFF30];
	v8 =	vadd.f32 v17, v8;
	v17 =	vmul.f32 v11, v4  }
0x2a5: {  	v13 =	vadd.f32 v13, v14  }
0x2a6: {  	s25 =	simm.s32 $0x8580;
	v15 =	vmax.f32 v15, $0.0e+00;
	v8 =	vadd.f32 v8, v17  }
0x2a7: {  	v21 =	vld [tilespmem:s25+$0x80];
	[tilespmem:s15+$0x20] =	vst v15;
	v13 =	vmax.f32 v13, $0.0e+00  }
0x2a8: {  	v15 =	vld [tilespmem:s17+$0x30];
	[tilespmem:s15+$0xFFFFFFB0] =	vst v13;
	v8 =	vmax.f32 v8, $0.0e+00  }
0x2a9: {  	v18 =	vld [tilespmem:s0+$0x30];
	v13 =	vmul.f32 v12, v3;
	v16 =	vadd.f32 v19, v16;
	[tilespmem:s15+$0xC0] =	vst v8  }
0x2aa: {  	v8 =	vld [tilespmem:s17+$0xD0]  }
0x2ab: {  	s28 =	simm.s32 $0x9980;
	v13 =	vadd.f32 v16, v13;
	v16 =	vld [tilespmem:s0+$0xD0]  }
0x2ac: {  	v22 =	vld [tilespmem:s28+$0x80]  }
0x2ad: {  	v23 =	vld [tilespmem:s25+$0xFFFFFF00]  }
0x2ae: {  	v24 =	vld [tilespmem:s28+$0xFFFFFF00]  }
0x2af: {  	v26 =	vld [tilespmem:s25+$0xFFFFFF80];
	v14 =	vmul.f32 v10, v3  }
0x2b0: {  	v27 =	vld [tilespmem:s28+$0xFFFFFF80];
	v15 =	vadd.f32 v18, v15;
	v18 =	vmul.f32 v11, v5;
	v16 =	vadd.f32 v16, v8  }
0x2b1: {  	v29 =	vld [tilespmem:s25+$0x0]  }
0x2b2: {  	s16 =	simm.s32 $0x8060;
	v14 =	vadd.f32 v15, v14;
	v15 =	vld [tilespmem:s17+$0xFFFFFFC0];
	v13 =	vmax.f32 v13, $0.0e+00;
	v16 =	vadd.f32 v16, v18  }
0x2b3: {  	[tilespmem:s15+$0xFFFFFF30] =	vst v13;
	v8 =	vld [tilespmem:s16+$0x10]  }
0x2b4: {  	v13 =	vld [tilespmem:s17+$0xFFFFFF40];
	v16 =	vmax.f32 v16, $0.0e+00  }
0x2b5: {  	v19 =	vld [tilespmem:s0+$0xFFFFFF40];
	[tilespmem:s15+$0xD0] =	vst v16  }
0x2b6: {  	v16 =	vld [tilespmem:s17+$0xE0]  }
0x2b7: {  	v14 =	vmax.f32 v14, $0.0e+00;
	v25 =	vld [tilespmem:s0+$0xE0]  }
0x2b8: {  	v21 =	vadd.f32 v22, v21;
	v17 =	vld [tilespmem:s0+$0xFFFFFFC0];
	[tilespmem:s15+$0x30] =	vst v14;
	v22 =	vmul.f32 v8, v0  }
0x2b9: {  	v14 =	vld [tilespmem:s17+$0x40]  }
0x2ba: {  	v18 =	vld [tilespmem:s16+$0xFFFFFFF0];
	v22 =	vadd.f32 v21, v22  }
0x2bb: {  	v28 =	vmul.f32 v12, v4;
	v20 =	vld [tilespmem:s0+$0x40];
	v13 =	vadd.f32 v19, v13  }
0x2bc: {  	s5 =	simm.s32 $0xAD80;
	v21 =	vld [tilespmem:s16+$0x0];
	v19 =	vmax.f32 v22, $0.0e+00;
	v22 =	vmul.f32 v11, v6;
	v16 =	vadd.f32 v25, v16  }
0x2bd: {  	v13 =	vadd.f32 v13, v28;
	[tilespmem:s5+$0x80] =	vst v19;
	v25 =	vld [tilespmem:s28+$0x0]  }
0x2be: {  	v28 =	vld [tilespmem:s25+$0x90];
	v16 =	vadd.f32 v16, v22  }
0x2bf: {  	v26 =	vadd.f32 v27, v26;
	v13 =	vmax.f32 v13, $0.0e+00;
	v27 =	vld [tilespmem:s28+$0x90];
	v22 =	vmul.f32 v18, v0  }
0x2c0: {  	[tilespmem:s15+$0xFFFFFF40] =	vst v13;
	v19 =	vld [tilespmem:s16+$0xFFFFFFE0];
	v13 =	vmax.f32 v16, $0.0e+00  }
0x2c1: {  	v15 =	vadd.f32 v17, v15;
	v16 =	vmul.f32 v9, v4;
	v17 =	vadd.f32 v26, v22;
	v22 =	vld [tilespmem:s17+$0xFFFFFF50];
	[tilespmem:s15+$0xE0] =	vst v13  }
0x2c2: {  	v26 =	vmul.f32 v21, v0;
	v25 =	vadd.f32 v25, v29;
	v13 =	vld [tilespmem:s17+$0xF0]  }
0x2c3: {  	v15 =	vadd.f32 v15, v16;
	v17 =	vmax.f32 v17, $0.0e+00;
	v16 =	vld [tilespmem:s0+$0xF0]  }
0x2c4: {  	[tilespmem:s5+$0xFFFFFF80] =	vst v17;
	v17 =	vadd.f32 v25, v26;
	v25 =	vadd.f32 v27, v28;
	v26 =	vmul.f32 v8, v1;
	v27 =	vld [tilespmem:s0+$0xFFFFFF50]  }
0x2c5: {  	v23 =	vadd.f32 v24, v23;
	v15 =	vmax.f32 v15, $0.0e+00;
	v24 =	vld [tilespmem:s25+$0xFFFFFF90]  }
0x2c6: {  	v28 =	vld [tilespmem:s28+$0xFFFFFF90];
	[tilespmem:s15+$0xFFFFFFC0] =	vst v15;
	v15 =	vmul.f32 v19, v0;
	v17 =	vmax.f32 v17, $0.0e+00;
	v25 =	vadd.f32 v25, v26  }
0x2c7: {  	[tilespmem:s5+$0x0] =	vst v17;
	v17 =	vld [tilespmem:s17+$0xFFFFFFD0]  }
0x2c8: {  	v15 =	vadd.f32 v23, v15;
	v23 =	vld [tilespmem:s25+$0x10];
	v25 =	vmax.f32 v25, $0.0e+00  }
0x2c9: {  	v14 =	vadd.f32 v20, v14;
	v26 =	vmul.f32 v10, v4;
	v20 =	vld [tilespmem:s28+$0x10];
	[tilespmem:s5+$0x90] =	vst v25  }
0x2ca: {  	v15 =	vmax.f32 v15, $0.0e+00;
	v25 =	vld [tilespmem:s25+$0xA0]  }
0x2cb: {  	v14 =	vadd.f32 v14, v26;
	v26 =	vmul.f32 v18, v1;
	[tilespmem:s5+$0xFFFFFF00] =	vst v15;
	v15 =	vadd.f32 v28, v24;
	v24 =	vld [tilespmem:s28+$0xA0]  }
0x2cc: {  	v22 =	vadd.f32 v27, v22;
	v29 =	vld [tilespmem:s25+$0xFFFFFF10]  }
0x2cd: {  	v14 =	vmax.f32 v14, $0.0e+00;
	v28 =	vmul.f32 v12, v5;
	v27 =	vld [tilespmem:s28+$0xFFFFFF10];
	v15 =	vadd.f32 v15, v26  }
0x2ce: {  	[tilespmem:s15+$0x40] =	vst v14;
	v14 =	vmul.f32 v21, v1;
	v20 =	vadd.f32 v20, v23;
	v23 =	vld [tilespmem:s0+$0xFFFFFFD0]  }
0x2cf: {  	v22 =	vadd.f32 v22, v28;
	v26 =	vld [tilespmem:s17+$0x50];
	v15 =	vmax.f32 v15, $0.0e+00  }
0x2d0: {  	v14 =	vadd.f32 v20, v14;
	v20 =	vmul.f32 v8, v2;
	[tilespmem:s5+$0xFFFFFF90] =	vst v15;
	v15 =	vadd.f32 v24, v25;
	v24 =	vld [tilespmem:s0+$0x50]  }
0x2d1: {  	v22 =	vmax.f32 v22, $0.0e+00;
	v25 =	vmul.f32 v19, v1;
	v28 =	vld [tilespmem:s25+$0xFFFFFFA0]  }
0x2d2: {  	[tilespmem:s15+$0xFFFFFF50] =	vst v22;
	v22 =	vadd.f32 v27, v29;
	v27 =	vld [tilespmem:s28+$0xFFFFFFA0];
	v14 =	vmax.f32 v14, $0.0e+00;
	v15 =	vadd.f32 v15, v20  }
0x2d3: {  	[tilespmem:s5+$0x10] =	vst v14;
	v14 =	vld [tilespmem:s17+$0xFFFFFF60]  }
0x2d4: {  	v20 =	vadd.f32 v22, v25;
	v22 =	vld [tilespmem:s25+$0x20];
	v15 =	vmax.f32 v15, $0.0e+00  }
0x2d5: {  	v17 =	vadd.f32 v23, v17;
	v25 =	vmul.f32 v9, v5;
	v23 =	vld [tilespmem:s28+$0x20];
	[tilespmem:s5+$0xA0] =	vst v15  }
0x2d6: {  	v15 =	vmax.f32 v20, $0.0e+00;
	v20 =	vld [tilespmem:s25+$0xB0]  }
0x2d7: {  	v29 =	vmul.f32 v18, v2;
	v17 =	vadd.f32 v17, v25;
	[tilespmem:s5+$0xFFFFFF10] =	vst v15;
	v15 =	vadd.f32 v27, v28;
	v25 =	vld [tilespmem:s28+$0xB0]  }
0x2d8: {  	v24 =	vadd.f32 v24, v26;
	v28 =	vld [tilespmem:s25+$0xFFFFFF20]  }
0x2d9: {  	v27 =	vmul.f32 v10, v5;
	v17 =	vmax.f32 v17, $0.0e+00;
	v26 =	vld [tilespmem:s28+$0xFFFFFF20];
	v15 =	vadd.f32 v15, v29  }
0x2da: {  	v29 =	vmul.f32 v21, v2;
	[tilespmem:s15+$0xFFFFFFD0] =	vst v17;
	v17 =	vadd.f32 v23, v22;
	v22 =	vld [tilespmem:s0+$0xFFFFFF60]  }
0x2db: {  	v23 =	vadd.f32 v24, v27;
	v24 =	vld [tilespmem:s17+$0xFFFFFFE0];
	v15 =	vmax.f32 v15, $0.0e+00  }
0x2dc: {  	[tilespmem:s5+$0xFFFFFFA0] =	vst v15;
	v15 =	vadd.f32 v17, v29;
	v17 =	vadd.f32 v25, v20;
	v20 =	vmul.f32 v8, v3;
	v25 =	vld [tilespmem:s0+$0xFFFFFFE0]  }
0x2dd: {  	v27 =	vmul.f32 v19, v2;
	v23 =	vmax.f32 v23, $0.0e+00;
	v29 =	vld [tilespmem:s25+$0xFFFFFFB0]  }
0x2de: {  	[tilespmem:s15+$0x50] =	vst v23;
	v23 =	vadd.f32 v26, v28;
	v26 =	vld [tilespmem:s28+$0xFFFFFFB0];
	v15 =	vmax.f32 v15, $0.0e+00;
	v17 =	vadd.f32 v17, v20  }
0x2df: {  	v20 =	vld [tilespmem:s17+$0x60];
	[tilespmem:s5+$0x20] =	vst v15  }
0x2e0: {  	v15 =	vadd.f32 v23, v27;
	v23 =	vld [tilespmem:s25+$0x30];
	v17 =	vmax.f32 v17, $0.0e+00  }
0x2e1: {  	v31 =	vmul.f32 v18, v3;
	v14 =	vadd.f32 v22, v14;
	v27 =	vmul.f32 v12, v6;
	v22 =	vld [tilespmem:s28+$0x30];
	[tilespmem:s5+$0xB0] =	vst v17  }
0x2e2: {  	v33 =	vmul.f32 v21, v4;
	v16 =	vadd.f32 v16, v13;
	v15 =	vmax.f32 v15, $0.0e+00;
	v30 =	vld [tilespmem:s25+$0xC0]  }
0x2e3: {  	v13 =	vmul.f32 v18, v6;
	v14 =	vadd.f32 v14, v27;
	[tilespmem:s5+$0xFFFFFF20] =	vst v15;
	v15 =	vadd.f32 v26, v29;
	v26 =	vld [tilespmem:s28+$0xC0]  }
0x2e4: {  	v28 =	vmul.f32 v10, v6;
	v17 =	vmul.f32 v9, v6;
	v27 =	vld [tilespmem:s25+$0xFFFFFF30]  }
0x2e5: {  	v24 =	vadd.f32 v25, v24;
	v14 =	vmax.f32 v14, $0.0e+00;
	v25 =	vld [tilespmem:s28+$0xFFFFFF30];
	v15 =	vadd.f32 v15, v31  }
0x2e6: {  	v10 =	vmul.f32 v10, v7;
	v29 =	vmul.f32 v21, v3;
	[tilespmem:s15+$0xFFFFFF60] =	vst v14;
	v14 =	vadd.f32 v22, v23;
	v22 =	vld [tilespmem:s0+$0x60]  }
0x2e7: {  	v12 =	vmul.f32 v12, v7;
	v17 =	vadd.f32 v24, v17;
	v31 =	vld [tilespmem:s17+$0xFFFFFF70];
	v15 =	vmax.f32 v15, $0.0e+00  }
0x2e8: {  	[tilespmem:s5+$0xFFFFFFB0] =	vst v15;
	v15 =	vadd.f32 v14, v29;
	v24 =	vadd.f32 v26, v30;
	v26 =	vmul.f32 v8, v4;
	v29 =	vld [tilespmem:s0+$0xFFFFFF70]  }
0x2e9: {  	v9 =	vmul.f32 v9, v7;
	v17 =	vmax.f32 v17, $0.0e+00;
	v30 =	vmul.f32 v19, v3;
	v32 =	vld [tilespmem:s25+$0xFFFFFFC0]  }
0x2ea: {  	[tilespmem:s15+$0xFFFFFFE0] =	vst v17;
	v17 =	vadd.f32 v25, v27;
	v25 =	vld [tilespmem:s28+$0xFFFFFFC0];
	v27 =	vmax.f32 v15, $0.0e+00;
	v26 =	vadd.f32 v24, v26  }
0x2eb: {  	v23 =	vmul.f32 v18, v4;
	v14 =	vmul.f32 v18, v5;
	v24 =	vld [tilespmem:s17+$0xFFFFFFF0];
	[tilespmem:s5+$0x30] =	vst v27  }
0x2ec: {  	v27 =	vmul.f32 v11, v7;
	v17 =	vadd.f32 v17, v30;
	v30 =	vld [tilespmem:s25+$0x40];
	v26 =	vmax.f32 v26, $0.0e+00  }
0x2ed: {  	v15 =	vmul.f32 v21, v5;
	v11 =	vmul.f32 v21, v6;
	v22 =	vadd.f32 v22, v20;
	v34 =	vld [tilespmem:s28+$0x40];
	[tilespmem:s5+$0xC0] =	vst v26  }
0x2ee: {  	v16 =	vadd.f32 v16, v27;
	v26 =	vadd.f32 v29, v31;
	v17 =	vmax.f32 v17, $0.0e+00;
	v27 =	vld [tilespmem:s25+$0xD0]  }
0x2ef: {  	v20 =	vmul.f32 v19, v4;
	v22 =	vadd.f32 v22, v28;
	[tilespmem:s5+$0xFFFFFF30] =	vst v17;
	v28 =	vadd.f32 v25, v32;
	v31 =	vld [tilespmem:s28+$0xD0]  }
0x2f0: {  	v17 =	vmul.f32 v19, v5;
	v29 =	vmax.f32 v16, $0.0e+00;
	v63 =	vadd.f32 v26, v12;
	v25 =	vld [tilespmem:s25+$0xFFFFFF40]  }
0x2f1: {  	v16 =	vmul.f32 v19, v6;
	v22 =	vmax.f32 v22, $0.0e+00;
	v26 =	vld [tilespmem:s28+$0xFFFFFF40];
	[tilespmem:s15+$0xF0] =	vst v29;
	v28 =	vadd.f32 v28, v23  }
0x2f2: {  	v12 =	vmul.f32 v19, v7;
	[tilespmem:s15+$0x60] =	vst v22;
	v23 =	vld [tilespmem:s0+$0xFFFFFFF0];
	v22 =	vmax.f32 v63, $0.0e+00;
	v29 =	vadd.f32 v34, v30  }
0x2f3: {  	s22 =	simm.s32 $0x8580;
	v19 =	vmul.f32 v18, v7;
	v18 =	vmul.f32 v21, v7;
	v21 =	vld [tilespmem:s17+$0x70];
	[tilespmem:s15+$0xFFFFFF70] =	vst v22;
	v22 =	vmax.f32 v28, $0.0e+00  }
0x2f4: {  	s16 =	simm.s32 $0x4;
	s17 =	simm.s32 $0x80A0;
	v28 =	vmul.f32 v8, v5;
	[tilespmem:s5+$0xFFFFFFC0] =	vst v22;
	v29 =	vadd.f32 v29, v33;
	v27 =	vadd.f32 v31, v27;
	v22 =	vld [tilespmem:s0+$0x70];
	s0 =	simm.s32 $0x9980  }
.LBB2_9:
0x2f5: {  	v30 =	vld [tilespmem:s17+$0x10];
	s25 =	sadd.s32 $0x200, s25  }
0x2f6: {  	s28 =	sadd.s32 $0x200, s28;
	v31 =	vld [tilespmem:s25+$0x80];
	v25 =	vadd.f32 v26, v25;
	v26 =	vmax.f32 v29, $0.0e+00;
	v27 =	vadd.f32 v27, v28  }
0x2f7: {  	v28 =	vld [tilespmem:s28+$0x80];
	[tilespmem:s5+$0x40] =	vst v26;
	v23 =	vadd.f32 v23, v24  }
0x2f8: {  	v24 =	vld [tilespmem:s25+$0xFFFFFF00];
	v20 =	vadd.f32 v25, v20;
	v25 =	vmax.f32 v27, $0.0e+00  }
0x2f9: {  	v26 =	vld [tilespmem:s28+$0xFFFFFF00];
	[tilespmem:s5+$0xD0] =	vst v25;
	v23 =	vadd.f32 v23, v9;
	v21 =	vadd.f32 v22, v21;
	v9 =	vmov v19  }
0x2fa: {  	v19 =	vmax.f32 v20, $0.0e+00;
	v20 =	vld [tilespmem:s22+$0xE0]  }
0x2fb: {  	[tilespmem:s5+$0xFFFFFF40] =	vst v19;
	v19 =	vld [tilespmem:s0+$0xE0];
	v22 =	vmax.f32 v23, $0.0e+00;
	v21 =	vadd.f32 v21, v10;
	v10 =	vmov v18  }
0x2fc: {  	v25 =	vmul.f32 v30, v0;
	v18 =	vld [tilespmem:s17+$0xFFFFFFF0];
	v23 =	vadd.f32 v28, v31;
	[tilespmem:s15+$0xFFFFFFF0] =	vst v22  }
0x2fd: {  	v22 =	vld [tilespmem:s25+$0xFFFFFF80];
	v21 =	vmax.f32 v21, $0.0e+00  }
0x2fe: {  	s16 =	sadd.s32 $0x4, s16;
	v26 =	vadd.f32 v26, v24;
	v27 =	vld [tilespmem:s28+$0xFFFFFF80];
	v23 =	vadd.f32 v23, v25;
	[tilespmem:s15+$0x70] =	vst v21;
	s15 =	smov.u32 s5  }
0x2ff: {  	p1 =	slt.u32 s16, $0x24;
	v31 =	vld [tilespmem:s17+$0x0]  }
0x300: {  	s5 =	sadd.s32 $0x200, s5;
	v28 =	vld [tilespmem:s25+$0x0];
	v21 =	vmax.f32 v23, $0.0e+00;
	v19 =	vadd.f32 v19, v20;
	v20 =	vmul.f32 v8, v6  }
0x301: {  	v23 =	vmul.f32 v18, v0;
	v32 =	vmul.f32 v18, v1;
	v33 =	vld [tilespmem:s28+$0x0];
	[tilespmem:s5+$0x80] =	vst v21  }
0x302: {  	v29 =	vmul.f32 v18, v2;
	v24 =	vmul.f32 v18, v3;
	v34 =	vld [tilespmem:s25+$0x90];
	v19 =	vadd.f32 v19, v20  }
0x303: {  	v21 =	vmul.f32 v18, v4;
	v35 =	vmul.f32 v18, v5;
	v20 =	vadd.f32 v27, v22;
	v27 =	vld [tilespmem:s28+$0x90]  }
0x304: {  	v36 =	vld [tilespmem:s17+$0xFFFFFFE0];
	v37 =	vmul.f32 v31, v0;
	v38 =	vmul.f32 v31, v1;
	v19 =	vmax.f32 v19, $0.0e+00  }
0x305: {  	v39 =	vmul.f32 v31, v2;
	v25 =	vmul.f32 v31, v3;
	v20 =	vadd.f32 v20, v23;
	v40 =	vld [tilespmem:s22+$0xFFFFFF50];
	[tilespmem:s15+$0xE0] =	vst v19  }
0x306: {  	v22 =	vmul.f32 v31, v4;
	v19 =	vadd.f32 v33, v28;
	v33 =	vmul.f32 v31, v5;
	v41 =	vld [tilespmem:s22+$0xF0]  }
0x307: {  	v23 =	vmul.f32 v31, v6;
	v28 =	vmul.f32 v18, v6;
	v20 =	vmax.f32 v20, $0.0e+00;
	v42 =	vld [tilespmem:s0+$0xF0]  }
0x308: {  	[tilespmem:s5+$0xFFFFFF80] =	vst v20;
	v19 =	vadd.f32 v19, v37;
	v20 =	vadd.f32 v27, v34;
	v27 =	vmul.f32 v30, v1;
	v34 =	vld [tilespmem:s0+$0xFFFFFF50]  }
0x309: {  	v37 =	vmul.f32 v36, v0;
	v43 =	vmul.f32 v36, v1;
	v44 =	vld [tilespmem:s25+$0xFFFFFF90]  }
0x30a: {  	v45 =	vmul.f32 v36, v2;
	v46 =	vld [tilespmem:s28+$0xFFFFFF90];
	v19 =	vmax.f32 v19, $0.0e+00;
	v27 =	vadd.f32 v20, v27  }
0x30b: {  	v20 =	vmul.f32 v36, v4;
	v37 =	vadd.f32 v26, v37;
	v26 =	vmul.f32 v36, v3;
	[tilespmem:s5+$0x0] =	vst v19;
	v47 =	vld [tilespmem:s22+$0xFFFFFFD0]  }
0x30c: {  	v48 =	vld [tilespmem:s25+$0x10];
	v19 =	vmax.f32 v27, $0.0e+00;
	v41 =	vadd.f32 v42, v41;
	v42 =	vmul.f32 v8, v7;
	v8 =	vmovc v30  }
0x30d: {  	v30 =	vmul.f32 v36, v5;
	v27 =	vmax.f32 v37, $0.0e+00;
	v37 =	vld [tilespmem:s28+$0x10];
	[tilespmem:s5+$0x90] =	vst v19;
	v34 =	vadd.f32 v34, v40  }
0x30e: {  	v40 =	vmul.f32 v36, v6;
	[tilespmem:s5+$0xFFFFFF00] =	vst v27;
	v27 =	vmul.f32 v36, v7;
	v36 =	vld [tilespmem:s25+$0xA0];
	v41 =	vadd.f32 v41, v42  }
0x30f: {  	v19 =	vmul.f32 v18, v7;
	v42 =	vadd.f32 v46, v44;
	v44 =	vld [tilespmem:s28+$0xA0];
	v34 =	vadd.f32 v34, v17;
	v17 =	vmovc v30  }
0x310: {  	v18 =	vmul.f32 v31, v7;
	v30 =	vld [tilespmem:s25+$0xFFFFFF10];
	v31 =	vmax.f32 v41, $0.0e+00  }
0x311: {  	v41 =	vld [tilespmem:s28+$0xFFFFFF10];
	v32 =	vadd.f32 v42, v32;
	v34 =	vmax.f32 v34, $0.0e+00;
	[tilespmem:s15+$0xF0] =	vst v31  }
0x312: {  	v31 =	vadd.f32 v37, v48;
	[tilespmem:s15+$0xFFFFFF50] =	vst v34;
	v34 =	vld [tilespmem:s0+$0xFFFFFFD0]  }
0x313: {  	v32 =	vmax.f32 v32, $0.0e+00;
	v37 =	vld [tilespmem:s22+$0x50]  }
0x314: {  	[tilespmem:s5+$0xFFFFFF90] =	vst v32;
	v31 =	vadd.f32 v31, v38;
	v32 =	vadd.f32 v44, v36;
	v36 =	vmul.f32 v8, v2;
	v38 =	vld [tilespmem:s0+$0x50]  }
0x315: {  	v42 =	vld [tilespmem:s25+$0xFFFFFFA0]  }
0x316: {  	v30 =	vadd.f32 v41, v30;
	v41 =	vld [tilespmem:s28+$0xFFFFFFA0];
	v31 =	vmax.f32 v31, $0.0e+00;
	v32 =	vadd.f32 v32, v36  }
0x317: {  	[tilespmem:s5+$0x10] =	vst v31;
	v31 =	vld [tilespmem:s22+$0xFFFFFF60];
	v34 =	vadd.f32 v34, v47  }
0x318: {  	v30 =	vadd.f32 v30, v43;
	v36 =	vld [tilespmem:s25+$0x20];
	v32 =	vmax.f32 v32, $0.0e+00  }
0x319: {  	v43 =	vld [tilespmem:s28+$0x20];
	[tilespmem:s5+$0xA0] =	vst v32;
	v32 =	vadd.f32 v34, v14;
	v34 =	vadd.f32 v38, v37;
	v14 =	vmov v35  }
0x31a: {  	v30 =	vmax.f32 v30, $0.0e+00;
	v35 =	vld [tilespmem:s25+$0xB0]  }
0x31b: {  	[tilespmem:s5+$0xFFFFFF10] =	vst v30;
	v30 =	vadd.f32 v41, v42;
	v37 =	vld [tilespmem:s28+$0xB0];
	v32 =	vmax.f32 v32, $0.0e+00;
	v34 =	vadd.f32 v34, v15;
	v15 =	vmovc v33  }
0x31c: {  	v33 =	vld [tilespmem:s25+$0xFFFFFF20];
	[tilespmem:s15+$0xFFFFFFD0] =	vst v32  }
0x31d: {  	v32 =	vld [tilespmem:s28+$0xFFFFFF20];
	v29 =	vadd.f32 v30, v29;
	v30 =	vmax.f32 v34, $0.0e+00  }
0x31e: {  	v34 =	vadd.f32 v43, v36;
	v36 =	vld [tilespmem:s0+$0xFFFFFF60];
	[tilespmem:s15+$0x50] =	vst v30  }
0x31f: {  	v29 =	vmax.f32 v29, $0.0e+00;
	v30 =	vld [tilespmem:s22+$0xFFFFFFE0]  }
0x320: {  	[tilespmem:s5+$0xFFFFFFA0] =	vst v29;
	v29 =	vadd.f32 v34, v39;
	v34 =	vadd.f32 v37, v35;
	v35 =	vmul.f32 v8, v3;
	v37 =	vld [tilespmem:s0+$0xFFFFFFE0]  }
0x321: {  	v38 =	vld [tilespmem:s25+$0xFFFFFFB0]  }
0x322: {  	v32 =	vadd.f32 v32, v33;
	v33 =	vld [tilespmem:s28+$0xFFFFFFB0];
	v29 =	vmax.f32 v29, $0.0e+00;
	v34 =	vadd.f32 v34, v35  }
0x323: {  	[tilespmem:s5+$0x20] =	vst v29;
	v29 =	vadd.f32 v36, v31;
	v31 =	vld [tilespmem:s22+$0x60]  }
0x324: {  	v32 =	vadd.f32 v32, v45;
	v35 =	vld [tilespmem:s25+$0x30];
	v34 =	vmax.f32 v34, $0.0e+00  }
0x325: {  	v36 =	vld [tilespmem:s28+$0x30];
	[tilespmem:s5+$0xB0] =	vst v34;
	v29 =	vadd.f32 v29, v16;
	v30 =	vadd.f32 v37, v30;
	v16 =	vmov v40  }
0x326: {  	v32 =	vmax.f32 v32, $0.0e+00;
	v34 =	vld [tilespmem:s25+$0xC0]  }
0x327: {  	[tilespmem:s5+$0xFFFFFF20] =	vst v32;
	v32 =	vadd.f32 v33, v38;
	v33 =	vld [tilespmem:s28+$0xC0];
	v29 =	vmax.f32 v29, $0.0e+00;
	v30 =	vadd.f32 v30, v13;
	v13 =	vmovc v28  }
0x328: {  	v28 =	vld [tilespmem:s25+$0xFFFFFF30];
	[tilespmem:s15+$0xFFFFFF60] =	vst v29  }
0x329: {  	v29 =	vld [tilespmem:s28+$0xFFFFFF30];
	v24 =	vadd.f32 v32, v24;
	v30 =	vmax.f32 v30, $0.0e+00  }
0x32a: {  	v32 =	vadd.f32 v36, v35;
	[tilespmem:s15+$0xFFFFFFE0] =	vst v30;
	v30 =	vld [tilespmem:s0+$0x60]  }
0x32b: {  	v24 =	vmax.f32 v24, $0.0e+00;
	v35 =	vld [tilespmem:s22+$0xFFFFFF70]  }
0x32c: {  	[tilespmem:s5+$0xFFFFFFB0] =	vst v24;
	v24 =	vadd.f32 v32, v25;
	v25 =	vadd.f32 v33, v34;
	v32 =	vmul.f32 v8, v4;
	v33 =	vld [tilespmem:s0+$0xFFFFFF70]  }
0x32d: {  	v34 =	vld [tilespmem:s25+$0xFFFFFFC0]  }
0x32e: {  	v28 =	vadd.f32 v29, v28;
	v29 =	vld [tilespmem:s28+$0xFFFFFFC0];
	v24 =	vmax.f32 v24, $0.0e+00;
	v25 =	vadd.f32 v25, v32  }
0x32f: {  	[tilespmem:s5+$0x30] =	vst v24;
	v24 =	vld [tilespmem:s22+$0xFFFFFFF0];
	v30 =	vadd.f32 v30, v31  }
0x330: {  	v26 =	vadd.f32 v28, v26;
	v28 =	vld [tilespmem:s25+$0x40];
	v25 =	vmax.f32 v25, $0.0e+00  }
0x331: {  	v31 =	vld [tilespmem:s28+$0x40];
	[tilespmem:s5+$0xC0] =	vst v25;
	v25 =	vadd.f32 v33, v35;
	v30 =	vadd.f32 v30, v11;
	v11 =	vmov v23  }
0x332: {  	v23 =	vmax.f32 v26, $0.0e+00;
	v32 =	vld [tilespmem:s25+$0xD0]  }
0x333: {  	[tilespmem:s5+$0xFFFFFF30] =	vst v23;
	v23 =	vadd.f32 v29, v34;
	v33 =	vld [tilespmem:s28+$0xD0];
	v29 =	vadd.f32 v25, v12;
	v26 =	vmax.f32 v30, $0.0e+00;
	v12 =	vmovc v27  }
.Ltmp5:
0x334: {  	v25 =	vld [tilespmem:s25+$0xFFFFFF40];
	[tilespmem:s15+$0x60] =	vst v26;
	(pc) =	sbr.rel @p1 .LBB2_9-.Ltmp5, $4  }
0x335: {  	v26 =	vld [tilespmem:s28+$0xFFFFFF40];
	v21 =	vadd.f32 v23, v21;
	v23 =	vmax.f32 v29, $0.0e+00  }
0x336: {  	v27 =	vadd.f32 v31, v28;
	[tilespmem:s15+$0xFFFFFF70] =	vst v23;
	v23 =	vld [tilespmem:s0+$0xFFFFFFF0]  }
0x337: {  	v28 =	vmax.f32 v21, $0.0e+00;
	v21 =	vld [tilespmem:s22+$0x70];
	s22 =	smov.u32 s25  }
0x338: {  	s17 =	sadd.s32 $0x40, s17;
	[tilespmem:s5+$0xFFFFFFC0] =	vst v28;
	v29 =	vadd.f32 v27, v22;
	v27 =	vadd.f32 v33, v32;
	v28 =	vmul.f32 v8, v5;
	v22 =	vld [tilespmem:s0+$0x70];
	s0 =	smov.u32 s28  }
0x339: {  	_ = 	snop  }
0x33a: {  	v25 =	vadd.f32 v26, v25;
	_ =	sdelay $0x1  }
0x33b: {  	v20 =	vadd.f32 v25, v20  }
0x33c: {  	v39 =	vld [tilespmem:s22+$0xFFFFFFD0]  }
0x33d: {  	v40 =	vld [tilespmem:s0+$0xFFFFFFD0];
	v20 =	vmax.f32 v20, $0.0e+00  }
0x33e: {  	[tilespmem:s5+$0xFFFFFF40] =	vst v20  }
0x33f: {  	v38 =	vmax.f32 v29, $0.0e+00;
	v20 =	vld [tilespmem:s22+$0xFFFFFF50]  }
0x340: {  	[tilespmem:s5+$0x40] =	vst v38;
	v37 =	vld [tilespmem:s0+$0xFFFFFF50]  }
0x341: {  	v30 =	vld [tilespmem:s22+$0x50]  }
0x342: {  	v27 =	vadd.f32 v27, v28;
	v31 =	vld [tilespmem:s0+$0x50];
	v42 =	vadd.f32 v40, v39;
	_ =	sdelay $0x1  }
0x343: {  	v41 =	vmax.f32 v27, $0.0e+00;
	v14 =	vadd.f32 v42, v14  }
0x344: {  	[tilespmem:s5+$0xD0] =	vst v41;
	v20 =	vadd.f32 v37, v20  }
0x345: {  	v25 =	vld [tilespmem:s22+$0xE0];
	v14 =	vmax.f32 v14, $0.0e+00  }
0x346: {  	v44 =	vld [tilespmem:s0+$0xE0];
	v43 =	vadd.f32 v31, v30;
	[tilespmem:s5+$0xFFFFFFD0] =	vst v14;
	v17 =	vadd.f32 v20, v17  }
0x347: {  	v46 =	vld [tilespmem:s22+$0xFFFFFFE0]  }
0x348: {  	v15 =	vadd.f32 v43, v15;
	v47 =	vld [tilespmem:s0+$0xFFFFFFE0];
	v17 =	vmax.f32 v17, $0.0e+00  }
0x349: {  	[tilespmem:s5+$0xFFFFFF50] =	vst v17  }
0x34a: {  	v15 =	vmax.f32 v15, $0.0e+00;
	v17 =	vld [tilespmem:s22+$0xFFFFFF60]  }
0x34b: {  	[tilespmem:s5+$0x50] =	vst v15;
	v45 =	vld [tilespmem:s0+$0xFFFFFF60]  }
0x34c: {  	v48 =	vmul.f32 v8, v6;
	v25 =	vadd.f32 v44, v25;
	v49 =	vld [tilespmem:s22+$0x60]  }
0x34d: {  	v50 =	vld [tilespmem:s0+$0x60];
	v15 =	vadd.f32 v47, v46  }
0x34e: {  	v25 =	vadd.f32 v25, v48  }
0x34f: {  	v13 =	vadd.f32 v15, v13  }
0x350: {  	v51 =	vmax.f32 v25, $0.0e+00;
	v14 =	vadd.f32 v45, v17  }
0x351: {  	[tilespmem:s5+$0xE0] =	vst v51;
	v13 =	vmax.f32 v13, $0.0e+00  }
0x352: {  	v52 =	vld [tilespmem:s22+$0xF0];
	v53 =	vadd.f32 v50, v49;
	[tilespmem:s5+$0xFFFFFFE0] =	vst v13;
	v14 =	vadd.f32 v14, v16  }
0x353: {  	v55 =	vld [tilespmem:s22+$0xFFFFFFF0]  }
0x354: {  	v11 =	vadd.f32 v53, v11;
	v56 =	vld [tilespmem:s0+$0xFFFFFFF0];
	v14 =	vmax.f32 v14, $0.0e+00  }
0x355: {  	v17 =	vld [tilespmem:s0+$0xF0];
	[tilespmem:s5+$0xFFFFFF60] =	vst v14  }
0x356: {  	v11 =	vmax.f32 v11, $0.0e+00;
	v14 =	vld [tilespmem:s22+$0xFFFFFF70]  }
0x357: {  	[tilespmem:s5+$0x60] =	vst v11;
	v54 =	vld [tilespmem:s0+$0xFFFFFF70]  }
0x358: {  	v57 =	vld [tilespmem:s22+$0x70]  }
0x359: {  	v23 =	vadd.f32 v23, v24;
	v58 =	vld [tilespmem:s0+$0x70]  }
0x35a: {  	v21 =	vadd.f32 v22, v21  }
0x35b: {  	v8 =	vmul.f32 v8, v7;
	v9 =	vadd.f32 v23, v9;
	v16 =	vadd.f32 v17, v52  }
0x35c: {  	v10 =	vadd.f32 v21, v10;
	v13 =	vadd.f32 v54, v14  }
0x35d: {  	v9 =	vmax.f32 v9, $0.0e+00;
	v11 =	vadd.f32 v56, v55;
	v8 =	vadd.f32 v16, v8  }
0x35e: {  	[tilespmem:s15+$0xFFFFFFF0] =	vst v9;
	v59 =	vmax.f32 v10, $0.0e+00;
	v61 =	vadd.f32 v58, v57;
	v60 =	vadd.f32 v13, v12  }
0x35f: {  	[tilespmem:s15+$0x70] =	vst v59;
	v62 =	vadd.f32 v11, v19;
	v8 =	vmax.f32 v8, $0.0e+00  }
0x360: {  	v63 =	vadd.f32 v61, v18;
	[tilespmem:s5+$0xF0] =	vst v8;
	v8 =	vmax.f32 v60, $0.0e+00  }
0x361: {  	[tilespmem:s5+$0xFFFFFF70] =	vst v8;
	v8 =	vmax.f32 v62, $0.0e+00  }
0x362: {  	[tilespmem:s5+$0xFFFFFFF0] =	vst v8;
	v8 =	vmax.f32 v63, $0.0e+00  }
0x363: {  	s22 =	simm.s32 $0xAA80;
	[tilespmem:s5+$0x70] =	vst v8  }
0x364: {  	[spmem:s1] =	stream.indirect.scatter.add.f32 [tilespmem:s22], [sflag:$0x9], $0x80, s13, s31, $0xb8;
	[tilespmem:$0x1F780] =	vst v63  }
0x365: {  	_ =	swait.ge [sflag:s30], $0x28  }
0x366: {  	[sflag:s30] =	ssyncset.done $0x0  }
0x367: {  	[sflag:s30] =	ssyncadd.s32 $0xFFFFFFD8  }
0x368: {  	_ =	swait.ge [sflag:s30], $0x28  }
0x369: {  	[sflag:s30] =	ssyncset.done $0x0  }
0x36a: {  	[sflag:s30] =	ssyncadd.s32 $0xFFFFFFD8  }
0x36b: {  	_ =	swait.ge [sflag:s30], $0x280  }
0x36c: {  	[sflag:s30] =	ssyncset.done $0x0  }
0x36d: {  	s25 =	simm.s32 $0x380;
	[sflag:s30] =	ssyncadd.s32 $0xFFFFFD80  }
0x36e: {  	[tilespmem:s25], [sflag:$0x2] =	stream.indirect.gather [hbm4b:s3+s31], $0x80, s24, s31, $0xb8;
	[tilespmem:$0x1F780] =	vst v63  }
0x36f: {  	s28 =	simm.s32 $0x1780;
	p1 =	sgt.u32 s21, $0x51  }
0x370: {  	[tilespmem:s28], [sflag:$0x2] =	stream.indirect.gather [hbm4b:s4+s31], $0x80, s2, s31, $0xb8;
	[tilespmem:$0x1F780] =	vst v63  }
0x371: {  	s0 =	sadd.s32 @!p1 s11, s18;
	_ =	swait.ge [sflag:s20], $0x1400  }
0x372: {  	s16 =	simm.s32 @!p1 $0x3F80;
	s5 =	sshrl.u32 @!p1 s0, $0x3;
	[sflag:s20] =	ssyncset.done $0x0  }
0x373: {  	s15 =	simm.s32 @!p1 $0x0;
	s11 =	sadd.s32 @!p1 s6, s5;
	[sflag:s20] =	ssyncadd.s32 $0xFFFFEC00  }
0x374: {  	[tilespmem:s16], [sflag:$0x4] =	stream.linear.gather @!p1 [hbm4b:s11+s15], $0x28, $0x38;
	[tilespmem:$0x1F780] =	vst v63  }
0x375: {  	s0 =	sshll.u32 @!p1 s0, $0x1;
	s5 =	sadd.s32 @!p1 s7, s5;
	s11 =	simm.s32 @!p1 $0x4000  }
0x376: {  	[tilespmem:s11], [sflag:$0x4] =	stream.linear.gather @!p1 [hbm4b:s5+s15], $0x28, $0x38;
	[tilespmem:$0x1F780] =	vst v63  }
0x377: {  	s21 =	sadd.s32 $0x1, s21;
	s0 =	sadd.s32 @!p1 s8, s0;
	s5 =	simm.s32 @!p1 $0x4080  }
0x378: {  	[tilespmem:s5], [sflag:$0x4] =	stream.linear.gather @!p1 [hbm4b:s0+s15], $0x280, $0x38;
	[tilespmem:$0x1F780] =	vst v63  }
0x379: {  	p1 =	sne.s32 s21, $0x54  }
.Ltmp6:
0x37a: {  	_ = 	snop;
	(pc) =	sbr.rel @p1 .LBB2_2-.Ltmp6, $4  }
.Ltmp7:
0x37b: {  	_ = 	snop;
	(pc) =	sbr.rel @!p1 .LBB2_11-.Ltmp7, $4  }
0x37c: {  	_ = 	snop  }
0x37d: {  	_ = 	snop  }
0x37e: {  	_ = 	snop  }
0x37f: {  	_ = 	snop  }
.LBB2_12:
0x380: {  	_ =	sfence.sel $0x180000  }
0x381: {  	[bflag:$0x0] =	sbarrier.arrive $0xFFFF  }
0x382: {  	_ =	strace $0x9000004A  }
0x383: {  	[bflag:$0x2] =	sbarrier.arrive $0xFFFF  }
0x384: {  	s0 =	rddreg [dreg:$0x2]  }
0x385: {  	s0 =	sadd.s32 @!p0 $0x100000, s0  }
0x386: {  	[sflag:s0] =	ssyncadd.tile.s32 @!p0 $0x1;
	_ =	shalt  }
.Lfunc_end2:
_tile_overlayer_lowered:
.L_overlay_start_2:
0x387: {  	(tag) =	ssettag $0x2  }
0x388: {  	s0 =	rddreg [dreg:$0x0];
	s2 =	stileid.u32  }
0x389: {  	s1 =	rddreg [dreg:$0x1];
	p0 =	sne.s32 s2, $0x0  }
0x38a: {  	s3 =	rddreg [dreg:$0x2];
	[bflag:$0x3] =	sbarrier.arrive $0xFFFF;
	s2 =	simm.s32 @!p0 $0x1C0A  }
0x38b: {  	[timem:s3], [sflag:s2] =	dma.local @!p0 [hbm:s0], s1  }
0x38c: {  	s0 =	simm.s32 @!p0 $0xA  }
0x38d: {  	_ =	swait.ge @!p0 [sflag:s0], s1  }
0x38e: {  	s1 =	ssub.s32 @!p0 $0x0, s1;
	[sflag:s0] =	ssyncset.done @!p0 $0x0  }
0x38f: {  	[sflag:s0] =	ssyncadd.s32 @!p0 s1  }
0x390: {  	[bflag:$0x3] =	sbarrier.arrive $0xFFFF  }
0x391: {  	_ =	shalt  }

// kernel: kernel.7.cloned.1.call-start
scs
__scs_entry_jumppad:
0x0: {  	(pc) =	sbr.rel $0x88, $3  }
0x1: {  	(tag) =	ssettag $0x0;
	lr =	simm.s32 $0x1  }
0x2: {  	[smem:$0x3F8F] =	sst lr;
	_ =	strace $0xD0000000  }
0x3: {  	_ = 	snop  }
0x4: {  	_ = 	snop  }
0x5: {  	_ = 	snop  }
0x6: {  	_ = 	snop  }
0x7: {  	_ = 	snop  }
__scs_overlays_trampoline_lowered:
0x8: {  	[smem:$0x3F9E] =	sst s0  }
0x9: {  	[smem:$0x3F9F] =	sst s1  }
0xa: {  	[smem:$0x3FA0] =	sst s2  }
0xb: {  	[smem:$0x3FA1] =	sst s3  }
0xc: {  	[smem:$0x3FA2] =	sst s4  }
0xd: {  	[smem:$0x3FA3] =	sst s5  }
0xe: {  	[smem:$0x3FA4] =	sst s6  }
0xf: {  	[smem:$0x3FA5] =	sst s7  }
0x10: {  	[smem:$0x3FA6] =	sst s8  }
0x11: {  	[smem:$0x3FA7] =	sst s9;
	s0 =	simm.s32 @!p0 $0x0  }
0x12: {  	s1 =	sld [smem:$0x3F8D];
	s0 =	simm.s32 @p0 $0x1  }
0x13: {  	[smem:$0x3FA8] =	sst s0;
	s0 =	simm.s32 @!p1 $0x0  }
0x14: {  	s2 =	sld [smem:$0x3F8C];
	s0 =	simm.s32 @p1 $0x1  }
0x15: {  	[smem:$0x3FA9] =	sst s0;
	s0 =	simm.s32 @!p2 $0x0  }
0x16: {  	s3 =	sld [smem:$0x3FDB];
	s0 =	simm.s32 @p2 $0x1  }
0x17: {  	s4 =	simm.s32 $0x1BF5;
	[smem:$0x3FAB] =	sst s0  }
0x18: {  	s0 =	sld [smem:$0x3F8E];
	_ =	swait.ge [sflag:s4], $0x0  }
0x19: {  	s7 =	sld [smem:$0x3F8F]  }
0x1a: {  	s8 =	sadd.s32 $0xFFFFE003, lr  }
0x1b: {  	s9 =	sadd.s32 $0xFFFFFEF7, lr;
	s5 =	simm.s32 $0xFFFFFFFF;
	p2 =	slt.u32 s8, $0xFFFFF086  }
0x1c: {  	p1 =	slt.u32 s9, $0xF7A;
	s5 =	simm.s32 @!p2 $0x0  }
0x1d: {  	s5 =	simm.s32 @p1 $0x1;
	p0 =	seq.s32 s7, s2  }
0x1e: {  	s7 =	smul.u32 @!p0 $0xF7A, s2;
	p2 =	seq.s32 @!p0 s5, $0x0  }
0x1f: {  	s9 =	smul.u32 $0xF7A, s1;
	s8 =	simm.s32 @!p0 $0x1BF5;
	p2 =	por !p2, p0  }
0x20: {  	[sflag:s8] =	ssyncset.s32 @!p0 $0xFFFFF086;
	s6 =	sadd.s32 @!p0 s3, s7;
	s7 =	simm.s32 @!p0 $0x108  }
0x21: {  	s3 =	sadd.s32 s3, s9;
	s6 =	sadd.s32 @!p0 $0x88, s6;
	s7 =	simm.s32 @p2 $0x1082  }
0x22: {  	[simem:s7], [sflag:s8] =	dma.local @!p0 [hbm:s6], $0xF7A  }
0x23: {  	s9 =	sor.u32 $0xD0000000, s2;
	s6 =	simm.s32 $0x108;
	_ =	swait.ge @!p0 [sflag:s8], $0x0  }
0x24: {  	s3 =	sadd.s32 $0x88, s3;
	s6 =	simm.s32 @!p1 $0x1082;
	[sflag:s4] =	ssyncset.s32 $0xFFFFF086  }
0x25: {  	[simem:s6], [sflag:s4] =	dma.local [hbm:s3], $0xF7A  }
0x26: {  	[smem:$0x3F8F] =	sst s1;
	(tag) =	ssettag s2;
	_ =	strace s9  }
0x27: {  	s1 =	sld [smem:$0x3F9F]  }
0x28: {  	s2 =	sld [smem:$0x3FA0]  }
0x29: {  	s4 =	sld [smem:$0x3FA2]  }
0x2a: {  	p0 =	seq.s32 s5, $0x0;
	s5 =	sld [smem:$0x3FA3]  }
0x2b: {  	s6 =	sld [smem:$0x3FA4]  }
0x2c: {  	s7 =	sld [smem:$0x3FA5]  }
0x2d: {  	s3 =	simm.s32 $0x108;
	s8 =	sld [smem:$0x3FA6]  }
0x2e: {  	s3 =	simm.s32 @!p0 $0x1082;
	s9 =	sld [smem:$0x3FA7]  }
0x2f: {  	lr =	sadd.s32 s0, s3;
	s0 =	sld [smem:$0x3F9E]  }
0x30: {  	s3 =	sld [smem:$0x3FA1]  }
0x31: {  	[smem:$0x3FAA] =	sst s10  }
0x32: {  	s10 =	sld [smem:$0x3FA8];
	_ =	sdelay $0x3  }
0x33: {  	p0 =	seq.s32 s10, $0x1;
	s10 =	sld [smem:$0x3FAA];
	_ =	sdelay $0x3  }
0x34: {  	[smem:$0x3FAA] =	sst s10  }
0x35: {  	s10 =	sld [smem:$0x3FA9];
	_ =	sdelay $0x3  }
0x36: {  	p1 =	seq.s32 s10, $0x1;
	s10 =	sld [smem:$0x3FAA];
	_ =	sdelay $0x3  }
0x37: {  	[smem:$0x3FAA] =	sst s10  }
0x38: {  	s10 =	sld [smem:$0x3FAB]  }
0x39: {  	_ = 	snop;
	(pc) =	sbr.ind lr, $3  }
0x3a: {  	_ = 	snop  }
0x3b: {  	_ = 	snop  }
0x3c: {  	p2 =	seq.s32 s10, $0x1;
	s10 =	sld [smem:$0x3FAA]  }
0x3d: {  	_ =	shalt  }
0x3e: {  	_ =	shalt  }
0x3f: {  	_ =	shalt  }
0x40: {  	_ =	shalt  }
0x41: {  	_ =	shalt  }
0x42: {  	_ =	shalt  }
0x43: {  	_ =	shalt  }
0x44: {  	_ =	shalt  }
0x45: {  	_ =	shalt  }
0x46: {  	_ =	shalt  }
0x47: {  	_ =	shalt  }
0x48: {  	_ =	shalt  }
0x49: {  	_ =	shalt  }
0x4a: {  	_ =	shalt  }
0x4b: {  	_ =	shalt  }
0x4c: {  	_ =	shalt  }
0x4d: {  	_ =	shalt  }
0x4e: {  	_ =	shalt  }
0x4f: {  	_ =	shalt  }
0x50: {  	_ =	shalt  }
0x51: {  	_ =	shalt  }
0x52: {  	_ =	shalt  }
0x53: {  	_ =	shalt  }
0x54: {  	_ =	shalt  }
0x55: {  	_ =	shalt  }
0x56: {  	_ =	shalt  }
0x57: {  	_ =	shalt  }
0x58: {  	_ =	shalt  }
0x59: {  	_ =	shalt  }
0x5a: {  	_ =	shalt  }
0x5b: {  	_ =	shalt  }
0x5c: {  	_ =	shalt  }
0x5d: {  	_ =	shalt  }
0x5e: {  	_ =	shalt  }
0x5f: {  	_ =	shalt  }
0x60: {  	_ =	shalt  }
0x61: {  	_ =	shalt  }
0x62: {  	_ =	shalt  }
0x63: {  	_ =	shalt  }
0x64: {  	_ =	shalt  }
0x65: {  	_ =	shalt  }
0x66: {  	_ =	shalt  }
0x67: {  	_ =	shalt  }
0x68: {  	_ =	shalt  }
0x69: {  	_ =	shalt  }
0x6a: {  	_ =	shalt  }
0x6b: {  	_ =	shalt  }
0x6c: {  	_ =	shalt  }
0x6d: {  	_ =	shalt  }
0x6e: {  	_ =	shalt  }
0x6f: {  	_ =	shalt  }
0x70: {  	_ =	shalt  }
0x71: {  	_ =	shalt  }
0x72: {  	_ =	shalt  }
0x73: {  	_ =	shalt  }
0x74: {  	_ =	shalt  }
0x75: {  	_ =	shalt  }
0x76: {  	_ =	shalt  }
0x77: {  	_ =	shalt  }
0x78: {  	_ =	shalt  }
0x79: {  	_ =	shalt  }
0x7a: {  	_ =	shalt  }
0x7b: {  	_ =	shalt  }
0x7c: {  	_ =	shalt  }
0x7d: {  	_ =	shalt  }
0x7e: {  	_ =	shalt  }
0x7f: {  	_ =	shalt  }
0x80: {  	_ =	shalt  }
0x81: {  	_ =	shalt  }
0x82: {  	_ =	shalt  }
0x83: {  	_ =	shalt  }
0x84: {  	_ =	shalt  }
0x85: {  	_ =	shalt  }
0x86: {  	_ =	shalt  }
0x87: {  	_ =	shalt  }
.Lfunc_end0:
.L_simem_size_0:
called_computation_lowered:
.L_overlay_start_0:
0x88: {  	s2 =	sld [smem:$0x3FD9]  }
0x89: {  	s3 =	sld [smem:$0x3FFE];
	_ =	sdelay $0x1  }
0x8a: {  	s1 =	srdreg.scid  }
0x8b: {  	s0 =	sand.u32 $0x1, s1  }
0x8c: {  	s17 =	sshll.u32 s0, $0xA;
	s2 =	sadd.s32 s3, s2  }
0x8d: {  	s2 =	sadd.s32 s2, s17  }
0x8e: {  	[smem:$0x3FB6] =	sst s2  }
0x8f: {  	_ = 	snop  }
0x90: {  	s2 =	sld [smem:$0x3FD0];
	(tm) =	ssettm $0x1  }
0x91: {  	s18 =	sld [smem:$0x3FFB];
	_ =	sdelay $0x3  }
0x92: {  	_ =	strace s18  }
0x93: {  	s3 =	sld [smem:$0x3FFC];
	_ =	sdelay $0x3  }
0x94: {  	_ =	strace s3  }
0x95: {  	s3 =	sld [smem:$0x3FFD];
	_ =	sdelay $0x3  }
0x96: {  	_ =	strace s3  }
0x97: {  	_ =	strace $0x8FFFFFFF  }
0x98: {  	s19 =	sld [smem:$0x3FDB];
	_ =	sdelay $0x1  }
0x99: {  	s4 =	simm.s32 $_scs_section_size  }
0x9a: {  	s5 =	simm.s32 $_size__tile_overlayer_lowered;
	s6 =	simm.s32 $_tile_overlayer_lowered  }
0x9b: {  	s22 =	simm.s32 $0x1BFF;
	s21 =	sshll.u32 s6, $0x1;
	s3 =	sadd.s32 s4, s19  }
0x9c: {  	s7 =	simm.s32 $0x0;
	s20 =	sshll.u32 s5, $0x1;
	s5 =	sadd.s32 s21, s3  }
0x9d: {  	[timem:s7], [sflag:s22] =	dma.local [hbm:s5], s20  }
0x9e: {  	_ =	swait.ge [sflag:s22], s20  }
0x9f: {  	s4 =	ssub.s32 $0x0, s20;
	[sflag:s22] =	ssyncset.done $0x0  }
0xa0: {  	[sflag:s22] =	ssyncadd.s32 s4;
	_ =	sdelay $0x1  }
0xa1: {  	s23 =	simm.s32 $0x1B8B  }
0xa2: {  	_ =	swait.ge [sflag:s23], $0x1  }
0xa3: {  	[sflag:s23] =	ssyncset.done $0x0  }
0xa4: {  	s25 =	simm.s32 $0x1B8E;
	s24 =	sld [smem:$0x3FFE];
	[sflag:s23] =	ssyncadd.s32 $0xFFFFFFFF  }
0xa5: {  	s26 =	simm.s32 $execute0_lowered;
	[smem:$0x3FD2] =	sst s25  }
0xa6: {  	s5 =	sshll.u32 s26, $0x1;
	_ =	strace $0x80000046;
	[dreg:$0x1] =	wrdreg $0xFFFFFFFF  }
0xa7: {  	s28 =	simm.s32 $_size_execute0_lowered;
	s3 =	sadd.s32 s3, s5;
	[dreg:$0x0] =	wrdreg $0x0  }
0xa8: {  	s5 =	sshll.u32 s28, $0x1;
	[dreg:$0x2] =	wrdreg s3  }
0xa9: {  	[dreg:$0x3] =	wrdreg s5  }
0xaa: {  	[dreg:$0x4] =	wrdreg $0xC0  }
0xab: {  	_ =	task [dreg:s7], $0x5FFFF  }
0xac: {  	[dreg:$0x1] =	wrdreg $0xFFFFFFFF  }
0xad: {  	[dreg:$0x0] =	wrdreg $0x60  }
0xae: {  	[dreg:$0x2] =	wrdreg s24  }
0xaf: {  	[dreg:$0x3] =	wrdreg s2  }
0xb0: {  	[dreg:$0x4] =	wrdreg $0xBF000  }
0xb1: {  	[dreg:$0x5] =	wrdreg $0x9  }
0xb2: {  	_ =	task.clear_ibuf [dreg:s7], $0x6FFFF;
	_ =	strace $0x90000046  }
0xb3: {  	s29 =	simm.s32 $0x9;
	_ =	strace $0x80000048  }
0xb4: {  	_ =	swait.ge [sflag:s29], $0x1  }
0xb5: {  	[sflag:s29] =	ssyncadd.s32 $0xFFFFFFFF  }
0xb6: {  	_ =	strace $0x90000048  }
0xb7: {  	_ =	sfence  }
0xb8: {  	s30 =	sld [smem:$0x0];
	_ =	sdelay $0x2  }
0xb9: {  	s31 =	sshll.u32 s1, $0xD;
	s1 =	sshrl.u32 s1, $0x2  }
0xba: {  	s3 =	sand.u32 $0x4000, s31;
	s1 =	sadd.s32 s1, s30  }
0xbb: {  	s0 =	sor.u32 s3, s0;
	s1 =	sshll.u32 s1, $0x11  }
0xbc: {  	s0 =	sor.u32 s1, s0  }
0xbd: {  	s0 =	sadd.s32 $0x8F2B, s0  }
0xbe: {  	[sflag:s0] =	ssyncadd.remote.s32 $0x1  }
0xbf: {  	_ =	sfence.sel $0xFFFF  }
0xc0: {  	[dreg:$0x0] =	wrdreg $0xFFFFFFFF;
	(pc) =	sbr.abs _section_cstart, $3  }
0xc1: {  	[dreg:$0x1] =	wrdreg $0xFFFFFFFF  }
0xc2: {  	_ =	task.clear_ibuf [dreg:s7], $0x2FFFF;
	_ =	strace $0x9FFFFFFF  }
0xc3: {  	(tm) =	ssettm $0x7FFFFFFF  }
tec
execute0_lowered:
.L_overlay_start_1:
0x0: {  	(tag) =	ssettag $0x1  }
0x1: {  	s0 =	rddreg [dreg:$0x0]  }
0x2: {  	s2 =	rddreg [dreg:$0x2];
	s3 =	simm.s32 $0x0;
	s1 =	srdreg.scid  }
0x3: {  	s9 =	stileid.u32;
	s30 =	simm.s32 $0x1;
	s31 =	simm.s32 $0x28  }
0x4: {  	s15 =	simm.s32 $0x0;
	[smem:$0x7FF] =	sst s3;
	s4 =	sadd.s32 $0x3E200, s0  }
0x5: {  	s5 =	sadd.s32 $0x17000, s0;
	s6 =	sadd.s32 $0xD200, s0;
	s7 =	sadd.s32 $0x3400, s0  }
0x6: {  	s1 =	sand.u32 $0x1, s1;
	s8 =	sshll.u32 s9, $0x1;
	s14 =	sadd.s32 $0x65400, s0  }
0x7: {  	p0 =	sne.s32 s9, $0x0;
	s9 =	simm.s32 $0x3;
	_ =	strace $0x80000047  }
0x8: {  	s10 =	smul.u32 $0x27100, s1;
	s11 =	ssub.s32 $0x2, s1;
	s1 =	sor.u32 s1, s8  }
0x9: {  	s8 =	sadd.s32 $0x4F9000, s0;
	[dreg:$0x4] =	wrdreg s14;
	s13 =	smul.u32 $0x2710, s1  }
0xa: {  	s14 =	simm.s32 $0x7F80;
	s12 =	sshrl.u32 s11, $0x1;
	s1 =	smul.u32 $0x4E20, s1  }
0xb: {  	s0 =	sadd.s32 s10, s0;
	s19 =	ssub.s32 s11, s12;
	s10 =	simm.s32 $0x4  }
0xc: {  	s12 =	simm.s32 $0x8;
	s20 =	sshrl.u32 s13, $0x3;
	s1 =	sadd.s32 s8, s1  }
0xd: {  	s21 =	sadd.s32 $0x28, s13;
	s26 =	sadd.s32 $0x50, s13;
	[dreg:$0x7] =	wrdreg s1  }
0xe: {  	s28 =	sadd.s32 $0x78, s13;
	s18 =	sadd.s32 $0xA0, s13;
	[dreg:$0xb] =	wrdreg s26  }
0xf: {  	s0 =	sadd.s32 $0x8C600, s0;
	s29 =	smax.u32 s19, $0x1;
	[dreg:$0xc] =	wrdreg s28  }
0x10: {  	s13 =	simm.s32 $0x7F00;
	s19 =	simm.s32 $0x5;
	[dreg:$0xd] =	wrdreg s0  }
0x11: {  	s22 =	sadd.s32 s6, s20;
	s11 =	sadd.s32 s7, s20;
	[dreg:$0xe] =	wrdreg s29  }
0x12: {  	s23 =	sshrl.u32 s21, $0x3;
	s25 =	sshll.u32 s21, $0x1;
	[dreg:$0x5] =	wrdreg s22  }
.Ltmp0:
0x13: {  	[dreg:$0x6] =	wrdreg s11;
	s24 =	sadd.s32 s6, s23;
	(pc) =	sbr.rel .LBB2_1-.Ltmp0, $4  }
0x14: {  	s26 =	simm.s32 $0x3F80;
	s11 =	sadd.s32 s7, s23;
	[dreg:$0x8] =	wrdreg s24  }
0x15: {  	s20 =	simm.s32 $0x6;
	s1 =	sadd.s32 s8, s25;
	[dreg:$0x9] =	wrdreg s11  }
0x16: {  	s22 =	simm.s32 $0x2;
	[dreg:$0xa] =	wrdreg s1;
	s11 =	sshrl.u32 @!p0 s2, $0x3  }
0x17: {  	s23 =	simm.s32 $0x7;
	s24 =	simm.s32 $0x80;
	[dreg:$0xf] =	wrdreg s11  }
.LBB2_5:
0x18: {  	s0 =	simm.s32 $0x9  }
0x19: {  	_ =	swait.ge [sflag:s0], $0x1400  }
0x1a: {  	[sflag:s0] =	ssyncset.done $0x0  }
0x1b: {  	[sflag:s0] =	ssyncadd.s32 $0xFFFFEC00  }
0x1c: {  	_ =	swait.ge [sflag:s9], $0x1400  }
0x1d: {  	[sflag:s9] =	ssyncset.done $0x0  }
0x1e: {  	[sflag:s9] =	ssyncadd.s32 $0xFFFFEC00  }
.LBB2_11:
0x1f: {  	[bflag:$0x0] =	sbarrier.arrive $0xFFFF  }
0x20: {  	s1 =	rddreg [dreg:$0xd]  }
0x21: {  	s0 =	simm.s32 @!p0 $0x1C0A;
	s11 =	rddreg [dreg:$0xf]  }
0x22: {  	[hbm:s1], [sflag:s0] =	dma.local @!p0 [spmem:s11], $0x27100  }
0x23: {  	s0 =	simm.s32 @!p0 $0xA  }
0x24: {  	_ =	swait.ge @!p0 [sflag:s0], $0x27100  }
0x25: {  	s15 =	rddreg [dreg:$0x10]  }
0x26: {  	s29 =	rddreg [dreg:$0xe];
	s15 =	sadd.s32 $0x1, s15  }
0x27: {  	p1 =	sne.s32 s15, s29  }
.Ltmp1:
0x28: {  	_ = 	snop;
	(pc) =	sbr.rel @!p1 .LBB2_12-.Ltmp1, $3  }
0x29: {  	_ =	sdelay $0x1  }
0x2a: {  	[sflag:s0] =	ssyncset.done @!p0 $0x0  }
0x2b: {  	[sflag:s0] =	ssyncadd.s32 @!p0 $0xFFFD8F00  }
.LBB2_1:
0x2c: {  	[dreg:$0x10] =	wrdreg s15  }
0x2d: {  	s0 =	simm.s32 @!p0 $0x1C0A;
	s1 =	rddreg [dreg:$0x4]  }
0x2e: {  	[spmem:s11], [sflag:s0] =	dma.local @!p0 [hbm:s1], $0x27100  }
0x2f: {  	s0 =	simm.s32 @!p0 $0xA  }
0x30: {  	_ =	swait.ge @!p0 [sflag:s0], $0x27100  }
0x31: {  	[sflag:s0] =	ssyncset.done @!p0 $0x0  }
0x32: {  	[sflag:s0] =	ssyncadd.s32 @!p0 $0xFFFD8F00  }
0x33: {  	[bflag:$0x0] =	sbarrier.arrive $0xFFFF  }
0x34: {  	s21 =	simm.s32 $0xBE80;
	s25 =	simm.s32 $0xA;
	s17 =	rddreg [dreg:$0x1]  }
0x35: {  	[tilespmem:s21], [sflag:$0xA] =	stream.linear.gather [hbm4b:s17+s3], $0x80, $0x38;
	[tilespmem:$0x1F780] =	vst v63  }
0x36: {  	_ =	swait.ge [sflag:s25], $0x80  }
0x37: {  	[sflag:s25] =	ssyncset.done $0x0  }
0x38: {  	[sflag:s25] =	ssyncadd.s32 $0xFFFFFF80  }
0x39: {  	v0 =	vld [tilespmem:$0xBE80]  }
0x3a: {  	v1 =	vld [tilespmem:$0xBE90]  }
0x3b: {  	v2 =	vld [tilespmem:$0xBEA0]  }
0x3c: {  	v3 =	vld [tilespmem:$0xBEB0]  }
0x3d: {  	v4 =	vld [tilespmem:$0xBEC0]  }
0x3e: {  	v5 =	vld [tilespmem:$0xBED0]  }
0x3f: {  	s28 =	rddreg [dreg:$0x5];
	v6 =	vld [tilespmem:$0xBEE0]  }
0x40: {  	v7 =	vld [tilespmem:$0xBEF0];
	[tilespmem:s3], [sflag:$0x1] =	stream.linear.gather [hbm4b:s28+s3], $0x28, $0x38  }
0x41: {  	s29 =	rddreg [dreg:$0x6]  }
0x42: {  	[tilespmem:s24], [sflag:$0x1] =	stream.linear.gather [hbm4b:s29+s3], $0x28, $0x38;
	[tilespmem:$0x1F780] =	vst v63  }
0x43: {  	s11 =	simm.s32 $0x100;
	s1 =	rddreg [dreg:$0x7]  }
0x44: {  	[tilespmem:s11], [sflag:$0x1] =	stream.linear.gather [hbm4b:s1+s3], $0x280, $0x38;
	[tilespmem:$0x1F780] =	vst v63  }
0x45: {  	s15 =	rddreg [dreg:$0x8]  }
0x46: {  	[tilespmem:s26], [sflag:$0x4] =	stream.linear.gather [hbm4b:s15+s3], $0x28, $0x38;
	[tilespmem:$0x1F780] =	vst v63  }
0x47: {  	s17 =	simm.s32 $0x4000;
	s16 =	rddreg [dreg:$0x9]  }
0x48: {  	[tilespmem:s17], [sflag:$0x4] =	stream.linear.gather [hbm4b:s16+s3], $0x28, $0x38;
	[tilespmem:$0x1F780] =	vst v63  }
0x49: {  	s21 =	rddreg [dreg:$0xa];
	s25 =	simm.s32 $0x4080  }
0x4a: {  	[tilespmem:s25], [sflag:$0x4] =	stream.linear.gather [hbm4b:s21+s3], $0x280, $0x38;
	[tilespmem:$0x1F780] =	vst v63  }
0x4b: {  	_ =	swait.ge [sflag:s30], $0x28  }
0x4c: {  	[sflag:s30] =	ssyncset.done $0x0  }
0x4d: {  	[sflag:s30] =	ssyncadd.s32 $0xFFFFFFD8  }
0x4e: {  	_ =	swait.ge [sflag:s30], $0x28  }
0x4f: {  	[sflag:s30] =	ssyncset.done $0x0  }
0x50: {  	[sflag:s30] =	ssyncadd.s32 $0xFFFFFFD8  }
0x51: {  	_ =	swait.ge [sflag:s30], $0x280  }
0x52: {  	[sflag:s30] =	ssyncset.done $0x0  }
0x53: {  	s28 =	simm.s32 $0x380;
	[sflag:s30] =	ssyncadd.s32 $0xFFFFFD80  }
0x54: {  	[tilespmem:s28], [sflag:$0x2] =	stream.indirect.gather [hbm4b:s4+s31], $0x80, s24, s31, $0xb8;
	[tilespmem:$0x1F780] =	vst v63  }
0x55: {  	s29 =	simm.s32 $0x1780;
	s21 =	simm.s32 $0x0  }
0x56: {  	[tilespmem:s29], [sflag:$0x2] =	stream.indirect.gather [hbm4b:s5+s31], $0x80, s3, s31, $0xb8;
	[tilespmem:$0x1F780] =	vst v63  }
.LBB2_2:
0x57: {  	_ =	swait.ge [sflag:s22], $0x1400  }
0x58: {  	[sflag:s22] =	ssyncset.done $0x0  }
0x59: {  	[sflag:s22] =	ssyncadd.s32 $0xFFFFEC00  }
0x5a: {  	_ =	swait.ge [sflag:s22], $0x1400  }
0x5b: {  	[sflag:s22] =	ssyncset.done $0x0  }
0x5c: {  	s15 =	simm.s32 $0x120;
	[sflag:s22] =	ssyncadd.s32 $0xFFFFEC00  }
0x5d: {  	s1 =	simm.s32 $0x480;
	v11 =	vld [tilespmem:s15+$0x10]  }
0x5e: {  	s0 =	simm.s32 $0x1880;
	v8 =	vld [tilespmem:s1+$0x80]  }
0x5f: {  	v9 =	vld [tilespmem:s0+$0x80];
	_ =	sdelay $0x4  }
0x60: {  	v8 =	vadd.f32 v9, v8;
	v9 =	vmul.f32 v11, v0;
	_ =	sdelay $0x1  }
0x61: {  	v13 =	vld [tilespmem:s1+$0xFFFFFF00];
	v8 =	vadd.f32 v8, v9  }
0x62: {  	v12 =	vld [tilespmem:s1+$0xFFFFFF80]  }
0x63: {  	s11 =	simm.s32 $0x2C80;
	v14 =	vld [tilespmem:s0+$0xFFFFFF80];
	v8 =	vmax.f32 v8, $0.0e+00  }
0x64: {  	v9 =	vld [tilespmem:s15+$0xFFFFFFF0];
	[tilespmem:s11+$0x80] =	vst v8  }
0x65: {  	v8 =	vld [tilespmem:s1+$0x90]  }
0x66: {  	v15 =	vld [tilespmem:s0+$0x90]  }
0x67: {  	v10 =	vld [tilespmem:s15+$0x0]  }
0x68: {  	v16 =	vld [tilespmem:s1+$0x0]  }
0x69: {  	v18 =	vld [tilespmem:s0+$0x0];
	v14 =	vadd.f32 v14, v12;
	v17 =	vmul.f32 v9, v0  }
0x6a: {  	v19 =	vld [tilespmem:s0+$0xFFFFFF00]  }
0x6b: {  	v12 =	vld [tilespmem:s15+$0xFFFFFFE0];
	v14 =	vadd.f32 v14, v17;
	v8 =	vadd.f32 v15, v8;
	v15 =	vmul.f32 v11, v1;
	_ =	sdelay $0x1  }
0x6c: {  	v14 =	vmax.f32 v14, $0.0e+00;
	v8 =	vadd.f32 v8, v15  }
0x6d: {  	v16 =	vadd.f32 v18, v16;
	[tilespmem:s11+$0xFFFFFF80] =	vst v14;
	v15 =	vmul.f32 v10, v0  }
0x6e: {  	v14 =	vld [tilespmem:s1+$0xFFFFFF90];
	v8 =	vmax.f32 v8, $0.0e+00  }
0x6f: {  	v13 =	vadd.f32 v19, v13;
	v17 =	vld [tilespmem:s0+$0xFFFFFF90];
	v15 =	vadd.f32 v16, v15;
	v16 =	vmul.f32 v12, v0;
	[tilespmem:s11+$0x90] =	vst v8  }
0x70: {  	v8 =	vld [tilespmem:s1+$0xA0]  }
0x71: {  	v15 =	vmax.f32 v15, $0.0e+00;
	v13 =	vadd.f32 v13, v16;
	v16 =	vld [tilespmem:s0+$0xA0]  }
0x72: {  	[tilespmem:s11+$0x0] =	vst v15  }
0x73: {  	v15 =	vld [tilespmem:s1+$0x10];
	v13 =	vmax.f32 v13, $0.0e+00  }
0x74: {  	v18 =	vmul.f32 v9, v1;
	v19 =	vld [tilespmem:s0+$0x10];
	[tilespmem:s11+$0xFFFFFF00] =	vst v13;
	v13 =	vadd.f32 v17, v14  }
0x75: {  	v14 =	vld [tilespmem:s1+$0xFFFFFF10]  }
0x76: {  	v17 =	vld [tilespmem:s0+$0xFFFFFF10];
	v13 =	vadd.f32 v13, v18;
	v8 =	vadd.f32 v16, v8;
	v16 =	vmul.f32 v11, v2;
	_ =	sdelay $0x1  }
0x77: {  	v13 =	vmax.f32 v13, $0.0e+00;
	v8 =	vadd.f32 v8, v16  }
0x78: {  	v16 =	vmul.f32 v10, v1;
	v15 =	vadd.f32 v19, v15;
	[tilespmem:s11+$0xFFFFFF90] =	vst v13  }
0x79: {  	v13 =	vld [tilespmem:s1+$0xFFFFFFA0];
	v8 =	vmax.f32 v8, $0.0e+00  }
0x7a: {  	v18 =	vmul.f32 v12, v1;
	v15 =	vadd.f32 v15, v16;
	v14 =	vadd.f32 v17, v14;
	v16 =	vld [tilespmem:s0+$0xFFFFFFA0];
	[tilespmem:s11+$0xA0] =	vst v8  }
0x7b: {  	v8 =	vld [tilespmem:s1+$0xB0]  }
0x7c: {  	v15 =	vmax.f32 v15, $0.0e+00;
	v14 =	vadd.f32 v14, v18;
	v17 =	vld [tilespmem:s0+$0xB0]  }
0x7d: {  	[tilespmem:s11+$0x10] =	vst v15  }
0x7e: {  	v15 =	vld [tilespmem:s1+$0x20];
	v14 =	vmax.f32 v14, $0.0e+00  }
0x7f: {  	v18 =	vmul.f32 v9, v2;
	v19 =	vld [tilespmem:s0+$0x20];
	[tilespmem:s11+$0xFFFFFF10] =	vst v14;
	v13 =	vadd.f32 v16, v13  }
0x80: {  	v14 =	vld [tilespmem:s1+$0xFFFFFF20]  }
0x81: {  	v16 =	vld [tilespmem:s0+$0xFFFFFF20];
	v13 =	vadd.f32 v13, v18;
	v8 =	vadd.f32 v17, v8;
	v17 =	vmul.f32 v11, v3;
	_ =	sdelay $0x1  }
0x82: {  	v13 =	vmax.f32 v13, $0.0e+00;
	v8 =	vadd.f32 v8, v17  }
0x83: {  	[tilespmem:s11+$0xFFFFFFA0] =	vst v13  }
0x84: {  	v18 =	vmul.f32 v12, v2;
	v13 =	vld [tilespmem:s1+$0xFFFFFFB0];
	v8 =	vmax.f32 v8, $0.0e+00  }
0x85: {  	v17 =	vmul.f32 v10, v2;
	v15 =	vadd.f32 v19, v15;
	v14 =	vadd.f32 v16, v14;
	v16 =	vld [tilespmem:s0+$0xFFFFFFB0];
	[tilespmem:s11+$0xB0] =	vst v8  }
0x86: {  	v8 =	vld [tilespmem:s1+$0xC0]  }
0x87: {  	v15 =	vadd.f32 v15, v17;
	v14 =	vadd.f32 v14, v18;
	v17 =	vld [tilespmem:s0+$0xC0];
	_ =	sdelay $0x1  }
0x88: {  	v14 =	vmax.f32 v14, $0.0e+00  }
0x89: {  	[tilespmem:s11+$0xFFFFFF20] =	vst v14  }
0x8a: {  	v14 =	vmul.f32 v9, v3;
	v13 =	vadd.f32 v16, v13;
	v16 =	vld [tilespmem:s1+$0xFFFFFF30]  }
0x8b: {  	v19 =	vld [tilespmem:s0+$0xFFFFFF30];
	v8 =	vadd.f32 v17, v8;
	v17 =	vmul.f32 v11, v4  }
0x8c: {  	v13 =	vadd.f32 v13, v14  }
0x8d: {  	s29 =	simm.s32 $0x680;
	v15 =	vmax.f32 v15, $0.0e+00;
	v8 =	vadd.f32 v8, v17  }
0x8e: {  	v21 =	vld [tilespmem:s29+$0x80];
	[tilespmem:s11+$0x20] =	vst v15;
	v13 =	vmax.f32 v13, $0.0e+00  }
0x8f: {  	v15 =	vld [tilespmem:s1+$0x30];
	[tilespmem:s11+$0xFFFFFFB0] =	vst v13;
	v8 =	vmax.f32 v8, $0.0e+00  }
0x90: {  	v18 =	vld [tilespmem:s0+$0x30];
	v13 =	vmul.f32 v12, v3;
	v16 =	vadd.f32 v19, v16;
	[tilespmem:s11+$0xC0] =	vst v8  }
0x91: {  	v8 =	vld [tilespmem:s1+$0xD0]  }
0x92: {  	s25 =	simm.s32 $0x1A80;
	v13 =	vadd.f32 v16, v13;
	v16 =	vld [tilespmem:s0+$0xD0]  }
0x93: {  	v22 =	vld [tilespmem:s25+$0x80]  }
0x94: {  	v23 =	vld [tilespmem:s29+$0xFFFFFF00]  }
0x95: {  	v24 =	vld [tilespmem:s25+$0xFFFFFF00]  }
0x96: {  	v26 =	vld [tilespmem:s29+$0xFFFFFF80];
	v14 =	vmul.f32 v10, v3  }
0x97: {  	v27 =	vld [tilespmem:s25+$0xFFFFFF80];
	v15 =	vadd.f32 v18, v15;
	v18 =	vmul.f32 v11, v5;
	v16 =	vadd.f32 v16, v8  }
0x98: {  	v29 =	vld [tilespmem:s29+$0x0]  }
0x99: {  	s16 =	simm.s32 $0x160;
	v14 =	vadd.f32 v15, v14;
	v15 =	vld [tilespmem:s1+$0xFFFFFFC0];
	v13 =	vmax.f32 v13, $0.0e+00;
	v16 =	vadd.f32 v16, v18  }
0x9a: {  	[tilespmem:s11+$0xFFFFFF30] =	vst v13;
	v8 =	vld [tilespmem:s16+$0x10]  }
0x9b: {  	v13 =	vld [tilespmem:s1+$0xFFFFFF40];
	v16 =	vmax.f32 v16, $0.0e+00  }
0x9c: {  	v19 =	vld [tilespmem:s0+$0xFFFFFF40];
	[tilespmem:s11+$0xD0] =	vst v16  }
0x9d: {  	v16 =	vld [tilespmem:s1+$0xE0]  }
0x9e: {  	v14 =	vmax.f32 v14, $0.0e+00;
	v25 =	vld [tilespmem:s0+$0xE0]  }
0x9f: {  	v21 =	vadd.f32 v22, v21;
	v17 =	vld [tilespmem:s0+$0xFFFFFFC0];
	[tilespmem:s11+$0x30] =	vst v14;
	v22 =	vmul.f32 v8, v0  }
0xa0: {  	v14 =	vld [tilespmem:s1+$0x40]  }
0xa1: {  	v18 =	vld [tilespmem:s16+$0xFFFFFFF0];
	v22 =	vadd.f32 v21, v22  }
0xa2: {  	v28 =	vmul.f32 v12, v4;
	v20 =	vld [tilespmem:s0+$0x40];
	v13 =	vadd.f32 v19, v13  }
0xa3: {  	s15 =	simm.s32 $0x2E80;
	v21 =	vld [tilespmem:s16+$0x0];
	v19 =	vmax.f32 v22, $0.0e+00;
	v22 =	vmul.f32 v11, v6;
	v16 =	vadd.f32 v25, v16  }
0xa4: {  	v13 =	vadd.f32 v13, v28;
	[tilespmem:s15+$0x80] =	vst v19;
	v25 =	vld [tilespmem:s25+$0x0]  }
0xa5: {  	v28 =	vld [tilespmem:s29+$0x90];
	v16 =	vadd.f32 v16, v22  }
0xa6: {  	v26 =	vadd.f32 v27, v26;
	v13 =	vmax.f32 v13, $0.0e+00;
	v27 =	vld [tilespmem:s25+$0x90];
	v22 =	vmul.f32 v18, v0  }
0xa7: {  	[tilespmem:s11+$0xFFFFFF40] =	vst v13;
	v19 =	vld [tilespmem:s16+$0xFFFFFFE0];
	v13 =	vmax.f32 v16, $0.0e+00  }
0xa8: {  	v15 =	vadd.f32 v17, v15;
	v16 =	vmul.f32 v9, v4;
	v17 =	vadd.f32 v26, v22;
	v22 =	vld [tilespmem:s1+$0xFFFFFF50];
	[tilespmem:s11+$0xE0] =	vst v13  }
0xa9: {  	v26 =	vmul.f32 v21, v0;
	v25 =	vadd.f32 v25, v29;
	v13 =	vld [tilespmem:s1+$0xF0]  }
0xaa: {  	v15 =	vadd.f32 v15, v16;
	v17 =	vmax.f32 v17, $0.0e+00;
	v16 =	vld [tilespmem:s0+$0xF0]  }
0xab: {  	[tilespmem:s15+$0xFFFFFF80] =	vst v17;
	v17 =	vadd.f32 v25, v26;
	v25 =	vadd.f32 v27, v28;
	v26 =	vmul.f32 v8, v1;
	v27 =	vld [tilespmem:s0+$0xFFFFFF50]  }
0xac: {  	v23 =	vadd.f32 v24, v23;
	v15 =	vmax.f32 v15, $0.0e+00;
	v24 =	vld [tilespmem:s29+$0xFFFFFF90]  }
0xad: {  	v28 =	vld [tilespmem:s25+$0xFFFFFF90];
	[tilespmem:s11+$0xFFFFFFC0] =	vst v15;
	v15 =	vmul.f32 v19, v0;
	v17 =	vmax.f32 v17, $0.0e+00;
	v25 =	vadd.f32 v25, v26  }
0xae: {  	[tilespmem:s15+$0x0] =	vst v17;
	v17 =	vld [tilespmem:s1+$0xFFFFFFD0]  }
0xaf: {  	v15 =	vadd.f32 v23, v15;
	v23 =	vld [tilespmem:s29+$0x10];
	v25 =	vmax.f32 v25, $0.0e+00  }
0xb0: {  	v14 =	vadd.f32 v20, v14;
	v26 =	vmul.f32 v10, v4;
	v20 =	vld [tilespmem:s25+$0x10];
	[tilespmem:s15+$0x90] =	vst v25  }
0xb1: {  	v15 =	vmax.f32 v15, $0.0e+00;
	v25 =	vld [tilespmem:s29+$0xA0]  }
0xb2: {  	v14 =	vadd.f32 v14, v26;
	v26 =	vmul.f32 v18, v1;
	[tilespmem:s15+$0xFFFFFF00] =	vst v15;
	v15 =	vadd.f32 v28, v24;
	v24 =	vld [tilespmem:s25+$0xA0]  }
0xb3: {  	v22 =	vadd.f32 v27, v22;
	v29 =	vld [tilespmem:s29+$0xFFFFFF10]  }
0xb4: {  	v14 =	vmax.f32 v14, $0.0e+00;
	v28 =	vmul.f32 v12, v5;
	v27 =	vld [tilespmem:s25+$0xFFFFFF10];
	v15 =	vadd.f32 v15, v26  }
0xb5: {  	[tilespmem:s11+$0x40] =	vst v14;
	v14 =	vmul.f32 v21, v1;
	v20 =	vadd.f32 v20, v23;
	v23 =	vld [tilespmem:s0+$0xFFFFFFD0]  }
0xb6: {  	v22 =	vadd.f32 v22, v28;
	v26 =	vld [tilespmem:s1+$0x50];
	v15 =	vmax.f32 v15, $0.0e+00  }
0xb7: {  	v14 =	vadd.f32 v20, v14;
	v20 =	vmul.f32 v8, v2;
	[tilespmem:s15+$0xFFFFFF90] =	vst v15;
	v15 =	vadd.f32 v24, v25;
	v24 =	vld [tilespmem:s0+$0x50]  }
0xb8: {  	v22 =	vmax.f32 v22, $0.0e+00;
	v25 =	vmul.f32 v19, v1;
	v28 =	vld [tilespmem:s29+$0xFFFFFFA0]  }
0xb9: {  	[tilespmem:s11+$0xFFFFFF50] =	vst v22;
	v22 =	vadd.f32 v27, v29;
	v27 =	vld [tilespmem:s25+$0xFFFFFFA0];
	v14 =	vmax.f32 v14, $0.0e+00;
	v15 =	vadd.f32 v15, v20  }
0xba: {  	[tilespmem:s15+$0x10] =	vst v14;
	v14 =	vld [tilespmem:s1+$0xFFFFFF60]  }
0xbb: {  	v20 =	vadd.f32 v22, v25;
	v22 =	vld [tilespmem:s29+$0x20];
	v15 =	vmax.f32 v15, $0.0e+00  }
0xbc: {  	v17 =	vadd.f32 v23, v17;
	v25 =	vmul.f32 v9, v5;
	v23 =	vld [tilespmem:s25+$0x20];
	[tilespmem:s15+$0xA0] =	vst v15  }
0xbd: {  	v15 =	vmax.f32 v20, $0.0e+00;
	v20 =	vld [tilespmem:s29+$0xB0]  }
0xbe: {  	v29 =	vmul.f32 v18, v2;
	v17 =	vadd.f32 v17, v25;
	[tilespmem:s15+$0xFFFFFF10] =	vst v15;
	v15 =	vadd.f32 v27, v28;
	v25 =	vld [tilespmem:s25+$0xB0]  }
0xbf: {  	v24 =	vadd.f32 v24, v26;
	v28 =	vld [tilespmem:s29+$0xFFFFFF20]  }
0xc0: {  	v27 =	vmul.f32 v10, v5;
	v17 =	vmax.f32 v17, $0.0e+00;
	v26 =	vld [tilespmem:s25+$0xFFFFFF20];
	v15 =	vadd.f32 v15, v29  }
0xc1: {  	v29 =	vmul.f32 v21, v2;
	[tilespmem:s11+$0xFFFFFFD0] =	vst v17;
	v17 =	vadd.f32 v23, v22;
	v22 =	vld [tilespmem:s0+$0xFFFFFF60]  }
0xc2: {  	v23 =	vadd.f32 v24, v27;
	v24 =	vld [tilespmem:s1+$0xFFFFFFE0];
	v15 =	vmax.f32 v15, $0.0e+00  }
0xc3: {  	[tilespmem:s15+$0xFFFFFFA0] =	vst v15;
	v15 =	vadd.f32 v17, v29;
	v17 =	vadd.f32 v25, v20;
	v20 =	vmul.f32 v8, v3;
	v25 =	vld [tilespmem:s0+$0xFFFFFFE0]  }
0xc4: {  	v27 =	vmul.f32 v19, v2;
	v23 =	vmax.f32 v23, $0.0e+00;
	v29 =	vld [tilespmem:s29+$0xFFFFFFB0]  }
0xc5: {  	[tilespmem:s11+$0x50] =	vst v23;
	v23 =	vadd.f32 v26, v28;
	v26 =	vld [tilespmem:s25+$0xFFFFFFB0];
	v15 =	vmax.f32 v15, $0.0e+00;
	v17 =	vadd.f32 v17, v20  }
0xc6: {  	v20 =	vld [tilespmem:s1+$0x60];
	[tilespmem:s15+$0x20] =	vst v15  }
0xc7: {  	v15 =	vadd.f32 v23, v27;
	v23 =	vld [tilespmem:s29+$0x30];
	v17 =	vmax.f32 v17, $0.0e+00  }
0xc8: {  	v31 =	vmul.f32 v18, v3;
	v14 =	vadd.f32 v22, v14;
	v27 =	vmul.f32 v12, v6;
	v22 =	vld [tilespmem:s25+$0x30];
	[tilespmem:s15+$0xB0] =	vst v17  }
0xc9: {  	v33 =	vmul.f32 v21, v4;
	v16 =	vadd.f32 v16, v13;
	v15 =	vmax.f32 v15, $0.0e+00;
	v30 =	vld [tilespmem:s29+$0xC0]  }
0xca: {  	v13 =	vmul.f32 v18, v6;
	v14 =	vadd.f32 v14, v27;
	[tilespmem:s15+$0xFFFFFF20] =	vst v15;
	v15 =	vadd.f32 v26, v29;
	v26 =	vld [tilespmem:s25+$0xC0]  }
0xcb: {  	v28 =	vmul.f32 v10, v6;
	v17 =	vmul.f32 v9, v6;
	v27 =	vld [tilespmem:s29+$0xFFFFFF30]  }
0xcc: {  	v24 =	vadd.f32 v25, v24;
	v14 =	vmax.f32 v14, $0.0e+00;
	v25 =	vld [tilespmem:s25+$0xFFFFFF30];
	v15 =	vadd.f32 v15, v31  }
0xcd: {  	v10 =	vmul.f32 v10, v7;
	v29 =	vmul.f32 v21, v3;
	[tilespmem:s11+$0xFFFFFF60] =	vst v14;
	v14 =	vadd.f32 v22, v23;
	v22 =	vld [tilespmem:s0+$0x60]  }
0xce: {  	v12 =	vmul.f32 v12, v7;
	v17 =	vadd.f32 v24, v17;
	v31 =	vld [tilespmem:s1+$0xFFFFFF70];
	v15 =	vmax.f32 v15, $0.0e+00  }
0xcf: {  	[tilespmem:s15+$0xFFFFFFB0] =	vst v15;
	v15 =	vadd.f32 v14, v29;
	v24 =	vadd.f32 v26, v30;
	v26 =	vmul.f32 v8, v4;
	v29 =	vld [tilespmem:s0+$0xFFFFFF70]  }
0xd0: {  	v9 =	vmul.f32 v9, v7;
	v17 =	vmax.f32 v17, $0.0e+00;
	v30 =	vmul.f32 v19, v3;
	v32 =	vld [tilespmem:s29+$0xFFFFFFC0]  }
0xd1: {  	[tilespmem:s11+$0xFFFFFFE0] =	vst v17;
	v17 =	vadd.f32 v25, v27;
	v25 =	vld [tilespmem:s25+$0xFFFFFFC0];
	v27 =	vmax.f32 v15, $0.0e+00;
	v26 =	vadd.f32 v24, v26  }
0xd2: {  	v23 =	vmul.f32 v18, v4;
	v14 =	vmul.f32 v18, v5;
	v24 =	vld [tilespmem:s1+$0xFFFFFFF0];
	[tilespmem:s15+$0x30] =	vst v27  }
0xd3: {  	v27 =	vmul.f32 v11, v7;
	v17 =	vadd.f32 v17, v30;
	v30 =	vld [tilespmem:s29+$0x40];
	v26 =	vmax.f32 v26, $0.0e+00  }
0xd4: {  	v15 =	vmul.f32 v21, v5;
	v11 =	vmul.f32 v21, v6;
	v22 =	vadd.f32 v22, v20;
	v34 =	vld [tilespmem:s25+$0x40];
	[tilespmem:s15+$0xC0] =	vst v26  }
0xd5: {  	v16 =	vadd.f32 v16, v27;
	v26 =	vadd.f32 v29, v31;
	v17 =	vmax.f32 v17, $0.0e+00;
	v27 =	vld [tilespmem:s29+$0xD0]  }
0xd6: {  	v20 =	vmul.f32 v19, v4;
	v22 =	vadd.f32 v22, v28;
	[tilespmem:s15+$0xFFFFFF30] =	vst v17;
	v28 =	vadd.f32 v25, v32;
	v31 =	vld [tilespmem:s25+$0xD0]  }
0xd7: {  	v17 =	vmul.f32 v19, v5;
	v29 =	vmax.f32 v16, $0.0e+00;
	v63 =	vadd.f32 v26, v12;
	v25 =	vld [tilespmem:s29+$0xFFFFFF40]  }
0xd8: {  	v16 =	vmul.f32 v19, v6;
	v22 =	vmax.f32 v22, $0.0e+00;
	v26 =	vld [tilespmem:s25+$0xFFFFFF40];
	[tilespmem:s11+$0xF0] =	vst v29;
	v28 =	vadd.f32 v28, v23  }
0xd9: {  	v12 =	vmul.f32 v19, v7;
	[tilespmem:s11+$0x60] =	vst v22;
	v23 =	vld [tilespmem:s0+$0xFFFFFFF0];
	v22 =	vmax.f32 v63, $0.0e+00;
	v29 =	vadd.f32 v34, v30  }
0xda: {  	s28 =	simm.s32 $0x1A80;
	v19 =	vmul.f32 v18, v7;
	v18 =	vmul.f32 v21, v7;
	v21 =	vld [tilespmem:s1+$0x70];
	[tilespmem:s11+$0xFFFFFF70] =	vst v22;
	v22 =	vmax.f32 v28, $0.0e+00  }
0xdb: {  	s16 =	simm.s32 $0x4;
	s1 =	simm.s32 $0x1A0;
	v28 =	vmul.f32 v8, v5;
	[tilespmem:s15+$0xFFFFFFC0] =	vst v22;
	v29 =	vadd.f32 v29, v33;
	v27 =	vadd.f32 v31, v27;
	v22 =	vld [tilespmem:s0+$0x70];
	s0 =	simm.s32 $0x680  }
.LBB2_3:
0xdc: {  	v30 =	vld [tilespmem:s1+$0x10];
	s29 =	sadd.s32 $0x200, s29  }
0xdd: {  	s25 =	sadd.s32 $0x200, s25;
	v31 =	vld [tilespmem:s29+$0x80];
	v25 =	vadd.f32 v26, v25;
	v26 =	vmax.f32 v29, $0.0e+00;
	v27 =	vadd.f32 v27, v28  }
0xde: {  	v28 =	vld [tilespmem:s25+$0x80];
	[tilespmem:s15+$0x40] =	vst v26;
	v23 =	vadd.f32 v23, v24  }
0xdf: {  	v24 =	vld [tilespmem:s29+$0xFFFFFF00];
	v20 =	vadd.f32 v25, v20;
	v25 =	vmax.f32 v27, $0.0e+00  }
0xe0: {  	v26 =	vld [tilespmem:s25+$0xFFFFFF00];
	[tilespmem:s15+$0xD0] =	vst v25;
	v23 =	vadd.f32 v23, v9;
	v21 =	vadd.f32 v22, v21;
	v9 =	vmov v19  }
0xe1: {  	v19 =	vmax.f32 v20, $0.0e+00;
	v20 =	vld [tilespmem:s0+$0xE0]  }
0xe2: {  	[tilespmem:s15+$0xFFFFFF40] =	vst v19;
	v19 =	vld [tilespmem:s28+$0xE0];
	v22 =	vmax.f32 v23, $0.0e+00;
	v21 =	vadd.f32 v21, v10;
	v10 =	vmov v18  }
0xe3: {  	v25 =	vmul.f32 v30, v0;
	v18 =	vld [tilespmem:s1+$0xFFFFFFF0];
	v23 =	vadd.f32 v28, v31;
	[tilespmem:s11+$0xFFFFFFF0] =	vst v22  }
0xe4: {  	v22 =	vld [tilespmem:s29+$0xFFFFFF80];
	v21 =	vmax.f32 v21, $0.0e+00  }
0xe5: {  	s16 =	sadd.s32 $0x4, s16;
	v26 =	vadd.f32 v26, v24;
	v27 =	vld [tilespmem:s25+$0xFFFFFF80];
	v23 =	vadd.f32 v23, v25;
	[tilespmem:s11+$0x70] =	vst v21;
	s11 =	smov.u32 s15  }
0xe6: {  	p1 =	slt.u32 s16, $0x24;
	v31 =	vld [tilespmem:s1+$0x0]  }
0xe7: {  	s15 =	sadd.s32 $0x200, s15;
	v28 =	vld [tilespmem:s29+$0x0];
	v21 =	vmax.f32 v23, $0.0e+00;
	v19 =	vadd.f32 v19, v20;
	v20 =	vmul.f32 v8, v6  }
0xe8: {  	v23 =	vmul.f32 v18, v0;
	v32 =	vmul.f32 v18, v1;
	v33 =	vld [tilespmem:s25+$0x0];
	[tilespmem:s15+$0x80] =	vst v21  }
0xe9: {  	v29 =	vmul.f32 v18, v2;
	v24 =	vmul.f32 v18, v3;
	v34 =	vld [tilespmem:s29+$0x90];
	v19 =	vadd.f32 v19, v20  }
0xea: {  	v21 =	vmul.f32 v18, v4;
	v35 =	vmul.f32 v18, v5;
	v20 =	vadd.f32 v27, v22;
	v27 =	vld [tilespmem:s25+$0x90]  }
0xeb: {  	v36 =	vld [tilespmem:s1+$0xFFFFFFE0];
	v37 =	vmul.f32 v31, v0;
	v38 =	vmul.f32 v31, v1;
	v19 =	vmax.f32 v19, $0.0e+00  }
0xec: {  	v39 =	vmul.f32 v31, v2;
	v25 =	vmul.f32 v31, v3;
	v20 =	vadd.f32 v20, v23;
	v40 =	vld [tilespmem:s0+$0xFFFFFF50];
	[tilespmem:s11+$0xE0] =	vst v19  }
0xed: {  	v22 =	vmul.f32 v31, v4;
	v19 =	vadd.f32 v33, v28;
	v33 =	vmul.f32 v31, v5;
	v41 =	vld [tilespmem:s0+$0xF0]  }
0xee: {  	v23 =	vmul.f32 v31, v6;
	v28 =	vmul.f32 v18, v6;
	v20 =	vmax.f32 v20, $0.0e+00;
	v42 =	vld [tilespmem:s28+$0xF0]  }
0xef: {  	[tilespmem:s15+$0xFFFFFF80] =	vst v20;
	v19 =	vadd.f32 v19, v37;
	v20 =	vadd.f32 v27, v34;
	v27 =	vmul.f32 v30, v1;
	v34 =	vld [tilespmem:s28+$0xFFFFFF50]  }
0xf0: {  	v37 =	vmul.f32 v36, v0;
	v43 =	vmul.f32 v36, v1;
	v44 =	vld [tilespmem:s29+$0xFFFFFF90]  }
0xf1: {  	v45 =	vmul.f32 v36, v2;
	v46 =	vld [tilespmem:s25+$0xFFFFFF90];
	v19 =	vmax.f32 v19, $0.0e+00;
	v27 =	vadd.f32 v20, v27  }
0xf2: {  	v20 =	vmul.f32 v36, v4;
	v37 =	vadd.f32 v26, v37;
	v26 =	vmul.f32 v36, v3;
	[tilespmem:s15+$0x0] =	vst v19;
	v47 =	vld [tilespmem:s0+$0xFFFFFFD0]  }
0xf3: {  	v48 =	vld [tilespmem:s29+$0x10];
	v19 =	vmax.f32 v27, $0.0e+00;
	v41 =	vadd.f32 v42, v41;
	v42 =	vmul.f32 v8, v7;
	v8 =	vmovc v30  }
0xf4: {  	v30 =	vmul.f32 v36, v5;
	v27 =	vmax.f32 v37, $0.0e+00;
	v37 =	vld [tilespmem:s25+$0x10];
	[tilespmem:s15+$0x90] =	vst v19;
	v34 =	vadd.f32 v34, v40  }
0xf5: {  	v40 =	vmul.f32 v36, v6;
	[tilespmem:s15+$0xFFFFFF00] =	vst v27;
	v27 =	vmul.f32 v36, v7;
	v36 =	vld [tilespmem:s29+$0xA0];
	v41 =	vadd.f32 v41, v42  }
0xf6: {  	v19 =	vmul.f32 v18, v7;
	v42 =	vadd.f32 v46, v44;
	v44 =	vld [tilespmem:s25+$0xA0];
	v34 =	vadd.f32 v34, v17;
	v17 =	vmovc v30  }
0xf7: {  	v18 =	vmul.f32 v31, v7;
	v30 =	vld [tilespmem:s29+$0xFFFFFF10];
	v31 =	vmax.f32 v41, $0.0e+00  }
0xf8: {  	v41 =	vld [tilespmem:s25+$0xFFFFFF10];
	v32 =	vadd.f32 v42, v32;
	v34 =	vmax.f32 v34, $0.0e+00;
	[tilespmem:s11+$0xF0] =	vst v31  }
0xf9: {  	v31 =	vadd.f32 v37, v48;
	[tilespmem:s11+$0xFFFFFF50] =	vst v34;
	v34 =	vld [tilespmem:s28+$0xFFFFFFD0]  }
0xfa: {  	v32 =	vmax.f32 v32, $0.0e+00;
	v37 =	vld [tilespmem:s0+$0x50]  }
0xfb: {  	[tilespmem:s15+$0xFFFFFF90] =	vst v32;
	v31 =	vadd.f32 v31, v38;
	v32 =	vadd.f32 v44, v36;
	v36 =	vmul.f32 v8, v2;
	v38 =	vld [tilespmem:s28+$0x50]  }
0xfc: {  	v42 =	vld [tilespmem:s29+$0xFFFFFFA0]  }
0xfd: {  	v30 =	vadd.f32 v41, v30;
	v41 =	vld [tilespmem:s25+$0xFFFFFFA0];
	v31 =	vmax.f32 v31, $0.0e+00;
	v32 =	vadd.f32 v32, v36  }
0xfe: {  	[tilespmem:s15+$0x10] =	vst v31;
	v31 =	vld [tilespmem:s0+$0xFFFFFF60];
	v34 =	vadd.f32 v34, v47  }
0xff: {  	v30 =	vadd.f32 v30, v43;
	v36 =	vld [tilespmem:s29+$0x20];
	v32 =	vmax.f32 v32, $0.0e+00  }
0x100: {  	v43 =	vld [tilespmem:s25+$0x20];
	[tilespmem:s15+$0xA0] =	vst v32;
	v32 =	vadd.f32 v34, v14;
	v34 =	vadd.f32 v38, v37;
	v14 =	vmov v35  }
0x101: {  	v30 =	vmax.f32 v30, $0.0e+00;
	v35 =	vld [tilespmem:s29+$0xB0]  }
0x102: {  	[tilespmem:s15+$0xFFFFFF10] =	vst v30;
	v30 =	vadd.f32 v41, v42;
	v37 =	vld [tilespmem:s25+$0xB0];
	v32 =	vmax.f32 v32, $0.0e+00;
	v34 =	vadd.f32 v34, v15;
	v15 =	vmovc v33  }
0x103: {  	v33 =	vld [tilespmem:s29+$0xFFFFFF20];
	[tilespmem:s11+$0xFFFFFFD0] =	vst v32  }
0x104: {  	v32 =	vld [tilespmem:s25+$0xFFFFFF20];
	v29 =	vadd.f32 v30, v29;
	v30 =	vmax.f32 v34, $0.0e+00  }
0x105: {  	v34 =	vadd.f32 v43, v36;
	v36 =	vld [tilespmem:s28+$0xFFFFFF60];
	[tilespmem:s11+$0x50] =	vst v30  }
0x106: {  	v29 =	vmax.f32 v29, $0.0e+00;
	v30 =	vld [tilespmem:s0+$0xFFFFFFE0]  }
0x107: {  	[tilespmem:s15+$0xFFFFFFA0] =	vst v29;
	v29 =	vadd.f32 v34, v39;
	v34 =	vadd.f32 v37, v35;
	v35 =	vmul.f32 v8, v3;
	v37 =	vld [tilespmem:s28+$0xFFFFFFE0]  }
0x108: {  	v38 =	vld [tilespmem:s29+$0xFFFFFFB0]  }
0x109: {  	v32 =	vadd.f32 v32, v33;
	v33 =	vld [tilespmem:s25+$0xFFFFFFB0];
	v29 =	vmax.f32 v29, $0.0e+00;
	v34 =	vadd.f32 v34, v35  }
0x10a: {  	[tilespmem:s15+$0x20] =	vst v29;
	v29 =	vadd.f32 v36, v31;
	v31 =	vld [tilespmem:s0+$0x60]  }
0x10b: {  	v32 =	vadd.f32 v32, v45;
	v35 =	vld [tilespmem:s29+$0x30];
	v34 =	vmax.f32 v34, $0.0e+00  }
0x10c: {  	v36 =	vld [tilespmem:s25+$0x30];
	[tilespmem:s15+$0xB0] =	vst v34;
	v29 =	vadd.f32 v29, v16;
	v30 =	vadd.f32 v37, v30;
	v16 =	vmov v40  }
0x10d: {  	v32 =	vmax.f32 v32, $0.0e+00;
	v34 =	vld [tilespmem:s29+$0xC0]  }
0x10e: {  	[tilespmem:s15+$0xFFFFFF20] =	vst v32;
	v32 =	vadd.f32 v33, v38;
	v33 =	vld [tilespmem:s25+$0xC0];
	v29 =	vmax.f32 v29, $0.0e+00;
	v30 =	vadd.f32 v30, v13;
	v13 =	vmovc v28  }
0x10f: {  	v28 =	vld [tilespmem:s29+$0xFFFFFF30];
	[tilespmem:s11+$0xFFFFFF60] =	vst v29  }
0x110: {  	v29 =	vld [tilespmem:s25+$0xFFFFFF30];
	v24 =	vadd.f32 v32, v24;
	v30 =	vmax.f32 v30, $0.0e+00  }
0x111: {  	v32 =	vadd.f32 v36, v35;
	[tilespmem:s11+$0xFFFFFFE0] =	vst v30;
	v30 =	vld [tilespmem:s28+$0x60]  }
0x112: {  	v24 =	vmax.f32 v24, $0.0e+00;
	v35 =	vld [tilespmem:s0+$0xFFFFFF70]  }
0x113: {  	[tilespmem:s15+$0xFFFFFFB0] =	vst v24;
	v24 =	vadd.f32 v32, v25;
	v25 =	vadd.f32 v33, v34;
	v32 =	vmul.f32 v8, v4;
	v33 =	vld [tilespmem:s28+$0xFFFFFF70]  }
0x114: {  	v34 =	vld [tilespmem:s29+$0xFFFFFFC0]  }
0x115: {  	v28 =	vadd.f32 v29, v28;
	v29 =	vld [tilespmem:s25+$0xFFFFFFC0];
	v24 =	vmax.f32 v24, $0.0e+00;
	v25 =	vadd.f32 v25, v32  }
0x116: {  	[tilespmem:s15+$0x30] =	vst v24;
	v24 =	vld [tilespmem:s0+$0xFFFFFFF0];
	v30 =	vadd.f32 v30, v31  }
0x117: {  	v26 =	vadd.f32 v28, v26;
	v28 =	vld [tilespmem:s29+$0x40];
	v25 =	vmax.f32 v25, $0.0e+00  }
0x118: {  	v31 =	vld [tilespmem:s25+$0x40];
	[tilespmem:s15+$0xC0] =	vst v25;
	v25 =	vadd.f32 v33, v35;
	v30 =	vadd.f32 v30, v11;
	v11 =	vmov v23  }
0x119: {  	v23 =	vmax.f32 v26, $0.0e+00;
	v32 =	vld [tilespmem:s29+$0xD0]  }
0x11a: {  	[tilespmem:s15+$0xFFFFFF30] =	vst v23;
	v23 =	vadd.f32 v29, v34;
	v33 =	vld [tilespmem:s25+$0xD0];
	v29 =	vadd.f32 v25, v12;
	v26 =	vmax.f32 v30, $0.0e+00;
	v12 =	vmovc v27  }
.Ltmp2:
0x11b: {  	v25 =	vld [tilespmem:s29+$0xFFFFFF40];
	[tilespmem:s11+$0x60] =	vst v26;
	(pc) =	sbr.rel @p1 .LBB2_3-.Ltmp2, $4  }
0x11c: {  	v26 =	vld [tilespmem:s25+$0xFFFFFF40];
	v21 =	vadd.f32 v23, v21;
	v23 =	vmax.f32 v29, $0.0e+00  }
0x11d: {  	v27 =	vadd.f32 v31, v28;
	[tilespmem:s11+$0xFFFFFF70] =	vst v23;
	v23 =	vld [tilespmem:s28+$0xFFFFFFF0]  }
0x11e: {  	v28 =	vmax.f32 v21, $0.0e+00;
	v21 =	vld [tilespmem:s0+$0x70];
	s0 =	smov.u32 s29  }
0x11f: {  	s1 =	sadd.s32 $0x40, s1;
	[tilespmem:s15+$0xFFFFFFC0] =	vst v28;
	v29 =	vadd.f32 v27, v22;
	v27 =	vadd.f32 v33, v32;
	v28 =	vmul.f32 v8, v5;
	v22 =	vld [tilespmem:s28+$0x70];
	s28 =	smov.u32 s25  }
0x120: {  	_ = 	snop  }
0x121: {  	v25 =	vadd.f32 v26, v25;
	_ =	sdelay $0x1  }
0x122: {  	v20 =	vadd.f32 v25, v20  }
0x123: {  	v39 =	vld [tilespmem:s0+$0xFFFFFFD0]  }
0x124: {  	v40 =	vld [tilespmem:s28+$0xFFFFFFD0];
	v20 =	vmax.f32 v20, $0.0e+00  }
0x125: {  	[tilespmem:s15+$0xFFFFFF40] =	vst v20  }
0x126: {  	v38 =	vmax.f32 v29, $0.0e+00;
	v20 =	vld [tilespmem:s0+$0xFFFFFF50]  }
0x127: {  	[tilespmem:s15+$0x40] =	vst v38;
	v37 =	vld [tilespmem:s28+$0xFFFFFF50]  }
0x128: {  	v30 =	vld [tilespmem:s0+$0x50]  }
0x129: {  	v27 =	vadd.f32 v27, v28;
	v31 =	vld [tilespmem:s28+$0x50];
	v42 =	vadd.f32 v40, v39;
	_ =	sdelay $0x1  }
0x12a: {  	v41 =	vmax.f32 v27, $0.0e+00;
	v14 =	vadd.f32 v42, v14  }
0x12b: {  	[tilespmem:s15+$0xD0] =	vst v41;
	v20 =	vadd.f32 v37, v20  }
0x12c: {  	v25 =	vld [tilespmem:s0+$0xE0];
	v14 =	vmax.f32 v14, $0.0e+00  }
0x12d: {  	v44 =	vld [tilespmem:s28+$0xE0];
	v43 =	vadd.f32 v31, v30;
	[tilespmem:s15+$0xFFFFFFD0] =	vst v14;
	v17 =	vadd.f32 v20, v17  }
0x12e: {  	v46 =	vld [tilespmem:s0+$0xFFFFFFE0]  }
0x12f: {  	v15 =	vadd.f32 v43, v15;
	v47 =	vld [tilespmem:s28+$0xFFFFFFE0];
	v17 =	vmax.f32 v17, $0.0e+00  }
0x130: {  	[tilespmem:s15+$0xFFFFFF50] =	vst v17  }
0x131: {  	v15 =	vmax.f32 v15, $0.0e+00;
	v17 =	vld [tilespmem:s0+$0xFFFFFF60]  }
0x132: {  	[tilespmem:s15+$0x50] =	vst v15;
	v45 =	vld [tilespmem:s28+$0xFFFFFF60]  }
0x133: {  	v48 =	vmul.f32 v8, v6;
	v25 =	vadd.f32 v44, v25;
	v49 =	vld [tilespmem:s0+$0x60]  }
0x134: {  	v50 =	vld [tilespmem:s28+$0x60];
	v15 =	vadd.f32 v47, v46  }
0x135: {  	v25 =	vadd.f32 v25, v48  }
0x136: {  	v13 =	vadd.f32 v15, v13  }
0x137: {  	v51 =	vmax.f32 v25, $0.0e+00;
	v14 =	vadd.f32 v45, v17  }
0x138: {  	[tilespmem:s15+$0xE0] =	vst v51;
	v13 =	vmax.f32 v13, $0.0e+00  }
0x139: {  	v52 =	vld [tilespmem:s0+$0xF0];
	v53 =	vadd.f32 v50, v49;
	[tilespmem:s15+$0xFFFFFFE0] =	vst v13;
	v14 =	vadd.f32 v14, v16  }
0x13a: {  	v55 =	vld [tilespmem:s0+$0xFFFFFFF0]  }
0x13b: {  	v11 =	vadd.f32 v53, v11;
	v56 =	vld [tilespmem:s28+$0xFFFFFFF0];
	v14 =	vmax.f32 v14, $0.0e+00  }
0x13c: {  	v17 =	vld [tilespmem:s28+$0xF0];
	[tilespmem:s15+$0xFFFFFF60] =	vst v14  }
0x13d: {  	v11 =	vmax.f32 v11, $0.0e+00;
	v14 =	vld [tilespmem:s0+$0xFFFFFF70]  }
0x13e: {  	[tilespmem:s15+$0x60] =	vst v11;
	v54 =	vld [tilespmem:s28+$0xFFFFFF70]  }
0x13f: {  	v57 =	vld [tilespmem:s0+$0x70]  }
0x140: {  	v23 =	vadd.f32 v23, v24;
	v58 =	vld [tilespmem:s28+$0x70]  }
0x141: {  	v21 =	vadd.f32 v22, v21  }
0x142: {  	v8 =	vmul.f32 v8, v7;
	v9 =	vadd.f32 v23, v9;
	v16 =	vadd.f32 v17, v52  }
0x143: {  	v10 =	vadd.f32 v21, v10;
	v13 =	vadd.f32 v54, v14  }
0x144: {  	v9 =	vmax.f32 v9, $0.0e+00;
	v11 =	vadd.f32 v56, v55;
	v8 =	vadd.f32 v16, v8  }
0x145: {  	[tilespmem:s11+$0xFFFFFFF0] =	vst v9;
	v59 =	vmax.f32 v10, $0.0e+00;
	v61 =	vadd.f32 v58, v57;
	v60 =	vadd.f32 v13, v12  }
0x146: {  	p1 =	sne.s32 s21, $0x53;
	[tilespmem:s11+$0x70] =	vst v59;
	v62 =	vadd.f32 v11, v19;
	v8 =	vmax.f32 v8, $0.0e+00  }
.Ltmp3:
0x147: {  	v63 =	vadd.f32 v61, v18;
	[tilespmem:s15+$0xF0] =	vst v8;
	v8 =	vmax.f32 v60, $0.0e+00;
	(pc) =	sbr.rel @!p1 .LBB2_5-.Ltmp3, $4  }
0x148: {  	[tilespmem:s15+$0xFFFFFF70] =	vst v8;
	v8 =	vmax.f32 v62, $0.0e+00  }
0x149: {  	[tilespmem:s15+$0xFFFFFFF0] =	vst v8;
	v8 =	vmax.f32 v63, $0.0e+00  }
0x14a: {  	s29 =	simm.s32 $0x2B80;
	[tilespmem:s15+$0x70] =	vst v8  }
0x14b: {  	[spmem:s2] =	stream.indirect.scatter.add.f32 [tilespmem:s29], [sflag:$0x3], $0x80, s3, s31, $0xb8;
	[tilespmem:$0x1F780] =	vst v63  }
0x14c: {  	_ =	swait.ge [sflag:s10], $0x28  }
0x14d: {  	[sflag:s10] =	ssyncset.done $0x0  }
0x14e: {  	[sflag:s10] =	ssyncadd.s32 $0xFFFFFFD8  }
0x14f: {  	_ =	swait.ge [sflag:s10], $0x28  }
0x150: {  	[sflag:s10] =	ssyncset.done $0x0  }
0x151: {  	[sflag:s10] =	ssyncadd.s32 $0xFFFFFFD8  }
0x152: {  	_ =	swait.ge [sflag:s10], $0x280  }
0x153: {  	s0 =	simm.s32 $0x4000;
	[sflag:s10] =	ssyncset.done $0x0  }
0x154: {  	s1 =	simm.s32 $0x4300;
	s11 =	smul.u32 $0x3, s21;
	[sflag:s10] =	ssyncadd.s32 $0xFFFFFD80  }
0x155: {  	[tilespmem:s1], [sflag:$0x5] =	stream.indirect.gather [hbm4b:s4+s31], $0x80, s0, s31, $0xb8;
	[tilespmem:$0x1F780] =	vst v63  }
0x156: {  	s0 =	sadd.s32 $0xFFFFFFFF, s11  }
0x157: {  	s15 =	simm.s32 $0x5700;
	p1 =	sgt.u32 s0, $0xF9  }
0x158: {  	[tilespmem:s15], [sflag:$0x5] =	stream.indirect.gather [hbm4b:s5+s31], $0x80, s26, s31, $0xb8;
	[tilespmem:$0x1F780] =	vst v63  }
0x159: {  	s0 =	simm.s32 @!p1 $0x9  }
0x15a: {  	s11 =	smul.u32 $0x78, s21;
	_ =	swait.ge @!p1 [sflag:s0], $0x1400  }
0x15b: {  	s16 =	rddreg [dreg:$0xb]  }
0x15c: {  	s1 =	sadd.s32 s11, s16  }
0x15d: {  	[sflag:s0] =	ssyncset.done @!p1 $0x0;
	s15 =	sshrl.u32 s1, $0x3  }
0x15e: {  	[sflag:s0] =	ssyncadd.s32 @!p1 $0xFFFFEC00;
	s17 =	sadd.s32 s6, s15  }
0x15f: {  	[tilespmem:s13], [sflag:$0x7] =	stream.linear.gather [hbm4b:s17+s3], $0x28, $0x38;
	[tilespmem:$0x1F780] =	vst v63  }
0x160: {  	s25 =	sadd.s32 s7, s15;
	s15 =	sshll.u32 s1, $0x1  }
0x161: {  	[tilespmem:s14], [sflag:$0x7] =	stream.linear.gather [hbm4b:s25+s3], $0x28, $0x38;
	[tilespmem:$0x1F780] =	vst v63  }
0x162: {  	s16 =	simm.s32 $0x8000;
	s0 =	sadd.s32 s8, s15  }
0x163: {  	[tilespmem:s16], [sflag:$0x7] =	stream.linear.gather [hbm4b:s0+s3], $0x280, $0x38;
	[tilespmem:$0x1F780] =	vst v63  }
0x164: {  	_ =	swait.ge [sflag:s19], $0x1400  }
0x165: {  	[sflag:s19] =	ssyncset.done $0x0  }
0x166: {  	[sflag:s19] =	ssyncadd.s32 $0xFFFFEC00  }
0x167: {  	_ =	swait.ge [sflag:s19], $0x1400  }
0x168: {  	[sflag:s19] =	ssyncset.done $0x0  }
0x169: {  	s16 =	simm.s32 $0x40A0;
	[sflag:s19] =	ssyncadd.s32 $0xFFFFEC00  }
0x16a: {  	s1 =	simm.s32 $0x4400;
	v11 =	vld [tilespmem:s16+$0x10]  }
0x16b: {  	s0 =	simm.s32 $0x5800;
	v8 =	vld [tilespmem:s1+$0x80]  }
0x16c: {  	v9 =	vld [tilespmem:s0+$0x80];
	_ =	sdelay $0x4  }
0x16d: {  	v8 =	vadd.f32 v9, v8;
	v9 =	vmul.f32 v11, v0;
	_ =	sdelay $0x1  }
0x16e: {  	v13 =	vld [tilespmem:s1+$0xFFFFFF00];
	v8 =	vadd.f32 v8, v9  }
0x16f: {  	v12 =	vld [tilespmem:s1+$0xFFFFFF80]  }
0x170: {  	s15 =	simm.s32 $0x6C00;
	v14 =	vld [tilespmem:s0+$0xFFFFFF80];
	v8 =	vmax.f32 v8, $0.0e+00  }
0x171: {  	v9 =	vld [tilespmem:s16+$0xFFFFFFF0];
	[tilespmem:s15+$0x80] =	vst v8  }
0x172: {  	v8 =	vld [tilespmem:s1+$0x90]  }
0x173: {  	v15 =	vld [tilespmem:s0+$0x90]  }
0x174: {  	v10 =	vld [tilespmem:s16+$0x0]  }
0x175: {  	v16 =	vld [tilespmem:s1+$0x0]  }
0x176: {  	v18 =	vld [tilespmem:s0+$0x0];
	v14 =	vadd.f32 v14, v12;
	v17 =	vmul.f32 v9, v0  }
0x177: {  	v19 =	vld [tilespmem:s0+$0xFFFFFF00]  }
0x178: {  	v12 =	vld [tilespmem:s16+$0xFFFFFFE0];
	v14 =	vadd.f32 v14, v17;
	v8 =	vadd.f32 v15, v8;
	v15 =	vmul.f32 v11, v1;
	_ =	sdelay $0x1  }
0x179: {  	v14 =	vmax.f32 v14, $0.0e+00;
	v8 =	vadd.f32 v8, v15  }
0x17a: {  	v16 =	vadd.f32 v18, v16;
	[tilespmem:s15+$0xFFFFFF80] =	vst v14;
	v15 =	vmul.f32 v10, v0  }
0x17b: {  	v14 =	vld [tilespmem:s1+$0xFFFFFF90];
	v8 =	vmax.f32 v8, $0.0e+00  }
0x17c: {  	v13 =	vadd.f32 v19, v13;
	v17 =	vld [tilespmem:s0+$0xFFFFFF90];
	v15 =	vadd.f32 v16, v15;
	v16 =	vmul.f32 v12, v0;
	[tilespmem:s15+$0x90] =	vst v8  }
0x17d: {  	v8 =	vld [tilespmem:s1+$0xA0]  }
0x17e: {  	v15 =	vmax.f32 v15, $0.0e+00;
	v13 =	vadd.f32 v13, v16;
	v16 =	vld [tilespmem:s0+$0xA0]  }
0x17f: {  	[tilespmem:s15+$0x0] =	vst v15  }
0x180: {  	v15 =	vld [tilespmem:s1+$0x10];
	v13 =	vmax.f32 v13, $0.0e+00  }
0x181: {  	v18 =	vmul.f32 v9, v1;
	v19 =	vld [tilespmem:s0+$0x10];
	[tilespmem:s15+$0xFFFFFF00] =	vst v13;
	v13 =	vadd.f32 v17, v14  }
0x182: {  	v14 =	vld [tilespmem:s1+$0xFFFFFF10]  }
0x183: {  	v17 =	vld [tilespmem:s0+$0xFFFFFF10];
	v13 =	vadd.f32 v13, v18;
	v8 =	vadd.f32 v16, v8;
	v16 =	vmul.f32 v11, v2;
	_ =	sdelay $0x1  }
0x184: {  	v13 =	vmax.f32 v13, $0.0e+00;
	v8 =	vadd.f32 v8, v16  }
0x185: {  	v16 =	vmul.f32 v10, v1;
	v15 =	vadd.f32 v19, v15;
	[tilespmem:s15+$0xFFFFFF90] =	vst v13  }
0x186: {  	v13 =	vld [tilespmem:s1+$0xFFFFFFA0];
	v8 =	vmax.f32 v8, $0.0e+00  }
0x187: {  	v18 =	vmul.f32 v12, v1;
	v15 =	vadd.f32 v15, v16;
	v14 =	vadd.f32 v17, v14;
	v16 =	vld [tilespmem:s0+$0xFFFFFFA0];
	[tilespmem:s15+$0xA0] =	vst v8  }
0x188: {  	v8 =	vld [tilespmem:s1+$0xB0]  }
0x189: {  	v15 =	vmax.f32 v15, $0.0e+00;
	v14 =	vadd.f32 v14, v18;
	v17 =	vld [tilespmem:s0+$0xB0]  }
0x18a: {  	[tilespmem:s15+$0x10] =	vst v15  }
0x18b: {  	v15 =	vld [tilespmem:s1+$0x20];
	v14 =	vmax.f32 v14, $0.0e+00  }
0x18c: {  	v18 =	vmul.f32 v9, v2;
	v19 =	vld [tilespmem:s0+$0x20];
	[tilespmem:s15+$0xFFFFFF10] =	vst v14;
	v13 =	vadd.f32 v16, v13  }
0x18d: {  	v14 =	vld [tilespmem:s1+$0xFFFFFF20]  }
0x18e: {  	v16 =	vld [tilespmem:s0+$0xFFFFFF20];
	v13 =	vadd.f32 v13, v18;
	v8 =	vadd.f32 v17, v8;
	v17 =	vmul.f32 v11, v3;
	_ =	sdelay $0x1  }
0x18f: {  	v13 =	vmax.f32 v13, $0.0e+00;
	v8 =	vadd.f32 v8, v17  }
0x190: {  	[tilespmem:s15+$0xFFFFFFA0] =	vst v13  }
0x191: {  	v18 =	vmul.f32 v12, v2;
	v13 =	vld [tilespmem:s1+$0xFFFFFFB0];
	v8 =	vmax.f32 v8, $0.0e+00  }
0x192: {  	v17 =	vmul.f32 v10, v2;
	v15 =	vadd.f32 v19, v15;
	v14 =	vadd.f32 v16, v14;
	v16 =	vld [tilespmem:s0+$0xFFFFFFB0];
	[tilespmem:s15+$0xB0] =	vst v8  }
0x193: {  	v8 =	vld [tilespmem:s1+$0xC0]  }
0x194: {  	v15 =	vadd.f32 v15, v17;
	v14 =	vadd.f32 v14, v18;
	v17 =	vld [tilespmem:s0+$0xC0];
	_ =	sdelay $0x1  }
0x195: {  	v14 =	vmax.f32 v14, $0.0e+00  }
0x196: {  	[tilespmem:s15+$0xFFFFFF20] =	vst v14  }
0x197: {  	v14 =	vmul.f32 v9, v3;
	v13 =	vadd.f32 v16, v13;
	v16 =	vld [tilespmem:s1+$0xFFFFFF30]  }
0x198: {  	v19 =	vld [tilespmem:s0+$0xFFFFFF30];
	v8 =	vadd.f32 v17, v8;
	v17 =	vmul.f32 v11, v4  }
0x199: {  	v13 =	vadd.f32 v13, v14  }
0x19a: {  	s25 =	simm.s32 $0x4600;
	v15 =	vmax.f32 v15, $0.0e+00;
	v8 =	vadd.f32 v8, v17  }
0x19b: {  	v21 =	vld [tilespmem:s25+$0x80];
	[tilespmem:s15+$0x20] =	vst v15;
	v13 =	vmax.f32 v13, $0.0e+00  }
0x19c: {  	v15 =	vld [tilespmem:s1+$0x30];
	[tilespmem:s15+$0xFFFFFFB0] =	vst v13;
	v8 =	vmax.f32 v8, $0.0e+00  }
0x19d: {  	v18 =	vld [tilespmem:s0+$0x30];
	v13 =	vmul.f32 v12, v3;
	v16 =	vadd.f32 v19, v16;
	[tilespmem:s15+$0xC0] =	vst v8  }
0x19e: {  	v8 =	vld [tilespmem:s1+$0xD0]  }
0x19f: {  	s28 =	simm.s32 $0x5A00;
	v13 =	vadd.f32 v16, v13;
	v16 =	vld [tilespmem:s0+$0xD0]  }
0x1a0: {  	v22 =	vld [tilespmem:s28+$0x80]  }
0x1a1: {  	v23 =	vld [tilespmem:s25+$0xFFFFFF00]  }
0x1a2: {  	v24 =	vld [tilespmem:s28+$0xFFFFFF00]  }
0x1a3: {  	v26 =	vld [tilespmem:s25+$0xFFFFFF80];
	v14 =	vmul.f32 v10, v3  }
0x1a4: {  	v27 =	vld [tilespmem:s28+$0xFFFFFF80];
	v15 =	vadd.f32 v18, v15;
	v18 =	vmul.f32 v11, v5;
	v16 =	vadd.f32 v16, v8  }
0x1a5: {  	v29 =	vld [tilespmem:s25+$0x0]  }
0x1a6: {  	s17 =	simm.s32 $0x40E0;
	v14 =	vadd.f32 v15, v14;
	v15 =	vld [tilespmem:s1+$0xFFFFFFC0];
	v13 =	vmax.f32 v13, $0.0e+00;
	v16 =	vadd.f32 v16, v18  }
0x1a7: {  	[tilespmem:s15+$0xFFFFFF30] =	vst v13;
	v8 =	vld [tilespmem:s17+$0x10]  }
0x1a8: {  	v13 =	vld [tilespmem:s1+$0xFFFFFF40];
	v16 =	vmax.f32 v16, $0.0e+00  }
0x1a9: {  	v19 =	vld [tilespmem:s0+$0xFFFFFF40];
	[tilespmem:s15+$0xD0] =	vst v16  }
0x1aa: {  	v16 =	vld [tilespmem:s1+$0xE0]  }
0x1ab: {  	v14 =	vmax.f32 v14, $0.0e+00;
	v25 =	vld [tilespmem:s0+$0xE0]  }
0x1ac: {  	v21 =	vadd.f32 v22, v21;
	v17 =	vld [tilespmem:s0+$0xFFFFFFC0];
	[tilespmem:s15+$0x30] =	vst v14;
	v22 =	vmul.f32 v8, v0  }
0x1ad: {  	v14 =	vld [tilespmem:s1+$0x40]  }
0x1ae: {  	v18 =	vld [tilespmem:s17+$0xFFFFFFF0];
	v22 =	vadd.f32 v21, v22  }
0x1af: {  	v28 =	vmul.f32 v12, v4;
	v20 =	vld [tilespmem:s0+$0x40];
	v13 =	vadd.f32 v19, v13  }
0x1b0: {  	s29 =	simm.s32 $0x6E00;
	v21 =	vld [tilespmem:s17+$0x0];
	v19 =	vmax.f32 v22, $0.0e+00;
	v22 =	vmul.f32 v11, v6;
	v16 =	vadd.f32 v25, v16  }
0x1b1: {  	v13 =	vadd.f32 v13, v28;
	[tilespmem:s29+$0x80] =	vst v19;
	v25 =	vld [tilespmem:s28+$0x0]  }
0x1b2: {  	v28 =	vld [tilespmem:s25+$0x90];
	v16 =	vadd.f32 v16, v22  }
0x1b3: {  	v26 =	vadd.f32 v27, v26;
	v13 =	vmax.f32 v13, $0.0e+00;
	v27 =	vld [tilespmem:s28+$0x90];
	v22 =	vmul.f32 v18, v0  }
0x1b4: {  	[tilespmem:s15+$0xFFFFFF40] =	vst v13;
	v19 =	vld [tilespmem:s17+$0xFFFFFFE0];
	v13 =	vmax.f32 v16, $0.0e+00  }
0x1b5: {  	v15 =	vadd.f32 v17, v15;
	v16 =	vmul.f32 v9, v4;
	v17 =	vadd.f32 v26, v22;
	v22 =	vld [tilespmem:s1+$0xFFFFFF50];
	[tilespmem:s15+$0xE0] =	vst v13  }
0x1b6: {  	v26 =	vmul.f32 v21, v0;
	v25 =	vadd.f32 v25, v29;
	v13 =	vld [tilespmem:s1+$0xF0]  }
0x1b7: {  	v15 =	vadd.f32 v15, v16;
	v17 =	vmax.f32 v17, $0.0e+00;
	v16 =	vld [tilespmem:s0+$0xF0]  }
0x1b8: {  	[tilespmem:s29+$0xFFFFFF80] =	vst v17;
	v17 =	vadd.f32 v25, v26;
	v25 =	vadd.f32 v27, v28;
	v26 =	vmul.f32 v8, v1;
	v27 =	vld [tilespmem:s0+$0xFFFFFF50]  }
0x1b9: {  	v23 =	vadd.f32 v24, v23;
	v15 =	vmax.f32 v15, $0.0e+00;
	v24 =	vld [tilespmem:s25+$0xFFFFFF90]  }
0x1ba: {  	v28 =	vld [tilespmem:s28+$0xFFFFFF90];
	[tilespmem:s15+$0xFFFFFFC0] =	vst v15;
	v15 =	vmul.f32 v19, v0;
	v17 =	vmax.f32 v17, $0.0e+00;
	v25 =	vadd.f32 v25, v26  }
0x1bb: {  	[tilespmem:s29+$0x0] =	vst v17;
	v17 =	vld [tilespmem:s1+$0xFFFFFFD0]  }
0x1bc: {  	v15 =	vadd.f32 v23, v15;
	v23 =	vld [tilespmem:s25+$0x10];
	v25 =	vmax.f32 v25, $0.0e+00  }
0x1bd: {  	v14 =	vadd.f32 v20, v14;
	v26 =	vmul.f32 v10, v4;
	v20 =	vld [tilespmem:s28+$0x10];
	[tilespmem:s29+$0x90] =	vst v25  }
0x1be: {  	v15 =	vmax.f32 v15, $0.0e+00;
	v25 =	vld [tilespmem:s25+$0xA0]  }
0x1bf: {  	v14 =	vadd.f32 v14, v26;
	v26 =	vmul.f32 v18, v1;
	[tilespmem:s29+$0xFFFFFF00] =	vst v15;
	v15 =	vadd.f32 v28, v24;
	v24 =	vld [tilespmem:s28+$0xA0]  }
0x1c0: {  	v22 =	vadd.f32 v27, v22;
	v29 =	vld [tilespmem:s25+$0xFFFFFF10]  }
0x1c1: {  	v14 =	vmax.f32 v14, $0.0e+00;
	v28 =	vmul.f32 v12, v5;
	v27 =	vld [tilespmem:s28+$0xFFFFFF10];
	v15 =	vadd.f32 v15, v26  }
0x1c2: {  	[tilespmem:s15+$0x40] =	vst v14;
	v14 =	vmul.f32 v21, v1;
	v20 =	vadd.f32 v20, v23;
	v23 =	vld [tilespmem:s0+$0xFFFFFFD0]  }
0x1c3: {  	v22 =	vadd.f32 v22, v28;
	v26 =	vld [tilespmem:s1+$0x50];
	v15 =	vmax.f32 v15, $0.0e+00  }
0x1c4: {  	v14 =	vadd.f32 v20, v14;
	v20 =	vmul.f32 v8, v2;
	[tilespmem:s29+$0xFFFFFF90] =	vst v15;
	v15 =	vadd.f32 v24, v25;
	v24 =	vld [tilespmem:s0+$0x50]  }
0x1c5: {  	v22 =	vmax.f32 v22, $0.0e+00;
	v25 =	vmul.f32 v19, v1;
	v28 =	vld [tilespmem:s25+$0xFFFFFFA0]  }
0x1c6: {  	[tilespmem:s15+$0xFFFFFF50] =	vst v22;
	v22 =	vadd.f32 v27, v29;
	v27 =	vld [tilespmem:s28+$0xFFFFFFA0];
	v14 =	vmax.f32 v14, $0.0e+00;
	v15 =	vadd.f32 v15, v20  }
0x1c7: {  	[tilespmem:s29+$0x10] =	vst v14;
	v14 =	vld [tilespmem:s1+$0xFFFFFF60]  }
0x1c8: {  	v20 =	vadd.f32 v22, v25;
	v22 =	vld [tilespmem:s25+$0x20];
	v15 =	vmax.f32 v15, $0.0e+00  }
0x1c9: {  	v17 =	vadd.f32 v23, v17;
	v25 =	vmul.f32 v9, v5;
	v23 =	vld [tilespmem:s28+$0x20];
	[tilespmem:s29+$0xA0] =	vst v15  }
0x1ca: {  	v15 =	vmax.f32 v20, $0.0e+00;
	v20 =	vld [tilespmem:s25+$0xB0]  }
0x1cb: {  	v29 =	vmul.f32 v18, v2;
	v17 =	vadd.f32 v17, v25;
	[tilespmem:s29+$0xFFFFFF10] =	vst v15;
	v15 =	vadd.f32 v27, v28;
	v25 =	vld [tilespmem:s28+$0xB0]  }
0x1cc: {  	v24 =	vadd.f32 v24, v26;
	v28 =	vld [tilespmem:s25+$0xFFFFFF20]  }
0x1cd: {  	v27 =	vmul.f32 v10, v5;
	v17 =	vmax.f32 v17, $0.0e+00;
	v26 =	vld [tilespmem:s28+$0xFFFFFF20];
	v15 =	vadd.f32 v15, v29  }
0x1ce: {  	v29 =	vmul.f32 v21, v2;
	[tilespmem:s15+$0xFFFFFFD0] =	vst v17;
	v17 =	vadd.f32 v23, v22;
	v22 =	vld [tilespmem:s0+$0xFFFFFF60]  }
0x1cf: {  	v23 =	vadd.f32 v24, v27;
	v24 =	vld [tilespmem:s1+$0xFFFFFFE0];
	v15 =	vmax.f32 v15, $0.0e+00  }
0x1d0: {  	[tilespmem:s29+$0xFFFFFFA0] =	vst v15;
	v15 =	vadd.f32 v17, v29;
	v17 =	vadd.f32 v25, v20;
	v20 =	vmul.f32 v8, v3;
	v25 =	vld [tilespmem:s0+$0xFFFFFFE0]  }
0x1d1: {  	v27 =	vmul.f32 v19, v2;
	v23 =	vmax.f32 v23, $0.0e+00;
	v29 =	vld [tilespmem:s25+$0xFFFFFFB0]  }
0x1d2: {  	[tilespmem:s15+$0x50] =	vst v23;
	v23 =	vadd.f32 v26, v28;
	v26 =	vld [tilespmem:s28+$0xFFFFFFB0];
	v15 =	vmax.f32 v15, $0.0e+00;
	v17 =	vadd.f32 v17, v20  }
0x1d3: {  	v20 =	vld [tilespmem:s1+$0x60];
	[tilespmem:s29+$0x20] =	vst v15  }
0x1d4: {  	v15 =	vadd.f32 v23, v27;
	v23 =	vld [tilespmem:s25+$0x30];
	v17 =	vmax.f32 v17, $0.0e+00  }
0x1d5: {  	v31 =	vmul.f32 v18, v3;
	v14 =	vadd.f32 v22, v14;
	v27 =	vmul.f32 v12, v6;
	v22 =	vld [tilespmem:s28+$0x30];
	[tilespmem:s29+$0xB0] =	vst v17  }
0x1d6: {  	v33 =	vmul.f32 v21, v4;
	v16 =	vadd.f32 v16, v13;
	v15 =	vmax.f32 v15, $0.0e+00;
	v30 =	vld [tilespmem:s25+$0xC0]  }
0x1d7: {  	v13 =	vmul.f32 v18, v6;
	v14 =	vadd.f32 v14, v27;
	[tilespmem:s29+$0xFFFFFF20] =	vst v15;
	v15 =	vadd.f32 v26, v29;
	v26 =	vld [tilespmem:s28+$0xC0]  }
0x1d8: {  	v28 =	vmul.f32 v10, v6;
	v17 =	vmul.f32 v9, v6;
	v27 =	vld [tilespmem:s25+$0xFFFFFF30]  }
0x1d9: {  	v24 =	vadd.f32 v25, v24;
	v14 =	vmax.f32 v14, $0.0e+00;
	v25 =	vld [tilespmem:s28+$0xFFFFFF30];
	v15 =	vadd.f32 v15, v31  }
0x1da: {  	v10 =	vmul.f32 v10, v7;
	v29 =	vmul.f32 v21, v3;
	[tilespmem:s15+$0xFFFFFF60] =	vst v14;
	v14 =	vadd.f32 v22, v23;
	v22 =	vld [tilespmem:s0+$0x60]  }
0x1db: {  	v12 =	vmul.f32 v12, v7;
	v17 =	vadd.f32 v24, v17;
	v31 =	vld [tilespmem:s1+$0xFFFFFF70];
	v15 =	vmax.f32 v15, $0.0e+00  }
0x1dc: {  	[tilespmem:s29+$0xFFFFFFB0] =	vst v15;
	v15 =	vadd.f32 v14, v29;
	v24 =	vadd.f32 v26, v30;
	v26 =	vmul.f32 v8, v4;
	v29 =	vld [tilespmem:s0+$0xFFFFFF70]  }
0x1dd: {  	v9 =	vmul.f32 v9, v7;
	v17 =	vmax.f32 v17, $0.0e+00;
	v30 =	vmul.f32 v19, v3;
	v32 =	vld [tilespmem:s25+$0xFFFFFFC0]  }
0x1de: {  	[tilespmem:s15+$0xFFFFFFE0] =	vst v17;
	v17 =	vadd.f32 v25, v27;
	v25 =	vld [tilespmem:s28+$0xFFFFFFC0];
	v27 =	vmax.f32 v15, $0.0e+00;
	v26 =	vadd.f32 v24, v26  }
0x1df: {  	v23 =	vmul.f32 v18, v4;
	v14 =	vmul.f32 v18, v5;
	v24 =	vld [tilespmem:s1+$0xFFFFFFF0];
	[tilespmem:s29+$0x30] =	vst v27  }
0x1e0: {  	v27 =	vmul.f32 v11, v7;
	v17 =	vadd.f32 v17, v30;
	v30 =	vld [tilespmem:s25+$0x40];
	v26 =	vmax.f32 v26, $0.0e+00  }
0x1e1: {  	v15 =	vmul.f32 v21, v5;
	v11 =	vmul.f32 v21, v6;
	v22 =	vadd.f32 v22, v20;
	v34 =	vld [tilespmem:s28+$0x40];
	[tilespmem:s29+$0xC0] =	vst v26  }
0x1e2: {  	v16 =	vadd.f32 v16, v27;
	v26 =	vadd.f32 v29, v31;
	v17 =	vmax.f32 v17, $0.0e+00;
	v27 =	vld [tilespmem:s25+$0xD0]  }
0x1e3: {  	v20 =	vmul.f32 v19, v4;
	v22 =	vadd.f32 v22, v28;
	[tilespmem:s29+$0xFFFFFF30] =	vst v17;
	v28 =	vadd.f32 v25, v32;
	v31 =	vld [tilespmem:s28+$0xD0]  }
0x1e4: {  	v17 =	vmul.f32 v19, v5;
	v29 =	vmax.f32 v16, $0.0e+00;
	v63 =	vadd.f32 v26, v12;
	v25 =	vld [tilespmem:s25+$0xFFFFFF40]  }
0x1e5: {  	v16 =	vmul.f32 v19, v6;
	v22 =	vmax.f32 v22, $0.0e+00;
	v26 =	vld [tilespmem:s28+$0xFFFFFF40];
	[tilespmem:s15+$0xF0] =	vst v29;
	v28 =	vadd.f32 v28, v23  }
0x1e6: {  	v12 =	vmul.f32 v19, v7;
	[tilespmem:s15+$0x60] =	vst v22;
	v23 =	vld [tilespmem:s0+$0xFFFFFFF0];
	v22 =	vmax.f32 v63, $0.0e+00;
	v29 =	vadd.f32 v34, v30  }
0x1e7: {  	s16 =	simm.s32 $0x4;
	v19 =	vmul.f32 v18, v7;
	v18 =	vmul.f32 v21, v7;
	v21 =	vld [tilespmem:s1+$0x70];
	[tilespmem:s15+$0xFFFFFF70] =	vst v22;
	v22 =	vmax.f32 v28, $0.0e+00  }
0x1e8: {  	s17 =	simm.s32 $0x4120;
	s1 =	simm.s32 $0x4600;
	v28 =	vmul.f32 v8, v5;
	[tilespmem:s29+$0xFFFFFFC0] =	vst v22;
	v29 =	vadd.f32 v29, v33;
	v27 =	vadd.f32 v31, v27;
	v22 =	vld [tilespmem:s0+$0x70];
	s0 =	simm.s32 $0x5A00  }
.LBB2_7:
0x1e9: {  	v30 =	vld [tilespmem:s17+$0x10];
	s25 =	sadd.s32 $0x200, s25  }
0x1ea: {  	s28 =	sadd.s32 $0x200, s28;
	v31 =	vld [tilespmem:s25+$0x80];
	v25 =	vadd.f32 v26, v25;
	v26 =	vmax.f32 v29, $0.0e+00;
	v27 =	vadd.f32 v27, v28  }
0x1eb: {  	v28 =	vld [tilespmem:s28+$0x80];
	[tilespmem:s29+$0x40] =	vst v26;
	v23 =	vadd.f32 v23, v24  }
0x1ec: {  	v24 =	vld [tilespmem:s25+$0xFFFFFF00];
	v20 =	vadd.f32 v25, v20;
	v25 =	vmax.f32 v27, $0.0e+00  }
0x1ed: {  	v26 =	vld [tilespmem:s28+$0xFFFFFF00];
	[tilespmem:s29+$0xD0] =	vst v25;
	v23 =	vadd.f32 v23, v9;
	v21 =	vadd.f32 v22, v21;
	v9 =	vmov v19  }
0x1ee: {  	v19 =	vmax.f32 v20, $0.0e+00;
	v20 =	vld [tilespmem:s1+$0xE0]  }
0x1ef: {  	[tilespmem:s29+$0xFFFFFF40] =	vst v19;
	v19 =	vld [tilespmem:s0+$0xE0];
	v22 =	vmax.f32 v23, $0.0e+00;
	v21 =	vadd.f32 v21, v10;
	v10 =	vmov v18  }
0x1f0: {  	v25 =	vmul.f32 v30, v0;
	v18 =	vld [tilespmem:s17+$0xFFFFFFF0];
	v23 =	vadd.f32 v28, v31;
	[tilespmem:s15+$0xFFFFFFF0] =	vst v22  }
0x1f1: {  	v22 =	vld [tilespmem:s25+$0xFFFFFF80];
	v21 =	vmax.f32 v21, $0.0e+00  }
0x1f2: {  	s16 =	sadd.s32 $0x4, s16;
	v26 =	vadd.f32 v26, v24;
	v27 =	vld [tilespmem:s28+$0xFFFFFF80];
	v23 =	vadd.f32 v23, v25;
	[tilespmem:s15+$0x70] =	vst v21;
	s15 =	smov.u32 s29  }
0x1f3: {  	p1 =	slt.u32 s16, $0x24;
	v31 =	vld [tilespmem:s17+$0x0]  }
0x1f4: {  	s29 =	sadd.s32 $0x200, s29;
	v28 =	vld [tilespmem:s25+$0x0];
	v21 =	vmax.f32 v23, $0.0e+00;
	v19 =	vadd.f32 v19, v20;
	v20 =	vmul.f32 v8, v6  }
0x1f5: {  	v23 =	vmul.f32 v18, v0;
	v32 =	vmul.f32 v18, v1;
	v33 =	vld [tilespmem:s28+$0x0];
	[tilespmem:s29+$0x80] =	vst v21  }
0x1f6: {  	v29 =	vmul.f32 v18, v2;
	v24 =	vmul.f32 v18, v3;
	v34 =	vld [tilespmem:s25+$0x90];
	v19 =	vadd.f32 v19, v20  }
0x1f7: {  	v21 =	vmul.f32 v18, v4;
	v35 =	vmul.f32 v18, v5;
	v20 =	vadd.f32 v27, v22;
	v27 =	vld [tilespmem:s28+$0x90]  }
0x1f8: {  	v36 =	vld [tilespmem:s17+$0xFFFFFFE0];
	v37 =	vmul.f32 v31, v0;
	v38 =	vmul.f32 v31, v1;
	v19 =	vmax.f32 v19, $0.0e+00  }
0x1f9: {  	v39 =	vmul.f32 v31, v2;
	v25 =	vmul.f32 v31, v3;
	v20 =	vadd.f32 v20, v23;
	v40 =	vld [tilespmem:s1+$0xFFFFFF50];
	[tilespmem:s15+$0xE0] =	vst v19  }
0x1fa: {  	v22 =	vmul.f32 v31, v4;
	v19 =	vadd.f32 v33, v28;
	v33 =	vmul.f32 v31, v5;
	v41 =	vld [tilespmem:s1+$0xF0]  }
0x1fb: {  	v23 =	vmul.f32 v31, v6;
	v28 =	vmul.f32 v18, v6;
	v20 =	vmax.f32 v20, $0.0e+00;
	v42 =	vld [tilespmem:s0+$0xF0]  }
0x1fc: {  	[tilespmem:s29+$0xFFFFFF80] =	vst v20;
	v19 =	vadd.f32 v19, v37;
	v20 =	vadd.f32 v27, v34;
	v27 =	vmul.f32 v30, v1;
	v34 =	vld [tilespmem:s0+$0xFFFFFF50]  }
0x1fd: {  	v37 =	vmul.f32 v36, v0;
	v43 =	vmul.f32 v36, v1;
	v44 =	vld [tilespmem:s25+$0xFFFFFF90]  }
0x1fe: {  	v45 =	vmul.f32 v36, v2;
	v46 =	vld [tilespmem:s28+$0xFFFFFF90];
	v19 =	vmax.f32 v19, $0.0e+00;
	v27 =	vadd.f32 v20, v27  }
0x1ff: {  	v20 =	vmul.f32 v36, v4;
	v37 =	vadd.f32 v26, v37;
	v26 =	vmul.f32 v36, v3;
	[tilespmem:s29+$0x0] =	vst v19;
	v47 =	vld [tilespmem:s1+$0xFFFFFFD0]  }
0x200: {  	v48 =	vld [tilespmem:s25+$0x10];
	v19 =	vmax.f32 v27, $0.0e+00;
	v41 =	vadd.f32 v42, v41;
	v42 =	vmul.f32 v8, v7;
	v8 =	vmovc v30  }
0x201: {  	v30 =	vmul.f32 v36, v5;
	v27 =	vmax.f32 v37, $0.0e+00;
	v37 =	vld [tilespmem:s28+$0x10];
	[tilespmem:s29+$0x90] =	vst v19;
	v34 =	vadd.f32 v34, v40  }
0x202: {  	v40 =	vmul.f32 v36, v6;
	[tilespmem:s29+$0xFFFFFF00] =	vst v27;
	v27 =	vmul.f32 v36, v7;
	v36 =	vld [tilespmem:s25+$0xA0];
	v41 =	vadd.f32 v41, v42  }
0x203: {  	v19 =	vmul.f32 v18, v7;
	v42 =	vadd.f32 v46, v44;
	v44 =	vld [tilespmem:s28+$0xA0];
	v34 =	vadd.f32 v34, v17;
	v17 =	vmovc v30  }
0x204: {  	v18 =	vmul.f32 v31, v7;
	v30 =	vld [tilespmem:s25+$0xFFFFFF10];
	v31 =	vmax.f32 v41, $0.0e+00  }
0x205: {  	v41 =	vld [tilespmem:s28+$0xFFFFFF10];
	v32 =	vadd.f32 v42, v32;
	v34 =	vmax.f32 v34, $0.0e+00;
	[tilespmem:s15+$0xF0] =	vst v31  }
0x206: {  	v31 =	vadd.f32 v37, v48;
	[tilespmem:s15+$0xFFFFFF50] =	vst v34;
	v34 =	vld [tilespmem:s0+$0xFFFFFFD0]  }
0x207: {  	v32 =	vmax.f32 v32, $0.0e+00;
	v37 =	vld [tilespmem:s1+$0x50]  }
0x208: {  	[tilespmem:s29+$0xFFFFFF90] =	vst v32;
	v31 =	vadd.f32 v31, v38;
	v32 =	vadd.f32 v44, v36;
	v36 =	vmul.f32 v8, v2;
	v38 =	vld [tilespmem:s0+$0x50]  }
0x209: {  	v42 =	vld [tilespmem:s25+$0xFFFFFFA0]  }
0x20a: {  	v30 =	vadd.f32 v41, v30;
	v41 =	vld [tilespmem:s28+$0xFFFFFFA0];
	v31 =	vmax.f32 v31, $0.0e+00;
	v32 =	vadd.f32 v32, v36  }
0x20b: {  	[tilespmem:s29+$0x10] =	vst v31;
	v31 =	vld [tilespmem:s1+$0xFFFFFF60];
	v34 =	vadd.f32 v34, v47  }
0x20c: {  	v30 =	vadd.f32 v30, v43;
	v36 =	vld [tilespmem:s25+$0x20];
	v32 =	vmax.f32 v32, $0.0e+00  }
0x20d: {  	v43 =	vld [tilespmem:s28+$0x20];
	[tilespmem:s29+$0xA0] =	vst v32;
	v32 =	vadd.f32 v34, v14;
	v34 =	vadd.f32 v38, v37;
	v14 =	vmov v35  }
0x20e: {  	v30 =	vmax.f32 v30, $0.0e+00;
	v35 =	vld [tilespmem:s25+$0xB0]  }
0x20f: {  	[tilespmem:s29+$0xFFFFFF10] =	vst v30;
	v30 =	vadd.f32 v41, v42;
	v37 =	vld [tilespmem:s28+$0xB0];
	v32 =	vmax.f32 v32, $0.0e+00;
	v34 =	vadd.f32 v34, v15;
	v15 =	vmovc v33  }
0x210: {  	v33 =	vld [tilespmem:s25+$0xFFFFFF20];
	[tilespmem:s15+$0xFFFFFFD0] =	vst v32  }
0x211: {  	v32 =	vld [tilespmem:s28+$0xFFFFFF20];
	v29 =	vadd.f32 v30, v29;
	v30 =	vmax.f32 v34, $0.0e+00  }
0x212: {  	v34 =	vadd.f32 v43, v36;
	v36 =	vld [tilespmem:s0+$0xFFFFFF60];
	[tilespmem:s15+$0x50] =	vst v30  }
0x213: {  	v29 =	vmax.f32 v29, $0.0e+00;
	v30 =	vld [tilespmem:s1+$0xFFFFFFE0]  }
0x214: {  	[tilespmem:s29+$0xFFFFFFA0] =	vst v29;
	v29 =	vadd.f32 v34, v39;
	v34 =	vadd.f32 v37, v35;
	v35 =	vmul.f32 v8, v3;
	v37 =	vld [tilespmem:s0+$0xFFFFFFE0]  }
0x215: {  	v38 =	vld [tilespmem:s25+$0xFFFFFFB0]  }
0x216: {  	v32 =	vadd.f32 v32, v33;
	v33 =	vld [tilespmem:s28+$0xFFFFFFB0];
	v29 =	vmax.f32 v29, $0.0e+00;
	v34 =	vadd.f32 v34, v35  }
0x217: {  	[tilespmem:s29+$0x20] =	vst v29;
	v29 =	vadd.f32 v36, v31;
	v31 =	vld [tilespmem:s1+$0x60]  }
0x218: {  	v32 =	vadd.f32 v32, v45;
	v35 =	vld [tilespmem:s25+$0x30];
	v34 =	vmax.f32 v34, $0.0e+00  }
0x219: {  	v36 =	vld [tilespmem:s28+$0x30];
	[tilespmem:s29+$0xB0] =	vst v34;
	v29 =	vadd.f32 v29, v16;
	v30 =	vadd.f32 v37, v30;
	v16 =	vmov v40  }
0x21a: {  	v32 =	vmax.f32 v32, $0.0e+00;
	v34 =	vld [tilespmem:s25+$0xC0]  }
0x21b: {  	[tilespmem:s29+$0xFFFFFF20] =	vst v32;
	v32 =	vadd.f32 v33, v38;
	v33 =	vld [tilespmem:s28+$0xC0];
	v29 =	vmax.f32 v29, $0.0e+00;
	v30 =	vadd.f32 v30, v13;
	v13 =	vmovc v28  }
0x21c: {  	v28 =	vld [tilespmem:s25+$0xFFFFFF30];
	[tilespmem:s15+$0xFFFFFF60] =	vst v29  }
0x21d: {  	v29 =	vld [tilespmem:s28+$0xFFFFFF30];
	v24 =	vadd.f32 v32, v24;
	v30 =	vmax.f32 v30, $0.0e+00  }
0x21e: {  	v32 =	vadd.f32 v36, v35;
	[tilespmem:s15+$0xFFFFFFE0] =	vst v30;
	v30 =	vld [tilespmem:s0+$0x60]  }
0x21f: {  	v24 =	vmax.f32 v24, $0.0e+00;
	v35 =	vld [tilespmem:s1+$0xFFFFFF70]  }
0x220: {  	[tilespmem:s29+$0xFFFFFFB0] =	vst v24;
	v24 =	vadd.f32 v32, v25;
	v25 =	vadd.f32 v33, v34;
	v32 =	vmul.f32 v8, v4;
	v33 =	vld [tilespmem:s0+$0xFFFFFF70]  }
0x221: {  	v34 =	vld [tilespmem:s25+$0xFFFFFFC0]  }
0x222: {  	v28 =	vadd.f32 v29, v28;
	v29 =	vld [tilespmem:s28+$0xFFFFFFC0];
	v24 =	vmax.f32 v24, $0.0e+00;
	v25 =	vadd.f32 v25, v32  }
0x223: {  	[tilespmem:s29+$0x30] =	vst v24;
	v24 =	vld [tilespmem:s1+$0xFFFFFFF0];
	v30 =	vadd.f32 v30, v31  }
0x224: {  	v26 =	vadd.f32 v28, v26;
	v28 =	vld [tilespmem:s25+$0x40];
	v25 =	vmax.f32 v25, $0.0e+00  }
0x225: {  	v31 =	vld [tilespmem:s28+$0x40];
	[tilespmem:s29+$0xC0] =	vst v25;
	v25 =	vadd.f32 v33, v35;
	v30 =	vadd.f32 v30, v11;
	v11 =	vmov v23  }
0x226: {  	v23 =	vmax.f32 v26, $0.0e+00;
	v32 =	vld [tilespmem:s25+$0xD0]  }
0x227: {  	[tilespmem:s29+$0xFFFFFF30] =	vst v23;
	v23 =	vadd.f32 v29, v34;
	v33 =	vld [tilespmem:s28+$0xD0];
	v29 =	vadd.f32 v25, v12;
	v26 =	vmax.f32 v30, $0.0e+00;
	v12 =	vmovc v27  }
.Ltmp4:
0x228: {  	v25 =	vld [tilespmem:s25+$0xFFFFFF40];
	[tilespmem:s15+$0x60] =	vst v26;
	(pc) =	sbr.rel @p1 .LBB2_7-.Ltmp4, $4  }
0x229: {  	v26 =	vld [tilespmem:s28+$0xFFFFFF40];
	v21 =	vadd.f32 v23, v21;
	v23 =	vmax.f32 v29, $0.0e+00  }
0x22a: {  	v27 =	vadd.f32 v31, v28;
	[tilespmem:s15+$0xFFFFFF70] =	vst v23;
	v23 =	vld [tilespmem:s0+$0xFFFFFFF0]  }
0x22b: {  	v28 =	vmax.f32 v21, $0.0e+00;
	v21 =	vld [tilespmem:s1+$0x70];
	s1 =	smov.u32 s25  }
0x22c: {  	s17 =	sadd.s32 $0x40, s17;
	[tilespmem:s29+$0xFFFFFFC0] =	vst v28;
	v29 =	vadd.f32 v27, v22;
	v27 =	vadd.f32 v33, v32;
	v28 =	vmul.f32 v8, v5;
	v22 =	vld [tilespmem:s0+$0x70];
	s0 =	smov.u32 s28  }
0x22d: {  	_ = 	snop  }
0x22e: {  	v25 =	vadd.f32 v26, v25;
	_ =	sdelay $0x1  }
0x22f: {  	v20 =	vadd.f32 v25, v20;
	_ =	sdelay $0x1  }
0x230: {  	v20 =	vmax.f32 v20, $0.0e+00  }
0x231: {  	[tilespmem:s29+$0xFFFFFF40] =	vst v20  }
0x232: {  	v20 =	vld [tilespmem:s1+$0xFFFFFF50]  }
0x233: {  	v25 =	vld [tilespmem:s0+$0xFFFFFF50]  }
0x234: {  	v26 =	vmax.f32 v29, $0.0e+00;
	v29 =	vld [tilespmem:s1+$0xFFFFFFD0]  }
0x235: {  	[tilespmem:s29+$0x40] =	vst v26;
	v26 =	vld [tilespmem:s0+$0xFFFFFFD0]  }
0x236: {  	v30 =	vld [tilespmem:s1+$0x50]  }
0x237: {  	v31 =	vld [tilespmem:s0+$0x50]  }
0x238: {  	v27 =	vadd.f32 v27, v28;
	v20 =	vadd.f32 v25, v20;
	_ =	sdelay $0x1  }
0x239: {  	v25 =	vmax.f32 v27, $0.0e+00;
	v17 =	vadd.f32 v20, v17;
	v20 =	vadd.f32 v26, v29  }
0x23a: {  	[tilespmem:s29+$0xD0] =	vst v25  }
0x23b: {  	v25 =	vld [tilespmem:s1+$0xE0];
	v17 =	vmax.f32 v17, $0.0e+00;
	v14 =	vadd.f32 v20, v14;
	v20 =	vadd.f32 v31, v30  }
0x23c: {  	v26 =	vld [tilespmem:s0+$0xE0];
	[tilespmem:s29+$0xFFFFFF50] =	vst v17  }
0x23d: {  	v17 =	vld [tilespmem:s1+$0xFFFFFF60];
	v14 =	vmax.f32 v14, $0.0e+00;
	v15 =	vadd.f32 v20, v15  }
0x23e: {  	[tilespmem:s29+$0xFFFFFFD0] =	vst v14;
	v14 =	vld [tilespmem:s0+$0xFFFFFF60]  }
0x23f: {  	v15 =	vmax.f32 v15, $0.0e+00;
	v20 =	vld [tilespmem:s1+$0xFFFFFFE0]  }
0x240: {  	[tilespmem:s29+$0x50] =	vst v15;
	v15 =	vld [tilespmem:s0+$0xFFFFFFE0]  }
0x241: {  	v25 =	vadd.f32 v26, v25;
	v26 =	vmul.f32 v8, v6;
	v27 =	vld [tilespmem:s1+$0x60]  }
0x242: {  	v28 =	vld [tilespmem:s0+$0x60]  }
0x243: {  	v25 =	vadd.f32 v25, v26;
	v14 =	vadd.f32 v14, v17;
	_ =	sdelay $0x1  }
0x244: {  	v17 =	vmax.f32 v25, $0.0e+00;
	v14 =	vadd.f32 v14, v16;
	v15 =	vadd.f32 v15, v20  }
0x245: {  	[tilespmem:s29+$0xE0] =	vst v17  }
0x246: {  	v16 =	vld [tilespmem:s1+$0xF0];
	v14 =	vmax.f32 v14, $0.0e+00;
	v13 =	vadd.f32 v15, v13;
	v15 =	vadd.f32 v28, v27  }
0x247: {  	v17 =	vld [tilespmem:s0+$0xF0];
	[tilespmem:s29+$0xFFFFFF60] =	vst v14  }
0x248: {  	v13 =	vmax.f32 v13, $0.0e+00;
	v14 =	vld [tilespmem:s1+$0xFFFFFF70];
	v11 =	vadd.f32 v15, v11  }
0x249: {  	[tilespmem:s29+$0xFFFFFFE0] =	vst v13;
	v13 =	vld [tilespmem:s0+$0xFFFFFF70]  }
0x24a: {  	v15 =	vld [tilespmem:s1+$0xFFFFFFF0];
	v11 =	vmax.f32 v11, $0.0e+00  }
0x24b: {  	[tilespmem:s29+$0x60] =	vst v11;
	v11 =	vld [tilespmem:s0+$0xFFFFFFF0]  }
0x24c: {  	v20 =	vld [tilespmem:s1+$0x70]  }
0x24d: {  	v23 =	vadd.f32 v23, v24;
	v24 =	vld [tilespmem:s0+$0x70]  }
0x24e: {  	v21 =	vadd.f32 v22, v21  }
0x24f: {  	v9 =	vadd.f32 v23, v9;
	v8 =	vmul.f32 v8, v7;
	v16 =	vadd.f32 v17, v16  }
0x250: {  	v10 =	vadd.f32 v21, v10;
	v13 =	vadd.f32 v13, v14  }
0x251: {  	v9 =	vmax.f32 v9, $0.0e+00;
	v8 =	vadd.f32 v16, v8;
	v11 =	vadd.f32 v11, v15  }
0x252: {  	[tilespmem:s15+$0xFFFFFFF0] =	vst v9;
	v9 =	vmax.f32 v10, $0.0e+00;
	v10 =	vadd.f32 v13, v12;
	v12 =	vadd.f32 v24, v20  }
0x253: {  	[tilespmem:s15+$0x70] =	vst v9;
	v8 =	vmax.f32 v8, $0.0e+00;
	v9 =	vadd.f32 v11, v19  }
0x254: {  	[tilespmem:s29+$0xF0] =	vst v8;
	v8 =	vmax.f32 v10, $0.0e+00;
	v10 =	vadd.f32 v12, v18  }
0x255: {  	[tilespmem:s29+$0xFFFFFF70] =	vst v8;
	v8 =	vmax.f32 v9, $0.0e+00  }
0x256: {  	[tilespmem:s29+$0xFFFFFFF0] =	vst v8;
	v8 =	vmax.f32 v10, $0.0e+00  }
0x257: {  	s25 =	simm.s32 $0x6B00;
	[tilespmem:s29+$0x70] =	vst v8  }
0x258: {  	[spmem:s2] =	stream.indirect.scatter.add.f32 [tilespmem:s25], [sflag:$0x6], $0x80, s26, s31, $0xb8;
	[tilespmem:$0x1F780] =	vst v63  }
0x259: {  	_ =	swait.ge [sflag:s23], $0x28  }
0x25a: {  	[sflag:s23] =	ssyncset.done $0x0  }
0x25b: {  	[sflag:s23] =	ssyncadd.s32 $0xFFFFFFD8  }
0x25c: {  	_ =	swait.ge [sflag:s23], $0x28  }
0x25d: {  	[sflag:s23] =	ssyncset.done $0x0  }
0x25e: {  	[sflag:s23] =	ssyncadd.s32 $0xFFFFFFD8  }
0x25f: {  	_ =	swait.ge [sflag:s23], $0x280  }
0x260: {  	[sflag:s23] =	ssyncset.done $0x0  }
0x261: {  	s1 =	simm.s32 $0x8280;
	[sflag:s23] =	ssyncadd.s32 $0xFFFFFD80  }
0x262: {  	[tilespmem:s1], [sflag:$0x8] =	stream.indirect.gather [hbm4b:s4+s31], $0x80, s14, s31, $0xb8;
	[tilespmem:$0x1F780] =	vst v63  }
0x263: {  	s15 =	simm.s32 $0x9680  }
0x264: {  	[tilespmem:s15], [sflag:$0x8] =	stream.indirect.gather [hbm4b:s5+s31], $0x80, s13, s31, $0xb8;
	[tilespmem:$0x1F780] =	vst v63  }
0x265: {  	_ =	swait.ge [sflag:s9], $0x1400  }
0x266: {  	s16 =	rddreg [dreg:$0xc]  }
0x267: {  	s0 =	sadd.s32 s11, s16  }
0x268: {  	[sflag:s9] =	ssyncset.done $0x0;
	s17 =	sshrl.u32 s0, $0x3  }
0x269: {  	[sflag:s9] =	ssyncadd.s32 $0xFFFFEC00;
	s0 =	sshll.u32 s0, $0x1;
	s25 =	sadd.s32 s6, s17  }
0x26a: {  	[tilespmem:s3], [sflag:$0x1] =	stream.linear.gather [hbm4b:s25+s3], $0x28, $0x38;
	[tilespmem:$0x1F780] =	vst v63  }
0x26b: {  	s1 =	sadd.s32 s7, s17;
	s0 =	sand.u32 $0x1FFFFFF0, s0  }
0x26c: {  	[tilespmem:s24], [sflag:$0x1] =	stream.linear.gather [hbm4b:s1+s3], $0x28, $0x38;
	[tilespmem:$0x1F780] =	vst v63  }
0x26d: {  	s16 =	simm.s32 $0x100;
	s0 =	sadd.s32 s8, s0  }
0x26e: {  	[tilespmem:s16], [sflag:$0x1] =	stream.linear.gather [hbm4b:s0+s3], $0x280, $0x38;
	[tilespmem:$0x1F780] =	vst v63  }
0x26f: {  	_ =	swait.ge [sflag:s12], $0x1400  }
0x270: {  	[sflag:s12] =	ssyncset.done $0x0  }
0x271: {  	[sflag:s12] =	ssyncadd.s32 $0xFFFFEC00  }
0x272: {  	_ =	swait.ge [sflag:s12], $0x1400  }
0x273: {  	[sflag:s12] =	ssyncset.done $0x0  }
0x274: {  	s16 =	simm.s32 $0x8020;
	[sflag:s12] =	ssyncadd.s32 $0xFFFFEC00  }
0x275: {  	s1 =	simm.s32 $0x8380;
	v11 =	vld [tilespmem:s16+$0x10]  }
0x276: {  	s0 =	simm.s32 $0x9780;
	v8 =	vld [tilespmem:s1+$0x80]  }
0x277: {  	v9 =	vld [tilespmem:s0+$0x80];
	_ =	sdelay $0x4  }
0x278: {  	v8 =	vadd.f32 v9, v8;
	v9 =	vmul.f32 v11, v0;
	_ =	sdelay $0x1  }
0x279: {  	v13 =	vld [tilespmem:s1+$0xFFFFFF00];
	v8 =	vadd.f32 v8, v9  }
0x27a: {  	v12 =	vld [tilespmem:s1+$0xFFFFFF80]  }
0x27b: {  	s15 =	simm.s32 $0xAB80;
	v14 =	vld [tilespmem:s0+$0xFFFFFF80];
	v8 =	vmax.f32 v8, $0.0e+00  }
0x27c: {  	v9 =	vld [tilespmem:s16+$0xFFFFFFF0];
	[tilespmem:s15+$0x80] =	vst v8  }
0x27d: {  	v8 =	vld [tilespmem:s1+$0x90]  }
0x27e: {  	v15 =	vld [tilespmem:s0+$0x90]  }
0x27f: {  	v10 =	vld [tilespmem:s16+$0x0]  }
0x280: {  	v16 =	vld [tilespmem:s1+$0x0]  }
0x281: {  	v18 =	vld [tilespmem:s0+$0x0];
	v14 =	vadd.f32 v14, v12;
	v17 =	vmul.f32 v9, v0  }
0x282: {  	v19 =	vld [tilespmem:s0+$0xFFFFFF00]  }
0x283: {  	v12 =	vld [tilespmem:s16+$0xFFFFFFE0];
	v14 =	vadd.f32 v14, v17;
	v8 =	vadd.f32 v15, v8;
	v15 =	vmul.f32 v11, v1;
	_ =	sdelay $0x1  }
0x284: {  	v14 =	vmax.f32 v14, $0.0e+00;
	v8 =	vadd.f32 v8, v15  }
0x285: {  	v16 =	vadd.f32 v18, v16;
	[tilespmem:s15+$0xFFFFFF80] =	vst v14;
	v15 =	vmul.f32 v10, v0  }
0x286: {  	v14 =	vld [tilespmem:s1+$0xFFFFFF90];
	v8 =	vmax.f32 v8, $0.0e+00  }
0x287: {  	v13 =	vadd.f32 v19, v13;
	v17 =	vld [tilespmem:s0+$0xFFFFFF90];
	v15 =	vadd.f32 v16, v15;
	v16 =	vmul.f32 v12, v0;
	[tilespmem:s15+$0x90] =	vst v8  }
0x288: {  	v8 =	vld [tilespmem:s1+$0xA0]  }
0x289: {  	v15 =	vmax.f32 v15, $0.0e+00;
	v13 =	vadd.f32 v13, v16;
	v16 =	vld [tilespmem:s0+$0xA0]  }
0x28a: {  	[tilespmem:s15+$0x0] =	vst v15  }
0x28b: {  	v15 =	vld [tilespmem:s1+$0x10];
	v13 =	vmax.f32 v13, $0.0e+00  }
0x28c: {  	v18 =	vmul.f32 v9, v1;
	v19 =	vld [tilespmem:s0+$0x10];
	[tilespmem:s15+$0xFFFFFF00] =	vst v13;
	v13 =	vadd.f32 v17, v14  }
0x28d: {  	v14 =	vld [tilespmem:s1+$0xFFFFFF10]  }
0x28e: {  	v17 =	vld [tilespmem:s0+$0xFFFFFF10];
	v13 =	vadd.f32 v13, v18;
	v8 =	vadd.f32 v16, v8;
	v16 =	vmul.f32 v11, v2;
	_ =	sdelay $0x1  }
0x28f: {  	v13 =	vmax.f32 v13, $0.0e+00;
	v8 =	vadd.f32 v8, v16  }
0x290: {  	v16 =	vmul.f32 v10, v1;
	v15 =	vadd.f32 v19, v15;
	[tilespmem:s15+$0xFFFFFF90] =	vst v13  }
0x291: {  	v13 =	vld [tilespmem:s1+$0xFFFFFFA0];
	v8 =	vmax.f32 v8, $0.0e+00  }
0x292: {  	v18 =	vmul.f32 v12, v1;
	v15 =	vadd.f32 v15, v16;
	v14 =	vadd.f32 v17, v14;
	v16 =	vld [tilespmem:s0+$0xFFFFFFA0];
	[tilespmem:s15+$0xA0] =	vst v8  }
0x293: {  	v8 =	vld [tilespmem:s1+$0xB0]  }
0x294: {  	v15 =	vmax.f32 v15, $0.0e+00;
	v14 =	vadd.f32 v14, v18;
	v17 =	vld [tilespmem:s0+$0xB0]  }
0x295: {  	[tilespmem:s15+$0x10] =	vst v15  }
0x296: {  	v15 =	vld [tilespmem:s1+$0x20];
	v14 =	vmax.f32 v14, $0.0e+00  }
0x297: {  	v18 =	vmul.f32 v9, v2;
	v19 =	vld [tilespmem:s0+$0x20];
	[tilespmem:s15+$0xFFFFFF10] =	vst v14;
	v13 =	vadd.f32 v16, v13  }
0x298: {  	v14 =	vld [tilespmem:s1+$0xFFFFFF20]  }
0x299: {  	v16 =	vld [tilespmem:s0+$0xFFFFFF20];
	v13 =	vadd.f32 v13, v18;
	v8 =	vadd.f32 v17, v8;
	v17 =	vmul.f32 v11, v3;
	_ =	sdelay $0x1  }
0x29a: {  	v13 =	vmax.f32 v13, $0.0e+00;
	v8 =	vadd.f32 v8, v17  }
0x29b: {  	[tilespmem:s15+$0xFFFFFFA0] =	vst v13  }
0x29c: {  	v18 =	vmul.f32 v12, v2;
	v13 =	vld [tilespmem:s1+$0xFFFFFFB0];
	v8 =	vmax.f32 v8, $0.0e+00  }
0x29d: {  	v17 =	vmul.f32 v10, v2;
	v15 =	vadd.f32 v19, v15;
	v14 =	vadd.f32 v16, v14;
	v16 =	vld [tilespmem:s0+$0xFFFFFFB0];
	[tilespmem:s15+$0xB0] =	vst v8  }
0x29e: {  	v8 =	vld [tilespmem:s1+$0xC0]  }
0x29f: {  	v15 =	vadd.f32 v15, v17;
	v14 =	vadd.f32 v14, v18;
	v17 =	vld [tilespmem:s0+$0xC0];
	_ =	sdelay $0x1  }
0x2a0: {  	v14 =	vmax.f32 v14, $0.0e+00  }
0x2a1: {  	[tilespmem:s15+$0xFFFFFF20] =	vst v14  }
0x2a2: {  	v14 =	vmul.f32 v9, v3;
	v13 =	vadd.f32 v16, v13;
	v16 =	vld [tilespmem:s1+$0xFFFFFF30]  }
0x2a3: {  	v19 =	vld [tilespmem:s0+$0xFFFFFF30];
	v8 =	vadd.f32 v17, v8;
	v17 =	vmul.f32 v11, v4  }
0x2a4: {  	v13 =	vadd.f32 v13, v14  }
0x2a5: {  	s25 =	simm.s32 $0x8580;
	v15 =	vmax.f32 v15, $0.0e+00;
	v8 =	vadd.f32 v8, v17  }
0x2a6: {  	v21 =	vld [tilespmem:s25+$0x80];
	[tilespmem:s15+$0x20] =	vst v15;
	v13 =	vmax.f32 v13, $0.0e+00  }
0x2a7: {  	v15 =	vld [tilespmem:s1+$0x30];
	[tilespmem:s15+$0xFFFFFFB0] =	vst v13;
	v8 =	vmax.f32 v8, $0.0e+00  }
0x2a8: {  	v18 =	vld [tilespmem:s0+$0x30];
	v13 =	vmul.f32 v12, v3;
	v16 =	vadd.f32 v19, v16;
	[tilespmem:s15+$0xC0] =	vst v8  }
0x2a9: {  	v8 =	vld [tilespmem:s1+$0xD0]  }
0x2aa: {  	s28 =	simm.s32 $0x9980;
	v13 =	vadd.f32 v16, v13;
	v16 =	vld [tilespmem:s0+$0xD0]  }
0x2ab: {  	v22 =	vld [tilespmem:s28+$0x80]  }
0x2ac: {  	v23 =	vld [tilespmem:s25+$0xFFFFFF00]  }
0x2ad: {  	v24 =	vld [tilespmem:s28+$0xFFFFFF00]  }
0x2ae: {  	v26 =	vld [tilespmem:s25+$0xFFFFFF80];
	v14 =	vmul.f32 v10, v3  }
0x2af: {  	v27 =	vld [tilespmem:s28+$0xFFFFFF80];
	v15 =	vadd.f32 v18, v15;
	v18 =	vmul.f32 v11, v5;
	v16 =	vadd.f32 v16, v8  }
0x2b0: {  	v29 =	vld [tilespmem:s25+$0x0]  }
0x2b1: {  	s17 =	simm.s32 $0x8060;
	v14 =	vadd.f32 v15, v14;
	v15 =	vld [tilespmem:s1+$0xFFFFFFC0];
	v13 =	vmax.f32 v13, $0.0e+00;
	v16 =	vadd.f32 v16, v18  }
0x2b2: {  	[tilespmem:s15+$0xFFFFFF30] =	vst v13;
	v8 =	vld [tilespmem:s17+$0x10]  }
0x2b3: {  	v13 =	vld [tilespmem:s1+$0xFFFFFF40];
	v16 =	vmax.f32 v16, $0.0e+00  }
0x2b4: {  	v19 =	vld [tilespmem:s0+$0xFFFFFF40];
	[tilespmem:s15+$0xD0] =	vst v16  }
0x2b5: {  	v16 =	vld [tilespmem:s1+$0xE0]  }
0x2b6: {  	v14 =	vmax.f32 v14, $0.0e+00;
	v25 =	vld [tilespmem:s0+$0xE0]  }
0x2b7: {  	v21 =	vadd.f32 v22, v21;
	v17 =	vld [tilespmem:s0+$0xFFFFFFC0];
	[tilespmem:s15+$0x30] =	vst v14;
	v22 =	vmul.f32 v8, v0  }
0x2b8: {  	v14 =	vld [tilespmem:s1+$0x40]  }
0x2b9: {  	v18 =	vld [tilespmem:s17+$0xFFFFFFF0];
	v22 =	vadd.f32 v21, v22  }
0x2ba: {  	v28 =	vmul.f32 v12, v4;
	v20 =	vld [tilespmem:s0+$0x40];
	v13 =	vadd.f32 v19, v13  }
0x2bb: {  	s29 =	simm.s32 $0xAD80;
	v21 =	vld [tilespmem:s17+$0x0];
	v19 =	vmax.f32 v22, $0.0e+00;
	v22 =	vmul.f32 v11, v6;
	v16 =	vadd.f32 v25, v16  }
0x2bc: {  	v13 =	vadd.f32 v13, v28;
	[tilespmem:s29+$0x80] =	vst v19;
	v25 =	vld [tilespmem:s28+$0x0]  }
0x2bd: {  	v28 =	vld [tilespmem:s25+$0x90];
	v16 =	vadd.f32 v16, v22  }
0x2be: {  	v26 =	vadd.f32 v27, v26;
	v13 =	vmax.f32 v13, $0.0e+00;
	v27 =	vld [tilespmem:s28+$0x90];
	v22 =	vmul.f32 v18, v0  }
0x2bf: {  	[tilespmem:s15+$0xFFFFFF40] =	vst v13;
	v19 =	vld [tilespmem:s17+$0xFFFFFFE0];
	v13 =	vmax.f32 v16, $0.0e+00  }
0x2c0: {  	v15 =	vadd.f32 v17, v15;
	v16 =	vmul.f32 v9, v4;
	v17 =	vadd.f32 v26, v22;
	v22 =	vld [tilespmem:s1+$0xFFFFFF50];
	[tilespmem:s15+$0xE0] =	vst v13  }
0x2c1: {  	v26 =	vmul.f32 v21, v0;
	v25 =	vadd.f32 v25, v29;
	v13 =	vld [tilespmem:s1+$0xF0]  }
0x2c2: {  	v15 =	vadd.f32 v15, v16;
	v17 =	vmax.f32 v17, $0.0e+00;
	v16 =	vld [tilespmem:s0+$0xF0]  }
0x2c3: {  	[tilespmem:s29+$0xFFFFFF80] =	vst v17;
	v17 =	vadd.f32 v25, v26;
	v25 =	vadd.f32 v27, v28;
	v26 =	vmul.f32 v8, v1;
	v27 =	vld [tilespmem:s0+$0xFFFFFF50]  }
0x2c4: {  	v23 =	vadd.f32 v24, v23;
	v15 =	vmax.f32 v15, $0.0e+00;
	v24 =	vld [tilespmem:s25+$0xFFFFFF90]  }
0x2c5: {  	v28 =	vld [tilespmem:s28+$0xFFFFFF90];
	[tilespmem:s15+$0xFFFFFFC0] =	vst v15;
	v15 =	vmul.f32 v19, v0;
	v17 =	vmax.f32 v17, $0.0e+00;
	v25 =	vadd.f32 v25, v26  }
0x2c6: {  	[tilespmem:s29+$0x0] =	vst v17;
	v17 =	vld [tilespmem:s1+$0xFFFFFFD0]  }
0x2c7: {  	v15 =	vadd.f32 v23, v15;
	v23 =	vld [tilespmem:s25+$0x10];
	v25 =	vmax.f32 v25, $0.0e+00  }
0x2c8: {  	v14 =	vadd.f32 v20, v14;
	v26 =	vmul.f32 v10, v4;
	v20 =	vld [tilespmem:s28+$0x10];
	[tilespmem:s29+$0x90] =	vst v25  }
0x2c9: {  	v15 =	vmax.f32 v15, $0.0e+00;
	v25 =	vld [tilespmem:s25+$0xA0]  }
0x2ca: {  	v14 =	vadd.f32 v14, v26;
	v26 =	vmul.f32 v18, v1;
	[tilespmem:s29+$0xFFFFFF00] =	vst v15;
	v15 =	vadd.f32 v28, v24;
	v24 =	vld [tilespmem:s28+$0xA0]  }
0x2cb: {  	v22 =	vadd.f32 v27, v22;
	v29 =	vld [tilespmem:s25+$0xFFFFFF10]  }
0x2cc: {  	v14 =	vmax.f32 v14, $0.0e+00;
	v28 =	vmul.f32 v12, v5;
	v27 =	vld [tilespmem:s28+$0xFFFFFF10];
	v15 =	vadd.f32 v15, v26  }
0x2cd: {  	[tilespmem:s15+$0x40] =	vst v14;
	v14 =	vmul.f32 v21, v1;
	v20 =	vadd.f32 v20, v23;
	v23 =	vld [tilespmem:s0+$0xFFFFFFD0]  }
0x2ce: {  	v22 =	vadd.f32 v22, v28;
	v26 =	vld [tilespmem:s1+$0x50];
	v15 =	vmax.f32 v15, $0.0e+00  }
0x2cf: {  	v14 =	vadd.f32 v20, v14;
	v20 =	vmul.f32 v8, v2;
	[tilespmem:s29+$0xFFFFFF90] =	vst v15;
	v15 =	vadd.f32 v24, v25;
	v24 =	vld [tilespmem:s0+$0x50]  }
0x2d0: {  	v22 =	vmax.f32 v22, $0.0e+00;
	v25 =	vmul.f32 v19, v1;
	v28 =	vld [tilespmem:s25+$0xFFFFFFA0]  }
0x2d1: {  	[tilespmem:s15+$0xFFFFFF50] =	vst v22;
	v22 =	vadd.f32 v27, v29;
	v27 =	vld [tilespmem:s28+$0xFFFFFFA0];
	v14 =	vmax.f32 v14, $0.0e+00;
	v15 =	vadd.f32 v15, v20  }
0x2d2: {  	[tilespmem:s29+$0x10] =	vst v14;
	v14 =	vld [tilespmem:s1+$0xFFFFFF60]  }
0x2d3: {  	v20 =	vadd.f32 v22, v25;
	v22 =	vld [tilespmem:s25+$0x20];
	v15 =	vmax.f32 v15, $0.0e+00  }
0x2d4: {  	v17 =	vadd.f32 v23, v17;
	v25 =	vmul.f32 v9, v5;
	v23 =	vld [tilespmem:s28+$0x20];
	[tilespmem:s29+$0xA0] =	vst v15  }
0x2d5: {  	v15 =	vmax.f32 v20, $0.0e+00;
	v20 =	vld [tilespmem:s25+$0xB0]  }
0x2d6: {  	v29 =	vmul.f32 v18, v2;
	v17 =	vadd.f32 v17, v25;
	[tilespmem:s29+$0xFFFFFF10] =	vst v15;
	v15 =	vadd.f32 v27, v28;
	v25 =	vld [tilespmem:s28+$0xB0]  }
0x2d7: {  	v24 =	vadd.f32 v24, v26;
	v28 =	vld [tilespmem:s25+$0xFFFFFF20]  }
0x2d8: {  	v27 =	vmul.f32 v10, v5;
	v17 =	vmax.f32 v17, $0.0e+00;
	v26 =	vld [tilespmem:s28+$0xFFFFFF20];
	v15 =	vadd.f32 v15, v29  }
0x2d9: {  	v29 =	vmul.f32 v21, v2;
	[tilespmem:s15+$0xFFFFFFD0] =	vst v17;
	v17 =	vadd.f32 v23, v22;
	v22 =	vld [tilespmem:s0+$0xFFFFFF60]  }
0x2da: {  	v23 =	vadd.f32 v24, v27;
	v24 =	vld [tilespmem:s1+$0xFFFFFFE0];
	v15 =	vmax.f32 v15, $0.0e+00  }
0x2db: {  	[tilespmem:s29+$0xFFFFFFA0] =	vst v15;
	v15 =	vadd.f32 v17, v29;
	v17 =	vadd.f32 v25, v20;
	v20 =	vmul.f32 v8, v3;
	v25 =	vld [tilespmem:s0+$0xFFFFFFE0]  }
0x2dc: {  	v27 =	vmul.f32 v19, v2;
	v23 =	vmax.f32 v23, $0.0e+00;
	v29 =	vld [tilespmem:s25+$0xFFFFFFB0]  }
0x2dd: {  	[tilespmem:s15+$0x50] =	vst v23;
	v23 =	vadd.f32 v26, v28;
	v26 =	vld [tilespmem:s28+$0xFFFFFFB0];
	v15 =	vmax.f32 v15, $0.0e+00;
	v17 =	vadd.f32 v17, v20  }
0x2de: {  	v20 =	vld [tilespmem:s1+$0x60];
	[tilespmem:s29+$0x20] =	vst v15  }
0x2df: {  	v15 =	vadd.f32 v23, v27;
	v23 =	vld [tilespmem:s25+$0x30];
	v17 =	vmax.f32 v17, $0.0e+00  }
0x2e0: {  	v31 =	vmul.f32 v18, v3;
	v14 =	vadd.f32 v22, v14;
	v27 =	vmul.f32 v12, v6;
	v22 =	vld [tilespmem:s28+$0x30];
	[tilespmem:s29+$0xB0] =	vst v17  }
0x2e1: {  	v33 =	vmul.f32 v21, v4;
	v16 =	vadd.f32 v16, v13;
	v15 =	vmax.f32 v15, $0.0e+00;
	v30 =	vld [tilespmem:s25+$0xC0]  }
0x2e2: {  	v13 =	vmul.f32 v18, v6;
	v14 =	vadd.f32 v14, v27;
	[tilespmem:s29+$0xFFFFFF20] =	vst v15;
	v15 =	vadd.f32 v26, v29;
	v26 =	vld [tilespmem:s28+$0xC0]  }
0x2e3: {  	v28 =	vmul.f32 v10, v6;
	v17 =	vmul.f32 v9, v6;
	v27 =	vld [tilespmem:s25+$0xFFFFFF30]  }
0x2e4: {  	v24 =	vadd.f32 v25, v24;
	v14 =	vmax.f32 v14, $0.0e+00;
	v25 =	vld [tilespmem:s28+$0xFFFFFF30];
	v15 =	vadd.f32 v15, v31  }
0x2e5: {  	v10 =	vmul.f32 v10, v7;
	v29 =	vmul.f32 v21, v3;
	[tilespmem:s15+$0xFFFFFF60] =	vst v14;
	v14 =	vadd.f32 v22, v23;
	v22 =	vld [tilespmem:s0+$0x60]  }
0x2e6: {  	v12 =	vmul.f32 v12, v7;
	v17 =	vadd.f32 v24, v17;
	v31 =	vld [tilespmem:s1+$0xFFFFFF70];
	v15 =	vmax.f32 v15, $0.0e+00  }
0x2e7: {  	[tilespmem:s29+$0xFFFFFFB0] =	vst v15;
	v15 =	vadd.f32 v14, v29;
	v24 =	vadd.f32 v26, v30;
	v26 =	vmul.f32 v8, v4;
	v29 =	vld [tilespmem:s0+$0xFFFFFF70]  }
0x2e8: {  	v9 =	vmul.f32 v9, v7;
	v17 =	vmax.f32 v17, $0.0e+00;
	v30 =	vmul.f32 v19, v3;
	v32 =	vld [tilespmem:s25+$0xFFFFFFC0]  }
0x2e9: {  	[tilespmem:s15+$0xFFFFFFE0] =	vst v17;
	v17 =	vadd.f32 v25, v27;
	v25 =	vld [tilespmem:s28+$0xFFFFFFC0];
	v27 =	vmax.f32 v15, $0.0e+00;
	v26 =	vadd.f32 v24, v26  }
0x2ea: {  	v23 =	vmul.f32 v18, v4;
	v14 =	vmul.f32 v18, v5;
	v24 =	vld [tilespmem:s1+$0xFFFFFFF0];
	[tilespmem:s29+$0x30] =	vst v27  }
0x2eb: {  	v27 =	vmul.f32 v11, v7;
	v17 =	vadd.f32 v17, v30;
	v30 =	vld [tilespmem:s25+$0x40];
	v26 =	vmax.f32 v26, $0.0e+00  }
0x2ec: {  	v15 =	vmul.f32 v21, v5;
	v11 =	vmul.f32 v21, v6;
	v22 =	vadd.f32 v22, v20;
	v34 =	vld [tilespmem:s28+$0x40];
	[tilespmem:s29+$0xC0] =	vst v26  }
0x2ed: {  	v16 =	vadd.f32 v16, v27;
	v26 =	vadd.f32 v29, v31;
	v17 =	vmax.f32 v17, $0.0e+00;
	v27 =	vld [tilespmem:s25+$0xD0]  }
0x2ee: {  	v20 =	vmul.f32 v19, v4;
	v22 =	vadd.f32 v22, v28;
	[tilespmem:s29+$0xFFFFFF30] =	vst v17;
	v28 =	vadd.f32 v25, v32;
	v31 =	vld [tilespmem:s28+$0xD0]  }
0x2ef: {  	v17 =	vmul.f32 v19, v5;
	v29 =	vmax.f32 v16, $0.0e+00;
	v63 =	vadd.f32 v26, v12;
	v25 =	vld [tilespmem:s25+$0xFFFFFF40]  }
0x2f0: {  	v16 =	vmul.f32 v19, v6;
	v22 =	vmax.f32 v22, $0.0e+00;
	v26 =	vld [tilespmem:s28+$0xFFFFFF40];
	[tilespmem:s15+$0xF0] =	vst v29;
	v28 =	vadd.f32 v28, v23  }
0x2f1: {  	v12 =	vmul.f32 v19, v7;
	[tilespmem:s15+$0x60] =	vst v22;
	v23 =	vld [tilespmem:s0+$0xFFFFFFF0];
	v22 =	vmax.f32 v63, $0.0e+00;
	v29 =	vadd.f32 v34, v30  }
0x2f2: {  	s16 =	simm.s32 $0x4;
	v19 =	vmul.f32 v18, v7;
	v18 =	vmul.f32 v21, v7;
	v21 =	vld [tilespmem:s1+$0x70];
	[tilespmem:s15+$0xFFFFFF70] =	vst v22;
	v22 =	vmax.f32 v28, $0.0e+00  }
0x2f3: {  	s17 =	simm.s32 $0x80A0;
	s1 =	simm.s32 $0x8580;
	v28 =	vmul.f32 v8, v5;
	[tilespmem:s29+$0xFFFFFFC0] =	vst v22;
	v29 =	vadd.f32 v29, v33;
	v27 =	vadd.f32 v31, v27;
	v22 =	vld [tilespmem:s0+$0x70];
	s0 =	simm.s32 $0x9980  }
.LBB2_9:
0x2f4: {  	v30 =	vld [tilespmem:s17+$0x10];
	s25 =	sadd.s32 $0x200, s25  }
0x2f5: {  	s28 =	sadd.s32 $0x200, s28;
	v31 =	vld [tilespmem:s25+$0x80];
	v25 =	vadd.f32 v26, v25;
	v26 =	vmax.f32 v29, $0.0e+00;
	v27 =	vadd.f32 v27, v28  }
0x2f6: {  	v28 =	vld [tilespmem:s28+$0x80];
	[tilespmem:s29+$0x40] =	vst v26;
	v23 =	vadd.f32 v23, v24  }
0x2f7: {  	v24 =	vld [tilespmem:s25+$0xFFFFFF00];
	v20 =	vadd.f32 v25, v20;
	v25 =	vmax.f32 v27, $0.0e+00  }
0x2f8: {  	v26 =	vld [tilespmem:s28+$0xFFFFFF00];
	[tilespmem:s29+$0xD0] =	vst v25;
	v23 =	vadd.f32 v23, v9;
	v21 =	vadd.f32 v22, v21;
	v9 =	vmov v19  }
0x2f9: {  	v19 =	vmax.f32 v20, $0.0e+00;
	v20 =	vld [tilespmem:s1+$0xE0]  }
0x2fa: {  	[tilespmem:s29+$0xFFFFFF40] =	vst v19;
	v19 =	vld [tilespmem:s0+$0xE0];
	v22 =	vmax.f32 v23, $0.0e+00;
	v21 =	vadd.f32 v21, v10;
	v10 =	vmov v18  }
0x2fb: {  	v25 =	vmul.f32 v30, v0;
	v18 =	vld [tilespmem:s17+$0xFFFFFFF0];
	v23 =	vadd.f32 v28, v31;
	[tilespmem:s15+$0xFFFFFFF0] =	vst v22  }
0x2fc: {  	v22 =	vld [tilespmem:s25+$0xFFFFFF80];
	v21 =	vmax.f32 v21, $0.0e+00  }
0x2fd: {  	s16 =	sadd.s32 $0x4, s16;
	v26 =	vadd.f32 v26, v24;
	v27 =	vld [tilespmem:s28+$0xFFFFFF80];
	v23 =	vadd.f32 v23, v25;
	[tilespmem:s15+$0x70] =	vst v21;
	s15 =	smov.u32 s29  }
0x2fe: {  	p1 =	slt.u32 s16, $0x24;
	v31 =	vld [tilespmem:s17+$0x0]  }
0x2ff: {  	s29 =	sadd.s32 $0x200, s29;
	v28 =	vld [tilespmem:s25+$0x0];
	v21 =	vmax.f32 v23, $0.0e+00;
	v19 =	vadd.f32 v19, v20;
	v20 =	vmul.f32 v8, v6  }
0x300: {  	v23 =	vmul.f32 v18, v0;
	v32 =	vmul.f32 v18, v1;
	v33 =	vld [tilespmem:s28+$0x0];
	[tilespmem:s29+$0x80] =	vst v21  }
0x301: {  	v29 =	vmul.f32 v18, v2;
	v24 =	vmul.f32 v18, v3;
	v34 =	vld [tilespmem:s25+$0x90];
	v19 =	vadd.f32 v19, v20  }
0x302: {  	v21 =	vmul.f32 v18, v4;
	v35 =	vmul.f32 v18, v5;
	v20 =	vadd.f32 v27, v22;
	v27 =	vld [tilespmem:s28+$0x90]  }
0x303: {  	v36 =	vld [tilespmem:s17+$0xFFFFFFE0];
	v37 =	vmul.f32 v31, v0;
	v38 =	vmul.f32 v31, v1;
	v19 =	vmax.f32 v19, $0.0e+00  }
0x304: {  	v39 =	vmul.f32 v31, v2;
	v25 =	vmul.f32 v31, v3;
	v20 =	vadd.f32 v20, v23;
	v40 =	vld [tilespmem:s1+$0xFFFFFF50];
	[tilespmem:s15+$0xE0] =	vst v19  }
0x305: {  	v22 =	vmul.f32 v31, v4;
	v19 =	vadd.f32 v33, v28;
	v33 =	vmul.f32 v31, v5;
	v41 =	vld [tilespmem:s1+$0xF0]  }
0x306: {  	v23 =	vmul.f32 v31, v6;
	v28 =	vmul.f32 v18, v6;
	v20 =	vmax.f32 v20, $0.0e+00;
	v42 =	vld [tilespmem:s0+$0xF0]  }
0x307: {  	[tilespmem:s29+$0xFFFFFF80] =	vst v20;
	v19 =	vadd.f32 v19, v37;
	v20 =	vadd.f32 v27, v34;
	v27 =	vmul.f32 v30, v1;
	v34 =	vld [tilespmem:s0+$0xFFFFFF50]  }
0x308: {  	v37 =	vmul.f32 v36, v0;
	v43 =	vmul.f32 v36, v1;
	v44 =	vld [tilespmem:s25+$0xFFFFFF90]  }
0x309: {  	v45 =	vmul.f32 v36, v2;
	v46 =	vld [tilespmem:s28+$0xFFFFFF90];
	v19 =	vmax.f32 v19, $0.0e+00;
	v27 =	vadd.f32 v20, v27  }
0x30a: {  	v20 =	vmul.f32 v36, v4;
	v37 =	vadd.f32 v26, v37;
	v26 =	vmul.f32 v36, v3;
	[tilespmem:s29+$0x0] =	vst v19;
	v47 =	vld [tilespmem:s1+$0xFFFFFFD0]  }
0x30b: {  	v48 =	vld [tilespmem:s25+$0x10];
	v19 =	vmax.f32 v27, $0.0e+00;
	v41 =	vadd.f32 v42, v41;
	v42 =	vmul.f32 v8, v7;
	v8 =	vmovc v30  }
0x30c: {  	v30 =	vmul.f32 v36, v5;
	v27 =	vmax.f32 v37, $0.0e+00;
	v37 =	vld [tilespmem:s28+$0x10];
	[tilespmem:s29+$0x90] =	vst v19;
	v34 =	vadd.f32 v34, v40  }
0x30d: {  	v40 =	vmul.f32 v36, v6;
	[tilespmem:s29+$0xFFFFFF00] =	vst v27;
	v27 =	vmul.f32 v36, v7;
	v36 =	vld [tilespmem:s25+$0xA0];
	v41 =	vadd.f32 v41, v42  }
0x30e: {  	v19 =	vmul.f32 v18, v7;
	v42 =	vadd.f32 v46, v44;
	v44 =	vld [tilespmem:s28+$0xA0];
	v34 =	vadd.f32 v34, v17;
	v17 =	vmovc v30  }
0x30f: {  	v18 =	vmul.f32 v31, v7;
	v30 =	vld [tilespmem:s25+$0xFFFFFF10];
	v31 =	vmax.f32 v41, $0.0e+00  }
0x310: {  	v41 =	vld [tilespmem:s28+$0xFFFFFF10];
	v32 =	vadd.f32 v42, v32;
	v34 =	vmax.f32 v34, $0.0e+00;
	[tilespmem:s15+$0xF0] =	vst v31  }
0x311: {  	v31 =	vadd.f32 v37, v48;
	[tilespmem:s15+$0xFFFFFF50] =	vst v34;
	v34 =	vld [tilespmem:s0+$0xFFFFFFD0]  }
0x312: {  	v32 =	vmax.f32 v32, $0.0e+00;
	v37 =	vld [tilespmem:s1+$0x50]  }
0x313: {  	[tilespmem:s29+$0xFFFFFF90] =	vst v32;
	v31 =	vadd.f32 v31, v38;
	v32 =	vadd.f32 v44, v36;
	v36 =	vmul.f32 v8, v2;
	v38 =	vld [tilespmem:s0+$0x50]  }
0x314: {  	v42 =	vld [tilespmem:s25+$0xFFFFFFA0]  }
0x315: {  	v30 =	vadd.f32 v41, v30;
	v41 =	vld [tilespmem:s28+$0xFFFFFFA0];
	v31 =	vmax.f32 v31, $0.0e+00;
	v32 =	vadd.f32 v32, v36  }
0x316: {  	[tilespmem:s29+$0x10] =	vst v31;
	v31 =	vld [tilespmem:s1+$0xFFFFFF60];
	v34 =	vadd.f32 v34, v47  }
0x317: {  	v30 =	vadd.f32 v30, v43;
	v36 =	vld [tilespmem:s25+$0x20];
	v32 =	vmax.f32 v32, $0.0e+00  }
0x318: {  	v43 =	vld [tilespmem:s28+$0x20];
	[tilespmem:s29+$0xA0] =	vst v32;
	v32 =	vadd.f32 v34, v14;
	v34 =	vadd.f32 v38, v37;
	v14 =	vmov v35  }
0x319: {  	v30 =	vmax.f32 v30, $0.0e+00;
	v35 =	vld [tilespmem:s25+$0xB0]  }
0x31a: {  	[tilespmem:s29+$0xFFFFFF10] =	vst v30;
	v30 =	vadd.f32 v41, v42;
	v37 =	vld [tilespmem:s28+$0xB0];
	v32 =	vmax.f32 v32, $0.0e+00;
	v34 =	vadd.f32 v34, v15;
	v15 =	vmovc v33  }
0x31b: {  	v33 =	vld [tilespmem:s25+$0xFFFFFF20];
	[tilespmem:s15+$0xFFFFFFD0] =	vst v32  }
0x31c: {  	v32 =	vld [tilespmem:s28+$0xFFFFFF20];
	v29 =	vadd.f32 v30, v29;
	v30 =	vmax.f32 v34, $0.0e+00  }
0x31d: {  	v34 =	vadd.f32 v43, v36;
	v36 =	vld [tilespmem:s0+$0xFFFFFF60];
	[tilespmem:s15+$0x50] =	vst v30  }
0x31e: {  	v29 =	vmax.f32 v29, $0.0e+00;
	v30 =	vld [tilespmem:s1+$0xFFFFFFE0]  }
0x31f: {  	[tilespmem:s29+$0xFFFFFFA0] =	vst v29;
	v29 =	vadd.f32 v34, v39;
	v34 =	vadd.f32 v37, v35;
	v35 =	vmul.f32 v8, v3;
	v37 =	vld [tilespmem:s0+$0xFFFFFFE0]  }
0x320: {  	v38 =	vld [tilespmem:s25+$0xFFFFFFB0]  }
0x321: {  	v32 =	vadd.f32 v32, v33;
	v33 =	vld [tilespmem:s28+$0xFFFFFFB0];
	v29 =	vmax.f32 v29, $0.0e+00;
	v34 =	vadd.f32 v34, v35  }
0x322: {  	[tilespmem:s29+$0x20] =	vst v29;
	v29 =	vadd.f32 v36, v31;
	v31 =	vld [tilespmem:s1+$0x60]  }
0x323: {  	v32 =	vadd.f32 v32, v45;
	v35 =	vld [tilespmem:s25+$0x30];
	v34 =	vmax.f32 v34, $0.0e+00  }
0x324: {  	v36 =	vld [tilespmem:s28+$0x30];
	[tilespmem:s29+$0xB0] =	vst v34;
	v29 =	vadd.f32 v29, v16;
	v30 =	vadd.f32 v37, v30;
	v16 =	vmov v40  }
0x325: {  	v32 =	vmax.f32 v32, $0.0e+00;
	v34 =	vld [tilespmem:s25+$0xC0]  }
0x326: {  	[tilespmem:s29+$0xFFFFFF20] =	vst v32;
	v32 =	vadd.f32 v33, v38;
	v33 =	vld [tilespmem:s28+$0xC0];
	v29 =	vmax.f32 v29, $0.0e+00;
	v30 =	vadd.f32 v30, v13;
	v13 =	vmovc v28  }
0x327: {  	v28 =	vld [tilespmem:s25+$0xFFFFFF30];
	[tilespmem:s15+$0xFFFFFF60] =	vst v29  }
0x328: {  	v29 =	vld [tilespmem:s28+$0xFFFFFF30];
	v24 =	vadd.f32 v32, v24;
	v30 =	vmax.f32 v30, $0.0e+00  }
0x329: {  	v32 =	vadd.f32 v36, v35;
	[tilespmem:s15+$0xFFFFFFE0] =	vst v30;
	v30 =	vld [tilespmem:s0+$0x60]  }
0x32a: {  	v24 =	vmax.f32 v24, $0.0e+00;
	v35 =	vld [tilespmem:s1+$0xFFFFFF70]  }
0x32b: {  	[tilespmem:s29+$0xFFFFFFB0] =	vst v24;
	v24 =	vadd.f32 v32, v25;
	v25 =	vadd.f32 v33, v34;
	v32 =	vmul.f32 v8, v4;
	v33 =	vld [tilespmem:s0+$0xFFFFFF70]  }
0x32c: {  	v34 =	vld [tilespmem:s25+$0xFFFFFFC0]  }
0x32d: {  	v28 =	vadd.f32 v29, v28;
	v29 =	vld [tilespmem:s28+$0xFFFFFFC0];
	v24 =	vmax.f32 v24, $0.0e+00;
	v25 =	vadd.f32 v25, v32  }
0x32e: {  	[tilespmem:s29+$0x30] =	vst v24;
	v24 =	vld [tilespmem:s1+$0xFFFFFFF0];
	v30 =	vadd.f32 v30, v31  }
0x32f: {  	v26 =	vadd.f32 v28, v26;
	v28 =	vld [tilespmem:s25+$0x40];
	v25 =	vmax.f32 v25, $0.0e+00  }
0x330: {  	v31 =	vld [tilespmem:s28+$0x40];
	[tilespmem:s29+$0xC0] =	vst v25;
	v25 =	vadd.f32 v33, v35;
	v30 =	vadd.f32 v30, v11;
	v11 =	vmov v23  }
0x331: {  	v23 =	vmax.f32 v26, $0.0e+00;
	v32 =	vld [tilespmem:s25+$0xD0]  }
0x332: {  	[tilespmem:s29+$0xFFFFFF30] =	vst v23;
	v23 =	vadd.f32 v29, v34;
	v33 =	vld [tilespmem:s28+$0xD0];
	v29 =	vadd.f32 v25, v12;
	v26 =	vmax.f32 v30, $0.0e+00;
	v12 =	vmovc v27  }
.Ltmp5:
0x333: {  	v25 =	vld [tilespmem:s25+$0xFFFFFF40];
	[tilespmem:s15+$0x60] =	vst v26;
	(pc) =	sbr.rel @p1 .LBB2_9-.Ltmp5, $4  }
0x334: {  	v26 =	vld [tilespmem:s28+$0xFFFFFF40];
	v21 =	vadd.f32 v23, v21;
	v23 =	vmax.f32 v29, $0.0e+00  }
0x335: {  	v27 =	vadd.f32 v31, v28;
	[tilespmem:s15+$0xFFFFFF70] =	vst v23;
	v23 =	vld [tilespmem:s0+$0xFFFFFFF0]  }
0x336: {  	v28 =	vmax.f32 v21, $0.0e+00;
	v21 =	vld [tilespmem:s1+$0x70];
	s1 =	smov.u32 s25  }
0x337: {  	s17 =	sadd.s32 $0x40, s17;
	[tilespmem:s29+$0xFFFFFFC0] =	vst v28;
	v29 =	vadd.f32 v27, v22;
	v27 =	vadd.f32 v33, v32;
	v28 =	vmul.f32 v8, v5;
	v22 =	vld [tilespmem:s0+$0x70];
	s0 =	smov.u32 s28  }
0x338: {  	_ = 	snop  }
0x339: {  	v25 =	vadd.f32 v26, v25;
	_ =	sdelay $0x1  }
0x33a: {  	v20 =	vadd.f32 v25, v20  }
0x33b: {  	v39 =	vld [tilespmem:s1+$0xFFFFFFD0]  }
0x33c: {  	v40 =	vld [tilespmem:s0+$0xFFFFFFD0];
	v20 =	vmax.f32 v20, $0.0e+00  }
0x33d: {  	[tilespmem:s29+$0xFFFFFF40] =	vst v20  }
0x33e: {  	v38 =	vmax.f32 v29, $0.0e+00;
	v20 =	vld [tilespmem:s1+$0xFFFFFF50]  }
0x33f: {  	[tilespmem:s29+$0x40] =	vst v38;
	v37 =	vld [tilespmem:s0+$0xFFFFFF50]  }
0x340: {  	v30 =	vld [tilespmem:s1+$0x50]  }
0x341: {  	v27 =	vadd.f32 v27, v28;
	v31 =	vld [tilespmem:s0+$0x50];
	v42 =	vadd.f32 v40, v39;
	_ =	sdelay $0x1  }
0x342: {  	v41 =	vmax.f32 v27, $0.0e+00;
	v14 =	vadd.f32 v42, v14  }
0x343: {  	[tilespmem:s29+$0xD0] =	vst v41;
	v20 =	vadd.f32 v37, v20  }
0x344: {  	v25 =	vld [tilespmem:s1+$0xE0];
	v14 =	vmax.f32 v14, $0.0e+00  }
0x345: {  	v44 =	vld [tilespmem:s0+$0xE0];
	v43 =	vadd.f32 v31, v30;
	[tilespmem:s29+$0xFFFFFFD0] =	vst v14;
	v17 =	vadd.f32 v20, v17  }
0x346: {  	v46 =	vld [tilespmem:s1+$0xFFFFFFE0]  }
0x347: {  	v15 =	vadd.f32 v43, v15;
	v47 =	vld [tilespmem:s0+$0xFFFFFFE0];
	v17 =	vmax.f32 v17, $0.0e+00  }
0x348: {  	[tilespmem:s29+$0xFFFFFF50] =	vst v17  }
0x349: {  	v15 =	vmax.f32 v15, $0.0e+00;
	v17 =	vld [tilespmem:s1+$0xFFFFFF60]  }
0x34a: {  	[tilespmem:s29+$0x50] =	vst v15;
	v45 =	vld [tilespmem:s0+$0xFFFFFF60]  }
0x34b: {  	v48 =	vmul.f32 v8, v6;
	v25 =	vadd.f32 v44, v25;
	v49 =	vld [tilespmem:s1+$0x60]  }
0x34c: {  	v50 =	vld [tilespmem:s0+$0x60];
	v15 =	vadd.f32 v47, v46  }
0x34d: {  	v25 =	vadd.f32 v25, v48  }
0x34e: {  	v13 =	vadd.f32 v15, v13  }
0x34f: {  	v51 =	vmax.f32 v25, $0.0e+00;
	v14 =	vadd.f32 v45, v17  }
0x350: {  	[tilespmem:s29+$0xE0] =	vst v51;
	v13 =	vmax.f32 v13, $0.0e+00  }
0x351: {  	v52 =	vld [tilespmem:s1+$0xF0];
	v53 =	vadd.f32 v50, v49;
	[tilespmem:s29+$0xFFFFFFE0] =	vst v13;
	v14 =	vadd.f32 v14, v16  }
0x352: {  	v55 =	vld [tilespmem:s1+$0xFFFFFFF0]  }
0x353: {  	v11 =	vadd.f32 v53, v11;
	v56 =	vld [tilespmem:s0+$0xFFFFFFF0];
	v14 =	vmax.f32 v14, $0.0e+00  }
0x354: {  	v17 =	vld [tilespmem:s0+$0xF0];
	[tilespmem:s29+$0xFFFFFF60] =	vst v14  }
0x355: {  	v11 =	vmax.f32 v11, $0.0e+00;
	v14 =	vld [tilespmem:s1+$0xFFFFFF70]  }
0x356: {  	[tilespmem:s29+$0x60] =	vst v11;
	v54 =	vld [tilespmem:s0+$0xFFFFFF70]  }
0x357: {  	v57 =	vld [tilespmem:s1+$0x70]  }
0x358: {  	v23 =	vadd.f32 v23, v24;
	v58 =	vld [tilespmem:s0+$0x70]  }
0x359: {  	v21 =	vadd.f32 v22, v21  }
0x35a: {  	v8 =	vmul.f32 v8, v7;
	v9 =	vadd.f32 v23, v9;
	v16 =	vadd.f32 v17, v52  }
0x35b: {  	v10 =	vadd.f32 v21, v10;
	v13 =	vadd.f32 v54, v14  }
0x35c: {  	v9 =	vmax.f32 v9, $0.0e+00;
	v11 =	vadd.f32 v56, v55;
	v8 =	vadd.f32 v16, v8  }
0x35d: {  	[tilespmem:s15+$0xFFFFFFF0] =	vst v9;
	v59 =	vmax.f32 v10, $0.0e+00;
	v61 =	vadd.f32 v58, v57;
	v60 =	vadd.f32 v13, v12  }
0x35e: {  	[tilespmem:s15+$0x70] =	vst v59;
	v62 =	vadd.f32 v11, v19;
	v8 =	vmax.f32 v8, $0.0e+00  }
0x35f: {  	v63 =	vadd.f32 v61, v18;
	[tilespmem:s29+$0xF0] =	vst v8;
	v8 =	vmax.f32 v60, $0.0e+00  }
0x360: {  	[tilespmem:s29+$0xFFFFFF70] =	vst v8;
	v8 =	vmax.f32 v62, $0.0e+00  }
0x361: {  	[tilespmem:s29+$0xFFFFFFF0] =	vst v8;
	v8 =	vmax.f32 v63, $0.0e+00  }
0x362: {  	s25 =	simm.s32 $0xAA80;
	[tilespmem:s29+$0x70] =	vst v8  }
0x363: {  	[spmem:s2] =	stream.indirect.scatter.add.f32 [tilespmem:s25], [sflag:$0x9], $0x80, s13, s31, $0xb8;
	[tilespmem:$0x1F780] =	vst v63  }
0x364: {  	_ =	swait.ge [sflag:s30], $0x28  }
0x365: {  	[sflag:s30] =	ssyncset.done $0x0  }
0x366: {  	[sflag:s30] =	ssyncadd.s32 $0xFFFFFFD8  }
0x367: {  	_ =	swait.ge [sflag:s30], $0x28  }
0x368: {  	[sflag:s30] =	ssyncset.done $0x0  }
0x369: {  	[sflag:s30] =	ssyncadd.s32 $0xFFFFFFD8  }
0x36a: {  	_ =	swait.ge [sflag:s30], $0x280  }
0x36b: {  	[sflag:s30] =	ssyncset.done $0x0  }
0x36c: {  	s28 =	simm.s32 $0x380;
	[sflag:s30] =	ssyncadd.s32 $0xFFFFFD80  }
0x36d: {  	[tilespmem:s28], [sflag:$0x2] =	stream.indirect.gather [hbm4b:s4+s31], $0x80, s24, s31, $0xb8;
	[tilespmem:$0x1F780] =	vst v63  }
0x36e: {  	p1 =	sgt.u32 s21, $0x51;
	s29 =	simm.s32 $0x1780  }
0x36f: {  	[tilespmem:s29], [sflag:$0x2] =	stream.indirect.gather [hbm4b:s5+s31], $0x80, s3, s31, $0xb8;
	[tilespmem:$0x1F780] =	vst v63  }
0x370: {  	s0 =	sadd.s32 @!p1 s11, s18;
	_ =	swait.ge [sflag:s20], $0x1400  }
0x371: {  	s16 =	simm.s32 @!p1 $0x3F80;
	s1 =	sshrl.u32 @!p1 s0, $0x3;
	[sflag:s20] =	ssyncset.done $0x0  }
0x372: {  	s15 =	simm.s32 @!p1 $0x0;
	s11 =	sadd.s32 @!p1 s6, s1;
	[sflag:s20] =	ssyncadd.s32 $0xFFFFEC00  }
0x373: {  	[tilespmem:s16], [sflag:$0x4] =	stream.linear.gather @!p1 [hbm4b:s11+s15], $0x28, $0x38;
	[tilespmem:$0x1F780] =	vst v63  }
0x374: {  	s0 =	sshll.u32 @!p1 s0, $0x1;
	s1 =	sadd.s32 @!p1 s7, s1;
	s11 =	simm.s32 @!p1 $0x4000  }
0x375: {  	[tilespmem:s11], [sflag:$0x4] =	stream.linear.gather @!p1 [hbm4b:s1+s15], $0x28, $0x38;
	[tilespmem:$0x1F780] =	vst v63  }
0x376: {  	s21 =	sadd.s32 $0x1, s21;
	s0 =	sadd.s32 @!p1 s8, s0;
	s1 =	simm.s32 @!p1 $0x4080  }
0x377: {  	[tilespmem:s1], [sflag:$0x4] =	stream.linear.gather @!p1 [hbm4b:s0+s15], $0x280, $0x38;
	[tilespmem:$0x1F780] =	vst v63  }
0x378: {  	p1 =	sne.s32 s21, $0x54  }
.Ltmp6:
0x379: {  	_ = 	snop;
	(pc) =	sbr.rel @p1 .LBB2_2-.Ltmp6, $4  }
.Ltmp7:
0x37a: {  	_ = 	snop;
	(pc) =	sbr.rel @!p1 .LBB2_11-.Ltmp7, $4  }
0x37b: {  	_ = 	snop  }
0x37c: {  	_ = 	snop  }
0x37d: {  	_ = 	snop  }
0x37e: {  	_ = 	snop  }
.LBB2_12:
0x37f: {  	_ =	sfence.sel $0x180000  }
0x380: {  	[bflag:$0x0] =	sbarrier.arrive $0xFFFF  }
0x381: {  	_ =	strace $0x90000047  }
0x382: {  	[bflag:$0x2] =	sbarrier.arrive $0xFFFF  }
0x383: {  	s0 =	rddreg [dreg:$0x3]  }
0x384: {  	s0 =	sadd.s32 @!p0 $0x100000, s0  }
0x385: {  	[sflag:s0] =	ssyncadd.tile.s32 @!p0 $0x1;
	_ =	shalt  }
.Lfunc_end2:
_tile_overlayer_lowered:
.L_overlay_start_2:
0x386: {  	(tag) =	ssettag $0x2  }
0x387: {  	s0 =	rddreg [dreg:$0x0];
	s2 =	stileid.u32  }
0x388: {  	s1 =	rddreg [dreg:$0x1];
	p0 =	sne.s32 s2, $0x0  }
0x389: {  	s3 =	rddreg [dreg:$0x2];
	[bflag:$0x3] =	sbarrier.arrive $0xFFFF;
	s2 =	simm.s32 @!p0 $0x1C0A  }
0x38a: {  	[timem:s3], [sflag:s2] =	dma.local @!p0 [hbm:s0], s1  }
0x38b: {  	s0 =	simm.s32 @!p0 $0xA  }
0x38c: {  	_ =	swait.ge @!p0 [sflag:s0], s1  }
0x38d: {  	s1 =	ssub.s32 @!p0 $0x0, s1;
	[sflag:s0] =	ssyncset.done @!p0 $0x0  }
0x38e: {  	[sflag:s0] =	ssyncadd.s32 @!p0 s1  }
0x38f: {  	[bflag:$0x3] =	sbarrier.arrive $0xFFFF  }
0x390: {  	_ =	shalt  }

</sc_bundles>
